<compile_context>
chip_gen: v7x
topology: tpu7x:2x2x1
jax: 0.10.2.dev20260603
libtpu: 0.0.44.dev20260713+nightly
codegen_flags: <defaults>
</compile_context>

<pallas_src>
import functools

import jax
import jax.numpy as jnp
from jax import lax
from jax.experimental import pallas as pl
from jax.experimental.pallas import tpu as pltpu
from jax.experimental.pallas import tpu_sc as plsc

N = 10000
NPAD = 10240
KNN = 20
NGRAPH = 10
EPAD = NPAD * KNN
E_REAL = N * KNN

RB = 512
CB = 512
EB = 2048
NB = 512



def _knn_body(c0_ref, nc_ref, xr_ref, xt_ref, br_ref, bc_ref, idx_ref, dist_ref):
    rb = pl.program_id(0)
    c0 = c0_ref[rb]
    nc = nc_ref[rb]
    xr = xr_ref[...]
    brow = br_ref[...]
    xxr = jnp.sum(xr * xr, axis=1, keepdims=True)

    def dist_body(j, _):
        cols = pl.multiple_of(c0 + j * CB, CB)
        xc = xt_ref[:, pl.ds(cols, CB)]
        bc = bc_ref[:, pl.ds(cols, CB)]
        d = (xxr - 2.0 * jnp.dot(xr, xc, preferred_element_type=jnp.float32)
             + jnp.sum(xc * xc, axis=0, keepdims=True))
        d = jnp.where(brow == bc, d, jnp.inf)
        dist_ref[:, pl.ds(pl.multiple_of(j * CB, CB), CB)] = d
        return 0

    lax.fori_loop(0, nc, dist_body, 0, unroll=False)

    lane = lax.broadcasted_iota(jnp.int32, (1, CB), 1)
    inf = jnp.float32(jnp.inf)
    cols_out = []
    prev = jnp.full((RB, 1), -1, jnp.int32)
    for k in range(KNN):
        def scan_body(j, carry, prev=prev, mask_prev=(k > 0)):
            best, bidx = carry
            loc = pl.multiple_of(j * CB, CB)
            gi = lane + (c0 + j * CB)
            d = dist_ref[:, pl.ds(loc, CB)]
            if mask_prev:
                d = jnp.where(gi == prev, inf, d)
                dist_ref[:, pl.ds(loc, CB)] = d
            m = jnp.min(d, axis=1, keepdims=True)
            ai = jnp.min(jnp.where(d == m, gi, NPAD), axis=1, keepdims=True)
            better = (m < best) | ((m == best) & (ai < bidx))
            return (jnp.where(better, m, best), jnp.where(better, ai, bidx))

        best0 = jnp.full((RB, 1), inf, jnp.float32)
        bidx0 = jnp.full((RB, 1), NPAD, jnp.int32)
        _, bidx = lax.fori_loop(0, nc, scan_body, (best0, bidx0), unroll=False)
        cols_out.append(bidx)
        prev = bidx

    idx_ref[...] = jnp.concatenate(cols_out, axis=1)


def _knn(xpad, xt, bcol, brow, c0s, ncs, f):
    nblk = NPAD // RB
    grid_spec = pltpu.PrefetchScalarGridSpec(
        num_scalar_prefetch=2,
        grid=(nblk,),
        in_specs=[
            pl.BlockSpec((RB, f), lambda i, s0, s1: (i, 0)),
            pl.BlockSpec((f, NPAD), lambda i, s0, s1: (0, 0)),
            pl.BlockSpec((RB, 1), lambda i, s0, s1: (i, 0)),
            pl.BlockSpec((1, NPAD), lambda i, s0, s1: (0, 0)),
        ],
        out_specs=pl.BlockSpec((RB, KNN), lambda i, s0, s1: (i, 0)),
        scratch_shapes=[pltpu.VMEM((RB, NPAD), jnp.float32)],
    )
    return pl.pallas_call(
        _knn_body,
        grid_spec=grid_spec,
        out_shape=jax.ShapeDtypeStruct((NPAD, KNN), jnp.int32),
    )(c0s, ncs, xpad, xt, brow, bcol)



def _sc_gather(table, idx, d, chunk):
    info = plsc.get_sparse_core_info()
    ncores, nsub = info.num_cores, info.num_subcores
    nw = ncores * nsub
    b_per_w = EPAD // nw
    nchunk = b_per_w // chunk

    mesh = plsc.VectorSubcoreMesh(core_axis_name="c", subcore_axis_name="s")

    @functools.partial(
        pl.kernel,
        out_type=jax.ShapeDtypeStruct((EPAD, d), jnp.float32),
        mesh=mesh,
        compiler_params=pltpu.CompilerParams(use_tc_tiling_on_sc=False),
        scratch_types=[
            pltpu.VMEM((chunk,), jnp.int32),
            pltpu.VMEM((chunk, d), jnp.float32),
            pltpu.SemaphoreType.DMA,
        ],
    )
    def gather_kernel(table_hbm, idx_hbm, out_hbm, idx_v, rows_v, sem):
        wid = lax.axis_index("s") * ncores + lax.axis_index("c")
        base = wid * b_per_w
        for c in range(nchunk):
            off = base + c * chunk
            pltpu.sync_copy(idx_hbm.at[pl.ds(off, chunk)], idx_v)
            pltpu.async_copy(table_hbm.at[idx_v], rows_v, sem).wait()
            pltpu.sync_copy(rows_v, out_hbm.at[pl.ds(off, chunk)])

    return gather_kernel(table, idx)



def _mlp2_body(xi_ref, xj_ref, w_ref, b_ref, h_ref, s_ref):
    i = pl.program_id(0)
    xi = xi_ref[...]
    xj = xj_ref[..., :xi.shape[1]]
    e = jnp.concatenate([xi, xj - xi], axis=1)
    h = jnp.dot(e, w_ref[...], preferred_element_type=jnp.float32) + b_ref[...]
    h = jnp.maximum(h, 0.0)
    h_ref[...] = h
    e0 = i * EB + lax.broadcasted_iota(jnp.int32, (EB, 1), 0)
    hm = jnp.where(e0 < E_REAL, h, 0.0)
    fo = h.shape[1]
    s_ref[...] = jnp.sum(hm, axis=0).reshape(1, 1, fo)


def _mlp1_body(x_ref, m_ref, r_ref, g_ref, be_ref, w_ref, b_ref, h_ref, s_ref):
    i = pl.program_id(0)
    hb = g_ref[...] * (x_ref[...] - m_ref[...]) * r_ref[...] + be_ref[...]
    h = jnp.dot(hb, w_ref[...], preferred_element_type=jnp.float32) + b_ref[...]
    h = jnp.maximum(h, 0.0)
    h_ref[...] = h
    e0 = i * EB + lax.broadcasted_iota(jnp.int32, (EB, 1), 0)
    hm = jnp.where(e0 < E_REAL, h, 0.0)
    fo = h.shape[1]
    s_ref[...] = jnp.sum(hm, axis=0).reshape(1, 1, fo)


NB2 = 128
EB2 = NB2 * KNN


def _mlp2n_body(xin_ref, xj_ref, w_ref, b_ref, h_ref, s_ref):
    i = pl.program_id(0)
    xi_n = xin_ref[...]
    f = xi_n.shape[1]
    xi = jnp.broadcast_to(xi_n[:, None, :], (NB2, KNN, f)).reshape(EB2, f)
    e = jnp.concatenate([xi, xj_ref[...] - xi], axis=1)
    h = jnp.dot(e, w_ref[...], preferred_element_type=jnp.float32) + b_ref[...]
    h = jnp.maximum(h, 0.0)
    h_ref[...] = h
    e0 = i * EB2 + lax.broadcasted_iota(jnp.int32, (EB2, 1), 0)
    hm = jnp.where(e0 < E_REAL, h, 0.0)
    fo = h.shape[1]
    s_ref[...] = jnp.sum(hm, axis=0).reshape(1, 1, fo)


def _mlp_pass2n(xnode, xj, w, b):
    fi, fo = w.shape
    f = fi // 2
    nblk = EPAD // EB2
    h, s = pl.pallas_call(
        _mlp2n_body,
        grid=(nblk,),
        in_specs=[
            pl.BlockSpec((NB2, f), lambda i: (i, 0)),
            pl.BlockSpec((EB2, f), lambda i: (i, 0)),
            pl.BlockSpec((fi, fo), lambda i: (0, 0)),
            pl.BlockSpec((1, fo), lambda i: (0, 0)),
        ],
        out_specs=[
            pl.BlockSpec((EB2, fo), lambda i: (i, 0)),
            pl.BlockSpec((1, 1, fo), lambda i: (i, 0, 0)),
        ],
        out_shape=[
            jax.ShapeDtypeStruct((EPAD, fo), jnp.float32),
            jax.ShapeDtypeStruct((nblk, 1, fo), jnp.float32),
        ],
    )(xnode, xj, w, b.reshape(1, fo))
    return h, s


def _var_body(h_ref, m_ref, v_ref):
    i = pl.program_id(0)
    c = h_ref[...] - m_ref[...]
    e0 = i * EB + lax.broadcasted_iota(jnp.int32, (EB, 1), 0)
    c = jnp.where(e0 < E_REAL, c, 0.0)
    fo = c.shape[1]
    v_ref[...] = jnp.sum(c * c, axis=0).reshape(1, 1, fo)


def _mlp_pass2(xi, xj, w, b):
    fi, fo = w.shape
    fj = xj.shape[1]
    nblk = EPAD // EB
    h, s = pl.pallas_call(
        _mlp2_body,
        grid=(nblk,),
        in_specs=[
            pl.BlockSpec((EB, fi // 2), lambda i: (i, 0)),
            pl.BlockSpec((EB, fj), lambda i: (i, 0)),
            pl.BlockSpec((fi, fo), lambda i: (0, 0)),
            pl.BlockSpec((1, fo), lambda i: (0, 0)),
        ],
        out_specs=[
            pl.BlockSpec((EB, fo), lambda i: (i, 0)),
            pl.BlockSpec((1, 1, fo), lambda i: (i, 0, 0)),
        ],
        out_shape=[
            jax.ShapeDtypeStruct((EPAD, fo), jnp.float32),
            jax.ShapeDtypeStruct((nblk, 1, fo), jnp.float32),
        ],
    )(xi, xj, w, b.reshape(1, fo))
    return h, s


def _mlp_pass1(x, m, r, g, be, w, b):
    fi, fo = w.shape
    nblk = EPAD // EB
    vec = pl.BlockSpec((1, fi), lambda i: (0, 0))
    h, s = pl.pallas_call(
        _mlp1_body,
        grid=(nblk,),
        in_specs=[
            pl.BlockSpec((EB, fi), lambda i: (i, 0)),
            vec, vec, vec, vec,
            pl.BlockSpec((fi, fo), lambda i: (0, 0)),
            pl.BlockSpec((1, fo), lambda i: (0, 0)),
        ],
        out_specs=[
            pl.BlockSpec((EB, fo), lambda i: (i, 0)),
            pl.BlockSpec((1, 1, fo), lambda i: (i, 0, 0)),
        ],
        out_shape=[
            jax.ShapeDtypeStruct((EPAD, fo), jnp.float32),
            jax.ShapeDtypeStruct((nblk, 1, fo), jnp.float32),
        ],
    )(x, m.reshape(1, fi), r.reshape(1, fi), g.reshape(1, fi),
      be.reshape(1, fi), w, b.reshape(1, fo))
    return h, s


def _bn_stats(h, s_blk):
    fo = h.shape[1]
    nblk = EPAD // EB
    mean = jnp.sum(s_blk, axis=0)[0] / E_REAL
    v_blk = pl.pallas_call(
        _var_body,
        grid=(nblk,),
        in_specs=[
            pl.BlockSpec((EB, fo), lambda i: (i, 0)),
            pl.BlockSpec((1, fo), lambda i: (0, 0)),
        ],
        out_specs=pl.BlockSpec((1, 1, fo), lambda i: (i, 0, 0)),
        out_shape=jax.ShapeDtypeStruct((nblk, 1, fo), jnp.float32),
    )(h, mean.reshape(1, fo))
    var = jnp.sum(v_blk, axis=0)[0] / E_REAL
    return mean, lax.rsqrt(var + 1e-5)



def _max_body(h_ref, m_ref, hx_ref, hn_ref, v_ref):
    i = pl.program_id(0)
    m = m_ref[...]
    n0 = i * NB + lax.broadcasted_iota(jnp.int32, (NB, 1), 0)
    real = n0 < N
    h0 = h_ref[:, 0, :]
    hmax = h0
    hmin = h0
    c = h0 - m
    acc = jnp.where(real, c * c, 0.0)
    for j in range(1, KNN):
        hj = h_ref[:, j, :]
        hmax = jnp.maximum(hmax, hj)
        hmin = jnp.minimum(hmin, hj)
        c = hj - m
        acc = acc + jnp.where(real, c * c, 0.0)
    hx_ref[...] = hmax
    hn_ref[...] = hmin
    fo = hmax.shape[1]
    v_ref[...] = jnp.sum(acc, axis=0).reshape(1, 1, fo)


def _maxk(h3d, mean, fo):
    nblk = NPAD // NB
    hx, hn, v = pl.pallas_call(
        _max_body,
        grid=(nblk,),
        in_specs=[
            pl.BlockSpec((NB, KNN, fo), lambda i: (i, 0, 0)),
            pl.BlockSpec((1, fo), lambda i: (0, 0)),
        ],
        out_specs=[
            pl.BlockSpec((NB, fo), lambda i: (i, 0)),
            pl.BlockSpec((NB, fo), lambda i: (i, 0)),
            pl.BlockSpec((1, 1, fo), lambda i: (i, 0, 0)),
        ],
        out_shape=[
            jax.ShapeDtypeStruct((NPAD, fo), jnp.float32),
            jax.ShapeDtypeStruct((NPAD, fo), jnp.float32),
            jax.ShapeDtypeStruct((nblk, 1, fo), jnp.float32),
        ],
    )(h3d, mean.reshape(1, fo))
    var = jnp.sum(v, axis=0)[0] / E_REAL
    return hx, hn, lax.rsqrt(var + 1e-5)


def _bn_sel_body(hx_ref, hn_ref, m_ref, r_ref, g_ref, be_ref, o_ref):
    g = g_ref[...]
    r = r_ref[...]
    sel = jnp.where(g * r >= 0.0, hx_ref[...], hn_ref[...])
    o_ref[...] = g * (sel - m_ref[...]) * r + be_ref[...]


def _bn_sel(hx, hn, m, r, g, be, fo):
    nblk = NPAD // NB
    vec = pl.BlockSpec((1, fo), lambda i: (0, 0))
    blk = pl.BlockSpec((NB, fo), lambda i: (i, 0))
    return pl.pallas_call(
        _bn_sel_body,
        grid=(nblk,),
        in_specs=[blk, blk, vec, vec, vec, vec],
        out_specs=blk,
        out_shape=jax.ShapeDtypeStruct((NPAD, fo), jnp.float32),
    )(hx, hn, m.reshape(1, fo), r.reshape(1, fo), g.reshape(1, fo),
      be.reshape(1, fo))



def _pool_body(hx_ref, hn_ref, b_ref, m_ref, r_ref, g_ref, be_ref,
               wl_ref, bl_ref, pmax_ref, pmin_ref, out_ref):
    i = pl.program_id(0)
    ninf = jnp.float32(-jnp.inf)
    pinf = jnp.float32(jnp.inf)

    @pl.when(i == 0)
    def _():
        pmax_ref[...] = jnp.full_like(pmax_ref, ninf)
        pmin_ref[...] = jnp.full_like(pmin_ref, pinf)

    hx = hx_ref[...]
    hn = hn_ref[...]
    b = b_ref[...]
    for g in range(NGRAPH):
        mx = jnp.max(jnp.where(b == g, hx, ninf), axis=0, keepdims=True)
        mn = jnp.min(jnp.where(b == g, hn, pinf), axis=0, keepdims=True)
        pmax_ref[pl.ds(g, 1), :] = jnp.maximum(pmax_ref[pl.ds(g, 1), :], mx)
        pmin_ref[pl.ds(g, 1), :] = jnp.minimum(pmin_ref[pl.ds(g, 1), :], mn)

    @pl.when(i == pl.num_programs(0) - 1)
    def _():
        gg = g_ref[...]
        rr = r_ref[...]
        sel = jnp.where(gg * rr >= 0.0, pmax_ref[...], pmin_ref[...])
        bn = gg * (sel - m_ref[...]) * rr + be_ref[...]
        out_ref[...] = (jnp.dot(bn, wl_ref[...],
                                preferred_element_type=jnp.float32) + bl_ref[...])


def _pool(hx, hn, brow, m, r, g, be, wl, bl):
    fo = hx.shape[1]
    nblk = NPAD // NB
    vec = pl.BlockSpec((1, fo), lambda i: (0, 0))
    blk = pl.BlockSpec((NB, fo), lambda i: (i, 0))
    _, _, out = pl.pallas_call(
        _pool_body,
        grid=(nblk,),
        in_specs=[
            blk, blk,
            pl.BlockSpec((NB, 1), lambda i: (i, 0)),
            vec, vec, vec, vec,
            pl.BlockSpec((fo, 2), lambda i: (0, 0)),
            pl.BlockSpec((1, 2), lambda i: (0, 0)),
        ],
        out_specs=[
            pl.BlockSpec((NGRAPH, fo), lambda i: (0, 0)),
            pl.BlockSpec((NGRAPH, fo), lambda i: (0, 0)),
            pl.BlockSpec((NGRAPH, 2), lambda i: (0, 0)),
        ],
        out_shape=[
            jax.ShapeDtypeStruct((NGRAPH, fo), jnp.float32),
            jax.ShapeDtypeStruct((NGRAPH, fo), jnp.float32),
            jax.ShapeDtypeStruct((NGRAPH, 2), jnp.float32),
        ],
    )(hx, hn, brow, m.reshape(1, fo), r.reshape(1, fo), g.reshape(1, fo),
      be.reshape(1, fo), wl, bl.reshape(1, 2))
    return out



def _row_block_ranges(batch):
    gids = jnp.arange(NGRAPH, dtype=batch.dtype)
    starts = jnp.searchsorted(batch, gids, side='left').astype(jnp.int32)
    ends = jnp.searchsorted(batch, gids, side='right').astype(jnp.int32)
    sizes = ends - starts

    r0 = jnp.minimum(jnp.arange(NPAD // RB, dtype=jnp.int32) * RB, N - 1)
    r1 = jnp.minimum(r0 + RB - 1, N - 1)
    bmin = batch[r0].astype(jnp.int32)
    bmax = batch[r1].astype(jnp.int32)

    span = (gids[None, :].astype(jnp.int32) >= bmin[:, None]) & (
        gids[None, :].astype(jnp.int32) <= bmax[:, None])
    minsize = jnp.min(jnp.where(span, sizes[None, :], N), axis=1)
    degenerate = minsize < KNN

    c0 = (starts[bmin] // CB) * CB
    c1 = ends[bmax]
    c0 = jnp.where(degenerate, 0, c0).astype(jnp.int32)
    c1 = jnp.where(degenerate, N, c1).astype(jnp.int32)
    nc = (c1 - c0 + CB - 1) // CB
    return c0, nc.astype(jnp.int32)


def kernel(x, batch, W1, b1, g1, be1, W2, b2, g2, be2, W3, b3, g3, be3,
           W4, b4, g4, be4, Wl, bl):
    batch = batch.astype(jnp.int32)
    xpad = jnp.concatenate(
        [x, jnp.zeros((NPAD - N, 8), jnp.float32)], axis=0)
    bpad = jnp.concatenate(
        [batch, jnp.full((NPAD - N,), -1, jnp.int32)], axis=0)
    bcol = bpad.reshape(1, NPAD)
    brow = bpad.reshape(NPAD, 1)
    c0s, ncs = _row_block_ranges(batch)

    idx1 = _knn(xpad, xpad.T, bcol, brow, c0s, ncs, 8)
    x16 = jnp.concatenate([xpad, jnp.zeros((NPAD, 8), jnp.float32)], axis=1)
    xj1 = _sc_gather(x16, idx1.reshape(EPAD), 16, EPAD // 32)
    xi1 = jnp.broadcast_to(xpad[:, None, :], (NPAD, KNN, 8)).reshape(EPAD, 8)

    h1a, s = _mlp_pass2(xi1, xj1, W1, b1)
    m1, r1 = _bn_stats(h1a, s)

    h1b, s = _mlp_pass1(h1a, m1, r1, g1, be1, W2, b2)
    m2, r2 = _bn_stats(h1b, s)

    h1c, s = _mlp_pass1(h1b, m2, r2, g2, be2, W3, b3)
    m3 = jnp.sum(s, axis=0)[0] / E_REAL
    hx1, hn1, r3 = _maxk(h1c.reshape(NPAD, KNN, 64), m3, 64)
    h1 = _bn_sel(hx1, hn1, m3, r3, g3, be3, 64)

    idx2 = _knn(h1, h1.T, bcol, brow, c0s, ncs, 64)
    xj2 = _sc_gather(h1, idx2.reshape(EPAD), 64, EPAD // 32 // 4)

    h2a, s = _mlp_pass2n(h1, xj2, W4, b4)
    m4 = jnp.sum(s, axis=0)[0] / E_REAL
    hx2, hn2, r4 = _maxk(h2a.reshape(NPAD, KNN, 128), m4, 128)

    return _pool(hx2, hn2, brow, m4, r4, g4, be4, Wl, bl)

# --- scband reference (transcript-rebuilt; emitter-appended) ---
"""Pipeline reference for scband-dgn-13125420056890 (READ-ONLY COPY).

The authoritative reference and input builder live on the scoring server;
editing this copy changes nothing except your own understanding.
"""

import jax, jax.numpy as jnp
import numpy as np

N = 10000
K = 20
NUM_GRAPHS = 10


def _bn(h, g, b):
    m = jnp.mean(h, axis=0)
    v = jnp.var(h, axis=0)
    return g * (h - m) * jax.lax.rsqrt(v + 1e-5) + b


def _knn_idx(x, batch, k):
    xx = jnp.sum(x * x, axis=1)
    d = xx[:, None] - 2.0 * (x @ x.T) + xx[None, :]
    same = batch[:, None] == batch[None, :]
    d = jnp.where(same, d, jnp.inf)
    _, idx = jax.lax.top_k(-d, k)
    return idx


def _edge_conv(x, batch, mlp_fn, k):
    idx = _knn_idx(jax.lax.stop_gradient(x), batch, k)
    xj = x[idx]
    xi = jnp.broadcast_to(x[:, None, :], xj.shape)
    e = jnp.concatenate([xi, xj - xi], axis=-1)
    h = mlp_fn(e.reshape(-1, e.shape[-1]))
    return jnp.max(h.reshape(x.shape[0], k, -1), axis=1)


def setup_inputs(seed: int = 0):
    key = jax.random.key(seed)
    ks = jax.random.split(key, 8)
    x = jax.random.normal(ks[0], (N, 8), dtype=jnp.float32)
    batch = jnp.sort(jax.random.randint(ks[1], (N,), 0, NUM_GRAPHS))

    def lin(k, fi, fo):
        return (jax.random.normal(k, (fi, fo), dtype=jnp.float32) / np.sqrt(fi)).astype(jnp.float32)

    return {
        'x': x,
        'batch': batch,
        'W1': lin(ks[2], 16, 64), 'b1': jnp.zeros((64,), jnp.float32), 'g1': jnp.ones((64,), jnp.float32), 'be1': jnp.zeros((64,), jnp.float32),
        'W2': lin(ks[3], 64, 64), 'b2': jnp.zeros((64,), jnp.float32), 'g2': jnp.ones((64,), jnp.float32), 'be2': jnp.zeros((64,), jnp.float32),
        'W3': lin(ks[4], 64, 64), 'b3': jnp.zeros((64,), jnp.float32), 'g3': jnp.ones((64,), jnp.float32), 'be3': jnp.zeros((64,), jnp.float32),
        'W4': lin(ks[5], 128, 128), 'b4': jnp.zeros((128,), jnp.float32), 'g4': jnp.ones((128,), jnp.float32), 'be4': jnp.zeros((128,), jnp.float32),
        'Wl': lin(ks[6], 128, 2), 'bl': jnp.zeros((2,), jnp.float32),
    }


def reference(x, batch, W1, b1, g1, be1, W2, b2, g2, be2, W3, b3, g3, be3, W4, b4, g4, be4, Wl, bl):
    def mlp1(h):
        h = _bn(jax.nn.relu(h @ W1 + b1), g1, be1)
        h = _bn(jax.nn.relu(h @ W2 + b2), g2, be2)
        h = _bn(jax.nn.relu(h @ W3 + b3), g3, be3)
        return h

    def mlp2(h):
        return _bn(jax.nn.relu(h @ W4 + b4), g4, be4)

    h1 = _edge_conv(x, batch, mlp1, K)
    h2 = _edge_conv(h1, batch, mlp2, K)
    pooled = jax.ops.segment_max(h2, batch, num_segments=NUM_GRAPHS)
    return pooled @ Wl + bl

if __name__ == "__main__":
    import jax
    _d = setup_inputs()
    print(jax.jit(kernel)(*tuple(_d.values())))

</pallas_src>

<mosaic_0001>
#map = affine_map<(d0, d1) -> (0, 0)>
#map1 = affine_map<(d0, d1) -> (0)>
module attributes {stable_mosaic.version = 14 : i64} {
  func.func @gather_kernel(%arg0: i32, %arg1: i32, %arg2: memref<10240x16xf32, #tpu.memory_space<hbm>>, %arg3: memref<204800xi32, #tpu.memory_space<hbm>>, %arg4: memref<204800x16xf32, #tpu.memory_space<hbm>>, %arg5: memref<6400xi32, #tpu.memory_space<vmem>>, %arg6: memref<6400x16xf32, #tpu.memory_space<vmem>>, %arg7: memref<!tpu.dma_semaphore, #tpu.memory_space<semaphore_mem>>) attributes {dimension_semantics = [#tpu.dimension_semantics<core_parallel>, #tpu.dimension_semantics<subcore_parallel>], iteration_bounds = array<i64: 2, 16>, scalar_prefetch = 0 : i64, scratch_operands = 3 : i64, tpu.core_type = #tpu.core_type<sc_vector_subcore>, window_params = [{transform_indices = #map}, {transform_indices = #map1}, {transform_indices = #map}]} {
    %mul3A = arith.constant 2 : i32
    %mul3A_0 = arith.muli %arg1, %mul3A : i32
    %add3A = arith.addi %mul3A_0, %arg0 : i32
    %mul3A_1 = arith.constant 6400 : i32
    %mul3A_2 = arith.muli %add3A, %mul3A_1 : i32
    %add3A_3 = arith.constant 0 : i32
    %add3A_4 = arith.addi %mul3A_2, %add3A_3 : i32
    "tpu.region"() ({
      %run_scoped3A = tpu.sem_alloc : memref<!tpu.dma_semaphore, #tpu.memory_space<semaphore_mem>>
      %dma_start3A_9 = tpu.memref_slice %arg3[%add3A_4] : memref<204800xi32, #tpu.memory_space<hbm>> -> memref<6400xi32, #tpu.memory_space<hbm>>
      %dma_start3A_10 = tpu.memref_slice %arg3[%add3A_4] : memref<204800xi32, #tpu.memory_space<hbm>> -> memref<6400xi32, #tpu.memory_space<hbm>>
      tpu.enqueue_dma source(%dma_start3A_10 : memref<6400xi32, #tpu.memory_space<hbm>>) target(%arg5 : memref<6400xi32, #tpu.memory_space<vmem>>) target_semaphore(%run_scoped3A : memref<!tpu.dma_semaphore, #tpu.memory_space<semaphore_mem>>)
      %dma_wait3A_11 = tpu.memref_slice %arg3[%add3A_4] : memref<204800xi32, #tpu.memory_space<hbm>> -> memref<6400xi32, #tpu.memory_space<hbm>>
      %dma_wait3A_12 = tpu.memref_slice %arg3[%add3A_4] : memref<204800xi32, #tpu.memory_space<hbm>> -> memref<6400xi32, #tpu.memory_space<hbm>>
      tpu.wait_dma2 semaphore(%run_scoped3A : memref<!tpu.dma_semaphore, #tpu.memory_space<semaphore_mem>>) src(%dma_wait3A_12 : memref<6400xi32, #tpu.memory_space<hbm>>) dst(%arg5 : memref<6400xi32, #tpu.memory_space<vmem>>)
      tpu.yield
    }) : () -> ()
    %dma_start3A = arith.constant 0 : i32
    %dma_start3A_5 = arith.constant 0 : i32
    %dma_start3A_6 = tpu.memref_slice %arg2[%dma_start3A, %dma_start3A_5] : memref<10240x16xf32, #tpu.memory_space<hbm>> -> memref<10240x16xf32, #tpu.memory_space<hbm>>
    tpu.enqueue_indirect_dma source(%dma_start3A_6 : memref<10240x16xf32, #tpu.memory_space<hbm>>) target(%arg6 : memref<6400x16xf32, #tpu.memory_space<vmem>>) offsets(%arg5 : memref<6400xi32, #tpu.memory_space<vmem>>) semaphore(%arg7 : memref<!tpu.dma_semaphore, #tpu.memory_space<semaphore_mem>>)
    %dma_wait3A = arith.constant 0 : i32
    %dma_wait3A_7 = arith.constant 0 : i32
    %dma_wait3A_8 = tpu.memref_slice %arg2[%dma_wait3A, %dma_wait3A_7] : memref<10240x16xf32, #tpu.memory_space<hbm>> -> memref<10240x16xf32, #tpu.memory_space<hbm>>
    tpu.wait_indirect_dma semaphore(%arg7 : memref<!tpu.dma_semaphore, #tpu.memory_space<semaphore_mem>>) src(%dma_wait3A_8 : memref<10240x16xf32, #tpu.memory_space<hbm>>) dst(%arg6 : memref<6400x16xf32, #tpu.memory_space<vmem>>)
    "tpu.region"() ({
      %run_scoped3A = tpu.sem_alloc : memref<!tpu.dma_semaphore, #tpu.memory_space<semaphore_mem>>
      %dma_start3A_9 = arith.constant 0 : i32
      %dma_start3A_10 = tpu.memref_slice %arg4[%add3A_4, %dma_start3A_9] : memref<204800x16xf32, #tpu.memory_space<hbm>> -> memref<6400x16xf32, #tpu.memory_space<hbm>>
      %dma_start3A_11 = arith.constant 0 : i32
      %dma_start3A_12 = tpu.memref_slice %arg4[%add3A_4, %dma_start3A_11] : memref<204800x16xf32, #tpu.memory_space<hbm>> -> memref<6400x16xf32, #tpu.memory_space<hbm>>
      tpu.enqueue_dma source(%arg6 : memref<6400x16xf32, #tpu.memory_space<vmem>>) target(%dma_start3A_12 : memref<6400x16xf32, #tpu.memory_space<hbm>>) target_semaphore(%run_scoped3A : memref<!tpu.dma_semaphore, #tpu.memory_space<semaphore_mem>>)
      %dma_wait3A_13 = arith.constant 0 : i32
      %dma_wait3A_14 = tpu.memref_slice %arg4[%add3A_4, %dma_wait3A_13] : memref<204800x16xf32, #tpu.memory_space<hbm>> -> memref<6400x16xf32, #tpu.memory_space<hbm>>
      %dma_wait3A_15 = arith.constant 0 : i32
      %dma_wait3A_16 = tpu.memref_slice %arg4[%add3A_4, %dma_wait3A_15] : memref<204800x16xf32, #tpu.memory_space<hbm>> -> memref<6400x16xf32, #tpu.memory_space<hbm>>
      tpu.wait_dma2 semaphore(%run_scoped3A : memref<!tpu.dma_semaphore, #tpu.memory_space<semaphore_mem>>) src(%arg6 : memref<6400x16xf32, #tpu.memory_space<vmem>>) dst(%dma_wait3A_16 : memref<6400x16xf32, #tpu.memory_space<hbm>>)
      tpu.yield
    }) : () -> ()
    return
  }
}

#map = affine_map<(d0, d1) -> (0, 0)>
#map1 = affine_map<(d0, d1) -> (0)>
module attributes {stable_mosaic.version = 14 : i64} {
  func.func @gather_kernel(%arg0: i32, %arg1: i32, %arg2: memref<10240x64xf32, #tpu.memory_space<hbm>>, %arg3: memref<204800xi32, #tpu.memory_space<hbm>>, %arg4: memref<204800x64xf32, #tpu.memory_space<hbm>>, %arg5: memref<1600xi32, #tpu.memory_space<vmem>>, %arg6: memref<1600x64xf32, #tpu.memory_space<vmem>>, %arg7: memref<!tpu.dma_semaphore, #tpu.memory_space<semaphore_mem>>) attributes {dimension_semantics = [#tpu.dimension_semantics<core_parallel>, #tpu.dimension_semantics<subcore_parallel>], iteration_bounds = array<i64: 2, 16>, scalar_prefetch = 0 : i64, scratch_operands = 3 : i64, tpu.core_type = #tpu.core_type<sc_vector_subcore>, window_params = [{transform_indices = #map}, {transform_indices = #map1}, {transform_indices = #map}]} {
    %mul3A = arith.constant 2 : i32
    %mul3A_0 = arith.muli %arg1, %mul3A : i32
    %add3A = arith.addi %mul3A_0, %arg0 : i32
    %mul3A_1 = arith.constant 6400 : i32
    %mul3A_2 = arith.muli %add3A, %mul3A_1 : i32
    %add3A_3 = arith.constant 0 : i32
    %add3A_4 = arith.addi %mul3A_2, %add3A_3 : i32
    "tpu.region"() ({
      %run_scoped3A = tpu.sem_alloc : memref<!tpu.dma_semaphore, #tpu.memory_space<semaphore_mem>>
      %dma_start3A_33 = tpu.memref_slice %arg3[%add3A_4] : memref<204800xi32, #tpu.memory_space<hbm>> -> memref<1600xi32, #tpu.memory_space<hbm>>
      %dma_start3A_34 = tpu.memref_slice %arg3[%add3A_4] : memref<204800xi32, #tpu.memory_space<hbm>> -> memref<1600xi32, #tpu.memory_space<hbm>>
      tpu.enqueue_dma source(%dma_start3A_34 : memref<1600xi32, #tpu.memory_space<hbm>>) target(%arg5 : memref<1600xi32, #tpu.memory_space<vmem>>) target_semaphore(%run_scoped3A : memref<!tpu.dma_semaphore, #tpu.memory_space<semaphore_mem>>)
      %dma_wait3A_35 = tpu.memref_slice %arg3[%add3A_4] : memref<204800xi32, #tpu.memory_space<hbm>> -> memref<1600xi32, #tpu.memory_space<hbm>>
      %dma_wait3A_36 = tpu.memref_slice %arg3[%add3A_4] : memref<204800xi32, #tpu.memory_space<hbm>> -> memref<1600xi32, #tpu.memory_space<hbm>>
      tpu.wait_dma2 semaphore(%run_scoped3A : memref<!tpu.dma_semaphore, #tpu.memory_space<semaphore_mem>>) src(%dma_wait3A_36 : memref<1600xi32, #tpu.memory_space<hbm>>) dst(%arg5 : memref<1600xi32, #tpu.memory_space<vmem>>)
      tpu.yield
    }) : () -> ()
    %dma_start3A = arith.constant 0 : i32
    %dma_start3A_5 = arith.constant 0 : i32
    %dma_start3A_6 = tpu.memref_slice %arg2[%dma_start3A, %dma_start3A_5] : memref<10240x64xf32, #tpu.memory_space<hbm>> -> memref<10240x64xf32, #tpu.memory_space<hbm>>
    tpu.enqueue_indirect_dma source(%dma_start3A_6 : memref<10240x64xf32, #tpu.memory_space<hbm>>) target(%arg6 : memref<1600x64xf32, #tpu.memory_space<vmem>>) offsets(%arg5 : memref<1600xi32, #tpu.memory_space<vmem>>) semaphore(%arg7 : memref<!tpu.dma_semaphore, #tpu.memory_space<semaphore_mem>>)
    %dma_wait3A = arith.constant 0 : i32
    %dma_wait3A_7 = arith.constant 0 : i32
    %dma_wait3A_8 = tpu.memref_slice %arg2[%dma_wait3A, %dma_wait3A_7] : memref<10240x64xf32, #tpu.memory_space<hbm>> -> memref<10240x64xf32, #tpu.memory_space<hbm>>
    tpu.wait_indirect_dma semaphore(%arg7 : memref<!tpu.dma_semaphore, #tpu.memory_space<semaphore_mem>>) src(%dma_wait3A_8 : memref<10240x64xf32, #tpu.memory_space<hbm>>) dst(%arg6 : memref<1600x64xf32, #tpu.memory_space<vmem>>)
    "tpu.region"() ({
      %run_scoped3A = tpu.sem_alloc : memref<!tpu.dma_semaphore, #tpu.memory_space<semaphore_mem>>
      %dma_start3A_33 = arith.constant 0 : i32
      %dma_start3A_34 = tpu.memref_slice %arg4[%add3A_4, %dma_start3A_33] : memref<204800x64xf32, #tpu.memory_space<hbm>> -> memref<1600x64xf32, #tpu.memory_space<hbm>>
      %dma_start3A_35 = arith.constant 0 : i32
      %dma_start3A_36 = tpu.memref_slice %arg4[%add3A_4, %dma_start3A_35] : memref<204800x64xf32, #tpu.memory_space<hbm>> -> memref<1600x64xf32, #tpu.memory_space<hbm>>
      tpu.enqueue_dma source(%arg6 : memref<1600x64xf32, #tpu.memory_space<vmem>>) target(%dma_start3A_36 : memref<1600x64xf32, #tpu.memory_space<hbm>>) target_semaphore(%run_scoped3A : memref<!tpu.dma_semaphore, #tpu.memory_space<semaphore_mem>>)
      %dma_wait3A_37 = arith.constant 0 : i32
      %dma_wait3A_38 = tpu.memref_slice %arg4[%add3A_4, %dma_wait3A_37] : memref<204800x64xf32, #tpu.memory_space<hbm>> -> memref<1600x64xf32, #tpu.memory_space<hbm>>
      %dma_wait3A_39 = arith.constant 0 : i32
      %dma_wait3A_40 = tpu.memref_slice %arg4[%add3A_4, %dma_wait3A_39] : memref<204800x64xf32, #tpu.memory_space<hbm>> -> memref<1600x64xf32, #tpu.memory_space<hbm>>
      tpu.wait_dma2 semaphore(%run_scoped3A : memref<!tpu.dma_semaphore, #tpu.memory_space<semaphore_mem>>) src(%arg6 : memref<1600x64xf32, #tpu.memory_space<vmem>>) dst(%dma_wait3A_40 : memref<1600x64xf32, #tpu.memory_space<hbm>>)
      tpu.yield
    }) : () -> ()
    %add3A_9 = arith.constant 1600 : i32
    %add3A_10 = arith.addi %mul3A_2, %add3A_9 : i32
    "tpu.region"() ({
      %run_scoped3A = tpu.sem_alloc : memref<!tpu.dma_semaphore, #tpu.memory_space<semaphore_mem>>
      %dma_start3A_33 = tpu.memref_slice %arg3[%add3A_10] : memref<204800xi32, #tpu.memory_space<hbm>> -> memref<1600xi32, #tpu.memory_space<hbm>>
      %dma_start3A_34 = tpu.memref_slice %arg3[%add3A_10] : memref<204800xi32, #tpu.memory_space<hbm>> -> memref<1600xi32, #tpu.memory_space<hbm>>
      tpu.enqueue_dma source(%dma_start3A_34 : memref<1600xi32, #tpu.memory_space<hbm>>) target(%arg5 : memref<1600xi32, #tpu.memory_space<vmem>>) target_semaphore(%run_scoped3A : memref<!tpu.dma_semaphore, #tpu.memory_space<semaphore_mem>>)
      %dma_wait3A_35 = tpu.memref_slice %arg3[%add3A_10] : memref<204800xi32, #tpu.memory_space<hbm>> -> memref<1600xi32, #tpu.memory_space<hbm>>
      %dma_wait3A_36 = tpu.memref_slice %arg3[%add3A_10] : memref<204800xi32, #tpu.memory_space<hbm>> -> memref<1600xi32, #tpu.memory_space<hbm>>
      tpu.wait_dma2 semaphore(%run_scoped3A : memref<!tpu.dma_semaphore, #tpu.memory_space<semaphore_mem>>) src(%dma_wait3A_36 : memref<1600xi32, #tpu.memory_space<hbm>>) dst(%arg5 : memref<1600xi32, #tpu.memory_space<vmem>>)
      tpu.yield
    }) : () -> ()
    %dma_start3A_11 = arith.constant 0 : i32
    %dma_start3A_12 = arith.constant 0 : i32
    %dma_start3A_13 = tpu.memref_slice %arg2[%dma_start3A_11, %dma_start3A_12] : memref<10240x64xf32, #tpu.memory_space<hbm>> -> memref<10240x64xf32, #tpu.memory_space<hbm>>
    tpu.enqueue_indirect_dma source(%dma_start3A_13 : memref<10240x64xf32, #tpu.memory_space<hbm>>) target(%arg6 : memref<1600x64xf32, #tpu.memory_space<vmem>>) offsets(%arg5 : memref<1600xi32, #tpu.memory_space<vmem>>) semaphore(%arg7 : memref<!tpu.dma_semaphore, #tpu.memory_space<semaphore_mem>>)
    %dma_wait3A_14 = arith.constant 0 : i32
    %dma_wait3A_15 = arith.constant 0 : i32
    %dma_wait3A_16 = tpu.memref_slice %arg2[%dma_wait3A_14, %dma_wait3A_15] : memref<10240x64xf32, #tpu.memory_space<hbm>> -> memref<10240x64xf32, #tpu.memory_space<hbm>>
    tpu.wait_indirect_dma semaphore(%arg7 : memref<!tpu.dma_semaphore, #tpu.memory_space<semaphore_mem>>) src(%dma_wait3A_16 : memref<10240x64xf32, #tpu.memory_space<hbm>>) dst(%arg6 : memref<1600x64xf32, #tpu.memory_space<vmem>>)
    "tpu.region"() ({
      %run_scoped3A = tpu.sem_alloc : memref<!tpu.dma_semaphore, #tpu.memory_space<semaphore_mem>>
      %dma_start3A_33 = arith.constant 0 : i32
      %dma_start3A_34 = tpu.memref_slice %arg4[%add3A_10, %dma_start3A_33] : memref<204800x64xf32, #tpu.memory_space<hbm>> -> memref<1600x64xf32, #tpu.memory_space<hbm>>
      %dma_start3A_35 = arith.constant 0 : i32
      %dma_start3A_36 = tpu.memref_slice %arg4[%add3A_10, %dma_start3A_35] : memref<204800x64xf32, #tpu.memory_space<hbm>> -> memref<1600x64xf32, #tpu.memory_space<hbm>>
      tpu.enqueue_dma source(%arg6 : memref<1600x64xf32, #tpu.memory_space<vmem>>) target(%dma_start3A_36 : memref<1600x64xf32, #tpu.memory_space<hbm>>) target_semaphore(%run_scoped3A : memref<!tpu.dma_semaphore, #tpu.memory_space<semaphore_mem>>)
      %dma_wait3A_37 = arith.constant 0 : i32
      %dma_wait3A_38 = tpu.memref_slice %arg4[%add3A_10, %dma_wait3A_37] : memref<204800x64xf32, #tpu.memory_space<hbm>> -> memref<1600x64xf32, #tpu.memory_space<hbm>>
      %dma_wait3A_39 = arith.constant 0 : i32
      %dma_wait3A_40 = tpu.memref_slice %arg4[%add3A_10, %dma_wait3A_39] : memref<204800x64xf32, #tpu.memory_space<hbm>> -> memref<1600x64xf32, #tpu.memory_space<hbm>>
      tpu.wait_dma2 semaphore(%run_scoped3A : memref<!tpu.dma_semaphore, #tpu.memory_space<semaphore_mem>>) src(%arg6 : memref<1600x64xf32, #tpu.memory_space<vmem>>) dst(%dma_wait3A_40 : memref<1600x64xf32, #tpu.memory_space<hbm>>)
      tpu.yield
    }) : () -> ()
    %add3A_17 = arith.constant 3200 : i32
    %add3A_18 = arith.addi %mul3A_2, %add3A_17 : i32
    "tpu.region"() ({
      %run_scoped3A = tpu.sem_alloc : memref<!tpu.dma_semaphore, #tpu.memory_space<semaphore_mem>>
      %dma_start3A_33 = tpu.memref_slice %arg3[%add3A_18] : memref<204800xi32, #tpu.memory_space<hbm>> -> memref<1600xi32, #tpu.memory_space<hbm>>
      %dma_start3A_34 = tpu.memref_slice %arg3[%add3A_18] : memref<204800xi32, #tpu.memory_space<hbm>> -> memref<1600xi32, #tpu.memory_space<hbm>>
      tpu.enqueue_dma source(%dma_start3A_34 : memref<1600xi32, #tpu.memory_space<hbm>>) target(%arg5 : memref<1600xi32, #tpu.memory_space<vmem>>) target_semaphore(%run_scoped3A : memref<!tpu.dma_semaphore, #tpu.memory_space<semaphore_mem>>)
      %dma_wait3A_35 = tpu.memref_slice %arg3[%add3A_18] : memref<204800xi32, #tpu.memory_space<hbm>> -> memref<1600xi32, #tpu.memory_space<hbm>>
      %dma_wait3A_36 = tpu.memref_slice %arg3[%add3A_18] : memref<204800xi32, #tpu.memory_space<hbm>> -> memref<1600xi32, #tpu.memory_space<hbm>>
      tpu.wait_dma2 semaphore(%run_scoped3A : memref<!tpu.dma_semaphore, #tpu.memory_space<semaphore_mem>>) src(%dma_wait3A_36 : memref<1600xi32, #tpu.memory_space<hbm>>) dst(%arg5 : memref<1600xi32, #tpu.memory_space<vmem>>)
      tpu.yield
    }) : () -> ()
    %dma_start3A_19 = arith.constant 0 : i32
    %dma_start3A_20 = arith.constant 0 : i32
    %dma_start3A_21 = tpu.memref_slice %arg2[%dma_start3A_19, %dma_start3A_20] : memref<10240x64xf32, #tpu.memory_space<hbm>> -> memref<10240x64xf32, #tpu.memory_space<hbm>>
    tpu.enqueue_indirect_dma source(%dma_start3A_21 : memref<10240x64xf32, #tpu.memory_space<hbm>>) target(%arg6 : memref<1600x64xf32, #tpu.memory_space<vmem>>) offsets(%arg5 : memref<1600xi32, #tpu.memory_space<vmem>>) semaphore(%arg7 : memref<!tpu.dma_semaphore, #tpu.memory_space<semaphore_mem>>)
    %dma_wait3A_22 = arith.constant 0 : i32
    %dma_wait3A_23 = arith.constant 0 : i32
    %dma_wait3A_24 = tpu.memref_slice %arg2[%dma_wait3A_22, %dma_wait3A_23] : memref<10240x64xf32, #tpu.memory_space<hbm>> -> memref<10240x64xf32, #tpu.memory_space<hbm>>
    tpu.wait_indirect_dma semaphore(%arg7 : memref<!tpu.dma_semaphore, #tpu.memory_space<semaphore_mem>>) src(%dma_wait3A_24 : memref<10240x64xf32, #tpu.memory_space<hbm>>) dst(%arg6 : memref<1600x64xf32, #tpu.memory_space<vmem>>)
    "tpu.region"() ({
      %run_scoped3A = tpu.sem_alloc : memref<!tpu.dma_semaphore, #tpu.memory_space<semaphore_mem>>
      %dma_start3A_33 = arith.constant 0 : i32
      %dma_start3A_34 = tpu.memref_slice %arg4[%add3A_18, %dma_start3A_33] : memref<204800x64xf32, #tpu.memory_space<hbm>> -> memref<1600x64xf32, #tpu.memory_space<hbm>>
      %dma_start3A_35 = arith.constant 0 : i32
      %dma_start3A_36 = tpu.memref_slice %arg4[%add3A_18, %dma_start3A_35] : memref<204800x64xf32, #tpu.memory_space<hbm>> -> memref<1600x64xf32, #tpu.memory_space<hbm>>
      tpu.enqueue_dma source(%arg6 : memref<1600x64xf32, #tpu.memory_space<vmem>>) target(%dma_start3A_36 : memref<1600x64xf32, #tpu.memory_space<hbm>>) target_semaphore(%run_scoped3A : memref<!tpu.dma_semaphore, #tpu.memory_space<semaphore_mem>>)
      %dma_wait3A_37 = arith.constant 0 : i32
      %dma_wait3A_38 = tpu.memref_slice %arg4[%add3A_18, %dma_wait3A_37] : memref<204800x64xf32, #tpu.memory_space<hbm>> -> memref<1600x64xf32, #tpu.memory_space<hbm>>
      %dma_wait3A_39 = arith.constant 0 : i32
      %dma_wait3A_40 = tpu.memref_slice %arg4[%add3A_18, %dma_wait3A_39] : memref<204800x64xf32, #tpu.memory_space<hbm>> -> memref<1600x64xf32, #tpu.memory_space<hbm>>
      tpu.wait_dma2 semaphore(%run_scoped3A : memref<!tpu.dma_semaphore, #tpu.memory_space<semaphore_mem>>) src(%arg6 : memref<1600x64xf32, #tpu.memory_space<vmem>>) dst(%dma_wait3A_40 : memref<1600x64xf32, #tpu.memory_space<hbm>>)
      tpu.yield
    }) : () -> ()
    %add3A_25 = arith.constant 4800 : i32
    %add3A_26 = arith.addi %mul3A_2, %add3A_25 : i32
    "tpu.region"() ({
      %run_scoped3A = tpu.sem_alloc : memref<!tpu.dma_semaphore, #tpu.memory_space<semaphore_mem>>
      %dma_start3A_33 = tpu.memref_slice %arg3[%add3A_26] : memref<204800xi32, #tpu.memory_space<hbm>> -> memref<1600xi32, #tpu.memory_space<hbm>>
      %dma_start3A_34 = tpu.memref_slice %arg3[%add3A_26] : memref<204800xi32, #tpu.memory_space<hbm>> -> memref<1600xi32, #tpu.memory_space<hbm>>
      tpu.enqueue_dma source(%dma_start3A_34 : memref<1600xi32, #tpu.memory_space<hbm>>) target(%arg5 : memref<1600xi32, #tpu.memory_space<vmem>>) target_semaphore(%run_scoped3A : memref<!tpu.dma_semaphore, #tpu.memory_space<semaphore_mem>>)
      %dma_wait3A_35 = tpu.memref_slice %arg3[%add3A_26] : memref<204800xi32, #tpu.memory_space<hbm>> -> memref<1600xi32, #tpu.memory_space<hbm>>
      %dma_wait3A_36 = tpu.memref_slice %arg3[%add3A_26] : memref<204800xi32, #tpu.memory_space<hbm>> -> memref<1600xi32, #tpu.memory_space<hbm>>
      tpu.wait_dma2 semaphore(%run_scoped3A : memref<!tpu.dma_semaphore, #tpu.memory_space<semaphore_mem>>) src(%dma_wait3A_36 : memref<1600xi32, #tpu.memory_space<hbm>>) dst(%arg5 : memref<1600xi32, #tpu.memory_space<vmem>>)
      tpu.yield
    }) : () -> ()
    %dma_start3A_27 = arith.constant 0 : i32
    %dma_start3A_28 = arith.constant 0 : i32
    %dma_start3A_29 = tpu.memref_slice %arg2[%dma_start3A_27, %dma_start3A_28] : memref<10240x64xf32, #tpu.memory_space<hbm>> -> memref<10240x64xf32, #tpu.memory_space<hbm>>
    tpu.enqueue_indirect_dma source(%dma_start3A_29 : memref<10240x64xf32, #tpu.memory_space<hbm>>) target(%arg6 : memref<1600x64xf32, #tpu.memory_space<vmem>>) offsets(%arg5 : memref<1600xi32, #tpu.memory_space<vmem>>) semaphore(%arg7 : memref<!tpu.dma_semaphore, #tpu.memory_space<semaphore_mem>>)
    %dma_wait3A_30 = arith.constant 0 : i32
    %dma_wait3A_31 = arith.constant 0 : i32
    %dma_wait3A_32 = tpu.memref_slice %arg2[%dma_wait3A_30, %dma_wait3A_31] : memref<10240x64xf32, #tpu.memory_space<hbm>> -> memref<10240x64xf32, #tpu.memory_space<hbm>>
    tpu.wait_indirect_dma semaphore(%arg7 : memref<!tpu.dma_semaphore, #tpu.memory_space<semaphore_mem>>) src(%dma_wait3A_32 : memref<10240x64xf32, #tpu.memory_space<hbm>>) dst(%arg6 : memref<1600x64xf32, #tpu.memory_space<vmem>>)
    "tpu.region"() ({
      %run_scoped3A = tpu.sem_alloc : memref<!tpu.dma_semaphore, #tpu.memory_space<semaphore_mem>>
      %dma_start3A_33 = arith.constant 0 : i32
      %dma_start3A_34 = tpu.memref_slice %arg4[%add3A_26, %dma_start3A_33] : memref<204800x64xf32, #tpu.memory_space<hbm>> -> memref<1600x64xf32, #tpu.memory_space<hbm>>
      %dma_start3A_35 = arith.constant 0 : i32
      %dma_start3A_36 = tpu.memref_slice %arg4[%add3A_26, %dma_start3A_35] : memref<204800x64xf32, #tpu.memory_space<hbm>> -> memref<1600x64xf32, #tpu.memory_space<hbm>>
      tpu.enqueue_dma source(%arg6 : memref<1600x64xf32, #tpu.memory_space<vmem>>) target(%dma_start3A_36 : memref<1600x64xf32, #tpu.memory_space<hbm>>) target_semaphore(%run_scoped3A : memref<!tpu.dma_semaphore, #tpu.memory_space<semaphore_mem>>)
      %dma_wait3A_37 = arith.constant 0 : i32
      %dma_wait3A_38 = tpu.memref_slice %arg4[%add3A_26, %dma_wait3A_37] : memref<204800x64xf32, #tpu.memory_space<hbm>> -> memref<1600x64xf32, #tpu.memory_space<hbm>>
      %dma_wait3A_39 = arith.constant 0 : i32
      %dma_wait3A_40 = tpu.memref_slice %arg4[%add3A_26, %dma_wait3A_39] : memref<204800x64xf32, #tpu.memory_space<hbm>> -> memref<1600x64xf32, #tpu.memory_space<hbm>>
      tpu.wait_dma2 semaphore(%run_scoped3A : memref<!tpu.dma_semaphore, #tpu.memory_space<semaphore_mem>>) src(%arg6 : memref<1600x64xf32, #tpu.memory_space<vmem>>) dst(%dma_wait3A_40 : memref<1600x64xf32, #tpu.memory_space<hbm>>)
      tpu.yield
    }) : () -> ()
    return
  }
}

module attributes {stable_mosaic.version = 14 : i64} {
  func.func @_knn_body(%arg0: i32, %arg1: memref<20xi32, #tpu.memory_space<smem>>, %arg2: memref<20xi32, #tpu.memory_space<smem>>, %arg3: memref<512x8xf32, #tpu.memory_space<vmem>>, %arg4: memref<8x10240xf32, #tpu.memory_space<vmem>>, %arg5: memref<512x1xi32, #tpu.memory_space<vmem>>, %arg6: memref<1x10240xi32, #tpu.memory_space<vmem>>, %arg7: memref<512x20xi32, #tpu.memory_space<vmem>>, %arg8: memref<512x10240xf32, #tpu.memory_space<vmem>>) attributes {dimension_semantics = [#tpu.dimension_semantics<arbitrary>], iteration_bounds = array<i64: 20>, scalar_prefetch = 2 : i64, scratch_operands = 1 : i64, tpu.core_type = #tpu.core_type<tc>, window_params = [{transform_indices = @transform_0, window_bounds = array<i64: 512, 8>}, {pipeline_mode = #tpu.pipeline_mode<synchronous>, transform_indices = @transform_1, window_bounds = array<i64: 8, 10240>}, {transform_indices = @transform_2, window_bounds = array<i64: 512, 1>}, {pipeline_mode = #tpu.pipeline_mode<synchronous>, transform_indices = @transform_3, window_bounds = array<i64: 1, 10240>}, {transform_indices = @transform_4, window_bounds = array<i64: 512, 20>}]} {
    %get3A = arith.index_cast %arg0 : i32 to index
    %get3A_0 = memref.load %arg1[%get3A] : memref<20xi32, #tpu.memory_space<smem>>
    %get3A_1 = arith.index_cast %arg0 : i32 to index
    %get3A_2 = memref.load %arg2[%get3A_1] : memref<20xi32, #tpu.memory_space<smem>>
    %get3A_3 = arith.constant 0 : index
    %get3A_4 = arith.constant 0 : index
    %get3A_5 = vector.load %arg3[%get3A_3, %get3A_4] : memref<512x8xf32, #tpu.memory_space<vmem>>, vector<512x8xf32>
    %get3A_6 = arith.constant 0 : index
    %get3A_7 = arith.constant 0 : index
    %get3A_8 = vector.load %arg5[%get3A_6, %get3A_7] : memref<512x1xi32, #tpu.memory_space<vmem>>, vector<512x1xi32>
    %mul3A = arith.mulf %get3A_5, %get3A_5 : vector<512x8xf32>
    %reduce_sum3A = arith.constant dense<0.000000e+00> : vector<512xf32>
    %reduce_sum3A_9 = vector.multi_reduction <add>, %mul3A, %reduce_sum3A [1] : vector<512x8xf32> to vector<512xf32>
    %broadcast_in_dim3A = vector.shape_cast %reduce_sum3A_9 : vector<512xf32> to vector<512x1xf32>
    %while3A = arith.constant 0 : i32
    %while3A_10 = arith.constant 0 : i32
    %while3A_11 = arith.subi %get3A_2, %while3A : i32
    %while3A_12 = arith.addi %while3A, %while3A_11 : i32
    %while3A_13 = arith.constant 1 : i32
    %while3A_14 = arith.divsi %while3A_11, %while3A_13 : i32
    %while3A_15 = arith.muli %while3A_14, %while3A_13 : i32
    %while3A_16 = arith.addi %while3A, %while3A_15 : i32
    %while3A_17 = arith.constant 1 : i32
    %while3A_18 = scf.for %while3A_342 = %while3A to %while3A_16 step %while3A_17 iter_args(%while3A_343 = %while3A_10) -> (i32)  : i32 {
      %mul3A_344 = arith.constant 512 : i32
      %mul3A_345 = arith.muli %while3A_342, %mul3A_344 : i32
      %add3A = arith.addi %get3A_0, %mul3A_345 : i32
      %multiple_of3A = tpu.assume_multiple %add3A, 512 : i32
      %get3A_346 = arith.constant 0 : index
      %get3A_347 = arith.index_cast %multiple_of3A : i32 to index
      %get3A_348 = vector.load %arg4[%get3A_346, %get3A_347] : memref<8x10240xf32, #tpu.memory_space<vmem>>, vector<8x512xf32>
      %get3A_349 = arith.constant 0 : index
      %get3A_350 = arith.index_cast %multiple_of3A : i32 to index
      %get3A_351 = vector.load %arg6[%get3A_349, %get3A_350] : memref<1x10240xi32, #tpu.memory_space<vmem>>, vector<1x512xi32>
      %dot_general3A = arith.constant dense<0.000000e+00> : vector<512x512xf32>
      %dot_general3A_352 = tpu.matmul %get3A_5, %get3A_348, %dot_general3A {dimension_numbers = #tpu.dot_dimension_numbers<[1], [0], [0], [1], [0, 0, 1, 1], [], []>, transpose_lhs_hint = false} : vector<512x8xf32>, vector<8x512xf32>, vector<512x512xf32> -> vector<512x512xf32>
      %mul3A_353 = arith.constant 2.000000e+00 : f32
      %mul3A_354 = vector.broadcast %mul3A_353 : f32 to vector<512x512xf32>
      %mul3A_355 = arith.mulf %mul3A_354, %dot_general3A_352 : vector<512x512xf32>
      %sub3A = vector.broadcast %broadcast_in_dim3A : vector<512x1xf32> to vector<512x512xf32>
      %sub3A_356 = arith.subf %sub3A, %mul3A_355 : vector<512x512xf32>
      %mul3A_357 = arith.mulf %get3A_348, %get3A_348 : vector<8x512xf32>
      %reduce_sum3A_358 = arith.constant dense<0.000000e+00> : vector<512xf32>
      %reduce_sum3A_359 = vector.multi_reduction <add>, %mul3A_357, %reduce_sum3A_358 [0] : vector<8x512xf32> to vector<512xf32>
      %broadcast_in_dim3A_360 = vector.shape_cast %reduce_sum3A_359 : vector<512xf32> to vector<1x512xf32>
      %add3A_361 = vector.broadcast %broadcast_in_dim3A_360 : vector<1x512xf32> to vector<512x512xf32>
      %add3A_362 = arith.addf %sub3A_356, %add3A_361 : vector<512x512xf32>
      %eq3A = vector.broadcast %get3A_8 : vector<512x1xi32> to vector<512x512xi32>
      %eq3A_363 = vector.broadcast %get3A_351 : vector<1x512xi32> to vector<512x512xi32>
      %eq3A_364 = arith.cmpi eq, %eq3A, %eq3A_363 : vector<512x512xi32>
      %jit3A = arith.constant 0x7F800000 : f32
      %broadcast_in_dim3A_365 = vector.broadcast %jit3A : f32 to vector<512x512xf32>
      %select_n3A = arith.select %eq3A_364, %add3A_362, %broadcast_in_dim3A_365 : vector<512x512xi1>, vector<512x512xf32>
      %mul3A_366 = arith.constant 512 : i32
      %mul3A_367 = arith.muli %while3A_342, %mul3A_366 : i32
      %multiple_of3A_368 = tpu.assume_multiple %mul3A_367, 512 : i32
      %swap3A_369 = arith.constant 0 : index
      %swap3A_370 = arith.index_cast %multiple_of3A_368 : i32 to index
      %swap3A_371 = vector.load %arg8[%swap3A_369, %swap3A_370] : memref<512x10240xf32, #tpu.memory_space<vmem>>, vector<512x512xf32>
      tpu.vector_store %arg8[%swap3A_369, %swap3A_370], %select_n3A {strides = array<i32>} : memref<512x10240xf32, #tpu.memory_space<vmem>>, vector<512x512xf32>,
      %while3A_372 = arith.constant 0 : i32
      scf.yield %while3A_372 : i32
    }
    %while3A_19 = arith.constant 1 : i32
    %while3A_20 = scf.for %while3A_342 = %while3A_16 to %while3A_12 step %while3A_19 iter_args(%while3A_343 = %while3A_18) -> (i32)  : i32 {
      %mul3A_344 = arith.constant 512 : i32
      %mul3A_345 = arith.muli %while3A_342, %mul3A_344 : i32
      %add3A = arith.addi %get3A_0, %mul3A_345 : i32
      %multiple_of3A = tpu.assume_multiple %add3A, 512 : i32
      %get3A_346 = arith.constant 0 : index
      %get3A_347 = arith.index_cast %multiple_of3A : i32 to index
      %get3A_348 = vector.load %arg4[%get3A_346, %get3A_347] : memref<8x10240xf32, #tpu.memory_space<vmem>>, vector<8x512xf32>
      %get3A_349 = arith.constant 0 : index
      %get3A_350 = arith.index_cast %multiple_of3A : i32 to index
      %get3A_351 = vector.load %arg6[%get3A_349, %get3A_350] : memref<1x10240xi32, #tpu.memory_space<vmem>>, vector<1x512xi32>
      %dot_general3A = arith.constant dense<0.000000e+00> : vector<512x512xf32>
      %dot_general3A_352 = tpu.matmul %get3A_5, %get3A_348, %dot_general3A {dimension_numbers = #tpu.dot_dimension_numbers<[1], [0], [0], [1], [0, 0, 1, 1], [], []>, transpose_lhs_hint = false} : vector<512x8xf32>, vector<8x512xf32>, vector<512x512xf32> -> vector<512x512xf32>
      %mul3A_353 = arith.constant 2.000000e+00 : f32
      %mul3A_354 = vector.broadcast %mul3A_353 : f32 to vector<512x512xf32>
      %mul3A_355 = arith.mulf %mul3A_354, %dot_general3A_352 : vector<512x512xf32>
      %sub3A = vector.broadcast %broadcast_in_dim3A : vector<512x1xf32> to vector<512x512xf32>
      %sub3A_356 = arith.subf %sub3A, %mul3A_355 : vector<512x512xf32>
      %mul3A_357 = arith.mulf %get3A_348, %get3A_348 : vector<8x512xf32>
      %reduce_sum3A_358 = arith.constant dense<0.000000e+00> : vector<512xf32>
      %reduce_sum3A_359 = vector.multi_reduction <add>, %mul3A_357, %reduce_sum3A_358 [0] : vector<8x512xf32> to vector<512xf32>
      %broadcast_in_dim3A_360 = vector.shape_cast %reduce_sum3A_359 : vector<512xf32> to vector<1x512xf32>
      %add3A_361 = vector.broadcast %broadcast_in_dim3A_360 : vector<1x512xf32> to vector<512x512xf32>
      %add3A_362 = arith.addf %sub3A_356, %add3A_361 : vector<512x512xf32>
      %eq3A = vector.broadcast %get3A_8 : vector<512x1xi32> to vector<512x512xi32>
      %eq3A_363 = vector.broadcast %get3A_351 : vector<1x512xi32> to vector<512x512xi32>
      %eq3A_364 = arith.cmpi eq, %eq3A, %eq3A_363 : vector<512x512xi32>
      %jit3A = arith.constant 0x7F800000 : f32
      %broadcast_in_dim3A_365 = vector.broadcast %jit3A : f32 to vector<512x512xf32>
      %select_n3A = arith.select %eq3A_364, %add3A_362, %broadcast_in_dim3A_365 : vector<512x512xi1>, vector<512x512xf32>
      %mul3A_366 = arith.constant 512 : i32
      %mul3A_367 = arith.muli %while3A_342, %mul3A_366 : i32
      %multiple_of3A_368 = tpu.assume_multiple %mul3A_367, 512 : i32
      %swap3A_369 = arith.constant 0 : index
      %swap3A_370 = arith.index_cast %multiple_of3A_368 : i32 to index
      %swap3A_371 = vector.load %arg8[%swap3A_369, %swap3A_370] : memref<512x10240xf32, #tpu.memory_space<vmem>>, vector<512x512xf32>
      tpu.vector_store %arg8[%swap3A_369, %swap3A_370], %select_n3A {strides = array<i32>} : memref<512x10240xf32, #tpu.memory_space<vmem>>, vector<512x512xf32>,
      %while3A_372 = arith.constant 0 : i32
      scf.yield %while3A_372 : i32
    }
    %iota3A = tpu.iota {dimensions = array<i32: 1>} : vector<1x512xi32>
    %broadcast_in_dim3A_21 = arith.constant 0x7F800000 : f32
    %broadcast_in_dim3A_22 = vector.broadcast %broadcast_in_dim3A_21 : f32 to vector<512x1xf32>
    %broadcast_in_dim3A_23 = arith.constant 10240 : i32
    %broadcast_in_dim3A_24 = vector.broadcast %broadcast_in_dim3A_23 : i32 to vector<512x1xi32>
    %while3A_25 = arith.constant 0 : i32
    %while3A_26 = arith.subi %get3A_2, %while3A_25 : i32
    %while3A_27 = arith.addi %while3A_25, %while3A_26 : i32
    %while3A_28 = arith.constant 1 : i32
    %while3A_29 = arith.divsi %while3A_26, %while3A_28 : i32
    %while3A_30 = arith.muli %while3A_29, %while3A_28 : i32
    %while3A_31 = arith.addi %while3A_25, %while3A_30 : i32
    %while3A_32 = arith.constant 1 : i32
    %while3A_33:2 = scf.for %while3A_342 = %while3A_25 to %while3A_31 step %while3A_32 iter_args(%while3A_343 = %broadcast_in_dim3A_22, %while3A_344 = %broadcast_in_dim3A_24) -> (vector<512x1xf32>, vector<512x1xi32>)  : i32 {
      %mul3A_345 = arith.constant 512 : i32
      %mul3A_346 = arith.muli %while3A_342, %mul3A_345 : i32
      %multiple_of3A = tpu.assume_multiple %mul3A_346, 512 : i32
      %mul3A_347 = arith.constant 512 : i32
      %mul3A_348 = arith.muli %while3A_342, %mul3A_347 : i32
      %add3A = arith.addi %get3A_0, %mul3A_348 : i32
      %add3A_349 = vector.broadcast %add3A : i32 to vector<1x512xi32>
      %add3A_350 = arith.addi %iota3A, %add3A_349 : vector<1x512xi32>
      %get3A_351 = arith.constant 0 : index
      %get3A_352 = arith.index_cast %multiple_of3A : i32 to index
      %get3A_353 = vector.load %arg8[%get3A_351, %get3A_352] : memref<512x10240xf32, #tpu.memory_space<vmem>>, vector<512x512xf32>
      %reduce_min3A = arith.constant dense<0x7F800000> : vector<512xf32>
      %reduce_min3A_354 = vector.multi_reduction <minimumf>, %get3A_353, %reduce_min3A [1] : vector<512x512xf32> to vector<512xf32>
      %broadcast_in_dim3A_355 = vector.shape_cast %reduce_min3A_354 : vector<512xf32> to vector<512x1xf32>
      %eq3A = vector.broadcast %broadcast_in_dim3A_355 : vector<512x1xf32> to vector<512x512xf32>
      %eq3A_356 = arith.cmpf oeq, %get3A_353, %eq3A : vector<512x512xf32>
      %jit3A = arith.constant 10240 : i32
      %broadcast_in_dim3A_357 = vector.shape_cast %add3A_350 : vector<1x512xi32> to vector<1x512xi32>
      %broadcast_in_dim3A_358 = vector.broadcast %broadcast_in_dim3A_357 : vector<1x512xi32> to vector<512x512xi32>
      %broadcast_in_dim3A_359 = vector.broadcast %jit3A : i32 to vector<512x512xi32>
      %select_n3A = arith.select %eq3A_356, %broadcast_in_dim3A_358, %broadcast_in_dim3A_359 : vector<512x512xi1>, vector<512x512xi32>
      %reduce_min3A_360 = arith.constant dense<2147483647> : vector<512xi32>
      %reduce_min3A_361 = vector.multi_reduction <minsi>, %select_n3A, %reduce_min3A_360 [1] : vector<512x512xi32> to vector<512xi32>
      %broadcast_in_dim3A_362 = vector.shape_cast %reduce_min3A_361 : vector<512xi32> to vector<512x1xi32>
      %lt3A = arith.cmpf olt, %broadcast_in_dim3A_355, %while3A_343 : vector<512x1xf32>
      %eq3A_363 = arith.cmpf oeq, %broadcast_in_dim3A_355, %while3A_343 : vector<512x1xf32>
      %lt3A_364 = arith.cmpi slt, %broadcast_in_dim3A_362, %while3A_344 : vector<512x1xi32>
      %and3A = arith.andi %eq3A_363, %lt3A_364 : vector<512x1xi1>
      %or3A = arith.ori %lt3A, %and3A : vector<512x1xi1>
      %select_n3A_365 = arith.select %or3A, %broadcast_in_dim3A_355, %while3A_343 : vector<512x1xi1>, vector<512x1xf32>
      %select_n3A_366 = arith.select %or3A, %broadcast_in_dim3A_362, %while3A_344 : vector<512x1xi1>, vector<512x1xi32>
      scf.yield %select_n3A_365, %select_n3A_366 : vector<512x1xf32>, vector<512x1xi32>
    }
    %while3A_34 = arith.constant 1 : i32
    %while3A_35:2 = scf.for %while3A_342 = %while3A_31 to %while3A_27 step %while3A_34 iter_args(%while3A_343 = %while3A_33#0, %while3A_344 = %while3A_33#1) -> (vector<512x1xf32>, vector<512x1xi32>)  : i32 {
      %mul3A_345 = arith.constant 512 : i32
      %mul3A_346 = arith.muli %while3A_342, %mul3A_345 : i32
      %multiple_of3A = tpu.assume_multiple %mul3A_346, 512 : i32
      %mul3A_347 = arith.constant 512 : i32
      %mul3A_348 = arith.muli %while3A_342, %mul3A_347 : i32
      %add3A = arith.addi %get3A_0, %mul3A_348 : i32
      %add3A_349 = vector.broadcast %add3A : i32 to vector<1x512xi32>
      %add3A_350 = arith.addi %iota3A, %add3A_349 : vector<1x512xi32>
      %get3A_351 = arith.constant 0 : index
      %get3A_352 = arith.index_cast %multiple_of3A : i32 to index
      %get3A_353 = vector.load %arg8[%get3A_351, %get3A_352] : memref<512x10240xf32, #tpu.memory_space<vmem>>, vector<512x512xf32>
      %reduce_min3A = arith.constant dense<0x7F800000> : vector<512xf32>
      %reduce_min3A_354 = vector.multi_reduction <minimumf>, %get3A_353, %reduce_min3A [1] : vector<512x512xf32> to vector<512xf32>
      %broadcast_in_dim3A_355 = vector.shape_cast %reduce_min3A_354 : vector<512xf32> to vector<512x1xf32>
      %eq3A = vector.broadcast %broadcast_in_dim3A_355 : vector<512x1xf32> to vector<512x512xf32>
      %eq3A_356 = arith.cmpf oeq, %get3A_353, %eq3A : vector<512x512xf32>
      %jit3A = arith.constant 10240 : i32
      %broadcast_in_dim3A_357 = vector.shape_cast %add3A_350 : vector<1x512xi32> to vector<1x512xi32>
      %broadcast_in_dim3A_358 = vector.broadcast %broadcast_in_dim3A_357 : vector<1x512xi32> to vector<512x512xi32>
      %broadcast_in_dim3A_359 = vector.broadcast %jit3A : i32 to vector<512x512xi32>
      %select_n3A = arith.select %eq3A_356, %broadcast_in_dim3A_358, %broadcast_in_dim3A_359 : vector<512x512xi1>, vector<512x512xi32>
      %reduce_min3A_360 = arith.constant dense<2147483647> : vector<512xi32>
      %reduce_min3A_361 = vector.multi_reduction <minsi>, %select_n3A, %reduce_min3A_360 [1] : vector<512x512xi32> to vector<512xi32>
      %broadcast_in_dim3A_362 = vector.shape_cast %reduce_min3A_361 : vector<512xi32> to vector<512x1xi32>
      %lt3A = arith.cmpf olt, %broadcast_in_dim3A_355, %while3A_343 : vector<512x1xf32>
      %eq3A_363 = arith.cmpf oeq, %broadcast_in_dim3A_355, %while3A_343 : vector<512x1xf32>
      %lt3A_364 = arith.cmpi slt, %broadcast_in_dim3A_362, %while3A_344 : vector<512x1xi32>
      %and3A = arith.andi %eq3A_363, %lt3A_364 : vector<512x1xi1>
      %or3A = arith.ori %lt3A, %and3A : vector<512x1xi1>
      %select_n3A_365 = arith.select %or3A, %broadcast_in_dim3A_355, %while3A_343 : vector<512x1xi1>, vector<512x1xf32>
      %select_n3A_366 = arith.select %or3A, %broadcast_in_dim3A_362, %while3A_344 : vector<512x1xi1>, vector<512x1xi32>
      scf.yield %select_n3A_365, %select_n3A_366 : vector<512x1xf32>, vector<512x1xi32>
    }
    %broadcast_in_dim3A_36 = arith.constant 0x7F800000 : f32
    %broadcast_in_dim3A_37 = vector.broadcast %broadcast_in_dim3A_36 : f32 to vector<512x1xf32>
    %broadcast_in_dim3A_38 = arith.constant 10240 : i32
    %broadcast_in_dim3A_39 = vector.broadcast %broadcast_in_dim3A_38 : i32 to vector<512x1xi32>
    %while3A_40 = arith.constant 0x7F800000 : f32
    %while3A_41 = arith.constant 0 : i32
    %while3A_42 = arith.subi %get3A_2, %while3A_41 : i32
    %while3A_43 = arith.addi %while3A_41, %while3A_42 : i32
    %while3A_44 = arith.constant 1 : i32
    %while3A_45 = arith.divsi %while3A_42, %while3A_44 : i32
    %while3A_46 = arith.muli %while3A_45, %while3A_44 : i32
    %while3A_47 = arith.addi %while3A_41, %while3A_46 : i32
    %while3A_48 = arith.constant 1 : i32
    %while3A_49:2 = scf.for %while3A_342 = %while3A_41 to %while3A_47 step %while3A_48 iter_args(%while3A_343 = %broadcast_in_dim3A_37, %while3A_344 = %broadcast_in_dim3A_39) -> (vector<512x1xf32>, vector<512x1xi32>)  : i32 {
      %mul3A_345 = arith.constant 512 : i32
      %mul3A_346 = arith.muli %while3A_342, %mul3A_345 : i32
      %multiple_of3A = tpu.assume_multiple %mul3A_346, 512 : i32
      %mul3A_347 = arith.constant 512 : i32
      %mul3A_348 = arith.muli %while3A_342, %mul3A_347 : i32
      %add3A = arith.addi %get3A_0, %mul3A_348 : i32
      %add3A_349 = vector.broadcast %add3A : i32 to vector<1x512xi32>
      %add3A_350 = arith.addi %iota3A, %add3A_349 : vector<1x512xi32>
      %get3A_351 = arith.constant 0 : index
      %get3A_352 = arith.index_cast %multiple_of3A : i32 to index
      %get3A_353 = vector.load %arg8[%get3A_351, %get3A_352] : memref<512x10240xf32, #tpu.memory_space<vmem>>, vector<512x512xf32>
      %eq3A = vector.broadcast %add3A_350 : vector<1x512xi32> to vector<512x512xi32>
      %eq3A_354 = vector.broadcast %while3A_35#1 : vector<512x1xi32> to vector<512x512xi32>
      %eq3A_355 = arith.cmpi eq, %eq3A, %eq3A_354 : vector<512x512xi32>
      %broadcast_in_dim3A_356 = vector.broadcast %while3A_40 : f32 to vector<512x512xf32>
      %select_n3A = arith.select %eq3A_355, %broadcast_in_dim3A_356, %get3A_353 : vector<512x512xi1>, vector<512x512xf32>
      %swap3A_357 = arith.constant 0 : index
      %swap3A_358 = arith.index_cast %multiple_of3A : i32 to index
      %swap3A_359 = vector.load %arg8[%swap3A_357, %swap3A_358] : memref<512x10240xf32, #tpu.memory_space<vmem>>, vector<512x512xf32>
      tpu.vector_store %arg8[%swap3A_357, %swap3A_358], %select_n3A {strides = array<i32>} : memref<512x10240xf32, #tpu.memory_space<vmem>>, vector<512x512xf32>,
      %reduce_min3A = arith.constant dense<0x7F800000> : vector<512xf32>
      %reduce_min3A_360 = vector.multi_reduction <minimumf>, %select_n3A, %reduce_min3A [1] : vector<512x512xf32> to vector<512xf32>
      %broadcast_in_dim3A_361 = vector.shape_cast %reduce_min3A_360 : vector<512xf32> to vector<512x1xf32>
      %eq3A_362 = vector.broadcast %broadcast_in_dim3A_361 : vector<512x1xf32> to vector<512x512xf32>
      %eq3A_363 = arith.cmpf oeq, %select_n3A, %eq3A_362 : vector<512x512xf32>
      %jit3A = arith.constant 10240 : i32
      %broadcast_in_dim3A_364 = vector.shape_cast %add3A_350 : vector<1x512xi32> to vector<1x512xi32>
      %broadcast_in_dim3A_365 = vector.broadcast %broadcast_in_dim3A_364 : vector<1x512xi32> to vector<512x512xi32>
      %broadcast_in_dim3A_366 = vector.broadcast %jit3A : i32 to vector<512x512xi32>
      %select_n3A_367 = arith.select %eq3A_363, %broadcast_in_dim3A_365, %broadcast_in_dim3A_366 : vector<512x512xi1>, vector<512x512xi32>
      %reduce_min3A_368 = arith.constant dense<2147483647> : vector<512xi32>
      %reduce_min3A_369 = vector.multi_reduction <minsi>, %select_n3A_367, %reduce_min3A_368 [1] : vector<512x512xi32> to vector<512xi32>
      %broadcast_in_dim3A_370 = vector.shape_cast %reduce_min3A_369 : vector<512xi32> to vector<512x1xi32>
      %lt3A = arith.cmpf olt, %broadcast_in_dim3A_361, %while3A_343 : vector<512x1xf32>
      %eq3A_371 = arith.cmpf oeq, %broadcast_in_dim3A_361, %while3A_343 : vector<512x1xf32>
      %lt3A_372 = arith.cmpi slt, %broadcast_in_dim3A_370, %while3A_344 : vector<512x1xi32>
      %and3A = arith.andi %eq3A_371, %lt3A_372 : vector<512x1xi1>
      %or3A = arith.ori %lt3A, %and3A : vector<512x1xi1>
      %select_n3A_373 = arith.select %or3A, %broadcast_in_dim3A_361, %while3A_343 : vector<512x1xi1>, vector<512x1xf32>
      %select_n3A_374 = arith.select %or3A, %broadcast_in_dim3A_370, %while3A_344 : vector<512x1xi1>, vector<512x1xi32>
      scf.yield %select_n3A_373, %select_n3A_374 : vector<512x1xf32>, vector<512x1xi32>
    }
    %while3A_50 = arith.constant 1 : i32
    %while3A_51:2 = scf.for %while3A_342 = %while3A_47 to %while3A_43 step %while3A_50 iter_args(%while3A_343 = %while3A_49#0, %while3A_344 = %while3A_49#1) -> (vector<512x1xf32>, vector<512x1xi32>)  : i32 {
      %mul3A_345 = arith.constant 512 : i32
      %mul3A_346 = arith.muli %while3A_342, %mul3A_345 : i32
      %multiple_of3A = tpu.assume_multiple %mul3A_346, 512 : i32
      %mul3A_347 = arith.constant 512 : i32
      %mul3A_348 = arith.muli %while3A_342, %mul3A_347 : i32
      %add3A = arith.addi %get3A_0, %mul3A_348 : i32
      %add3A_349 = vector.broadcast %add3A : i32 to vector<1x512xi32>
      %add3A_350 = arith.addi %iota3A, %add3A_349 : vector<1x512xi32>
      %get3A_351 = arith.constant 0 : index
      %get3A_352 = arith.index_cast %multiple_of3A : i32 to index
      %get3A_353 = vector.load %arg8[%get3A_351, %get3A_352] : memref<512x10240xf32, #tpu.memory_space<vmem>>, vector<512x512xf32>
      %eq3A = vector.broadcast %add3A_350 : vector<1x512xi32> to vector<512x512xi32>
      %eq3A_354 = vector.broadcast %while3A_35#1 : vector<512x1xi32> to vector<512x512xi32>
      %eq3A_355 = arith.cmpi eq, %eq3A, %eq3A_354 : vector<512x512xi32>
      %broadcast_in_dim3A_356 = vector.broadcast %while3A_40 : f32 to vector<512x512xf32>
      %select_n3A = arith.select %eq3A_355, %broadcast_in_dim3A_356, %get3A_353 : vector<512x512xi1>, vector<512x512xf32>
      %swap3A_357 = arith.constant 0 : index
      %swap3A_358 = arith.index_cast %multiple_of3A : i32 to index
      %swap3A_359 = vector.load %arg8[%swap3A_357, %swap3A_358] : memref<512x10240xf32, #tpu.memory_space<vmem>>, vector<512x512xf32>
      tpu.vector_store %arg8[%swap3A_357, %swap3A_358], %select_n3A {strides = array<i32>} : memref<512x10240xf32, #tpu.memory_space<vmem>>, vector<512x512xf32>,
      %reduce_min3A = arith.constant dense<0x7F800000> : vector<512xf32>
      %reduce_min3A_360 = vector.multi_reduction <minimumf>, %select_n3A, %reduce_min3A [1] : vector<512x512xf32> to vector<512xf32>
      %broadcast_in_dim3A_361 = vector.shape_cast %reduce_min3A_360 : vector<512xf32> to vector<512x1xf32>
      %eq3A_362 = vector.broadcast %broadcast_in_dim3A_361 : vector<512x1xf32> to vector<512x512xf32>
      %eq3A_363 = arith.cmpf oeq, %select_n3A, %eq3A_362 : vector<512x512xf32>
      %jit3A = arith.constant 10240 : i32
      %broadcast_in_dim3A_364 = vector.shape_cast %add3A_350 : vector<1x512xi32> to vector<1x512xi32>
      %broadcast_in_dim3A_365 = vector.broadcast %broadcast_in_dim3A_364 : vector<1x512xi32> to vector<512x512xi32>
      %broadcast_in_dim3A_366 = vector.broadcast %jit3A : i32 to vector<512x512xi32>
      %select_n3A_367 = arith.select %eq3A_363, %broadcast_in_dim3A_365, %broadcast_in_dim3A_366 : vector<512x512xi1>, vector<512x512xi32>
      %reduce_min3A_368 = arith.constant dense<2147483647> : vector<512xi32>
      %reduce_min3A_369 = vector.multi_reduction <minsi>, %select_n3A_367, %reduce_min3A_368 [1] : vector<512x512xi32> to vector<512xi32>
      %broadcast_in_dim3A_370 = vector.shape_cast %reduce_min3A_369 : vector<512xi32> to vector<512x1xi32>
      %lt3A = arith.cmpf olt, %broadcast_in_dim3A_361, %while3A_343 : vector<512x1xf32>
      %eq3A_371 = arith.cmpf oeq, %broadcast_in_dim3A_361, %while3A_343 : vector<512x1xf32>
      %lt3A_372 = arith.cmpi slt, %broadcast_in_dim3A_370, %while3A_344 : vector<512x1xi32>
      %and3A = arith.andi %eq3A_371, %lt3A_372 : vector<512x1xi1>
      %or3A = arith.ori %lt3A, %and3A : vector<512x1xi1>
      %select_n3A_373 = arith.select %or3A, %broadcast_in_dim3A_361, %while3A_343 : vector<512x1xi1>, vector<512x1xf32>
      %select_n3A_374 = arith.select %or3A, %broadcast_in_dim3A_370, %while3A_344 : vector<512x1xi1>, vector<512x1xi32>
      scf.yield %select_n3A_373, %select_n3A_374 : vector<512x1xf32>, vector<512x1xi32>
    }
    %broadcast_in_dim3A_52 = arith.constant 0x7F800000 : f32
    %broadcast_in_dim3A_53 = vector.broadcast %broadcast_in_dim3A_52 : f32 to vector<512x1xf32>
    %broadcast_in_dim3A_54 = arith.constant 10240 : i32
    %broadcast_in_dim3A_55 = vector.broadcast %broadcast_in_dim3A_54 : i32 to vector<512x1xi32>
    %while3A_56 = arith.constant 0x7F800000 : f32
    %while3A_57 = arith.constant 0 : i32
    %while3A_58 = arith.subi %get3A_2, %while3A_57 : i32
    %while3A_59 = arith.addi %while3A_57, %while3A_58 : i32
    %while3A_60 = arith.constant 1 : i32
    %while3A_61 = arith.divsi %while3A_58, %while3A_60 : i32
    %while3A_62 = arith.muli %while3A_61, %while3A_60 : i32
    %while3A_63 = arith.addi %while3A_57, %while3A_62 : i32
    %while3A_64 = arith.constant 1 : i32
    %while3A_65:2 = scf.for %while3A_342 = %while3A_57 to %while3A_63 step %while3A_64 iter_args(%while3A_343 = %broadcast_in_dim3A_53, %while3A_344 = %broadcast_in_dim3A_55) -> (vector<512x1xf32>, vector<512x1xi32>)  : i32 {
      %mul3A_345 = arith.constant 512 : i32
      %mul3A_346 = arith.muli %while3A_342, %mul3A_345 : i32
      %multiple_of3A = tpu.assume_multiple %mul3A_346, 512 : i32
      %mul3A_347 = arith.constant 512 : i32
      %mul3A_348 = arith.muli %while3A_342, %mul3A_347 : i32
      %add3A = arith.addi %get3A_0, %mul3A_348 : i32
      %add3A_349 = vector.broadcast %add3A : i32 to vector<1x512xi32>
      %add3A_350 = arith.addi %iota3A, %add3A_349 : vector<1x512xi32>
      %get3A_351 = arith.constant 0 : index
      %get3A_352 = arith.index_cast %multiple_of3A : i32 to index
      %get3A_353 = vector.load %arg8[%get3A_351, %get3A_352] : memref<512x10240xf32, #tpu.memory_space<vmem>>, vector<512x512xf32>
      %eq3A = vector.broadcast %add3A_350 : vector<1x512xi32> to vector<512x512xi32>
      %eq3A_354 = vector.broadcast %while3A_51#1 : vector<512x1xi32> to vector<512x512xi32>
      %eq3A_355 = arith.cmpi eq, %eq3A, %eq3A_354 : vector<512x512xi32>
      %broadcast_in_dim3A_356 = vector.broadcast %while3A_56 : f32 to vector<512x512xf32>
      %select_n3A = arith.select %eq3A_355, %broadcast_in_dim3A_356, %get3A_353 : vector<512x512xi1>, vector<512x512xf32>
      %swap3A_357 = arith.constant 0 : index
      %swap3A_358 = arith.index_cast %multiple_of3A : i32 to index
      %swap3A_359 = vector.load %arg8[%swap3A_357, %swap3A_358] : memref<512x10240xf32, #tpu.memory_space<vmem>>, vector<512x512xf32>
      tpu.vector_store %arg8[%swap3A_357, %swap3A_358], %select_n3A {strides = array<i32>} : memref<512x10240xf32, #tpu.memory_space<vmem>>, vector<512x512xf32>,
      %reduce_min3A = arith.constant dense<0x7F800000> : vector<512xf32>
      %reduce_min3A_360 = vector.multi_reduction <minimumf>, %select_n3A, %reduce_min3A [1] : vector<512x512xf32> to vector<512xf32>
      %broadcast_in_dim3A_361 = vector.shape_cast %reduce_min3A_360 : vector<512xf32> to vector<512x1xf32>
      %eq3A_362 = vector.broadcast %broadcast_in_dim3A_361 : vector<512x1xf32> to vector<512x512xf32>
      %eq3A_363 = arith.cmpf oeq, %select_n3A, %eq3A_362 : vector<512x512xf32>
      %jit3A = arith.constant 10240 : i32
      %broadcast_in_dim3A_364 = vector.shape_cast %add3A_350 : vector<1x512xi32> to vector<1x512xi32>
      %broadcast_in_dim3A_365 = vector.broadcast %broadcast_in_dim3A_364 : vector<1x512xi32> to vector<512x512xi32>
      %broadcast_in_dim3A_366 = vector.broadcast %jit3A : i32 to vector<512x512xi32>
      %select_n3A_367 = arith.select %eq3A_363, %broadcast_in_dim3A_365, %broadcast_in_dim3A_366 : vector<512x512xi1>, vector<512x512xi32>
      %reduce_min3A_368 = arith.constant dense<2147483647> : vector<512xi32>
      %reduce_min3A_369 = vector.multi_reduction <minsi>, %select_n3A_367, %reduce_min3A_368 [1] : vector<512x512xi32> to vector<512xi32>
      %broadcast_in_dim3A_370 = vector.shape_cast %reduce_min3A_369 : vector<512xi32> to vector<512x1xi32>
      %lt3A = arith.cmpf olt, %broadcast_in_dim3A_361, %while3A_343 : vector<512x1xf32>
      %eq3A_371 = arith.cmpf oeq, %broadcast_in_dim3A_361, %while3A_343 : vector<512x1xf32>
      %lt3A_372 = arith.cmpi slt, %broadcast_in_dim3A_370, %while3A_344 : vector<512x1xi32>
      %and3A = arith.andi %eq3A_371, %lt3A_372 : vector<512x1xi1>
      %or3A = arith.ori %lt3A, %and3A : vector<512x1xi1>
      %select_n3A_373 = arith.select %or3A, %broadcast_in_dim3A_361, %while3A_343 : vector<512x1xi1>, vector<512x1xf32>
      %select_n3A_374 = arith.select %or3A, %broadcast_in_dim3A_370, %while3A_344 : vector<512x1xi1>, vector<512x1xi32>
      scf.yield %select_n3A_373, %select_n3A_374 : vector<512x1xf32>, vector<512x1xi32>
    }
    %while3A_66 = arith.constant 1 : i32
    %while3A_67:2 = scf.for %while3A_342 = %while3A_63 to %while3A_59 step %while3A_66 iter_args(%while3A_343 = %while3A_65#0, %while3A_344 = %while3A_65#1) -> (vector<512x1xf32>, vector<512x1xi32>)  : i32 {
      %mul3A_345 = arith.constant 512 : i32
      %mul3A_346 = arith.muli %while3A_342, %mul3A_345 : i32
      %multiple_of3A = tpu.assume_multiple %mul3A_346, 512 : i32
      %mul3A_347 = arith.constant 512 : i32
      %mul3A_348 = arith.muli %while3A_342, %mul3A_347 : i32
      %add3A = arith.addi %get3A_0, %mul3A_348 : i32
      %add3A_349 = vector.broadcast %add3A : i32 to vector<1x512xi32>
      %add3A_350 = arith.addi %iota3A, %add3A_349 : vector<1x512xi32>
      %get3A_351 = arith.constant 0 : index
      %get3A_352 = arith.index_cast %multiple_of3A : i32 to index
      %get3A_353 = vector.load %arg8[%get3A_351, %get3A_352] : memref<512x10240xf32, #tpu.memory_space<vmem>>, vector<512x512xf32>
      %eq3A = vector.broadcast %add3A_350 : vector<1x512xi32> to vector<512x512xi32>
      %eq3A_354 = vector.broadcast %while3A_51#1 : vector<512x1xi32> to vector<512x512xi32>
      %eq3A_355 = arith.cmpi eq, %eq3A, %eq3A_354 : vector<512x512xi32>
      %broadcast_in_dim3A_356 = vector.broadcast %while3A_56 : f32 to vector<512x512xf32>
      %select_n3A = arith.select %eq3A_355, %broadcast_in_dim3A_356, %get3A_353 : vector<512x512xi1>, vector<512x512xf32>
      %swap3A_357 = arith.constant 0 : index
      %swap3A_358 = arith.index_cast %multiple_of3A : i32 to index
      %swap3A_359 = vector.load %arg8[%swap3A_357, %swap3A_358] : memref<512x10240xf32, #tpu.memory_space<vmem>>, vector<512x512xf32>
      tpu.vector_store %arg8[%swap3A_357, %swap3A_358], %select_n3A {strides = array<i32>} : memref<512x10240xf32, #tpu.memory_space<vmem>>, vector<512x512xf32>,
      %reduce_min3A = arith.constant dense<0x7F800000> : vector<512xf32>
      %reduce_min3A_360 = vector.multi_reduction <minimumf>, %select_n3A, %reduce_min3A [1] : vector<512x512xf32> to vector<512xf32>
      %broadcast_in_dim3A_361 = vector.shape_cast %reduce_min3A_360 : vector<512xf32> to vector<512x1xf32>
      %eq3A_362 = vector.broadcast %broadcast_in_dim3A_361 : vector<512x1xf32> to vector<512x512xf32>
      %eq3A_363 = arith.cmpf oeq, %select_n3A, %eq3A_362 : vector<512x512xf32>
      %jit3A = arith.constant 10240 : i32
      %broadcast_in_dim3A_364 = vector.shape_cast %add3A_350 : vector<1x512xi32> to vector<1x512xi32>
      %broadcast_in_dim3A_365 = vector.broadcast %broadcast_in_dim3A_364 : vector<1x512xi32> to vector<512x512xi32>
      %broadcast_in_dim3A_366 = vector.broadcast %jit3A : i32 to vector<512x512xi32>
      %select_n3A_367 = arith.select %eq3A_363, %broadcast_in_dim3A_365, %broadcast_in_dim3A_366 : vector<512x512xi1>, vector<512x512xi32>
      %reduce_min3A_368 = arith.constant dense<2147483647> : vector<512xi32>
      %reduce_min3A_369 = vector.multi_reduction <minsi>, %select_n3A_367, %reduce_min3A_368 [1] : vector<512x512xi32> to vector<512xi32>
      %broadcast_in_dim3A_370 = vector.shape_cast %reduce_min3A_369 : vector<512xi32> to vector<512x1xi32>
      %lt3A = arith.cmpf olt, %broadcast_in_dim3A_361, %while3A_343 : vector<512x1xf32>
      %eq3A_371 = arith.cmpf oeq, %broadcast_in_dim3A_361, %while3A_343 : vector<512x1xf32>
      %lt3A_372 = arith.cmpi slt, %broadcast_in_dim3A_370, %while3A_344 : vector<512x1xi32>
      %and3A = arith.andi %eq3A_371, %lt3A_372 : vector<512x1xi1>
      %or3A = arith.ori %lt3A, %and3A : vector<512x1xi1>
      %select_n3A_373 = arith.select %or3A, %broadcast_in_dim3A_361, %while3A_343 : vector<512x1xi1>, vector<512x1xf32>
      %select_n3A_374 = arith.select %or3A, %broadcast_in_dim3A_370, %while3A_344 : vector<512x1xi1>, vector<512x1xi32>
      scf.yield %select_n3A_373, %select_n3A_374 : vector<512x1xf32>, vector<512x1xi32>
    }
    %broadcast_in_dim3A_68 = arith.constant 0x7F800000 : f32
    %broadcast_in_dim3A_69 = vector.broadcast %broadcast_in_dim3A_68 : f32 to vector<512x1xf32>
    %broadcast_in_dim3A_70 = arith.constant 10240 : i32
    %broadcast_in_dim3A_71 = vector.broadcast %broadcast_in_dim3A_70 : i32 to vector<512x1xi32>
    %while3A_72 = arith.constant 0x7F800000 : f32
    %while3A_73 = arith.constant 0 : i32
    %while3A_74 = arith.subi %get3A_2, %while3A_73 : i32
    %while3A_75 = arith.addi %while3A_73, %while3A_74 : i32
    %while3A_76 = arith.constant 1 : i32
    %while3A_77 = arith.divsi %while3A_74, %while3A_76 : i32
    %while3A_78 = arith.muli %while3A_77, %while3A_76 : i32
    %while3A_79 = arith.addi %while3A_73, %while3A_78 : i32
    %while3A_80 = arith.constant 1 : i32
    %while3A_81:2 = scf.for %while3A_342 = %while3A_73 to %while3A_79 step %while3A_80 iter_args(%while3A_343 = %broadcast_in_dim3A_69, %while3A_344 = %broadcast_in_dim3A_71) -> (vector<512x1xf32>, vector<512x1xi32>)  : i32 {
      %mul3A_345 = arith.constant 512 : i32
      %mul3A_346 = arith.muli %while3A_342, %mul3A_345 : i32
      %multiple_of3A = tpu.assume_multiple %mul3A_346, 512 : i32
      %mul3A_347 = arith.constant 512 : i32
      %mul3A_348 = arith.muli %while3A_342, %mul3A_347 : i32
      %add3A = arith.addi %get3A_0, %mul3A_348 : i32
      %add3A_349 = vector.broadcast %add3A : i32 to vector<1x512xi32>
      %add3A_350 = arith.addi %iota3A, %add3A_349 : vector<1x512xi32>
      %get3A_351 = arith.constant 0 : index
      %get3A_352 = arith.index_cast %multiple_of3A : i32 to index
      %get3A_353 = vector.load %arg8[%get3A_351, %get3A_352] : memref<512x10240xf32, #tpu.memory_space<vmem>>, vector<512x512xf32>
      %eq3A = vector.broadcast %add3A_350 : vector<1x512xi32> to vector<512x512xi32>
      %eq3A_354 = vector.broadcast %while3A_67#1 : vector<512x1xi32> to vector<512x512xi32>
      %eq3A_355 = arith.cmpi eq, %eq3A, %eq3A_354 : vector<512x512xi32>
      %broadcast_in_dim3A_356 = vector.broadcast %while3A_72 : f32 to vector<512x512xf32>
      %select_n3A = arith.select %eq3A_355, %broadcast_in_dim3A_356, %get3A_353 : vector<512x512xi1>, vector<512x512xf32>
      %swap3A_357 = arith.constant 0 : index
      %swap3A_358 = arith.index_cast %multiple_of3A : i32 to index
      %swap3A_359 = vector.load %arg8[%swap3A_357, %swap3A_358] : memref<512x10240xf32, #tpu.memory_space<vmem>>, vector<512x512xf32>
      tpu.vector_store %arg8[%swap3A_357, %swap3A_358], %select_n3A {strides = array<i32>} : memref<512x10240xf32, #tpu.memory_space<vmem>>, vector<512x512xf32>,
      %reduce_min3A = arith.constant dense<0x7F800000> : vector<512xf32>
      %reduce_min3A_360 = vector.multi_reduction <minimumf>, %select_n3A, %reduce_min3A [1] : vector<512x512xf32> to vector<512xf32>
      %broadcast_in_dim3A_361 = vector.shape_cast %reduce_min3A_360 : vector<512xf32> to vector<512x1xf32>
      %eq3A_362 = vector.broadcast %broadcast_in_dim3A_361 : vector<512x1xf32> to vector<512x512xf32>
      %eq3A_363 = arith.cmpf oeq, %select_n3A, %eq3A_362 : vector<512x512xf32>
      %jit3A = arith.constant 10240 : i32
      %broadcast_in_dim3A_364 = vector.shape_cast %add3A_350 : vector<1x512xi32> to vector<1x512xi32>
      %broadcast_in_dim3A_365 = vector.broadcast %broadcast_in_dim3A_364 : vector<1x512xi32> to vector<512x512xi32>
      %broadcast_in_dim3A_366 = vector.broadcast %jit3A : i32 to vector<512x512xi32>
      %select_n3A_367 = arith.select %eq3A_363, %broadcast_in_dim3A_365, %broadcast_in_dim3A_366 : vector<512x512xi1>, vector<512x512xi32>
      %reduce_min3A_368 = arith.constant dense<2147483647> : vector<512xi32>
      %reduce_min3A_369 = vector.multi_reduction <minsi>, %select_n3A_367, %reduce_min3A_368 [1] : vector<512x512xi32> to vector<512xi32>
      %broadcast_in_dim3A_370 = vector.shape_cast %reduce_min3A_369 : vector<512xi32> to vector<512x1xi32>
      %lt3A = arith.cmpf olt, %broadcast_in_dim3A_361, %while3A_343 : vector<512x1xf32>
      %eq3A_371 = arith.cmpf oeq, %broadcast_in_dim3A_361, %while3A_343 : vector<512x1xf32>
      %lt3A_372 = arith.cmpi slt, %broadcast_in_dim3A_370, %while3A_344 : vector<512x1xi32>
      %and3A = arith.andi %eq3A_371, %lt3A_372 : vector<512x1xi1>
      %or3A = arith.ori %lt3A, %and3A : vector<512x1xi1>
      %select_n3A_373 = arith.select %or3A, %broadcast_in_dim3A_361, %while3A_343 : vector<512x1xi1>, vector<512x1xf32>
      %select_n3A_374 = arith.select %or3A, %broadcast_in_dim3A_370, %while3A_344 : vector<512x1xi1>, vector<512x1xi32>
      scf.yield %select_n3A_373, %select_n3A_374 : vector<512x1xf32>, vector<512x1xi32>
    }
    %while3A_82 = arith.constant 1 : i32
    %while3A_83:2 = scf.for %while3A_342 = %while3A_79 to %while3A_75 step %while3A_82 iter_args(%while3A_343 = %while3A_81#0, %while3A_344 = %while3A_81#1) -> (vector<512x1xf32>, vector<512x1xi32>)  : i32 {
      %mul3A_345 = arith.constant 512 : i32
      %mul3A_346 = arith.muli %while3A_342, %mul3A_345 : i32
      %multiple_of3A = tpu.assume_multiple %mul3A_346, 512 : i32
      %mul3A_347 = arith.constant 512 : i32
      %mul3A_348 = arith.muli %while3A_342, %mul3A_347 : i32
      %add3A = arith.addi %get3A_0, %mul3A_348 : i32
      %add3A_349 = vector.broadcast %add3A : i32 to vector<1x512xi32>
      %add3A_350 = arith.addi %iota3A, %add3A_349 : vector<1x512xi32>
      %get3A_351 = arith.constant 0 : index
      %get3A_352 = arith.index_cast %multiple_of3A : i32 to index
      %get3A_353 = vector.load %arg8[%get3A_351, %get3A_352] : memref<512x10240xf32, #tpu.memory_space<vmem>>, vector<512x512xf32>
      %eq3A = vector.broadcast %add3A_350 : vector<1x512xi32> to vector<512x512xi32>
      %eq3A_354 = vector.broadcast %while3A_67#1 : vector<512x1xi32> to vector<512x512xi32>
      %eq3A_355 = arith.cmpi eq, %eq3A, %eq3A_354 : vector<512x512xi32>
      %broadcast_in_dim3A_356 = vector.broadcast %while3A_72 : f32 to vector<512x512xf32>
      %select_n3A = arith.select %eq3A_355, %broadcast_in_dim3A_356, %get3A_353 : vector<512x512xi1>, vector<512x512xf32>
      %swap3A_357 = arith.constant 0 : index
      %swap3A_358 = arith.index_cast %multiple_of3A : i32 to index
      %swap3A_359 = vector.load %arg8[%swap3A_357, %swap3A_358] : memref<512x10240xf32, #tpu.memory_space<vmem>>, vector<512x512xf32>
      tpu.vector_store %arg8[%swap3A_357, %swap3A_358], %select_n3A {strides = array<i32>} : memref<512x10240xf32, #tpu.memory_space<vmem>>, vector<512x512xf32>,
      %reduce_min3A = arith.constant dense<0x7F800000> : vector<512xf32>
      %reduce_min3A_360 = vector.multi_reduction <minimumf>, %select_n3A, %reduce_min3A [1] : vector<512x512xf32> to vector<512xf32>
      %broadcast_in_dim3A_361 = vector.shape_cast %reduce_min3A_360 : vector<512xf32> to vector<512x1xf32>
      %eq3A_362 = vector.broadcast %broadcast_in_dim3A_361 : vector<512x1xf32> to vector<512x512xf32>
      %eq3A_363 = arith.cmpf oeq, %select_n3A, %eq3A_362 : vector<512x512xf32>
      %jit3A = arith.constant 10240 : i32
      %broadcast_in_dim3A_364 = vector.shape_cast %add3A_350 : vector<1x512xi32> to vector<1x512xi32>
      %broadcast_in_dim3A_365 = vector.broadcast %broadcast_in_dim3A_364 : vector<1x512xi32> to vector<512x512xi32>
      %broadcast_in_dim3A_366 = vector.broadcast %jit3A : i32 to vector<512x512xi32>
      %select_n3A_367 = arith.select %eq3A_363, %broadcast_in_dim3A_365, %broadcast_in_dim3A_366 : vector<512x512xi1>, vector<512x512xi32>
      %reduce_min3A_368 = arith.constant dense<2147483647> : vector<512xi32>
      %reduce_min3A_369 = vector.multi_reduction <minsi>, %select_n3A_367, %reduce_min3A_368 [1] : vector<512x512xi32> to vector<512xi32>
      %broadcast_in_dim3A_370 = vector.shape_cast %reduce_min3A_369 : vector<512xi32> to vector<512x1xi32>
      %lt3A = arith.cmpf olt, %broadcast_in_dim3A_361, %while3A_343 : vector<512x1xf32>
      %eq3A_371 = arith.cmpf oeq, %broadcast_in_dim3A_361, %while3A_343 : vector<512x1xf32>
      %lt3A_372 = arith.cmpi slt, %broadcast_in_dim3A_370, %while3A_344 : vector<512x1xi32>
      %and3A = arith.andi %eq3A_371, %lt3A_372 : vector<512x1xi1>
      %or3A = arith.ori %lt3A, %and3A : vector<512x1xi1>
      %select_n3A_373 = arith.select %or3A, %broadcast_in_dim3A_361, %while3A_343 : vector<512x1xi1>, vector<512x1xf32>
      %select_n3A_374 = arith.select %or3A, %broadcast_in_dim3A_370, %while3A_344 : vector<512x1xi1>, vector<512x1xi32>
      scf.yield %select_n3A_373, %select_n3A_374 : vector<512x1xf32>, vector<512x1xi32>
    }
    %broadcast_in_dim3A_84 = arith.constant 0x7F800000 : f32
    %broadcast_in_dim3A_85 = vector.broadcast %broadcast_in_dim3A_84 : f32 to vector<512x1xf32>
    %broadcast_in_dim3A_86 = arith.constant 10240 : i32
    %broadcast_in_dim3A_87 = vector.broadcast %broadcast_in_dim3A_86 : i32 to vector<512x1xi32>
    %while3A_88 = arith.constant 0x7F800000 : f32
    %while3A_89 = arith.constant 0 : i32
    %while3A_90 = arith.subi %get3A_2, %while3A_89 : i32
    %while3A_91 = arith.addi %while3A_89, %while3A_90 : i32
    %while3A_92 = arith.constant 1 : i32
    %while3A_93 = arith.divsi %while3A_90, %while3A_92 : i32
    %while3A_94 = arith.muli %while3A_93, %while3A_92 : i32
    %while3A_95 = arith.addi %while3A_89, %while3A_94 : i32
    %while3A_96 = arith.constant 1 : i32
    %while3A_97:2 = scf.for %while3A_342 = %while3A_89 to %while3A_95 step %while3A_96 iter_args(%while3A_343 = %broadcast_in_dim3A_85, %while3A_344 = %broadcast_in_dim3A_87) -> (vector<512x1xf32>, vector<512x1xi32>)  : i32 {
      %mul3A_345 = arith.constant 512 : i32
      %mul3A_346 = arith.muli %while3A_342, %mul3A_345 : i32
      %multiple_of3A = tpu.assume_multiple %mul3A_346, 512 : i32
      %mul3A_347 = arith.constant 512 : i32
      %mul3A_348 = arith.muli %while3A_342, %mul3A_347 : i32
      %add3A = arith.addi %get3A_0, %mul3A_348 : i32
      %add3A_349 = vector.broadcast %add3A : i32 to vector<1x512xi32>
      %add3A_350 = arith.addi %iota3A, %add3A_349 : vector<1x512xi32>
      %get3A_351 = arith.constant 0 : index
      %get3A_352 = arith.index_cast %multiple_of3A : i32 to index
      %get3A_353 = vector.load %arg8[%get3A_351, %get3A_352] : memref<512x10240xf32, #tpu.memory_space<vmem>>, vector<512x512xf32>
      %eq3A = vector.broadcast %add3A_350 : vector<1x512xi32> to vector<512x512xi32>
      %eq3A_354 = vector.broadcast %while3A_83#1 : vector<512x1xi32> to vector<512x512xi32>
      %eq3A_355 = arith.cmpi eq, %eq3A, %eq3A_354 : vector<512x512xi32>
      %broadcast_in_dim3A_356 = vector.broadcast %while3A_88 : f32 to vector<512x512xf32>
      %select_n3A = arith.select %eq3A_355, %broadcast_in_dim3A_356, %get3A_353 : vector<512x512xi1>, vector<512x512xf32>
      %swap3A_357 = arith.constant 0 : index
      %swap3A_358 = arith.index_cast %multiple_of3A : i32 to index
      %swap3A_359 = vector.load %arg8[%swap3A_357, %swap3A_358] : memref<512x10240xf32, #tpu.memory_space<vmem>>, vector<512x512xf32>
      tpu.vector_store %arg8[%swap3A_357, %swap3A_358], %select_n3A {strides = array<i32>} : memref<512x10240xf32, #tpu.memory_space<vmem>>, vector<512x512xf32>,
      %reduce_min3A = arith.constant dense<0x7F800000> : vector<512xf32>
      %reduce_min3A_360 = vector.multi_reduction <minimumf>, %select_n3A, %reduce_min3A [1] : vector<512x512xf32> to vector<512xf32>
      %broadcast_in_dim3A_361 = vector.shape_cast %reduce_min3A_360 : vector<512xf32> to vector<512x1xf32>
      %eq3A_362 = vector.broadcast %broadcast_in_dim3A_361 : vector<512x1xf32> to vector<512x512xf32>
      %eq3A_363 = arith.cmpf oeq, %select_n3A, %eq3A_362 : vector<512x512xf32>
      %jit3A = arith.constant 10240 : i32
      %broadcast_in_dim3A_364 = vector.shape_cast %add3A_350 : vector<1x512xi32> to vector<1x512xi32>
      %broadcast_in_dim3A_365 = vector.broadcast %broadcast_in_dim3A_364 : vector<1x512xi32> to vector<512x512xi32>
      %broadcast_in_dim3A_366 = vector.broadcast %jit3A : i32 to vector<512x512xi32>
      %select_n3A_367 = arith.select %eq3A_363, %broadcast_in_dim3A_365, %broadcast_in_dim3A_366 : vector<512x512xi1>, vector<512x512xi32>
      %reduce_min3A_368 = arith.constant dense<2147483647> : vector<512xi32>
      %reduce_min3A_369 = vector.multi_reduction <minsi>, %select_n3A_367, %reduce_min3A_368 [1] : vector<512x512xi32> to vector<512xi32>
      %broadcast_in_dim3A_370 = vector.shape_cast %reduce_min3A_369 : vector<512xi32> to vector<512x1xi32>
      %lt3A = arith.cmpf olt, %broadcast_in_dim3A_361, %while3A_343 : vector<512x1xf32>
      %eq3A_371 = arith.cmpf oeq, %broadcast_in_dim3A_361, %while3A_343 : vector<512x1xf32>
      %lt3A_372 = arith.cmpi slt, %broadcast_in_dim3A_370, %while3A_344 : vector<512x1xi32>
      %and3A = arith.andi %eq3A_371, %lt3A_372 : vector<512x1xi1>
      %or3A = arith.ori %lt3A, %and3A : vector<512x1xi1>
      %select_n3A_373 = arith.select %or3A, %broadcast_in_dim3A_361, %while3A_343 : vector<512x1xi1>, vector<512x1xf32>
      %select_n3A_374 = arith.select %or3A, %broadcast_in_dim3A_370, %while3A_344 : vector<512x1xi1>, vector<512x1xi32>
      scf.yield %select_n3A_373, %select_n3A_374 : vector<512x1xf32>, vector<512x1xi32>
    }
    %while3A_98 = arith.constant 1 : i32
    %while3A_99:2 = scf.for %while3A_342 = %while3A_95 to %while3A_91 step %while3A_98 iter_args(%while3A_343 = %while3A_97#0, %while3A_344 = %while3A_97#1) -> (vector<512x1xf32>, vector<512x1xi32>)  : i32 {
      %mul3A_345 = arith.constant 512 : i32
      %mul3A_346 = arith.muli %while3A_342, %mul3A_345 : i32
      %multiple_of3A = tpu.assume_multiple %mul3A_346, 512 : i32
      %mul3A_347 = arith.constant 512 : i32
      %mul3A_348 = arith.muli %while3A_342, %mul3A_347 : i32
      %add3A = arith.addi %get3A_0, %mul3A_348 : i32
      %add3A_349 = vector.broadcast %add3A : i32 to vector<1x512xi32>
      %add3A_350 = arith.addi %iota3A, %add3A_349 : vector<1x512xi32>
      %get3A_351 = arith.constant 0 : index
      %get3A_352 = arith.index_cast %multiple_of3A : i32 to index
      %get3A_353 = vector.load %arg8[%get3A_351, %get3A_352] : memref<512x10240xf32, #tpu.memory_space<vmem>>, vector<512x512xf32>
      %eq3A = vector.broadcast %add3A_350 : vector<1x512xi32> to vector<512x512xi32>
      %eq3A_354 = vector.broadcast %while3A_83#1 : vector<512x1xi32> to vector<512x512xi32>
      %eq3A_355 = arith.cmpi eq, %eq3A, %eq3A_354 : vector<512x512xi32>
      %broadcast_in_dim3A_356 = vector.broadcast %while3A_88 : f32 to vector<512x512xf32>
      %select_n3A = arith.select %eq3A_355, %broadcast_in_dim3A_356, %get3A_353 : vector<512x512xi1>, vector<512x512xf32>
      %swap3A_357 = arith.constant 0 : index
      %swap3A_358 = arith.index_cast %multiple_of3A : i32 to index
      %swap3A_359 = vector.load %arg8[%swap3A_357, %swap3A_358] : memref<512x10240xf32, #tpu.memory_space<vmem>>, vector<512x512xf32>
      tpu.vector_store %arg8[%swap3A_357, %swap3A_358], %select_n3A {strides = array<i32>} : memref<512x10240xf32, #tpu.memory_space<vmem>>, vector<512x512xf32>,
      %reduce_min3A = arith.constant dense<0x7F800000> : vector<512xf32>
      %reduce_min3A_360 = vector.multi_reduction <minimumf>, %select_n3A, %reduce_min3A [1] : vector<512x512xf32> to vector<512xf32>
      %broadcast_in_dim3A_361 = vector.shape_cast %reduce_min3A_360 : vector<512xf32> to vector<512x1xf32>
      %eq3A_362 = vector.broadcast %broadcast_in_dim3A_361 : vector<512x1xf32> to vector<512x512xf32>
      %eq3A_363 = arith.cmpf oeq, %select_n3A, %eq3A_362 : vector<512x512xf32>
      %jit3A = arith.constant 10240 : i32
      %broadcast_in_dim3A_364 = vector.shape_cast %add3A_350 : vector<1x512xi32> to vector<1x512xi32>
      %broadcast_in_dim3A_365 = vector.broadcast %broadcast_in_dim3A_364 : vector<1x512xi32> to vector<512x512xi32>
      %broadcast_in_dim3A_366 = vector.broadcast %jit3A : i32 to vector<512x512xi32>
      %select_n3A_367 = arith.select %eq3A_363, %broadcast_in_dim3A_365, %broadcast_in_dim3A_366 : vector<512x512xi1>, vector<512x512xi32>
      %reduce_min3A_368 = arith.constant dense<2147483647> : vector<512xi32>
      %reduce_min3A_369 = vector.multi_reduction <minsi>, %select_n3A_367, %reduce_min3A_368 [1] : vector<512x512xi32> to vector<512xi32>
      %broadcast_in_dim3A_370 = vector.shape_cast %reduce_min3A_369 : vector<512xi32> to vector<512x1xi32>
      %lt3A = arith.cmpf olt, %broadcast_in_dim3A_361, %while3A_343 : vector<512x1xf32>
      %eq3A_371 = arith.cmpf oeq, %broadcast_in_dim3A_361, %while3A_343 : vector<512x1xf32>
      %lt3A_372 = arith.cmpi slt, %broadcast_in_dim3A_370, %while3A_344 : vector<512x1xi32>
      %and3A = arith.andi %eq3A_371, %lt3A_372 : vector<512x1xi1>
      %or3A = arith.ori %lt3A, %and3A : vector<512x1xi1>
      %select_n3A_373 = arith.select %or3A, %broadcast_in_dim3A_361, %while3A_343 : vector<512x1xi1>, vector<512x1xf32>
      %select_n3A_374 = arith.select %or3A, %broadcast_in_dim3A_370, %while3A_344 : vector<512x1xi1>, vector<512x1xi32>
      scf.yield %select_n3A_373, %select_n3A_374 : vector<512x1xf32>, vector<512x1xi32>
    }
    %broadcast_in_dim3A_100 = arith.constant 0x7F800000 : f32
    %broadcast_in_dim3A_101 = vector.broadcast %broadcast_in_dim3A_100 : f32 to vector<512x1xf32>
    %broadcast_in_dim3A_102 = arith.constant 10240 : i32
    %broadcast_in_dim3A_103 = vector.broadcast %broadcast_in_dim3A_102 : i32 to vector<512x1xi32>
    %while3A_104 = arith.constant 0x7F800000 : f32
    %while3A_105 = arith.constant 0 : i32
    %while3A_106 = arith.subi %get3A_2, %while3A_105 : i32
    %while3A_107 = arith.addi %while3A_105, %while3A_106 : i32
    %while3A_108 = arith.constant 1 : i32
    %while3A_109 = arith.divsi %while3A_106, %while3A_108 : i32
    %while3A_110 = arith.muli %while3A_109, %while3A_108 : i32
    %while3A_111 = arith.addi %while3A_105, %while3A_110 : i32
    %while3A_112 = arith.constant 1 : i32
    %while3A_113:2 = scf.for %while3A_342 = %while3A_105 to %while3A_111 step %while3A_112 iter_args(%while3A_343 = %broadcast_in_dim3A_101, %while3A_344 = %broadcast_in_dim3A_103) -> (vector<512x1xf32>, vector<512x1xi32>)  : i32 {
      %mul3A_345 = arith.constant 512 : i32
      %mul3A_346 = arith.muli %while3A_342, %mul3A_345 : i32
      %multiple_of3A = tpu.assume_multiple %mul3A_346, 512 : i32
      %mul3A_347 = arith.constant 512 : i32
      %mul3A_348 = arith.muli %while3A_342, %mul3A_347 : i32
      %add3A = arith.addi %get3A_0, %mul3A_348 : i32
      %add3A_349 = vector.broadcast %add3A : i32 to vector<1x512xi32>
      %add3A_350 = arith.addi %iota3A, %add3A_349 : vector<1x512xi32>
      %get3A_351 = arith.constant 0 : index
      %get3A_352 = arith.index_cast %multiple_of3A : i32 to index
      %get3A_353 = vector.load %arg8[%get3A_351, %get3A_352] : memref<512x10240xf32, #tpu.memory_space<vmem>>, vector<512x512xf32>
      %eq3A = vector.broadcast %add3A_350 : vector<1x512xi32> to vector<512x512xi32>
      %eq3A_354 = vector.broadcast %while3A_99#1 : vector<512x1xi32> to vector<512x512xi32>
      %eq3A_355 = arith.cmpi eq, %eq3A, %eq3A_354 : vector<512x512xi32>
      %broadcast_in_dim3A_356 = vector.broadcast %while3A_104 : f32 to vector<512x512xf32>
      %select_n3A = arith.select %eq3A_355, %broadcast_in_dim3A_356, %get3A_353 : vector<512x512xi1>, vector<512x512xf32>
      %swap3A_357 = arith.constant 0 : index
      %swap3A_358 = arith.index_cast %multiple_of3A : i32 to index
      %swap3A_359 = vector.load %arg8[%swap3A_357, %swap3A_358] : memref<512x10240xf32, #tpu.memory_space<vmem>>, vector<512x512xf32>
      tpu.vector_store %arg8[%swap3A_357, %swap3A_358], %select_n3A {strides = array<i32>} : memref<512x10240xf32, #tpu.memory_space<vmem>>, vector<512x512xf32>,
      %reduce_min3A = arith.constant dense<0x7F800000> : vector<512xf32>
      %reduce_min3A_360 = vector.multi_reduction <minimumf>, %select_n3A, %reduce_min3A [1] : vector<512x512xf32> to vector<512xf32>
      %broadcast_in_dim3A_361 = vector.shape_cast %reduce_min3A_360 : vector<512xf32> to vector<512x1xf32>
      %eq3A_362 = vector.broadcast %broadcast_in_dim3A_361 : vector<512x1xf32> to vector<512x512xf32>
      %eq3A_363 = arith.cmpf oeq, %select_n3A, %eq3A_362 : vector<512x512xf32>
      %jit3A = arith.constant 10240 : i32
      %broadcast_in_dim3A_364 = vector.shape_cast %add3A_350 : vector<1x512xi32> to vector<1x512xi32>
      %broadcast_in_dim3A_365 = vector.broadcast %broadcast_in_dim3A_364 : vector<1x512xi32> to vector<512x512xi32>
      %broadcast_in_dim3A_366 = vector.broadcast %jit3A : i32 to vector<512x512xi32>
      %select_n3A_367 = arith.select %eq3A_363, %broadcast_in_dim3A_365, %broadcast_in_dim3A_366 : vector<512x512xi1>, vector<512x512xi32>
      %reduce_min3A_368 = arith.constant dense<2147483647> : vector<512xi32>
      %reduce_min3A_369 = vector.multi_reduction <minsi>, %select_n3A_367, %reduce_min3A_368 [1] : vector<512x512xi32> to vector<512xi32>
      %broadcast_in_dim3A_370 = vector.shape_cast %reduce_min3A_369 : vector<512xi32> to vector<512x1xi32>
      %lt3A = arith.cmpf olt, %broadcast_in_dim3A_361, %while3A_343 : vector<512x1xf32>
      %eq3A_371 = arith.cmpf oeq, %broadcast_in_dim3A_361, %while3A_343 : vector<512x1xf32>
      %lt3A_372 = arith.cmpi slt, %broadcast_in_dim3A_370, %while3A_344 : vector<512x1xi32>
      %and3A = arith.andi %eq3A_371, %lt3A_372 : vector<512x1xi1>
      %or3A = arith.ori %lt3A, %and3A : vector<512x1xi1>
      %select_n3A_373 = arith.select %or3A, %broadcast_in_dim3A_361, %while3A_343 : vector<512x1xi1>, vector<512x1xf32>
      %select_n3A_374 = arith.select %or3A, %broadcast_in_dim3A_370, %while3A_344 : vector<512x1xi1>, vector<512x1xi32>
      scf.yield %select_n3A_373, %select_n3A_374 : vector<512x1xf32>, vector<512x1xi32>
    }
    %while3A_114 = arith.constant 1 : i32
    %while3A_115:2 = scf.for %while3A_342 = %while3A_111 to %while3A_107 step %while3A_114 iter_args(%while3A_343 = %while3A_113#0, %while3A_344 = %while3A_113#1) -> (vector<512x1xf32>, vector<512x1xi32>)  : i32 {
      %mul3A_345 = arith.constant 512 : i32
      %mul3A_346 = arith.muli %while3A_342, %mul3A_345 : i32
      %multiple_of3A = tpu.assume_multiple %mul3A_346, 512 : i32
      %mul3A_347 = arith.constant 512 : i32
      %mul3A_348 = arith.muli %while3A_342, %mul3A_347 : i32
      %add3A = arith.addi %get3A_0, %mul3A_348 : i32
      %add3A_349 = vector.broadcast %add3A : i32 to vector<1x512xi32>
      %add3A_350 = arith.addi %iota3A, %add3A_349 : vector<1x512xi32>
      %get3A_351 = arith.constant 0 : index
      %get3A_352 = arith.index_cast %multiple_of3A : i32 to index
      %get3A_353 = vector.load %arg8[%get3A_351, %get3A_352] : memref<512x10240xf32, #tpu.memory_space<vmem>>, vector<512x512xf32>
      %eq3A = vector.broadcast %add3A_350 : vector<1x512xi32> to vector<512x512xi32>
      %eq3A_354 = vector.broadcast %while3A_99#1 : vector<512x1xi32> to vector<512x512xi32>
      %eq3A_355 = arith.cmpi eq, %eq3A, %eq3A_354 : vector<512x512xi32>
      %broadcast_in_dim3A_356 = vector.broadcast %while3A_104 : f32 to vector<512x512xf32>
      %select_n3A = arith.select %eq3A_355, %broadcast_in_dim3A_356, %get3A_353 : vector<512x512xi1>, vector<512x512xf32>
      %swap3A_357 = arith.constant 0 : index
      %swap3A_358 = arith.index_cast %multiple_of3A : i32 to index
      %swap3A_359 = vector.load %arg8[%swap3A_357, %swap3A_358] : memref<512x10240xf32, #tpu.memory_space<vmem>>, vector<512x512xf32>
      tpu.vector_store %arg8[%swap3A_357, %swap3A_358], %select_n3A {strides = array<i32>} : memref<512x10240xf32, #tpu.memory_space<vmem>>, vector<512x512xf32>,
      %reduce_min3A = arith.constant dense<0x7F800000> : vector<512xf32>
      %reduce_min3A_360 = vector.multi_reduction <minimumf>, %select_n3A, %reduce_min3A [1] : vector<512x512xf32> to vector<512xf32>
      %broadcast_in_dim3A_361 = vector.shape_cast %reduce_min3A_360 : vector<512xf32> to vector<512x1xf32>
      %eq3A_362 = vector.broadcast %broadcast_in_dim3A_361 : vector<512x1xf32> to vector<512x512xf32>
      %eq3A_363 = arith.cmpf oeq, %select_n3A, %eq3A_362 : vector<512x512xf32>
      %jit3A = arith.constant 10240 : i32
      %broadcast_in_dim3A_364 = vector.shape_cast %add3A_350 : vector<1x512xi32> to vector<1x512xi32>
      %broadcast_in_dim3A_365 = vector.broadcast %broadcast_in_dim3A_364 : vector<1x512xi32> to vector<512x512xi32>
      %broadcast_in_dim3A_366 = vector.broadcast %jit3A : i32 to vector<512x512xi32>
      %select_n3A_367 = arith.select %eq3A_363, %broadcast_in_dim3A_365, %broadcast_in_dim3A_366 : vector<512x512xi1>, vector<512x512xi32>
      %reduce_min3A_368 = arith.constant dense<2147483647> : vector<512xi32>
      %reduce_min3A_369 = vector.multi_reduction <minsi>, %select_n3A_367, %reduce_min3A_368 [1] : vector<512x512xi32> to vector<512xi32>
      %broadcast_in_dim3A_370 = vector.shape_cast %reduce_min3A_369 : vector<512xi32> to vector<512x1xi32>
      %lt3A = arith.cmpf olt, %broadcast_in_dim3A_361, %while3A_343 : vector<512x1xf32>
      %eq3A_371 = arith.cmpf oeq, %broadcast_in_dim3A_361, %while3A_343 : vector<512x1xf32>
      %lt3A_372 = arith.cmpi slt, %broadcast_in_dim3A_370, %while3A_344 : vector<512x1xi32>
      %and3A = arith.andi %eq3A_371, %lt3A_372 : vector<512x1xi1>
      %or3A = arith.ori %lt3A, %and3A : vector<512x1xi1>
      %select_n3A_373 = arith.select %or3A, %broadcast_in_dim3A_361, %while3A_343 : vector<512x1xi1>, vector<512x1xf32>
      %select_n3A_374 = arith.select %or3A, %broadcast_in_dim3A_370, %while3A_344 : vector<512x1xi1>, vector<512x1xi32>
      scf.yield %select_n3A_373, %select_n3A_374 : vector<512x1xf32>, vector<512x1xi32>
    }
    %broadcast_in_dim3A_116 = arith.constant 0x7F800000 : f32
    %broadcast_in_dim3A_117 = vector.broadcast %broadcast_in_dim3A_116 : f32 to vector<512x1xf32>
    %broadcast_in_dim3A_118 = arith.constant 10240 : i32
    %broadcast_in_dim3A_119 = vector.broadcast %broadcast_in_dim3A_118 : i32 to vector<512x1xi32>
    %while3A_120 = arith.constant 0x7F800000 : f32
    %while3A_121 = arith.constant 0 : i32
    %while3A_122 = arith.subi %get3A_2, %while3A_121 : i32
    %while3A_123 = arith.addi %while3A_121, %while3A_122 : i32
    %while3A_124 = arith.constant 1 : i32
    %while3A_125 = arith.divsi %while3A_122, %while3A_124 : i32
    %while3A_126 = arith.muli %while3A_125, %while3A_124 : i32
    %while3A_127 = arith.addi %while3A_121, %while3A_126 : i32
    %while3A_128 = arith.constant 1 : i32
    %while3A_129:2 = scf.for %while3A_342 = %while3A_121 to %while3A_127 step %while3A_128 iter_args(%while3A_343 = %broadcast_in_dim3A_117, %while3A_344 = %broadcast_in_dim3A_119) -> (vector<512x1xf32>, vector<512x1xi32>)  : i32 {
      %mul3A_345 = arith.constant 512 : i32
      %mul3A_346 = arith.muli %while3A_342, %mul3A_345 : i32
      %multiple_of3A = tpu.assume_multiple %mul3A_346, 512 : i32
      %mul3A_347 = arith.constant 512 : i32
      %mul3A_348 = arith.muli %while3A_342, %mul3A_347 : i32
      %add3A = arith.addi %get3A_0, %mul3A_348 : i32
      %add3A_349 = vector.broadcast %add3A : i32 to vector<1x512xi32>
      %add3A_350 = arith.addi %iota3A, %add3A_349 : vector<1x512xi32>
      %get3A_351 = arith.constant 0 : index
      %get3A_352 = arith.index_cast %multiple_of3A : i32 to index
      %get3A_353 = vector.load %arg8[%get3A_351, %get3A_352] : memref<512x10240xf32, #tpu.memory_space<vmem>>, vector<512x512xf32>
      %eq3A = vector.broadcast %add3A_350 : vector<1x512xi32> to vector<512x512xi32>
      %eq3A_354 = vector.broadcast %while3A_115#1 : vector<512x1xi32> to vector<512x512xi32>
      %eq3A_355 = arith.cmpi eq, %eq3A, %eq3A_354 : vector<512x512xi32>
      %broadcast_in_dim3A_356 = vector.broadcast %while3A_120 : f32 to vector<512x512xf32>
      %select_n3A = arith.select %eq3A_355, %broadcast_in_dim3A_356, %get3A_353 : vector<512x512xi1>, vector<512x512xf32>
      %swap3A_357 = arith.constant 0 : index
      %swap3A_358 = arith.index_cast %multiple_of3A : i32 to index
      %swap3A_359 = vector.load %arg8[%swap3A_357, %swap3A_358] : memref<512x10240xf32, #tpu.memory_space<vmem>>, vector<512x512xf32>
      tpu.vector_store %arg8[%swap3A_357, %swap3A_358], %select_n3A {strides = array<i32>} : memref<512x10240xf32, #tpu.memory_space<vmem>>, vector<512x512xf32>,
      %reduce_min3A = arith.constant dense<0x7F800000> : vector<512xf32>
      %reduce_min3A_360 = vector.multi_reduction <minimumf>, %select_n3A, %reduce_min3A [1] : vector<512x512xf32> to vector<512xf32>
      %broadcast_in_dim3A_361 = vector.shape_cast %reduce_min3A_360 : vector<512xf32> to vector<512x1xf32>
      %eq3A_362 = vector.broadcast %broadcast_in_dim3A_361 : vector<512x1xf32> to vector<512x512xf32>
      %eq3A_363 = arith.cmpf oeq, %select_n3A, %eq3A_362 : vector<512x512xf32>
      %jit3A = arith.constant 10240 : i32
      %broadcast_in_dim3A_364 = vector.shape_cast %add3A_350 : vector<1x512xi32> to vector<1x512xi32>
      %broadcast_in_dim3A_365 = vector.broadcast %broadcast_in_dim3A_364 : vector<1x512xi32> to vector<512x512xi32>
      %broadcast_in_dim3A_366 = vector.broadcast %jit3A : i32 to vector<512x512xi32>
      %select_n3A_367 = arith.select %eq3A_363, %broadcast_in_dim3A_365, %broadcast_in_dim3A_366 : vector<512x512xi1>, vector<512x512xi32>
      %reduce_min3A_368 = arith.constant dense<2147483647> : vector<512xi32>
      %reduce_min3A_369 = vector.multi_reduction <minsi>, %select_n3A_367, %reduce_min3A_368 [1] : vector<512x512xi32> to vector<512xi32>
      %broadcast_in_dim3A_370 = vector.shape_cast %reduce_min3A_369 : vector<512xi32> to vector<512x1xi32>
      %lt3A = arith.cmpf olt, %broadcast_in_dim3A_361, %while3A_343 : vector<512x1xf32>
      %eq3A_371 = arith.cmpf oeq, %broadcast_in_dim3A_361, %while3A_343 : vector<512x1xf32>
      %lt3A_372 = arith.cmpi slt, %broadcast_in_dim3A_370, %while3A_344 : vector<512x1xi32>
      %and3A = arith.andi %eq3A_371, %lt3A_372 : vector<512x1xi1>
      %or3A = arith.ori %lt3A, %and3A : vector<512x1xi1>
      %select_n3A_373 = arith.select %or3A, %broadcast_in_dim3A_361, %while3A_343 : vector<512x1xi1>, vector<512x1xf32>
      %select_n3A_374 = arith.select %or3A, %broadcast_in_dim3A_370, %while3A_344 : vector<512x1xi1>, vector<512x1xi32>
      scf.yield %select_n3A_373, %select_n3A_374 : vector<512x1xf32>, vector<512x1xi32>
    }
    %while3A_130 = arith.constant 1 : i32
    %while3A_131:2 = scf.for %while3A_342 = %while3A_127 to %while3A_123 step %while3A_130 iter_args(%while3A_343 = %while3A_129#0, %while3A_344 = %while3A_129#1) -> (vector<512x1xf32>, vector<512x1xi32>)  : i32 {
      %mul3A_345 = arith.constant 512 : i32
      %mul3A_346 = arith.muli %while3A_342, %mul3A_345 : i32
      %multiple_of3A = tpu.assume_multiple %mul3A_346, 512 : i32
      %mul3A_347 = arith.constant 512 : i32
      %mul3A_348 = arith.muli %while3A_342, %mul3A_347 : i32
      %add3A = arith.addi %get3A_0, %mul3A_348 : i32
      %add3A_349 = vector.broadcast %add3A : i32 to vector<1x512xi32>
      %add3A_350 = arith.addi %iota3A, %add3A_349 : vector<1x512xi32>
      %get3A_351 = arith.constant 0 : index
      %get3A_352 = arith.index_cast %multiple_of3A : i32 to index
      %get3A_353 = vector.load %arg8[%get3A_351, %get3A_352] : memref<512x10240xf32, #tpu.memory_space<vmem>>, vector<512x512xf32>
      %eq3A = vector.broadcast %add3A_350 : vector<1x512xi32> to vector<512x512xi32>
      %eq3A_354 = vector.broadcast %while3A_115#1 : vector<512x1xi32> to vector<512x512xi32>
      %eq3A_355 = arith.cmpi eq, %eq3A, %eq3A_354 : vector<512x512xi32>
      %broadcast_in_dim3A_356 = vector.broadcast %while3A_120 : f32 to vector<512x512xf32>
      %select_n3A = arith.select %eq3A_355, %broadcast_in_dim3A_356, %get3A_353 : vector<512x512xi1>, vector<512x512xf32>
      %swap3A_357 = arith.constant 0 : index
      %swap3A_358 = arith.index_cast %multiple_of3A : i32 to index
      %swap3A_359 = vector.load %arg8[%swap3A_357, %swap3A_358] : memref<512x10240xf32, #tpu.memory_space<vmem>>, vector<512x512xf32>
      tpu.vector_store %arg8[%swap3A_357, %swap3A_358], %select_n3A {strides = array<i32>} : memref<512x10240xf32, #tpu.memory_space<vmem>>, vector<512x512xf32>,
      %reduce_min3A = arith.constant dense<0x7F800000> : vector<512xf32>
      %reduce_min3A_360 = vector.multi_reduction <minimumf>, %select_n3A, %reduce_min3A [1] : vector<512x512xf32> to vector<512xf32>
      %broadcast_in_dim3A_361 = vector.shape_cast %reduce_min3A_360 : vector<512xf32> to vector<512x1xf32>
      %eq3A_362 = vector.broadcast %broadcast_in_dim3A_361 : vector<512x1xf32> to vector<512x512xf32>
      %eq3A_363 = arith.cmpf oeq, %select_n3A, %eq3A_362 : vector<512x512xf32>
      %jit3A = arith.constant 10240 : i32
      %broadcast_in_dim3A_364 = vector.shape_cast %add3A_350 : vector<1x512xi32> to vector<1x512xi32>
      %broadcast_in_dim3A_365 = vector.broadcast %broadcast_in_dim3A_364 : vector<1x512xi32> to vector<512x512xi32>
      %broadcast_in_dim3A_366 = vector.broadcast %jit3A : i32 to vector<512x512xi32>
      %select_n3A_367 = arith.select %eq3A_363, %broadcast_in_dim3A_365, %broadcast_in_dim3A_366 : vector<512x512xi1>, vector<512x512xi32>
      %reduce_min3A_368 = arith.constant dense<2147483647> : vector<512xi32>
      %reduce_min3A_369 = vector.multi_reduction <minsi>, %select_n3A_367, %reduce_min3A_368 [1] : vector<512x512xi32> to vector<512xi32>
      %broadcast_in_dim3A_370 = vector.shape_cast %reduce_min3A_369 : vector<512xi32> to vector<512x1xi32>
      %lt3A = arith.cmpf olt, %broadcast_in_dim3A_361, %while3A_343 : vector<512x1xf32>
      %eq3A_371 = arith.cmpf oeq, %broadcast_in_dim3A_361, %while3A_343 : vector<512x1xf32>
      %lt3A_372 = arith.cmpi slt, %broadcast_in_dim3A_370, %while3A_344 : vector<512x1xi32>
      %and3A = arith.andi %eq3A_371, %lt3A_372 : vector<512x1xi1>
      %or3A = arith.ori %lt3A, %and3A : vector<512x1xi1>
      %select_n3A_373 = arith.select %or3A, %broadcast_in_dim3A_361, %while3A_343 : vector<512x1xi1>, vector<512x1xf32>
      %select_n3A_374 = arith.select %or3A, %broadcast_in_dim3A_370, %while3A_344 : vector<512x1xi1>, vector<512x1xi32>
      scf.yield %select_n3A_373, %select_n3A_374 : vector<512x1xf32>, vector<512x1xi32>
    }
    %broadcast_in_dim3A_132 = arith.constant 0x7F800000 : f32
    %broadcast_in_dim3A_133 = vector.broadcast %broadcast_in_dim3A_132 : f32 to vector<512x1xf32>
    %broadcast_in_dim3A_134 = arith.constant 10240 : i32
    %broadcast_in_dim3A_135 = vector.broadcast %broadcast_in_dim3A_134 : i32 to vector<512x1xi32>
    %while3A_136 = arith.constant 0x7F800000 : f32
    %while3A_137 = arith.constant 0 : i32
    %while3A_138 = arith.subi %get3A_2, %while3A_137 : i32
    %while3A_139 = arith.addi %while3A_137, %while3A_138 : i32
    %while3A_140 = arith.constant 1 : i32
    %while3A_141 = arith.divsi %while3A_138, %while3A_140 : i32
    %while3A_142 = arith.muli %while3A_141, %while3A_140 : i32
    %while3A_143 = arith.addi %while3A_137, %while3A_142 : i32
    %while3A_144 = arith.constant 1 : i32
    %while3A_145:2 = scf.for %while3A_342 = %while3A_137 to %while3A_143 step %while3A_144 iter_args(%while3A_343 = %broadcast_in_dim3A_133, %while3A_344 = %broadcast_in_dim3A_135) -> (vector<512x1xf32>, vector<512x1xi32>)  : i32 {
      %mul3A_345 = arith.constant 512 : i32
      %mul3A_346 = arith.muli %while3A_342, %mul3A_345 : i32
      %multiple_of3A = tpu.assume_multiple %mul3A_346, 512 : i32
      %mul3A_347 = arith.constant 512 : i32
      %mul3A_348 = arith.muli %while3A_342, %mul3A_347 : i32
      %add3A = arith.addi %get3A_0, %mul3A_348 : i32
      %add3A_349 = vector.broadcast %add3A : i32 to vector<1x512xi32>
      %add3A_350 = arith.addi %iota3A, %add3A_349 : vector<1x512xi32>
      %get3A_351 = arith.constant 0 : index
      %get3A_352 = arith.index_cast %multiple_of3A : i32 to index
      %get3A_353 = vector.load %arg8[%get3A_351, %get3A_352] : memref<512x10240xf32, #tpu.memory_space<vmem>>, vector<512x512xf32>
      %eq3A = vector.broadcast %add3A_350 : vector<1x512xi32> to vector<512x512xi32>
      %eq3A_354 = vector.broadcast %while3A_131#1 : vector<512x1xi32> to vector<512x512xi32>
      %eq3A_355 = arith.cmpi eq, %eq3A, %eq3A_354 : vector<512x512xi32>
      %broadcast_in_dim3A_356 = vector.broadcast %while3A_136 : f32 to vector<512x512xf32>
      %select_n3A = arith.select %eq3A_355, %broadcast_in_dim3A_356, %get3A_353 : vector<512x512xi1>, vector<512x512xf32>
      %swap3A_357 = arith.constant 0 : index
      %swap3A_358 = arith.index_cast %multiple_of3A : i32 to index
      %swap3A_359 = vector.load %arg8[%swap3A_357, %swap3A_358] : memref<512x10240xf32, #tpu.memory_space<vmem>>, vector<512x512xf32>
      tpu.vector_store %arg8[%swap3A_357, %swap3A_358], %select_n3A {strides = array<i32>} : memref<512x10240xf32, #tpu.memory_space<vmem>>, vector<512x512xf32>,
      %reduce_min3A = arith.constant dense<0x7F800000> : vector<512xf32>
      %reduce_min3A_360 = vector.multi_reduction <minimumf>, %select_n3A, %reduce_min3A [1] : vector<512x512xf32> to vector<512xf32>
      %broadcast_in_dim3A_361 = vector.shape_cast %reduce_min3A_360 : vector<512xf32> to vector<512x1xf32>
      %eq3A_362 = vector.broadcast %broadcast_in_dim3A_361 : vector<512x1xf32> to vector<512x512xf32>
      %eq3A_363 = arith.cmpf oeq, %select_n3A, %eq3A_362 : vector<512x512xf32>
      %jit3A = arith.constant 10240 : i32
      %broadcast_in_dim3A_364 = vector.shape_cast %add3A_350 : vector<1x512xi32> to vector<1x512xi32>
      %broadcast_in_dim3A_365 = vector.broadcast %broadcast_in_dim3A_364 : vector<1x512xi32> to vector<512x512xi32>
      %broadcast_in_dim3A_366 = vector.broadcast %jit3A : i32 to vector<512x512xi32>
      %select_n3A_367 = arith.select %eq3A_363, %broadcast_in_dim3A_365, %broadcast_in_dim3A_366 : vector<512x512xi1>, vector<512x512xi32>
      %reduce_min3A_368 = arith.constant dense<2147483647> : vector<512xi32>
      %reduce_min3A_369 = vector.multi_reduction <minsi>, %select_n3A_367, %reduce_min3A_368 [1] : vector<512x512xi32> to vector<512xi32>
      %broadcast_in_dim3A_370 = vector.shape_cast %reduce_min3A_369 : vector<512xi32> to vector<512x1xi32>
      %lt3A = arith.cmpf olt, %broadcast_in_dim3A_361, %while3A_343 : vector<512x1xf32>
      %eq3A_371 = arith.cmpf oeq, %broadcast_in_dim3A_361, %while3A_343 : vector<512x1xf32>
      %lt3A_372 = arith.cmpi slt, %broadcast_in_dim3A_370, %while3A_344 : vector<512x1xi32>
      %and3A = arith.andi %eq3A_371, %lt3A_372 : vector<512x1xi1>
      %or3A = arith.ori %lt3A, %and3A : vector<512x1xi1>
      %select_n3A_373 = arith.select %or3A, %broadcast_in_dim3A_361, %while3A_343 : vector<512x1xi1>, vector<512x1xf32>
      %select_n3A_374 = arith.select %or3A, %broadcast_in_dim3A_370, %while3A_344 : vector<512x1xi1>, vector<512x1xi32>
      scf.yield %select_n3A_373, %select_n3A_374 : vector<512x1xf32>, vector<512x1xi32>
    }
    %while3A_146 = arith.constant 1 : i32
    %while3A_147:2 = scf.for %while3A_342 = %while3A_143 to %while3A_139 step %while3A_146 iter_args(%while3A_343 = %while3A_145#0, %while3A_344 = %while3A_145#1) -> (vector<512x1xf32>, vector<512x1xi32>)  : i32 {
      %mul3A_345 = arith.constant 512 : i32
      %mul3A_346 = arith.muli %while3A_342, %mul3A_345 : i32
      %multiple_of3A = tpu.assume_multiple %mul3A_346, 512 : i32
      %mul3A_347 = arith.constant 512 : i32
      %mul3A_348 = arith.muli %while3A_342, %mul3A_347 : i32
      %add3A = arith.addi %get3A_0, %mul3A_348 : i32
      %add3A_349 = vector.broadcast %add3A : i32 to vector<1x512xi32>
      %add3A_350 = arith.addi %iota3A, %add3A_349 : vector<1x512xi32>
      %get3A_351 = arith.constant 0 : index
      %get3A_352 = arith.index_cast %multiple_of3A : i32 to index
      %get3A_353 = vector.load %arg8[%get3A_351, %get3A_352] : memref<512x10240xf32, #tpu.memory_space<vmem>>, vector<512x512xf32>
      %eq3A = vector.broadcast %add3A_350 : vector<1x512xi32> to vector<512x512xi32>
      %eq3A_354 = vector.broadcast %while3A_131#1 : vector<512x1xi32> to vector<512x512xi32>
      %eq3A_355 = arith.cmpi eq, %eq3A, %eq3A_354 : vector<512x512xi32>
      %broadcast_in_dim3A_356 = vector.broadcast %while3A_136 : f32 to vector<512x512xf32>
      %select_n3A = arith.select %eq3A_355, %broadcast_in_dim3A_356, %get3A_353 : vector<512x512xi1>, vector<512x512xf32>
      %swap3A_357 = arith.constant 0 : index
      %swap3A_358 = arith.index_cast %multiple_of3A : i32 to index
      %swap3A_359 = vector.load %arg8[%swap3A_357, %swap3A_358] : memref<512x10240xf32, #tpu.memory_space<vmem>>, vector<512x512xf32>
      tpu.vector_store %arg8[%swap3A_357, %swap3A_358], %select_n3A {strides = array<i32>} : memref<512x10240xf32, #tpu.memory_space<vmem>>, vector<512x512xf32>,
      %reduce_min3A = arith.constant dense<0x7F800000> : vector<512xf32>
      %reduce_min3A_360 = vector.multi_reduction <minimumf>, %select_n3A, %reduce_min3A [1] : vector<512x512xf32> to vector<512xf32>
      %broadcast_in_dim3A_361 = vector.shape_cast %reduce_min3A_360 : vector<512xf32> to vector<512x1xf32>
      %eq3A_362 = vector.broadcast %broadcast_in_dim3A_361 : vector<512x1xf32> to vector<512x512xf32>
      %eq3A_363 = arith.cmpf oeq, %select_n3A, %eq3A_362 : vector<512x512xf32>
      %jit3A = arith.constant 10240 : i32
      %broadcast_in_dim3A_364 = vector.shape_cast %add3A_350 : vector<1x512xi32> to vector<1x512xi32>
      %broadcast_in_dim3A_365 = vector.broadcast %broadcast_in_dim3A_364 : vector<1x512xi32> to vector<512x512xi32>
      %broadcast_in_dim3A_366 = vector.broadcast %jit3A : i32 to vector<512x512xi32>
      %select_n3A_367 = arith.select %eq3A_363, %broadcast_in_dim3A_365, %broadcast_in_dim3A_366 : vector<512x512xi1>, vector<512x512xi32>
      %reduce_min3A_368 = arith.constant dense<2147483647> : vector<512xi32>
      %reduce_min3A_369 = vector.multi_reduction <minsi>, %select_n3A_367, %reduce_min3A_368 [1] : vector<512x512xi32> to vector<512xi32>
      %broadcast_in_dim3A_370 = vector.shape_cast %reduce_min3A_369 : vector<512xi32> to vector<512x1xi32>
      %lt3A = arith.cmpf olt, %broadcast_in_dim3A_361, %while3A_343 : vector<512x1xf32>
      %eq3A_371 = arith.cmpf oeq, %broadcast_in_dim3A_361, %while3A_343 : vector<512x1xf32>
      %lt3A_372 = arith.cmpi slt, %broadcast_in_dim3A_370, %while3A_344 : vector<512x1xi32>
      %and3A = arith.andi %eq3A_371, %lt3A_372 : vector<512x1xi1>
      %or3A = arith.ori %lt3A, %and3A : vector<512x1xi1>
      %select_n3A_373 = arith.select %or3A, %broadcast_in_dim3A_361, %while3A_343 : vector<512x1xi1>, vector<512x1xf32>
      %select_n3A_374 = arith.select %or3A, %broadcast_in_dim3A_370, %while3A_344 : vector<512x1xi1>, vector<512x1xi32>
      scf.yield %select_n3A_373, %select_n3A_374 : vector<512x1xf32>, vector<512x1xi32>
    }
    %broadcast_in_dim3A_148 = arith.constant 0x7F800000 : f32
    %broadcast_in_dim3A_149 = vector.broadcast %broadcast_in_dim3A_148 : f32 to vector<512x1xf32>
    %broadcast_in_dim3A_150 = arith.constant 10240 : i32
    %broadcast_in_dim3A_151 = vector.broadcast %broadcast_in_dim3A_150 : i32 to vector<512x1xi32>
    %while3A_152 = arith.constant 0x7F800000 : f32
    %while3A_153 = arith.constant 0 : i32
    %while3A_154 = arith.subi %get3A_2, %while3A_153 : i32
    %while3A_155 = arith.addi %while3A_153, %while3A_154 : i32
    %while3A_156 = arith.constant 1 : i32
    %while3A_157 = arith.divsi %while3A_154, %while3A_156 : i32
    %while3A_158 = arith.muli %while3A_157, %while3A_156 : i32
    %while3A_159 = arith.addi %while3A_153, %while3A_158 : i32
    %while3A_160 = arith.constant 1 : i32
    %while3A_161:2 = scf.for %while3A_342 = %while3A_153 to %while3A_159 step %while3A_160 iter_args(%while3A_343 = %broadcast_in_dim3A_149, %while3A_344 = %broadcast_in_dim3A_151) -> (vector<512x1xf32>, vector<512x1xi32>)  : i32 {
      %mul3A_345 = arith.constant 512 : i32
      %mul3A_346 = arith.muli %while3A_342, %mul3A_345 : i32
      %multiple_of3A = tpu.assume_multiple %mul3A_346, 512 : i32
      %mul3A_347 = arith.constant 512 : i32
      %mul3A_348 = arith.muli %while3A_342, %mul3A_347 : i32
      %add3A = arith.addi %get3A_0, %mul3A_348 : i32
      %add3A_349 = vector.broadcast %add3A : i32 to vector<1x512xi32>
      %add3A_350 = arith.addi %iota3A, %add3A_349 : vector<1x512xi32>
      %get3A_351 = arith.constant 0 : index
      %get3A_352 = arith.index_cast %multiple_of3A : i32 to index
      %get3A_353 = vector.load %arg8[%get3A_351, %get3A_352] : memref<512x10240xf32, #tpu.memory_space<vmem>>, vector<512x512xf32>
      %eq3A = vector.broadcast %add3A_350 : vector<1x512xi32> to vector<512x512xi32>
      %eq3A_354 = vector.broadcast %while3A_147#1 : vector<512x1xi32> to vector<512x512xi32>
      %eq3A_355 = arith.cmpi eq, %eq3A, %eq3A_354 : vector<512x512xi32>
      %broadcast_in_dim3A_356 = vector.broadcast %while3A_152 : f32 to vector<512x512xf32>
      %select_n3A = arith.select %eq3A_355, %broadcast_in_dim3A_356, %get3A_353 : vector<512x512xi1>, vector<512x512xf32>
      %swap3A_357 = arith.constant 0 : index
      %swap3A_358 = arith.index_cast %multiple_of3A : i32 to index
      %swap3A_359 = vector.load %arg8[%swap3A_357, %swap3A_358] : memref<512x10240xf32, #tpu.memory_space<vmem>>, vector<512x512xf32>
      tpu.vector_store %arg8[%swap3A_357, %swap3A_358], %select_n3A {strides = array<i32>} : memref<512x10240xf32, #tpu.memory_space<vmem>>, vector<512x512xf32>,
      %reduce_min3A = arith.constant dense<0x7F800000> : vector<512xf32>
      %reduce_min3A_360 = vector.multi_reduction <minimumf>, %select_n3A, %reduce_min3A [1] : vector<512x512xf32> to vector<512xf32>
      %broadcast_in_dim3A_361 = vector.shape_cast %reduce_min3A_360 : vector<512xf32> to vector<512x1xf32>
      %eq3A_362 = vector.broadcast %broadcast_in_dim3A_361 : vector<512x1xf32> to vector<512x512xf32>
      %eq3A_363 = arith.cmpf oeq, %select_n3A, %eq3A_362 : vector<512x512xf32>
      %jit3A = arith.constant 10240 : i32
      %broadcast_in_dim3A_364 = vector.shape_cast %add3A_350 : vector<1x512xi32> to vector<1x512xi32>
      %broadcast_in_dim3A_365 = vector.broadcast %broadcast_in_dim3A_364 : vector<1x512xi32> to vector<512x512xi32>
      %broadcast_in_dim3A_366 = vector.broadcast %jit3A : i32 to vector<512x512xi32>
      %select_n3A_367 = arith.select %eq3A_363, %broadcast_in_dim3A_365, %broadcast_in_dim3A_366 : vector<512x512xi1>, vector<512x512xi32>
      %reduce_min3A_368 = arith.constant dense<2147483647> : vector<512xi32>
      %reduce_min3A_369 = vector.multi_reduction <minsi>, %select_n3A_367, %reduce_min3A_368 [1] : vector<512x512xi32> to vector<512xi32>
      %broadcast_in_dim3A_370 = vector.shape_cast %reduce_min3A_369 : vector<512xi32> to vector<512x1xi32>
      %lt3A = arith.cmpf olt, %broadcast_in_dim3A_361, %while3A_343 : vector<512x1xf32>
      %eq3A_371 = arith.cmpf oeq, %broadcast_in_dim3A_361, %while3A_343 : vector<512x1xf32>
      %lt3A_372 = arith.cmpi slt, %broadcast_in_dim3A_370, %while3A_344 : vector<512x1xi32>
      %and3A = arith.andi %eq3A_371, %lt3A_372 : vector<512x1xi1>
      %or3A = arith.ori %lt3A, %and3A : vector<512x1xi1>
      %select_n3A_373 = arith.select %or3A, %broadcast_in_dim3A_361, %while3A_343 : vector<512x1xi1>, vector<512x1xf32>
      %select_n3A_374 = arith.select %or3A, %broadcast_in_dim3A_370, %while3A_344 : vector<512x1xi1>, vector<512x1xi32>
      scf.yield %select_n3A_373, %select_n3A_374 : vector<512x1xf32>, vector<512x1xi32>
    }
    %while3A_162 = arith.constant 1 : i32
    %while3A_163:2 = scf.for %while3A_342 = %while3A_159 to %while3A_155 step %while3A_162 iter_args(%while3A_343 = %while3A_161#0, %while3A_344 = %while3A_161#1) -> (vector<512x1xf32>, vector<512x1xi32>)  : i32 {
      %mul3A_345 = arith.constant 512 : i32
      %mul3A_346 = arith.muli %while3A_342, %mul3A_345 : i32
      %multiple_of3A = tpu.assume_multiple %mul3A_346, 512 : i32
      %mul3A_347 = arith.constant 512 : i32
      %mul3A_348 = arith.muli %while3A_342, %mul3A_347 : i32
      %add3A = arith.addi %get3A_0, %mul3A_348 : i32
      %add3A_349 = vector.broadcast %add3A : i32 to vector<1x512xi32>
      %add3A_350 = arith.addi %iota3A, %add3A_349 : vector<1x512xi32>
      %get3A_351 = arith.constant 0 : index
      %get3A_352 = arith.index_cast %multiple_of3A : i32 to index
      %get3A_353 = vector.load %arg8[%get3A_351, %get3A_352] : memref<512x10240xf32, #tpu.memory_space<vmem>>, vector<512x512xf32>
      %eq3A = vector.broadcast %add3A_350 : vector<1x512xi32> to vector<512x512xi32>
      %eq3A_354 = vector.broadcast %while3A_147#1 : vector<512x1xi32> to vector<512x512xi32>
      %eq3A_355 = arith.cmpi eq, %eq3A, %eq3A_354 : vector<512x512xi32>
      %broadcast_in_dim3A_356 = vector.broadcast %while3A_152 : f32 to vector<512x512xf32>
      %select_n3A = arith.select %eq3A_355, %broadcast_in_dim3A_356, %get3A_353 : vector<512x512xi1>, vector<512x512xf32>
      %swap3A_357 = arith.constant 0 : index
      %swap3A_358 = arith.index_cast %multiple_of3A : i32 to index
      %swap3A_359 = vector.load %arg8[%swap3A_357, %swap3A_358] : memref<512x10240xf32, #tpu.memory_space<vmem>>, vector<512x512xf32>
      tpu.vector_store %arg8[%swap3A_357, %swap3A_358], %select_n3A {strides = array<i32>} : memref<512x10240xf32, #tpu.memory_space<vmem>>, vector<512x512xf32>,
      %reduce_min3A = arith.constant dense<0x7F800000> : vector<512xf32>
      %reduce_min3A_360 = vector.multi_reduction <minimumf>, %select_n3A, %reduce_min3A [1] : vector<512x512xf32> to vector<512xf32>
      %broadcast_in_dim3A_361 = vector.shape_cast %reduce_min3A_360 : vector<512xf32> to vector<512x1xf32>
      %eq3A_362 = vector.broadcast %broadcast_in_dim3A_361 : vector<512x1xf32> to vector<512x512xf32>
      %eq3A_363 = arith.cmpf oeq, %select_n3A, %eq3A_362 : vector<512x512xf32>
      %jit3A = arith.constant 10240 : i32
      %broadcast_in_dim3A_364 = vector.shape_cast %add3A_350 : vector<1x512xi32> to vector<1x512xi32>
      %broadcast_in_dim3A_365 = vector.broadcast %broadcast_in_dim3A_364 : vector<1x512xi32> to vector<512x512xi32>
      %broadcast_in_dim3A_366 = vector.broadcast %jit3A : i32 to vector<512x512xi32>
      %select_n3A_367 = arith.select %eq3A_363, %broadcast_in_dim3A_365, %broadcast_in_dim3A_366 : vector<512x512xi1>, vector<512x512xi32>
      %reduce_min3A_368 = arith.constant dense<2147483647> : vector<512xi32>
      %reduce_min3A_369 = vector.multi_reduction <minsi>, %select_n3A_367, %reduce_min3A_368 [1] : vector<512x512xi32> to vector<512xi32>
      %broadcast_in_dim3A_370 = vector.shape_cast %reduce_min3A_369 : vector<512xi32> to vector<512x1xi32>
      %lt3A = arith.cmpf olt, %broadcast_in_dim3A_361, %while3A_343 : vector<512x1xf32>
      %eq3A_371 = arith.cmpf oeq, %broadcast_in_dim3A_361, %while3A_343 : vector<512x1xf32>
      %lt3A_372 = arith.cmpi slt, %broadcast_in_dim3A_370, %while3A_344 : vector<512x1xi32>
      %and3A = arith.andi %eq3A_371, %lt3A_372 : vector<512x1xi1>
      %or3A = arith.ori %lt3A, %and3A : vector<512x1xi1>
      %select_n3A_373 = arith.select %or3A, %broadcast_in_dim3A_361, %while3A_343 : vector<512x1xi1>, vector<512x1xf32>
      %select_n3A_374 = arith.select %or3A, %broadcast_in_dim3A_370, %while3A_344 : vector<512x1xi1>, vector<512x1xi32>
      scf.yield %select_n3A_373, %select_n3A_374 : vector<512x1xf32>, vector<512x1xi32>
    }
    %broadcast_in_dim3A_164 = arith.constant 0x7F800000 : f32
    %broadcast_in_dim3A_165 = vector.broadcast %broadcast_in_dim3A_164 : f32 to vector<512x1xf32>
    %broadcast_in_dim3A_166 = arith.constant 10240 : i32
    %broadcast_in_dim3A_167 = vector.broadcast %broadcast_in_dim3A_166 : i32 to vector<512x1xi32>
    %while3A_168 = arith.constant 0x7F800000 : f32
    %while3A_169 = arith.constant 0 : i32
    %while3A_170 = arith.subi %get3A_2, %while3A_169 : i32
    %while3A_171 = arith.addi %while3A_169, %while3A_170 : i32
    %while3A_172 = arith.constant 1 : i32
    %while3A_173 = arith.divsi %while3A_170, %while3A_172 : i32
    %while3A_174 = arith.muli %while3A_173, %while3A_172 : i32
    %while3A_175 = arith.addi %while3A_169, %while3A_174 : i32
    %while3A_176 = arith.constant 1 : i32
    %while3A_177:2 = scf.for %while3A_342 = %while3A_169 to %while3A_175 step %while3A_176 iter_args(%while3A_343 = %broadcast_in_dim3A_165, %while3A_344 = %broadcast_in_dim3A_167) -> (vector<512x1xf32>, vector<512x1xi32>)  : i32 {
      %mul3A_345 = arith.constant 512 : i32
      %mul3A_346 = arith.muli %while3A_342, %mul3A_345 : i32
      %multiple_of3A = tpu.assume_multiple %mul3A_346, 512 : i32
      %mul3A_347 = arith.constant 512 : i32
      %mul3A_348 = arith.muli %while3A_342, %mul3A_347 : i32
      %add3A = arith.addi %get3A_0, %mul3A_348 : i32
      %add3A_349 = vector.broadcast %add3A : i32 to vector<1x512xi32>
      %add3A_350 = arith.addi %iota3A, %add3A_349 : vector<1x512xi32>
      %get3A_351 = arith.constant 0 : index
      %get3A_352 = arith.index_cast %multiple_of3A : i32 to index
      %get3A_353 = vector.load %arg8[%get3A_351, %get3A_352] : memref<512x10240xf32, #tpu.memory_space<vmem>>, vector<512x512xf32>
      %eq3A = vector.broadcast %add3A_350 : vector<1x512xi32> to vector<512x512xi32>
      %eq3A_354 = vector.broadcast %while3A_163#1 : vector<512x1xi32> to vector<512x512xi32>
      %eq3A_355 = arith.cmpi eq, %eq3A, %eq3A_354 : vector<512x512xi32>
      %broadcast_in_dim3A_356 = vector.broadcast %while3A_168 : f32 to vector<512x512xf32>
      %select_n3A = arith.select %eq3A_355, %broadcast_in_dim3A_356, %get3A_353 : vector<512x512xi1>, vector<512x512xf32>
      %swap3A_357 = arith.constant 0 : index
      %swap3A_358 = arith.index_cast %multiple_of3A : i32 to index
      %swap3A_359 = vector.load %arg8[%swap3A_357, %swap3A_358] : memref<512x10240xf32, #tpu.memory_space<vmem>>, vector<512x512xf32>
      tpu.vector_store %arg8[%swap3A_357, %swap3A_358], %select_n3A {strides = array<i32>} : memref<512x10240xf32, #tpu.memory_space<vmem>>, vector<512x512xf32>,
      %reduce_min3A = arith.constant dense<0x7F800000> : vector<512xf32>
      %reduce_min3A_360 = vector.multi_reduction <minimumf>, %select_n3A, %reduce_min3A [1] : vector<512x512xf32> to vector<512xf32>
      %broadcast_in_dim3A_361 = vector.shape_cast %reduce_min3A_360 : vector<512xf32> to vector<512x1xf32>
      %eq3A_362 = vector.broadcast %broadcast_in_dim3A_361 : vector<512x1xf32> to vector<512x512xf32>
      %eq3A_363 = arith.cmpf oeq, %select_n3A, %eq3A_362 : vector<512x512xf32>
      %jit3A = arith.constant 10240 : i32
      %broadcast_in_dim3A_364 = vector.shape_cast %add3A_350 : vector<1x512xi32> to vector<1x512xi32>
      %broadcast_in_dim3A_365 = vector.broadcast %broadcast_in_dim3A_364 : vector<1x512xi32> to vector<512x512xi32>
      %broadcast_in_dim3A_366 = vector.broadcast %jit3A : i32 to vector<512x512xi32>
      %select_n3A_367 = arith.select %eq3A_363, %broadcast_in_dim3A_365, %broadcast_in_dim3A_366 : vector<512x512xi1>, vector<512x512xi32>
      %reduce_min3A_368 = arith.constant dense<2147483647> : vector<512xi32>
      %reduce_min3A_369 = vector.multi_reduction <minsi>, %select_n3A_367, %reduce_min3A_368 [1] : vector<512x512xi32> to vector<512xi32>
      %broadcast_in_dim3A_370 = vector.shape_cast %reduce_min3A_369 : vector<512xi32> to vector<512x1xi32>
      %lt3A = arith.cmpf olt, %broadcast_in_dim3A_361, %while3A_343 : vector<512x1xf32>
      %eq3A_371 = arith.cmpf oeq, %broadcast_in_dim3A_361, %while3A_343 : vector<512x1xf32>
      %lt3A_372 = arith.cmpi slt, %broadcast_in_dim3A_370, %while3A_344 : vector<512x1xi32>
      %and3A = arith.andi %eq3A_371, %lt3A_372 : vector<512x1xi1>
      %or3A = arith.ori %lt3A, %and3A : vector<512x1xi1>
      %select_n3A_373 = arith.select %or3A, %broadcast_in_dim3A_361, %while3A_343 : vector<512x1xi1>, vector<512x1xf32>
      %select_n3A_374 = arith.select %or3A, %broadcast_in_dim3A_370, %while3A_344 : vector<512x1xi1>, vector<512x1xi32>
      scf.yield %select_n3A_373, %select_n3A_374 : vector<512x1xf32>, vector<512x1xi32>
    }
    %while3A_178 = arith.constant 1 : i32
    %while3A_179:2 = scf.for %while3A_342 = %while3A_175 to %while3A_171 step %while3A_178 iter_args(%while3A_343 = %while3A_177#0, %while3A_344 = %while3A_177#1) -> (vector<512x1xf32>, vector<512x1xi32>)  : i32 {
      %mul3A_345 = arith.constant 512 : i32
      %mul3A_346 = arith.muli %while3A_342, %mul3A_345 : i32
      %multiple_of3A = tpu.assume_multiple %mul3A_346, 512 : i32
      %mul3A_347 = arith.constant 512 : i32
      %mul3A_348 = arith.muli %while3A_342, %mul3A_347 : i32
      %add3A = arith.addi %get3A_0, %mul3A_348 : i32
      %add3A_349 = vector.broadcast %add3A : i32 to vector<1x512xi32>
      %add3A_350 = arith.addi %iota3A, %add3A_349 : vector<1x512xi32>
      %get3A_351 = arith.constant 0 : index
      %get3A_352 = arith.index_cast %multiple_of3A : i32 to index
      %get3A_353 = vector.load %arg8[%get3A_351, %get3A_352] : memref<512x10240xf32, #tpu.memory_space<vmem>>, vector<512x512xf32>
      %eq3A = vector.broadcast %add3A_350 : vector<1x512xi32> to vector<512x512xi32>
      %eq3A_354 = vector.broadcast %while3A_163#1 : vector<512x1xi32> to vector<512x512xi32>
      %eq3A_355 = arith.cmpi eq, %eq3A, %eq3A_354 : vector<512x512xi32>
      %broadcast_in_dim3A_356 = vector.broadcast %while3A_168 : f32 to vector<512x512xf32>
      %select_n3A = arith.select %eq3A_355, %broadcast_in_dim3A_356, %get3A_353 : vector<512x512xi1>, vector<512x512xf32>
      %swap3A_357 = arith.constant 0 : index
      %swap3A_358 = arith.index_cast %multiple_of3A : i32 to index
      %swap3A_359 = vector.load %arg8[%swap3A_357, %swap3A_358] : memref<512x10240xf32, #tpu.memory_space<vmem>>, vector<512x512xf32>
      tpu.vector_store %arg8[%swap3A_357, %swap3A_358], %select_n3A {strides = array<i32>} : memref<512x10240xf32, #tpu.memory_space<vmem>>, vector<512x512xf32>,
      %reduce_min3A = arith.constant dense<0x7F800000> : vector<512xf32>
      %reduce_min3A_360 = vector.multi_reduction <minimumf>, %select_n3A, %reduce_min3A [1] : vector<512x512xf32> to vector<512xf32>
      %broadcast_in_dim3A_361 = vector.shape_cast %reduce_min3A_360 : vector<512xf32> to vector<512x1xf32>
      %eq3A_362 = vector.broadcast %broadcast_in_dim3A_361 : vector<512x1xf32> to vector<512x512xf32>
      %eq3A_363 = arith.cmpf oeq, %select_n3A, %eq3A_362 : vector<512x512xf32>
      %jit3A = arith.constant 10240 : i32
      %broadcast_in_dim3A_364 = vector.shape_cast %add3A_350 : vector<1x512xi32> to vector<1x512xi32>
      %broadcast_in_dim3A_365 = vector.broadcast %broadcast_in_dim3A_364 : vector<1x512xi32> to vector<512x512xi32>
      %broadcast_in_dim3A_366 = vector.broadcast %jit3A : i32 to vector<512x512xi32>
      %select_n3A_367 = arith.select %eq3A_363, %broadcast_in_dim3A_365, %broadcast_in_dim3A_366 : vector<512x512xi1>, vector<512x512xi32>
      %reduce_min3A_368 = arith.constant dense<2147483647> : vector<512xi32>
      %reduce_min3A_369 = vector.multi_reduction <minsi>, %select_n3A_367, %reduce_min3A_368 [1] : vector<512x512xi32> to vector<512xi32>
      %broadcast_in_dim3A_370 = vector.shape_cast %reduce_min3A_369 : vector<512xi32> to vector<512x1xi32>
      %lt3A = arith.cmpf olt, %broadcast_in_dim3A_361, %while3A_343 : vector<512x1xf32>
      %eq3A_371 = arith.cmpf oeq, %broadcast_in_dim3A_361, %while3A_343 : vector<512x1xf32>
      %lt3A_372 = arith.cmpi slt, %broadcast_in_dim3A_370, %while3A_344 : vector<512x1xi32>
      %and3A = arith.andi %eq3A_371, %lt3A_372 : vector<512x1xi1>
      %or3A = arith.ori %lt3A, %and3A : vector<512x1xi1>
      %select_n3A_373 = arith.select %or3A, %broadcast_in_dim3A_361, %while3A_343 : vector<512x1xi1>, vector<512x1xf32>
      %select_n3A_374 = arith.select %or3A, %broadcast_in_dim3A_370, %while3A_344 : vector<512x1xi1>, vector<512x1xi32>
      scf.yield %select_n3A_373, %select_n3A_374 : vector<512x1xf32>, vector<512x1xi32>
    }
    %broadcast_in_dim3A_180 = arith.constant 0x7F800000 : f32
    %broadcast_in_dim3A_181 = vector.broadcast %broadcast_in_dim3A_180 : f32 to vector<512x1xf32>
    %broadcast_in_dim3A_182 = arith.constant 10240 : i32
    %broadcast_in_dim3A_183 = vector.broadcast %broadcast_in_dim3A_182 : i32 to vector<512x1xi32>
    %while3A_184 = arith.constant 0x7F800000 : f32
    %while3A_185 = arith.constant 0 : i32
    %while3A_186 = arith.subi %get3A_2, %while3A_185 : i32
    %while3A_187 = arith.addi %while3A_185, %while3A_186 : i32
    %while3A_188 = arith.constant 1 : i32
    %while3A_189 = arith.divsi %while3A_186, %while3A_188 : i32
    %while3A_190 = arith.muli %while3A_189, %while3A_188 : i32
    %while3A_191 = arith.addi %while3A_185, %while3A_190 : i32
    %while3A_192 = arith.constant 1 : i32
    %while3A_193:2 = scf.for %while3A_342 = %while3A_185 to %while3A_191 step %while3A_192 iter_args(%while3A_343 = %broadcast_in_dim3A_181, %while3A_344 = %broadcast_in_dim3A_183) -> (vector<512x1xf32>, vector<512x1xi32>)  : i32 {
      %mul3A_345 = arith.constant 512 : i32
      %mul3A_346 = arith.muli %while3A_342, %mul3A_345 : i32
      %multiple_of3A = tpu.assume_multiple %mul3A_346, 512 : i32
      %mul3A_347 = arith.constant 512 : i32
      %mul3A_348 = arith.muli %while3A_342, %mul3A_347 : i32
      %add3A = arith.addi %get3A_0, %mul3A_348 : i32
      %add3A_349 = vector.broadcast %add3A : i32 to vector<1x512xi32>
      %add3A_350 = arith.addi %iota3A, %add3A_349 : vector<1x512xi32>
      %get3A_351 = arith.constant 0 : index
      %get3A_352 = arith.index_cast %multiple_of3A : i32 to index
      %get3A_353 = vector.load %arg8[%get3A_351, %get3A_352] : memref<512x10240xf32, #tpu.memory_space<vmem>>, vector<512x512xf32>
      %eq3A = vector.broadcast %add3A_350 : vector<1x512xi32> to vector<512x512xi32>
      %eq3A_354 = vector.broadcast %while3A_179#1 : vector<512x1xi32> to vector<512x512xi32>
      %eq3A_355 = arith.cmpi eq, %eq3A, %eq3A_354 : vector<512x512xi32>
      %broadcast_in_dim3A_356 = vector.broadcast %while3A_184 : f32 to vector<512x512xf32>
      %select_n3A = arith.select %eq3A_355, %broadcast_in_dim3A_356, %get3A_353 : vector<512x512xi1>, vector<512x512xf32>
      %swap3A_357 = arith.constant 0 : index
      %swap3A_358 = arith.index_cast %multiple_of3A : i32 to index
      %swap3A_359 = vector.load %arg8[%swap3A_357, %swap3A_358] : memref<512x10240xf32, #tpu.memory_space<vmem>>, vector<512x512xf32>
      tpu.vector_store %arg8[%swap3A_357, %swap3A_358], %select_n3A {strides = array<i32>} : memref<512x10240xf32, #tpu.memory_space<vmem>>, vector<512x512xf32>,
      %reduce_min3A = arith.constant dense<0x7F800000> : vector<512xf32>
      %reduce_min3A_360 = vector.multi_reduction <minimumf>, %select_n3A, %reduce_min3A [1] : vector<512x512xf32> to vector<512xf32>
      %broadcast_in_dim3A_361 = vector.shape_cast %reduce_min3A_360 : vector<512xf32> to vector<512x1xf32>
      %eq3A_362 = vector.broadcast %broadcast_in_dim3A_361 : vector<512x1xf32> to vector<512x512xf32>
      %eq3A_363 = arith.cmpf oeq, %select_n3A, %eq3A_362 : vector<512x512xf32>
      %jit3A = arith.constant 10240 : i32
      %broadcast_in_dim3A_364 = vector.shape_cast %add3A_350 : vector<1x512xi32> to vector<1x512xi32>
      %broadcast_in_dim3A_365 = vector.broadcast %broadcast_in_dim3A_364 : vector<1x512xi32> to vector<512x512xi32>
      %broadcast_in_dim3A_366 = vector.broadcast %jit3A : i32 to vector<512x512xi32>
      %select_n3A_367 = arith.select %eq3A_363, %broadcast_in_dim3A_365, %broadcast_in_dim3A_366 : vector<512x512xi1>, vector<512x512xi32>
      %reduce_min3A_368 = arith.constant dense<2147483647> : vector<512xi32>
      %reduce_min3A_369 = vector.multi_reduction <minsi>, %select_n3A_367, %reduce_min3A_368 [1] : vector<512x512xi32> to vector<512xi32>
      %broadcast_in_dim3A_370 = vector.shape_cast %reduce_min3A_369 : vector<512xi32> to vector<512x1xi32>
      %lt3A = arith.cmpf olt, %broadcast_in_dim3A_361, %while3A_343 : vector<512x1xf32>
      %eq3A_371 = arith.cmpf oeq, %broadcast_in_dim3A_361, %while3A_343 : vector<512x1xf32>
      %lt3A_372 = arith.cmpi slt, %broadcast_in_dim3A_370, %while3A_344 : vector<512x1xi32>
      %and3A = arith.andi %eq3A_371, %lt3A_372 : vector<512x1xi1>
      %or3A = arith.ori %lt3A, %and3A : vector<512x1xi1>
      %select_n3A_373 = arith.select %or3A, %broadcast_in_dim3A_361, %while3A_343 : vector<512x1xi1>, vector<512x1xf32>
      %select_n3A_374 = arith.select %or3A, %broadcast_in_dim3A_370, %while3A_344 : vector<512x1xi1>, vector<512x1xi32>
      scf.yield %select_n3A_373, %select_n3A_374 : vector<512x1xf32>, vector<512x1xi32>
    }
    %while3A_194 = arith.constant 1 : i32
    %while3A_195:2 = scf.for %while3A_342 = %while3A_191 to %while3A_187 step %while3A_194 iter_args(%while3A_343 = %while3A_193#0, %while3A_344 = %while3A_193#1) -> (vector<512x1xf32>, vector<512x1xi32>)  : i32 {
      %mul3A_345 = arith.constant 512 : i32
      %mul3A_346 = arith.muli %while3A_342, %mul3A_345 : i32
      %multiple_of3A = tpu.assume_multiple %mul3A_346, 512 : i32
      %mul3A_347 = arith.constant 512 : i32
      %mul3A_348 = arith.muli %while3A_342, %mul3A_347 : i32
      %add3A = arith.addi %get3A_0, %mul3A_348 : i32
      %add3A_349 = vector.broadcast %add3A : i32 to vector<1x512xi32>
      %add3A_350 = arith.addi %iota3A, %add3A_349 : vector<1x512xi32>
      %get3A_351 = arith.constant 0 : index
      %get3A_352 = arith.index_cast %multiple_of3A : i32 to index
      %get3A_353 = vector.load %arg8[%get3A_351, %get3A_352] : memref<512x10240xf32, #tpu.memory_space<vmem>>, vector<512x512xf32>
      %eq3A = vector.broadcast %add3A_350 : vector<1x512xi32> to vector<512x512xi32>
      %eq3A_354 = vector.broadcast %while3A_179#1 : vector<512x1xi32> to vector<512x512xi32>
      %eq3A_355 = arith.cmpi eq, %eq3A, %eq3A_354 : vector<512x512xi32>
      %broadcast_in_dim3A_356 = vector.broadcast %while3A_184 : f32 to vector<512x512xf32>
      %select_n3A = arith.select %eq3A_355, %broadcast_in_dim3A_356, %get3A_353 : vector<512x512xi1>, vector<512x512xf32>
      %swap3A_357 = arith.constant 0 : index
      %swap3A_358 = arith.index_cast %multiple_of3A : i32 to index
      %swap3A_359 = vector.load %arg8[%swap3A_357, %swap3A_358] : memref<512x10240xf32, #tpu.memory_space<vmem>>, vector<512x512xf32>
      tpu.vector_store %arg8[%swap3A_357, %swap3A_358], %select_n3A {strides = array<i32>} : memref<512x10240xf32, #tpu.memory_space<vmem>>, vector<512x512xf32>,
      %reduce_min3A = arith.constant dense<0x7F800000> : vector<512xf32>
      %reduce_min3A_360 = vector.multi_reduction <minimumf>, %select_n3A, %reduce_min3A [1] : vector<512x512xf32> to vector<512xf32>
      %broadcast_in_dim3A_361 = vector.shape_cast %reduce_min3A_360 : vector<512xf32> to vector<512x1xf32>
      %eq3A_362 = vector.broadcast %broadcast_in_dim3A_361 : vector<512x1xf32> to vector<512x512xf32>
      %eq3A_363 = arith.cmpf oeq, %select_n3A, %eq3A_362 : vector<512x512xf32>
      %jit3A = arith.constant 10240 : i32
      %broadcast_in_dim3A_364 = vector.shape_cast %add3A_350 : vector<1x512xi32> to vector<1x512xi32>
      %broadcast_in_dim3A_365 = vector.broadcast %broadcast_in_dim3A_364 : vector<1x512xi32> to vector<512x512xi32>
      %broadcast_in_dim3A_366 = vector.broadcast %jit3A : i32 to vector<512x512xi32>
      %select_n3A_367 = arith.select %eq3A_363, %broadcast_in_dim3A_365, %broadcast_in_dim3A_366 : vector<512x512xi1>, vector<512x512xi32>
      %reduce_min3A_368 = arith.constant dense<2147483647> : vector<512xi32>
      %reduce_min3A_369 = vector.multi_reduction <minsi>, %select_n3A_367, %reduce_min3A_368 [1] : vector<512x512xi32> to vector<512xi32>
      %broadcast_in_dim3A_370 = vector.shape_cast %reduce_min3A_369 : vector<512xi32> to vector<512x1xi32>
      %lt3A = arith.cmpf olt, %broadcast_in_dim3A_361, %while3A_343 : vector<512x1xf32>
      %eq3A_371 = arith.cmpf oeq, %broadcast_in_dim3A_361, %while3A_343 : vector<512x1xf32>
      %lt3A_372 = arith.cmpi slt, %broadcast_in_dim3A_370, %while3A_344 : vector<512x1xi32>
      %and3A = arith.andi %eq3A_371, %lt3A_372 : vector<512x1xi1>
      %or3A = arith.ori %lt3A, %and3A : vector<512x1xi1>
      %select_n3A_373 = arith.select %or3A, %broadcast_in_dim3A_361, %while3A_343 : vector<512x1xi1>, vector<512x1xf32>
      %select_n3A_374 = arith.select %or3A, %broadcast_in_dim3A_370, %while3A_344 : vector<512x1xi1>, vector<512x1xi32>
      scf.yield %select_n3A_373, %select_n3A_374 : vector<512x1xf32>, vector<512x1xi32>
    }
    %broadcast_in_dim3A_196 = arith.constant 0x7F800000 : f32
    %broadcast_in_dim3A_197 = vector.broadcast %broadcast_in_dim3A_196 : f32 to vector<512x1xf32>
    %broadcast_in_dim3A_198 = arith.constant 10240 : i32
    %broadcast_in_dim3A_199 = vector.broadcast %broadcast_in_dim3A_198 : i32 to vector<512x1xi32>
    %while3A_200 = arith.constant 0x7F800000 : f32
    %while3A_201 = arith.constant 0 : i32
    %while3A_202 = arith.subi %get3A_2, %while3A_201 : i32
    %while3A_203 = arith.addi %while3A_201, %while3A_202 : i32
    %while3A_204 = arith.constant 1 : i32
    %while3A_205 = arith.divsi %while3A_202, %while3A_204 : i32
    %while3A_206 = arith.muli %while3A_205, %while3A_204 : i32
    %while3A_207 = arith.addi %while3A_201, %while3A_206 : i32
    %while3A_208 = arith.constant 1 : i32
    %while3A_209:2 = scf.for %while3A_342 = %while3A_201 to %while3A_207 step %while3A_208 iter_args(%while3A_343 = %broadcast_in_dim3A_197, %while3A_344 = %broadcast_in_dim3A_199) -> (vector<512x1xf32>, vector<512x1xi32>)  : i32 {
      %mul3A_345 = arith.constant 512 : i32
      %mul3A_346 = arith.muli %while3A_342, %mul3A_345 : i32
      %multiple_of3A = tpu.assume_multiple %mul3A_346, 512 : i32
      %mul3A_347 = arith.constant 512 : i32
      %mul3A_348 = arith.muli %while3A_342, %mul3A_347 : i32
      %add3A = arith.addi %get3A_0, %mul3A_348 : i32
      %add3A_349 = vector.broadcast %add3A : i32 to vector<1x512xi32>
      %add3A_350 = arith.addi %iota3A, %add3A_349 : vector<1x512xi32>
      %get3A_351 = arith.constant 0 : index
      %get3A_352 = arith.index_cast %multiple_of3A : i32 to index
      %get3A_353 = vector.load %arg8[%get3A_351, %get3A_352] : memref<512x10240xf32, #tpu.memory_space<vmem>>, vector<512x512xf32>
      %eq3A = vector.broadcast %add3A_350 : vector<1x512xi32> to vector<512x512xi32>
      %eq3A_354 = vector.broadcast %while3A_195#1 : vector<512x1xi32> to vector<512x512xi32>
      %eq3A_355 = arith.cmpi eq, %eq3A, %eq3A_354 : vector<512x512xi32>
      %broadcast_in_dim3A_356 = vector.broadcast %while3A_200 : f32 to vector<512x512xf32>
      %select_n3A = arith.select %eq3A_355, %broadcast_in_dim3A_356, %get3A_353 : vector<512x512xi1>, vector<512x512xf32>
      %swap3A_357 = arith.constant 0 : index
      %swap3A_358 = arith.index_cast %multiple_of3A : i32 to index
      %swap3A_359 = vector.load %arg8[%swap3A_357, %swap3A_358] : memref<512x10240xf32, #tpu.memory_space<vmem>>, vector<512x512xf32>
      tpu.vector_store %arg8[%swap3A_357, %swap3A_358], %select_n3A {strides = array<i32>} : memref<512x10240xf32, #tpu.memory_space<vmem>>, vector<512x512xf32>,
      %reduce_min3A = arith.constant dense<0x7F800000> : vector<512xf32>
      %reduce_min3A_360 = vector.multi_reduction <minimumf>, %select_n3A, %reduce_min3A [1] : vector<512x512xf32> to vector<512xf32>
      %broadcast_in_dim3A_361 = vector.shape_cast %reduce_min3A_360 : vector<512xf32> to vector<512x1xf32>
      %eq3A_362 = vector.broadcast %broadcast_in_dim3A_361 : vector<512x1xf32> to vector<512x512xf32>
      %eq3A_363 = arith.cmpf oeq, %select_n3A, %eq3A_362 : vector<512x512xf32>
      %jit3A = arith.constant 10240 : i32
      %broadcast_in_dim3A_364 = vector.shape_cast %add3A_350 : vector<1x512xi32> to vector<1x512xi32>
      %broadcast_in_dim3A_365 = vector.broadcast %broadcast_in_dim3A_364 : vector<1x512xi32> to vector<512x512xi32>
      %broadcast_in_dim3A_366 = vector.broadcast %jit3A : i32 to vector<512x512xi32>
      %select_n3A_367 = arith.select %eq3A_363, %broadcast_in_dim3A_365, %broadcast_in_dim3A_366 : vector<512x512xi1>, vector<512x512xi32>
      %reduce_min3A_368 = arith.constant dense<2147483647> : vector<512xi32>
      %reduce_min3A_369 = vector.multi_reduction <minsi>, %select_n3A_367, %reduce_min3A_368 [1] : vector<512x512xi32> to vector<512xi32>
      %broadcast_in_dim3A_370 = vector.shape_cast %reduce_min3A_369 : vector<512xi32> to vector<512x1xi32>
      %lt3A = arith.cmpf olt, %broadcast_in_dim3A_361, %while3A_343 : vector<512x1xf32>
      %eq3A_371 = arith.cmpf oeq, %broadcast_in_dim3A_361, %while3A_343 : vector<512x1xf32>
      %lt3A_372 = arith.cmpi slt, %broadcast_in_dim3A_370, %while3A_344 : vector<512x1xi32>
      %and3A = arith.andi %eq3A_371, %lt3A_372 : vector<512x1xi1>
      %or3A = arith.ori %lt3A, %and3A : vector<512x1xi1>
      %select_n3A_373 = arith.select %or3A, %broadcast_in_dim3A_361, %while3A_343 : vector<512x1xi1>, vector<512x1xf32>
      %select_n3A_374 = arith.select %or3A, %broadcast_in_dim3A_370, %while3A_344 : vector<512x1xi1>, vector<512x1xi32>
      scf.yield %select_n3A_373, %select_n3A_374 : vector<512x1xf32>, vector<512x1xi32>
    }
    %while3A_210 = arith.constant 1 : i32
    %while3A_211:2 = scf.for %while3A_342 = %while3A_207 to %while3A_203 step %while3A_210 iter_args(%while3A_343 = %while3A_209#0, %while3A_344 = %while3A_209#1) -> (vector<512x1xf32>, vector<512x1xi32>)  : i32 {
      %mul3A_345 = arith.constant 512 : i32
      %mul3A_346 = arith.muli %while3A_342, %mul3A_345 : i32
      %multiple_of3A = tpu.assume_multiple %mul3A_346, 512 : i32
      %mul3A_347 = arith.constant 512 : i32
      %mul3A_348 = arith.muli %while3A_342, %mul3A_347 : i32
      %add3A = arith.addi %get3A_0, %mul3A_348 : i32
      %add3A_349 = vector.broadcast %add3A : i32 to vector<1x512xi32>
      %add3A_350 = arith.addi %iota3A, %add3A_349 : vector<1x512xi32>
      %get3A_351 = arith.constant 0 : index
      %get3A_352 = arith.index_cast %multiple_of3A : i32 to index
      %get3A_353 = vector.load %arg8[%get3A_351, %get3A_352] : memref<512x10240xf32, #tpu.memory_space<vmem>>, vector<512x512xf32>
      %eq3A = vector.broadcast %add3A_350 : vector<1x512xi32> to vector<512x512xi32>
      %eq3A_354 = vector.broadcast %while3A_195#1 : vector<512x1xi32> to vector<512x512xi32>
      %eq3A_355 = arith.cmpi eq, %eq3A, %eq3A_354 : vector<512x512xi32>
      %broadcast_in_dim3A_356 = vector.broadcast %while3A_200 : f32 to vector<512x512xf32>
      %select_n3A = arith.select %eq3A_355, %broadcast_in_dim3A_356, %get3A_353 : vector<512x512xi1>, vector<512x512xf32>
      %swap3A_357 = arith.constant 0 : index
      %swap3A_358 = arith.index_cast %multiple_of3A : i32 to index
      %swap3A_359 = vector.load %arg8[%swap3A_357, %swap3A_358] : memref<512x10240xf32, #tpu.memory_space<vmem>>, vector<512x512xf32>
      tpu.vector_store %arg8[%swap3A_357, %swap3A_358], %select_n3A {strides = array<i32>} : memref<512x10240xf32, #tpu.memory_space<vmem>>, vector<512x512xf32>,
      %reduce_min3A = arith.constant dense<0x7F800000> : vector<512xf32>
      %reduce_min3A_360 = vector.multi_reduction <minimumf>, %select_n3A, %reduce_min3A [1] : vector<512x512xf32> to vector<512xf32>
      %broadcast_in_dim3A_361 = vector.shape_cast %reduce_min3A_360 : vector<512xf32> to vector<512x1xf32>
      %eq3A_362 = vector.broadcast %broadcast_in_dim3A_361 : vector<512x1xf32> to vector<512x512xf32>
      %eq3A_363 = arith.cmpf oeq, %select_n3A, %eq3A_362 : vector<512x512xf32>
      %jit3A = arith.constant 10240 : i32
      %broadcast_in_dim3A_364 = vector.shape_cast %add3A_350 : vector<1x512xi32> to vector<1x512xi32>
      %broadcast_in_dim3A_365 = vector.broadcast %broadcast_in_dim3A_364 : vector<1x512xi32> to vector<512x512xi32>
      %broadcast_in_dim3A_366 = vector.broadcast %jit3A : i32 to vector<512x512xi32>
      %select_n3A_367 = arith.select %eq3A_363, %broadcast_in_dim3A_365, %broadcast_in_dim3A_366 : vector<512x512xi1>, vector<512x512xi32>
      %reduce_min3A_368 = arith.constant dense<2147483647> : vector<512xi32>
      %reduce_min3A_369 = vector.multi_reduction <minsi>, %select_n3A_367, %reduce_min3A_368 [1] : vector<512x512xi32> to vector<512xi32>
      %broadcast_in_dim3A_370 = vector.shape_cast %reduce_min3A_369 : vector<512xi32> to vector<512x1xi32>
      %lt3A = arith.cmpf olt, %broadcast_in_dim3A_361, %while3A_343 : vector<512x1xf32>
      %eq3A_371 = arith.cmpf oeq, %broadcast_in_dim3A_361, %while3A_343 : vector<512x1xf32>
      %lt3A_372 = arith.cmpi slt, %broadcast_in_dim3A_370, %while3A_344 : vector<512x1xi32>
      %and3A = arith.andi %eq3A_371, %lt3A_372 : vector<512x1xi1>
      %or3A = arith.ori %lt3A, %and3A : vector<512x1xi1>
      %select_n3A_373 = arith.select %or3A, %broadcast_in_dim3A_361, %while3A_343 : vector<512x1xi1>, vector<512x1xf32>
      %select_n3A_374 = arith.select %or3A, %broadcast_in_dim3A_370, %while3A_344 : vector<512x1xi1>, vector<512x1xi32>
      scf.yield %select_n3A_373, %select_n3A_374 : vector<512x1xf32>, vector<512x1xi32>
    }
    %broadcast_in_dim3A_212 = arith.constant 0x7F800000 : f32
    %broadcast_in_dim3A_213 = vector.broadcast %broadcast_in_dim3A_212 : f32 to vector<512x1xf32>
    %broadcast_in_dim3A_214 = arith.constant 10240 : i32
    %broadcast_in_dim3A_215 = vector.broadcast %broadcast_in_dim3A_214 : i32 to vector<512x1xi32>
    %while3A_216 = arith.constant 0x7F800000 : f32
    %while3A_217 = arith.constant 0 : i32
    %while3A_218 = arith.subi %get3A_2, %while3A_217 : i32
    %while3A_219 = arith.addi %while3A_217, %while3A_218 : i32
    %while3A_220 = arith.constant 1 : i32
    %while3A_221 = arith.divsi %while3A_218, %while3A_220 : i32
    %while3A_222 = arith.muli %while3A_221, %while3A_220 : i32
    %while3A_223 = arith.addi %while3A_217, %while3A_222 : i32
    %while3A_224 = arith.constant 1 : i32
    %while3A_225:2 = scf.for %while3A_342 = %while3A_217 to %while3A_223 step %while3A_224 iter_args(%while3A_343 = %broadcast_in_dim3A_213, %while3A_344 = %broadcast_in_dim3A_215) -> (vector<512x1xf32>, vector<512x1xi32>)  : i32 {
      %mul3A_345 = arith.constant 512 : i32
      %mul3A_346 = arith.muli %while3A_342, %mul3A_345 : i32
      %multiple_of3A = tpu.assume_multiple %mul3A_346, 512 : i32
      %mul3A_347 = arith.constant 512 : i32
      %mul3A_348 = arith.muli %while3A_342, %mul3A_347 : i32
      %add3A = arith.addi %get3A_0, %mul3A_348 : i32
      %add3A_349 = vector.broadcast %add3A : i32 to vector<1x512xi32>
      %add3A_350 = arith.addi %iota3A, %add3A_349 : vector<1x512xi32>
      %get3A_351 = arith.constant 0 : index
      %get3A_352 = arith.index_cast %multiple_of3A : i32 to index
      %get3A_353 = vector.load %arg8[%get3A_351, %get3A_352] : memref<512x10240xf32, #tpu.memory_space<vmem>>, vector<512x512xf32>
      %eq3A = vector.broadcast %add3A_350 : vector<1x512xi32> to vector<512x512xi32>
      %eq3A_354 = vector.broadcast %while3A_211#1 : vector<512x1xi32> to vector<512x512xi32>
      %eq3A_355 = arith.cmpi eq, %eq3A, %eq3A_354 : vector<512x512xi32>
      %broadcast_in_dim3A_356 = vector.broadcast %while3A_216 : f32 to vector<512x512xf32>
      %select_n3A = arith.select %eq3A_355, %broadcast_in_dim3A_356, %get3A_353 : vector<512x512xi1>, vector<512x512xf32>
      %swap3A_357 = arith.constant 0 : index
      %swap3A_358 = arith.index_cast %multiple_of3A : i32 to index
      %swap3A_359 = vector.load %arg8[%swap3A_357, %swap3A_358] : memref<512x10240xf32, #tpu.memory_space<vmem>>, vector<512x512xf32>
      tpu.vector_store %arg8[%swap3A_357, %swap3A_358], %select_n3A {strides = array<i32>} : memref<512x10240xf32, #tpu.memory_space<vmem>>, vector<512x512xf32>,
      %reduce_min3A = arith.constant dense<0x7F800000> : vector<512xf32>
      %reduce_min3A_360 = vector.multi_reduction <minimumf>, %select_n3A, %reduce_min3A [1] : vector<512x512xf32> to vector<512xf32>
      %broadcast_in_dim3A_361 = vector.shape_cast %reduce_min3A_360 : vector<512xf32> to vector<512x1xf32>
      %eq3A_362 = vector.broadcast %broadcast_in_dim3A_361 : vector<512x1xf32> to vector<512x512xf32>
      %eq3A_363 = arith.cmpf oeq, %select_n3A, %eq3A_362 : vector<512x512xf32>
      %jit3A = arith.constant 10240 : i32
      %broadcast_in_dim3A_364 = vector.shape_cast %add3A_350 : vector<1x512xi32> to vector<1x512xi32>
      %broadcast_in_dim3A_365 = vector.broadcast %broadcast_in_dim3A_364 : vector<1x512xi32> to vector<512x512xi32>
      %broadcast_in_dim3A_366 = vector.broadcast %jit3A : i32 to vector<512x512xi32>
      %select_n3A_367 = arith.select %eq3A_363, %broadcast_in_dim3A_365, %broadcast_in_dim3A_366 : vector<512x512xi1>, vector<512x512xi32>
      %reduce_min3A_368 = arith.constant dense<2147483647> : vector<512xi32>
      %reduce_min3A_369 = vector.multi_reduction <minsi>, %select_n3A_367, %reduce_min3A_368 [1] : vector<512x512xi32> to vector<512xi32>
      %broadcast_in_dim3A_370 = vector.shape_cast %reduce_min3A_369 : vector<512xi32> to vector<512x1xi32>
      %lt3A = arith.cmpf olt, %broadcast_in_dim3A_361, %while3A_343 : vector<512x1xf32>
      %eq3A_371 = arith.cmpf oeq, %broadcast_in_dim3A_361, %while3A_343 : vector<512x1xf32>
      %lt3A_372 = arith.cmpi slt, %broadcast_in_dim3A_370, %while3A_344 : vector<512x1xi32>
      %and3A = arith.andi %eq3A_371, %lt3A_372 : vector<512x1xi1>
      %or3A = arith.ori %lt3A, %and3A : vector<512x1xi1>
      %select_n3A_373 = arith.select %or3A, %broadcast_in_dim3A_361, %while3A_343 : vector<512x1xi1>, vector<512x1xf32>
      %select_n3A_374 = arith.select %or3A, %broadcast_in_dim3A_370, %while3A_344 : vector<512x1xi1>, vector<512x1xi32>
      scf.yield %select_n3A_373, %select_n3A_374 : vector<512x1xf32>, vector<512x1xi32>
    }
    %while3A_226 = arith.constant 1 : i32
    %while3A_227:2 = scf.for %while3A_342 = %while3A_223 to %while3A_219 step %while3A_226 iter_args(%while3A_343 = %while3A_225#0, %while3A_344 = %while3A_225#1) -> (vector<512x1xf32>, vector<512x1xi32>)  : i32 {
      %mul3A_345 = arith.constant 512 : i32
      %mul3A_346 = arith.muli %while3A_342, %mul3A_345 : i32
      %multiple_of3A = tpu.assume_multiple %mul3A_346, 512 : i32
      %mul3A_347 = arith.constant 512 : i32
      %mul3A_348 = arith.muli %while3A_342, %mul3A_347 : i32
      %add3A = arith.addi %get3A_0, %mul3A_348 : i32
      %add3A_349 = vector.broadcast %add3A : i32 to vector<1x512xi32>
      %add3A_350 = arith.addi %iota3A, %add3A_349 : vector<1x512xi32>
      %get3A_351 = arith.constant 0 : index
      %get3A_352 = arith.index_cast %multiple_of3A : i32 to index
      %get3A_353 = vector.load %arg8[%get3A_351, %get3A_352] : memref<512x10240xf32, #tpu.memory_space<vmem>>, vector<512x512xf32>
      %eq3A = vector.broadcast %add3A_350 : vector<1x512xi32> to vector<512x512xi32>
      %eq3A_354 = vector.broadcast %while3A_211#1 : vector<512x1xi32> to vector<512x512xi32>
      %eq3A_355 = arith.cmpi eq, %eq3A, %eq3A_354 : vector<512x512xi32>
      %broadcast_in_dim3A_356 = vector.broadcast %while3A_216 : f32 to vector<512x512xf32>
      %select_n3A = arith.select %eq3A_355, %broadcast_in_dim3A_356, %get3A_353 : vector<512x512xi1>, vector<512x512xf32>
      %swap3A_357 = arith.constant 0 : index
      %swap3A_358 = arith.index_cast %multiple_of3A : i32 to index
      %swap3A_359 = vector.load %arg8[%swap3A_357, %swap3A_358] : memref<512x10240xf32, #tpu.memory_space<vmem>>, vector<512x512xf32>
      tpu.vector_store %arg8[%swap3A_357, %swap3A_358], %select_n3A {strides = array<i32>} : memref<512x10240xf32, #tpu.memory_space<vmem>>, vector<512x512xf32>,
      %reduce_min3A = arith.constant dense<0x7F800000> : vector<512xf32>
      %reduce_min3A_360 = vector.multi_reduction <minimumf>, %select_n3A, %reduce_min3A [1] : vector<512x512xf32> to vector<512xf32>
      %broadcast_in_dim3A_361 = vector.shape_cast %reduce_min3A_360 : vector<512xf32> to vector<512x1xf32>
      %eq3A_362 = vector.broadcast %broadcast_in_dim3A_361 : vector<512x1xf32> to vector<512x512xf32>
      %eq3A_363 = arith.cmpf oeq, %select_n3A, %eq3A_362 : vector<512x512xf32>
      %jit3A = arith.constant 10240 : i32
      %broadcast_in_dim3A_364 = vector.shape_cast %add3A_350 : vector<1x512xi32> to vector<1x512xi32>
      %broadcast_in_dim3A_365 = vector.broadcast %broadcast_in_dim3A_364 : vector<1x512xi32> to vector<512x512xi32>
      %broadcast_in_dim3A_366 = vector.broadcast %jit3A : i32 to vector<512x512xi32>
      %select_n3A_367 = arith.select %eq3A_363, %broadcast_in_dim3A_365, %broadcast_in_dim3A_366 : vector<512x512xi1>, vector<512x512xi32>
      %reduce_min3A_368 = arith.constant dense<2147483647> : vector<512xi32>
      %reduce_min3A_369 = vector.multi_reduction <minsi>, %select_n3A_367, %reduce_min3A_368 [1] : vector<512x512xi32> to vector<512xi32>
      %broadcast_in_dim3A_370 = vector.shape_cast %reduce_min3A_369 : vector<512xi32> to vector<512x1xi32>
      %lt3A = arith.cmpf olt, %broadcast_in_dim3A_361, %while3A_343 : vector<512x1xf32>
      %eq3A_371 = arith.cmpf oeq, %broadcast_in_dim3A_361, %while3A_343 : vector<512x1xf32>
      %lt3A_372 = arith.cmpi slt, %broadcast_in_dim3A_370, %while3A_344 : vector<512x1xi32>
      %and3A = arith.andi %eq3A_371, %lt3A_372 : vector<512x1xi1>
      %or3A = arith.ori %lt3A, %and3A : vector<512x1xi1>
      %select_n3A_373 = arith.select %or3A, %broadcast_in_dim3A_361, %while3A_343 : vector<512x1xi1>, vector<512x1xf32>
      %select_n3A_374 = arith.select %or3A, %broadcast_in_dim3A_370, %while3A_344 : vector<512x1xi1>, vector<512x1xi32>
      scf.yield %select_n3A_373, %select_n3A_374 : vector<512x1xf32>, vector<512x1xi32>
    }
    %broadcast_in_dim3A_228 = arith.constant 0x7F800000 : f32
    %broadcast_in_dim3A_229 = vector.broadcast %broadcast_in_dim3A_228 : f32 to vector<512x1xf32>
    %broadcast_in_dim3A_230 = arith.constant 10240 : i32
    %broadcast_in_dim3A_231 = vector.broadcast %broadcast_in_dim3A_230 : i32 to vector<512x1xi32>
    %while3A_232 = arith.constant 0x7F800000 : f32
    %while3A_233 = arith.constant 0 : i32
    %while3A_234 = arith.subi %get3A_2, %while3A_233 : i32
    %while3A_235 = arith.addi %while3A_233, %while3A_234 : i32
    %while3A_236 = arith.constant 1 : i32
    %while3A_237 = arith.divsi %while3A_234, %while3A_236 : i32
    %while3A_238 = arith.muli %while3A_237, %while3A_236 : i32
    %while3A_239 = arith.addi %while3A_233, %while3A_238 : i32
    %while3A_240 = arith.constant 1 : i32
    %while3A_241:2 = scf.for %while3A_342 = %while3A_233 to %while3A_239 step %while3A_240 iter_args(%while3A_343 = %broadcast_in_dim3A_229, %while3A_344 = %broadcast_in_dim3A_231) -> (vector<512x1xf32>, vector<512x1xi32>)  : i32 {
      %mul3A_345 = arith.constant 512 : i32
      %mul3A_346 = arith.muli %while3A_342, %mul3A_345 : i32
      %multiple_of3A = tpu.assume_multiple %mul3A_346, 512 : i32
      %mul3A_347 = arith.constant 512 : i32
      %mul3A_348 = arith.muli %while3A_342, %mul3A_347 : i32
      %add3A = arith.addi %get3A_0, %mul3A_348 : i32
      %add3A_349 = vector.broadcast %add3A : i32 to vector<1x512xi32>
      %add3A_350 = arith.addi %iota3A, %add3A_349 : vector<1x512xi32>
      %get3A_351 = arith.constant 0 : index
      %get3A_352 = arith.index_cast %multiple_of3A : i32 to index
      %get3A_353 = vector.load %arg8[%get3A_351, %get3A_352] : memref<512x10240xf32, #tpu.memory_space<vmem>>, vector<512x512xf32>
      %eq3A = vector.broadcast %add3A_350 : vector<1x512xi32> to vector<512x512xi32>
      %eq3A_354 = vector.broadcast %while3A_227#1 : vector<512x1xi32> to vector<512x512xi32>
      %eq3A_355 = arith.cmpi eq, %eq3A, %eq3A_354 : vector<512x512xi32>
      %broadcast_in_dim3A_356 = vector.broadcast %while3A_232 : f32 to vector<512x512xf32>
      %select_n3A = arith.select %eq3A_355, %broadcast_in_dim3A_356, %get3A_353 : vector<512x512xi1>, vector<512x512xf32>
      %swap3A_357 = arith.constant 0 : index
      %swap3A_358 = arith.index_cast %multiple_of3A : i32 to index
      %swap3A_359 = vector.load %arg8[%swap3A_357, %swap3A_358] : memref<512x10240xf32, #tpu.memory_space<vmem>>, vector<512x512xf32>
      tpu.vector_store %arg8[%swap3A_357, %swap3A_358], %select_n3A {strides = array<i32>} : memref<512x10240xf32, #tpu.memory_space<vmem>>, vector<512x512xf32>,
      %reduce_min3A = arith.constant dense<0x7F800000> : vector<512xf32>
      %reduce_min3A_360 = vector.multi_reduction <minimumf>, %select_n3A, %reduce_min3A [1] : vector<512x512xf32> to vector<512xf32>
      %broadcast_in_dim3A_361 = vector.shape_cast %reduce_min3A_360 : vector<512xf32> to vector<512x1xf32>
      %eq3A_362 = vector.broadcast %broadcast_in_dim3A_361 : vector<512x1xf32> to vector<512x512xf32>
      %eq3A_363 = arith.cmpf oeq, %select_n3A, %eq3A_362 : vector<512x512xf32>
      %jit3A = arith.constant 10240 : i32
      %broadcast_in_dim3A_364 = vector.shape_cast %add3A_350 : vector<1x512xi32> to vector<1x512xi32>
      %broadcast_in_dim3A_365 = vector.broadcast %broadcast_in_dim3A_364 : vector<1x512xi32> to vector<512x512xi32>
      %broadcast_in_dim3A_366 = vector.broadcast %jit3A : i32 to vector<512x512xi32>
      %select_n3A_367 = arith.select %eq3A_363, %broadcast_in_dim3A_365, %broadcast_in_dim3A_366 : vector<512x512xi1>, vector<512x512xi32>
      %reduce_min3A_368 = arith.constant dense<2147483647> : vector<512xi32>
      %reduce_min3A_369 = vector.multi_reduction <minsi>, %select_n3A_367, %reduce_min3A_368 [1] : vector<512x512xi32> to vector<512xi32>
      %broadcast_in_dim3A_370 = vector.shape_cast %reduce_min3A_369 : vector<512xi32> to vector<512x1xi32>
      %lt3A = arith.cmpf olt, %broadcast_in_dim3A_361, %while3A_343 : vector<512x1xf32>
      %eq3A_371 = arith.cmpf oeq, %broadcast_in_dim3A_361, %while3A_343 : vector<512x1xf32>
      %lt3A_372 = arith.cmpi slt, %broadcast_in_dim3A_370, %while3A_344 : vector<512x1xi32>
      %and3A = arith.andi %eq3A_371, %lt3A_372 : vector<512x1xi1>
      %or3A = arith.ori %lt3A, %and3A : vector<512x1xi1>
      %select_n3A_373 = arith.select %or3A, %broadcast_in_dim3A_361, %while3A_343 : vector<512x1xi1>, vector<512x1xf32>
      %select_n3A_374 = arith.select %or3A, %broadcast_in_dim3A_370, %while3A_344 : vector<512x1xi1>, vector<512x1xi32>
      scf.yield %select_n3A_373, %select_n3A_374 : vector<512x1xf32>, vector<512x1xi32>
    }
    %while3A_242 = arith.constant 1 : i32
    %while3A_243:2 = scf.for %while3A_342 = %while3A_239 to %while3A_235 step %while3A_242 iter_args(%while3A_343 = %while3A_241#0, %while3A_344 = %while3A_241#1) -> (vector<512x1xf32>, vector<512x1xi32>)  : i32 {
      %mul3A_345 = arith.constant 512 : i32
      %mul3A_346 = arith.muli %while3A_342, %mul3A_345 : i32
      %multiple_of3A = tpu.assume_multiple %mul3A_346, 512 : i32
      %mul3A_347 = arith.constant 512 : i32
      %mul3A_348 = arith.muli %while3A_342, %mul3A_347 : i32
      %add3A = arith.addi %get3A_0, %mul3A_348 : i32
      %add3A_349 = vector.broadcast %add3A : i32 to vector<1x512xi32>
      %add3A_350 = arith.addi %iota3A, %add3A_349 : vector<1x512xi32>
      %get3A_351 = arith.constant 0 : index
      %get3A_352 = arith.index_cast %multiple_of3A : i32 to index
      %get3A_353 = vector.load %arg8[%get3A_351, %get3A_352] : memref<512x10240xf32, #tpu.memory_space<vmem>>, vector<512x512xf32>
      %eq3A = vector.broadcast %add3A_350 : vector<1x512xi32> to vector<512x512xi32>
      %eq3A_354 = vector.broadcast %while3A_227#1 : vector<512x1xi32> to vector<512x512xi32>
      %eq3A_355 = arith.cmpi eq, %eq3A, %eq3A_354 : vector<512x512xi32>
      %broadcast_in_dim3A_356 = vector.broadcast %while3A_232 : f32 to vector<512x512xf32>
      %select_n3A = arith.select %eq3A_355, %broadcast_in_dim3A_356, %get3A_353 : vector<512x512xi1>, vector<512x512xf32>
      %swap3A_357 = arith.constant 0 : index
      %swap3A_358 = arith.index_cast %multiple_of3A : i32 to index
      %swap3A_359 = vector.load %arg8[%swap3A_357, %swap3A_358] : memref<512x10240xf32, #tpu.memory_space<vmem>>, vector<512x512xf32>
      tpu.vector_store %arg8[%swap3A_357, %swap3A_358], %select_n3A {strides = array<i32>} : memref<512x10240xf32, #tpu.memory_space<vmem>>, vector<512x512xf32>,
      %reduce_min3A = arith.constant dense<0x7F800000> : vector<512xf32>
      %reduce_min3A_360 = vector.multi_reduction <minimumf>, %select_n3A, %reduce_min3A [1] : vector<512x512xf32> to vector<512xf32>
      %broadcast_in_dim3A_361 = vector.shape_cast %reduce_min3A_360 : vector<512xf32> to vector<512x1xf32>
      %eq3A_362 = vector.broadcast %broadcast_in_dim3A_361 : vector<512x1xf32> to vector<512x512xf32>
      %eq3A_363 = arith.cmpf oeq, %select_n3A, %eq3A_362 : vector<512x512xf32>
      %jit3A = arith.constant 10240 : i32
      %broadcast_in_dim3A_364 = vector.shape_cast %add3A_350 : vector<1x512xi32> to vector<1x512xi32>
      %broadcast_in_dim3A_365 = vector.broadcast %broadcast_in_dim3A_364 : vector<1x512xi32> to vector<512x512xi32>
      %broadcast_in_dim3A_366 = vector.broadcast %jit3A : i32 to vector<512x512xi32>
      %select_n3A_367 = arith.select %eq3A_363, %broadcast_in_dim3A_365, %broadcast_in_dim3A_366 : vector<512x512xi1>, vector<512x512xi32>
      %reduce_min3A_368 = arith.constant dense<2147483647> : vector<512xi32>
      %reduce_min3A_369 = vector.multi_reduction <minsi>, %select_n3A_367, %reduce_min3A_368 [1] : vector<512x512xi32> to vector<512xi32>
      %broadcast_in_dim3A_370 = vector.shape_cast %reduce_min3A_369 : vector<512xi32> to vector<512x1xi32>
      %lt3A = arith.cmpf olt, %broadcast_in_dim3A_361, %while3A_343 : vector<512x1xf32>
      %eq3A_371 = arith.cmpf oeq, %broadcast_in_dim3A_361, %while3A_343 : vector<512x1xf32>
      %lt3A_372 = arith.cmpi slt, %broadcast_in_dim3A_370, %while3A_344 : vector<512x1xi32>
      %and3A = arith.andi %eq3A_371, %lt3A_372 : vector<512x1xi1>
      %or3A = arith.ori %lt3A, %and3A : vector<512x1xi1>
      %select_n3A_373 = arith.select %or3A, %broadcast_in_dim3A_361, %while3A_343 : vector<512x1xi1>, vector<512x1xf32>
      %select_n3A_374 = arith.select %or3A, %broadcast_in_dim3A_370, %while3A_344 : vector<512x1xi1>, vector<512x1xi32>
      scf.yield %select_n3A_373, %select_n3A_374 : vector<512x1xf32>, vector<512x1xi32>
    }
    %broadcast_in_dim3A_244 = arith.constant 0x7F800000 : f32
    %broadcast_in_dim3A_245 = vector.broadcast %broadcast_in_dim3A_244 : f32 to vector<512x1xf32>
    %broadcast_in_dim3A_246 = arith.constant 10240 : i32
    %broadcast_in_dim3A_247 = vector.broadcast %broadcast_in_dim3A_246 : i32 to vector<512x1xi32>
    %while3A_248 = arith.constant 0x7F800000 : f32
    %while3A_249 = arith.constant 0 : i32
    %while3A_250 = arith.subi %get3A_2, %while3A_249 : i32
    %while3A_251 = arith.addi %while3A_249, %while3A_250 : i32
    %while3A_252 = arith.constant 1 : i32
    %while3A_253 = arith.divsi %while3A_250, %while3A_252 : i32
    %while3A_254 = arith.muli %while3A_253, %while3A_252 : i32
    %while3A_255 = arith.addi %while3A_249, %while3A_254 : i32
    %while3A_256 = arith.constant 1 : i32
    %while3A_257:2 = scf.for %while3A_342 = %while3A_249 to %while3A_255 step %while3A_256 iter_args(%while3A_343 = %broadcast_in_dim3A_245, %while3A_344 = %broadcast_in_dim3A_247) -> (vector<512x1xf32>, vector<512x1xi32>)  : i32 {
      %mul3A_345 = arith.constant 512 : i32
      %mul3A_346 = arith.muli %while3A_342, %mul3A_345 : i32
      %multiple_of3A = tpu.assume_multiple %mul3A_346, 512 : i32
      %mul3A_347 = arith.constant 512 : i32
      %mul3A_348 = arith.muli %while3A_342, %mul3A_347 : i32
      %add3A = arith.addi %get3A_0, %mul3A_348 : i32
      %add3A_349 = vector.broadcast %add3A : i32 to vector<1x512xi32>
      %add3A_350 = arith.addi %iota3A, %add3A_349 : vector<1x512xi32>
      %get3A_351 = arith.constant 0 : index
      %get3A_352 = arith.index_cast %multiple_of3A : i32 to index
      %get3A_353 = vector.load %arg8[%get3A_351, %get3A_352] : memref<512x10240xf32, #tpu.memory_space<vmem>>, vector<512x512xf32>
      %eq3A = vector.broadcast %add3A_350 : vector<1x512xi32> to vector<512x512xi32>
      %eq3A_354 = vector.broadcast %while3A_243#1 : vector<512x1xi32> to vector<512x512xi32>
      %eq3A_355 = arith.cmpi eq, %eq3A, %eq3A_354 : vector<512x512xi32>
      %broadcast_in_dim3A_356 = vector.broadcast %while3A_248 : f32 to vector<512x512xf32>
      %select_n3A = arith.select %eq3A_355, %broadcast_in_dim3A_356, %get3A_353 : vector<512x512xi1>, vector<512x512xf32>
      %swap3A_357 = arith.constant 0 : index
      %swap3A_358 = arith.index_cast %multiple_of3A : i32 to index
      %swap3A_359 = vector.load %arg8[%swap3A_357, %swap3A_358] : memref<512x10240xf32, #tpu.memory_space<vmem>>, vector<512x512xf32>
      tpu.vector_store %arg8[%swap3A_357, %swap3A_358], %select_n3A {strides = array<i32>} : memref<512x10240xf32, #tpu.memory_space<vmem>>, vector<512x512xf32>,
      %reduce_min3A = arith.constant dense<0x7F800000> : vector<512xf32>
      %reduce_min3A_360 = vector.multi_reduction <minimumf>, %select_n3A, %reduce_min3A [1] : vector<512x512xf32> to vector<512xf32>
      %broadcast_in_dim3A_361 = vector.shape_cast %reduce_min3A_360 : vector<512xf32> to vector<512x1xf32>
      %eq3A_362 = vector.broadcast %broadcast_in_dim3A_361 : vector<512x1xf32> to vector<512x512xf32>
      %eq3A_363 = arith.cmpf oeq, %select_n3A, %eq3A_362 : vector<512x512xf32>
      %jit3A = arith.constant 10240 : i32
      %broadcast_in_dim3A_364 = vector.shape_cast %add3A_350 : vector<1x512xi32> to vector<1x512xi32>
      %broadcast_in_dim3A_365 = vector.broadcast %broadcast_in_dim3A_364 : vector<1x512xi32> to vector<512x512xi32>
      %broadcast_in_dim3A_366 = vector.broadcast %jit3A : i32 to vector<512x512xi32>
      %select_n3A_367 = arith.select %eq3A_363, %broadcast_in_dim3A_365, %broadcast_in_dim3A_366 : vector<512x512xi1>, vector<512x512xi32>
      %reduce_min3A_368 = arith.constant dense<2147483647> : vector<512xi32>
      %reduce_min3A_369 = vector.multi_reduction <minsi>, %select_n3A_367, %reduce_min3A_368 [1] : vector<512x512xi32> to vector<512xi32>
      %broadcast_in_dim3A_370 = vector.shape_cast %reduce_min3A_369 : vector<512xi32> to vector<512x1xi32>
      %lt3A = arith.cmpf olt, %broadcast_in_dim3A_361, %while3A_343 : vector<512x1xf32>
      %eq3A_371 = arith.cmpf oeq, %broadcast_in_dim3A_361, %while3A_343 : vector<512x1xf32>
      %lt3A_372 = arith.cmpi slt, %broadcast_in_dim3A_370, %while3A_344 : vector<512x1xi32>
      %and3A = arith.andi %eq3A_371, %lt3A_372 : vector<512x1xi1>
      %or3A = arith.ori %lt3A, %and3A : vector<512x1xi1>
      %select_n3A_373 = arith.select %or3A, %broadcast_in_dim3A_361, %while3A_343 : vector<512x1xi1>, vector<512x1xf32>
      %select_n3A_374 = arith.select %or3A, %broadcast_in_dim3A_370, %while3A_344 : vector<512x1xi1>, vector<512x1xi32>
      scf.yield %select_n3A_373, %select_n3A_374 : vector<512x1xf32>, vector<512x1xi32>
    }
    %while3A_258 = arith.constant 1 : i32
    %while3A_259:2 = scf.for %while3A_342 = %while3A_255 to %while3A_251 step %while3A_258 iter_args(%while3A_343 = %while3A_257#0, %while3A_344 = %while3A_257#1) -> (vector<512x1xf32>, vector<512x1xi32>)  : i32 {
      %mul3A_345 = arith.constant 512 : i32
      %mul3A_346 = arith.muli %while3A_342, %mul3A_345 : i32
      %multiple_of3A = tpu.assume_multiple %mul3A_346, 512 : i32
      %mul3A_347 = arith.constant 512 : i32
      %mul3A_348 = arith.muli %while3A_342, %mul3A_347 : i32
      %add3A = arith.addi %get3A_0, %mul3A_348 : i32
      %add3A_349 = vector.broadcast %add3A : i32 to vector<1x512xi32>
      %add3A_350 = arith.addi %iota3A, %add3A_349 : vector<1x512xi32>
      %get3A_351 = arith.constant 0 : index
      %get3A_352 = arith.index_cast %multiple_of3A : i32 to index
      %get3A_353 = vector.load %arg8[%get3A_351, %get3A_352] : memref<512x10240xf32, #tpu.memory_space<vmem>>, vector<512x512xf32>
      %eq3A = vector.broadcast %add3A_350 : vector<1x512xi32> to vector<512x512xi32>
      %eq3A_354 = vector.broadcast %while3A_243#1 : vector<512x1xi32> to vector<512x512xi32>
      %eq3A_355 = arith.cmpi eq, %eq3A, %eq3A_354 : vector<512x512xi32>
      %broadcast_in_dim3A_356 = vector.broadcast %while3A_248 : f32 to vector<512x512xf32>
      %select_n3A = arith.select %eq3A_355, %broadcast_in_dim3A_356, %get3A_353 : vector<512x512xi1>, vector<512x512xf32>
      %swap3A_357 = arith.constant 0 : index
      %swap3A_358 = arith.index_cast %multiple_of3A : i32 to index
      %swap3A_359 = vector.load %arg8[%swap3A_357, %swap3A_358] : memref<512x10240xf32, #tpu.memory_space<vmem>>, vector<512x512xf32>
      tpu.vector_store %arg8[%swap3A_357, %swap3A_358], %select_n3A {strides = array<i32>} : memref<512x10240xf32, #tpu.memory_space<vmem>>, vector<512x512xf32>,
      %reduce_min3A = arith.constant dense<0x7F800000> : vector<512xf32>
      %reduce_min3A_360 = vector.multi_reduction <minimumf>, %select_n3A, %reduce_min3A [1] : vector<512x512xf32> to vector<512xf32>
      %broadcast_in_dim3A_361 = vector.shape_cast %reduce_min3A_360 : vector<512xf32> to vector<512x1xf32>
      %eq3A_362 = vector.broadcast %broadcast_in_dim3A_361 : vector<512x1xf32> to vector<512x512xf32>
      %eq3A_363 = arith.cmpf oeq, %select_n3A, %eq3A_362 : vector<512x512xf32>
      %jit3A = arith.constant 10240 : i32
      %broadcast_in_dim3A_364 = vector.shape_cast %add3A_350 : vector<1x512xi32> to vector<1x512xi32>
      %broadcast_in_dim3A_365 = vector.broadcast %broadcast_in_dim3A_364 : vector<1x512xi32> to vector<512x512xi32>
      %broadcast_in_dim3A_366 = vector.broadcast %jit3A : i32 to vector<512x512xi32>
      %select_n3A_367 = arith.select %eq3A_363, %broadcast_in_dim3A_365, %broadcast_in_dim3A_366 : vector<512x512xi1>, vector<512x512xi32>
      %reduce_min3A_368 = arith.constant dense<2147483647> : vector<512xi32>
      %reduce_min3A_369 = vector.multi_reduction <minsi>, %select_n3A_367, %reduce_min3A_368 [1] : vector<512x512xi32> to vector<512xi32>
      %broadcast_in_dim3A_370 = vector.shape_cast %reduce_min3A_369 : vector<512xi32> to vector<512x1xi32>
      %lt3A = arith.cmpf olt, %broadcast_in_dim3A_361, %while3A_343 : vector<512x1xf32>
      %eq3A_371 = arith.cmpf oeq, %broadcast_in_dim3A_361, %while3A_343 : vector<512x1xf32>
      %lt3A_372 = arith.cmpi slt, %broadcast_in_dim3A_370, %while3A_344 : vector<512x1xi32>
      %and3A = arith.andi %eq3A_371, %lt3A_372 : vector<512x1xi1>
      %or3A = arith.ori %lt3A, %and3A : vector<512x1xi1>
      %select_n3A_373 = arith.select %or3A, %broadcast_in_dim3A_361, %while3A_343 : vector<512x1xi1>, vector<512x1xf32>
      %select_n3A_374 = arith.select %or3A, %broadcast_in_dim3A_370, %while3A_344 : vector<512x1xi1>, vector<512x1xi32>
      scf.yield %select_n3A_373, %select_n3A_374 : vector<512x1xf32>, vector<512x1xi32>
    }
    %broadcast_in_dim3A_260 = arith.constant 0x7F800000 : f32
    %broadcast_in_dim3A_261 = vector.broadcast %broadcast_in_dim3A_260 : f32 to vector<512x1xf32>
    %broadcast_in_dim3A_262 = arith.constant 10240 : i32
    %broadcast_in_dim3A_263 = vector.broadcast %broadcast_in_dim3A_262 : i32 to vector<512x1xi32>
    %while3A_264 = arith.constant 0x7F800000 : f32
    %while3A_265 = arith.constant 0 : i32
    %while3A_266 = arith.subi %get3A_2, %while3A_265 : i32
    %while3A_267 = arith.addi %while3A_265, %while3A_266 : i32
    %while3A_268 = arith.constant 1 : i32
    %while3A_269 = arith.divsi %while3A_266, %while3A_268 : i32
    %while3A_270 = arith.muli %while3A_269, %while3A_268 : i32
    %while3A_271 = arith.addi %while3A_265, %while3A_270 : i32
    %while3A_272 = arith.constant 1 : i32
    %while3A_273:2 = scf.for %while3A_342 = %while3A_265 to %while3A_271 step %while3A_272 iter_args(%while3A_343 = %broadcast_in_dim3A_261, %while3A_344 = %broadcast_in_dim3A_263) -> (vector<512x1xf32>, vector<512x1xi32>)  : i32 {
      %mul3A_345 = arith.constant 512 : i32
      %mul3A_346 = arith.muli %while3A_342, %mul3A_345 : i32
      %multiple_of3A = tpu.assume_multiple %mul3A_346, 512 : i32
      %mul3A_347 = arith.constant 512 : i32
      %mul3A_348 = arith.muli %while3A_342, %mul3A_347 : i32
      %add3A = arith.addi %get3A_0, %mul3A_348 : i32
      %add3A_349 = vector.broadcast %add3A : i32 to vector<1x512xi32>
      %add3A_350 = arith.addi %iota3A, %add3A_349 : vector<1x512xi32>
      %get3A_351 = arith.constant 0 : index
      %get3A_352 = arith.index_cast %multiple_of3A : i32 to index
      %get3A_353 = vector.load %arg8[%get3A_351, %get3A_352] : memref<512x10240xf32, #tpu.memory_space<vmem>>, vector<512x512xf32>
      %eq3A = vector.broadcast %add3A_350 : vector<1x512xi32> to vector<512x512xi32>
      %eq3A_354 = vector.broadcast %while3A_259#1 : vector<512x1xi32> to vector<512x512xi32>
      %eq3A_355 = arith.cmpi eq, %eq3A, %eq3A_354 : vector<512x512xi32>
      %broadcast_in_dim3A_356 = vector.broadcast %while3A_264 : f32 to vector<512x512xf32>
      %select_n3A = arith.select %eq3A_355, %broadcast_in_dim3A_356, %get3A_353 : vector<512x512xi1>, vector<512x512xf32>
      %swap3A_357 = arith.constant 0 : index
      %swap3A_358 = arith.index_cast %multiple_of3A : i32 to index
      %swap3A_359 = vector.load %arg8[%swap3A_357, %swap3A_358] : memref<512x10240xf32, #tpu.memory_space<vmem>>, vector<512x512xf32>
      tpu.vector_store %arg8[%swap3A_357, %swap3A_358], %select_n3A {strides = array<i32>} : memref<512x10240xf32, #tpu.memory_space<vmem>>, vector<512x512xf32>,
      %reduce_min3A = arith.constant dense<0x7F800000> : vector<512xf32>
      %reduce_min3A_360 = vector.multi_reduction <minimumf>, %select_n3A, %reduce_min3A [1] : vector<512x512xf32> to vector<512xf32>
      %broadcast_in_dim3A_361 = vector.shape_cast %reduce_min3A_360 : vector<512xf32> to vector<512x1xf32>
      %eq3A_362 = vector.broadcast %broadcast_in_dim3A_361 : vector<512x1xf32> to vector<512x512xf32>
      %eq3A_363 = arith.cmpf oeq, %select_n3A, %eq3A_362 : vector<512x512xf32>
      %jit3A = arith.constant 10240 : i32
      %broadcast_in_dim3A_364 = vector.shape_cast %add3A_350 : vector<1x512xi32> to vector<1x512xi32>
      %broadcast_in_dim3A_365 = vector.broadcast %broadcast_in_dim3A_364 : vector<1x512xi32> to vector<512x512xi32>
      %broadcast_in_dim3A_366 = vector.broadcast %jit3A : i32 to vector<512x512xi32>
      %select_n3A_367 = arith.select %eq3A_363, %broadcast_in_dim3A_365, %broadcast_in_dim3A_366 : vector<512x512xi1>, vector<512x512xi32>
      %reduce_min3A_368 = arith.constant dense<2147483647> : vector<512xi32>
      %reduce_min3A_369 = vector.multi_reduction <minsi>, %select_n3A_367, %reduce_min3A_368 [1] : vector<512x512xi32> to vector<512xi32>
      %broadcast_in_dim3A_370 = vector.shape_cast %reduce_min3A_369 : vector<512xi32> to vector<512x1xi32>
      %lt3A = arith.cmpf olt, %broadcast_in_dim3A_361, %while3A_343 : vector<512x1xf32>
      %eq3A_371 = arith.cmpf oeq, %broadcast_in_dim3A_361, %while3A_343 : vector<512x1xf32>
      %lt3A_372 = arith.cmpi slt, %broadcast_in_dim3A_370, %while3A_344 : vector<512x1xi32>
      %and3A = arith.andi %eq3A_371, %lt3A_372 : vector<512x1xi1>
      %or3A = arith.ori %lt3A, %and3A : vector<512x1xi1>
      %select_n3A_373 = arith.select %or3A, %broadcast_in_dim3A_361, %while3A_343 : vector<512x1xi1>, vector<512x1xf32>
      %select_n3A_374 = arith.select %or3A, %broadcast_in_dim3A_370, %while3A_344 : vector<512x1xi1>, vector<512x1xi32>
      scf.yield %select_n3A_373, %select_n3A_374 : vector<512x1xf32>, vector<512x1xi32>
    }
    %while3A_274 = arith.constant 1 : i32
    %while3A_275:2 = scf.for %while3A_342 = %while3A_271 to %while3A_267 step %while3A_274 iter_args(%while3A_343 = %while3A_273#0, %while3A_344 = %while3A_273#1) -> (vector<512x1xf32>, vector<512x1xi32>)  : i32 {
      %mul3A_345 = arith.constant 512 : i32
      %mul3A_346 = arith.muli %while3A_342, %mul3A_345 : i32
      %multiple_of3A = tpu.assume_multiple %mul3A_346, 512 : i32
      %mul3A_347 = arith.constant 512 : i32
      %mul3A_348 = arith.muli %while3A_342, %mul3A_347 : i32
      %add3A = arith.addi %get3A_0, %mul3A_348 : i32
      %add3A_349 = vector.broadcast %add3A : i32 to vector<1x512xi32>
      %add3A_350 = arith.addi %iota3A, %add3A_349 : vector<1x512xi32>
      %get3A_351 = arith.constant 0 : index
      %get3A_352 = arith.index_cast %multiple_of3A : i32 to index
      %get3A_353 = vector.load %arg8[%get3A_351, %get3A_352] : memref<512x10240xf32, #tpu.memory_space<vmem>>, vector<512x512xf32>
      %eq3A = vector.broadcast %add3A_350 : vector<1x512xi32> to vector<512x512xi32>
      %eq3A_354 = vector.broadcast %while3A_259#1 : vector<512x1xi32> to vector<512x512xi32>
      %eq3A_355 = arith.cmpi eq, %eq3A, %eq3A_354 : vector<512x512xi32>
      %broadcast_in_dim3A_356 = vector.broadcast %while3A_264 : f32 to vector<512x512xf32>
      %select_n3A = arith.select %eq3A_355, %broadcast_in_dim3A_356, %get3A_353 : vector<512x512xi1>, vector<512x512xf32>
      %swap3A_357 = arith.constant 0 : index
      %swap3A_358 = arith.index_cast %multiple_of3A : i32 to index
      %swap3A_359 = vector.load %arg8[%swap3A_357, %swap3A_358] : memref<512x10240xf32, #tpu.memory_space<vmem>>, vector<512x512xf32>
      tpu.vector_store %arg8[%swap3A_357, %swap3A_358], %select_n3A {strides = array<i32>} : memref<512x10240xf32, #tpu.memory_space<vmem>>, vector<512x512xf32>,
      %reduce_min3A = arith.constant dense<0x7F800000> : vector<512xf32>
      %reduce_min3A_360 = vector.multi_reduction <minimumf>, %select_n3A, %reduce_min3A [1] : vector<512x512xf32> to vector<512xf32>
      %broadcast_in_dim3A_361 = vector.shape_cast %reduce_min3A_360 : vector<512xf32> to vector<512x1xf32>
      %eq3A_362 = vector.broadcast %broadcast_in_dim3A_361 : vector<512x1xf32> to vector<512x512xf32>
      %eq3A_363 = arith.cmpf oeq, %select_n3A, %eq3A_362 : vector<512x512xf32>
      %jit3A = arith.constant 10240 : i32
      %broadcast_in_dim3A_364 = vector.shape_cast %add3A_350 : vector<1x512xi32> to vector<1x512xi32>
      %broadcast_in_dim3A_365 = vector.broadcast %broadcast_in_dim3A_364 : vector<1x512xi32> to vector<512x512xi32>
      %broadcast_in_dim3A_366 = vector.broadcast %jit3A : i32 to vector<512x512xi32>
      %select_n3A_367 = arith.select %eq3A_363, %broadcast_in_dim3A_365, %broadcast_in_dim3A_366 : vector<512x512xi1>, vector<512x512xi32>
      %reduce_min3A_368 = arith.constant dense<2147483647> : vector<512xi32>
      %reduce_min3A_369 = vector.multi_reduction <minsi>, %select_n3A_367, %reduce_min3A_368 [1] : vector<512x512xi32> to vector<512xi32>
      %broadcast_in_dim3A_370 = vector.shape_cast %reduce_min3A_369 : vector<512xi32> to vector<512x1xi32>
      %lt3A = arith.cmpf olt, %broadcast_in_dim3A_361, %while3A_343 : vector<512x1xf32>
      %eq3A_371 = arith.cmpf oeq, %broadcast_in_dim3A_361, %while3A_343 : vector<512x1xf32>
      %lt3A_372 = arith.cmpi slt, %broadcast_in_dim3A_370, %while3A_344 : vector<512x1xi32>
      %and3A = arith.andi %eq3A_371, %lt3A_372 : vector<512x1xi1>
      %or3A = arith.ori %lt3A, %and3A : vector<512x1xi1>
      %select_n3A_373 = arith.select %or3A, %broadcast_in_dim3A_361, %while3A_343 : vector<512x1xi1>, vector<512x1xf32>
      %select_n3A_374 = arith.select %or3A, %broadcast_in_dim3A_370, %while3A_344 : vector<512x1xi1>, vector<512x1xi32>
      scf.yield %select_n3A_373, %select_n3A_374 : vector<512x1xf32>, vector<512x1xi32>
    }
    %broadcast_in_dim3A_276 = arith.constant 0x7F800000 : f32
    %broadcast_in_dim3A_277 = vector.broadcast %broadcast_in_dim3A_276 : f32 to vector<512x1xf32>
    %broadcast_in_dim3A_278 = arith.constant 10240 : i32
    %broadcast_in_dim3A_279 = vector.broadcast %broadcast_in_dim3A_278 : i32 to vector<512x1xi32>
    %while3A_280 = arith.constant 0x7F800000 : f32
    %while3A_281 = arith.constant 0 : i32
    %while3A_282 = arith.subi %get3A_2, %while3A_281 : i32
    %while3A_283 = arith.addi %while3A_281, %while3A_282 : i32
    %while3A_284 = arith.constant 1 : i32
    %while3A_285 = arith.divsi %while3A_282, %while3A_284 : i32
    %while3A_286 = arith.muli %while3A_285, %while3A_284 : i32
    %while3A_287 = arith.addi %while3A_281, %while3A_286 : i32
    %while3A_288 = arith.constant 1 : i32
    %while3A_289:2 = scf.for %while3A_342 = %while3A_281 to %while3A_287 step %while3A_288 iter_args(%while3A_343 = %broadcast_in_dim3A_277, %while3A_344 = %broadcast_in_dim3A_279) -> (vector<512x1xf32>, vector<512x1xi32>)  : i32 {
      %mul3A_345 = arith.constant 512 : i32
      %mul3A_346 = arith.muli %while3A_342, %mul3A_345 : i32
      %multiple_of3A = tpu.assume_multiple %mul3A_346, 512 : i32
      %mul3A_347 = arith.constant 512 : i32
      %mul3A_348 = arith.muli %while3A_342, %mul3A_347 : i32
      %add3A = arith.addi %get3A_0, %mul3A_348 : i32
      %add3A_349 = vector.broadcast %add3A : i32 to vector<1x512xi32>
      %add3A_350 = arith.addi %iota3A, %add3A_349 : vector<1x512xi32>
      %get3A_351 = arith.constant 0 : index
      %get3A_352 = arith.index_cast %multiple_of3A : i32 to index
      %get3A_353 = vector.load %arg8[%get3A_351, %get3A_352] : memref<512x10240xf32, #tpu.memory_space<vmem>>, vector<512x512xf32>
      %eq3A = vector.broadcast %add3A_350 : vector<1x512xi32> to vector<512x512xi32>
      %eq3A_354 = vector.broadcast %while3A_275#1 : vector<512x1xi32> to vector<512x512xi32>
      %eq3A_355 = arith.cmpi eq, %eq3A, %eq3A_354 : vector<512x512xi32>
      %broadcast_in_dim3A_356 = vector.broadcast %while3A_280 : f32 to vector<512x512xf32>
      %select_n3A = arith.select %eq3A_355, %broadcast_in_dim3A_356, %get3A_353 : vector<512x512xi1>, vector<512x512xf32>
      %swap3A_357 = arith.constant 0 : index
      %swap3A_358 = arith.index_cast %multiple_of3A : i32 to index
      %swap3A_359 = vector.load %arg8[%swap3A_357, %swap3A_358] : memref<512x10240xf32, #tpu.memory_space<vmem>>, vector<512x512xf32>
      tpu.vector_store %arg8[%swap3A_357, %swap3A_358], %select_n3A {strides = array<i32>} : memref<512x10240xf32, #tpu.memory_space<vmem>>, vector<512x512xf32>,
      %reduce_min3A = arith.constant dense<0x7F800000> : vector<512xf32>
      %reduce_min3A_360 = vector.multi_reduction <minimumf>, %select_n3A, %reduce_min3A [1] : vector<512x512xf32> to vector<512xf32>
      %broadcast_in_dim3A_361 = vector.shape_cast %reduce_min3A_360 : vector<512xf32> to vector<512x1xf32>
      %eq3A_362 = vector.broadcast %broadcast_in_dim3A_361 : vector<512x1xf32> to vector<512x512xf32>
      %eq3A_363 = arith.cmpf oeq, %select_n3A, %eq3A_362 : vector<512x512xf32>
      %jit3A = arith.constant 10240 : i32
      %broadcast_in_dim3A_364 = vector.shape_cast %add3A_350 : vector<1x512xi32> to vector<1x512xi32>
      %broadcast_in_dim3A_365 = vector.broadcast %broadcast_in_dim3A_364 : vector<1x512xi32> to vector<512x512xi32>
      %broadcast_in_dim3A_366 = vector.broadcast %jit3A : i32 to vector<512x512xi32>
      %select_n3A_367 = arith.select %eq3A_363, %broadcast_in_dim3A_365, %broadcast_in_dim3A_366 : vector<512x512xi1>, vector<512x512xi32>
      %reduce_min3A_368 = arith.constant dense<2147483647> : vector<512xi32>
      %reduce_min3A_369 = vector.multi_reduction <minsi>, %select_n3A_367, %reduce_min3A_368 [1] : vector<512x512xi32> to vector<512xi32>
      %broadcast_in_dim3A_370 = vector.shape_cast %reduce_min3A_369 : vector<512xi32> to vector<512x1xi32>
      %lt3A = arith.cmpf olt, %broadcast_in_dim3A_361, %while3A_343 : vector<512x1xf32>
      %eq3A_371 = arith.cmpf oeq, %broadcast_in_dim3A_361, %while3A_343 : vector<512x1xf32>
      %lt3A_372 = arith.cmpi slt, %broadcast_in_dim3A_370, %while3A_344 : vector<512x1xi32>
      %and3A = arith.andi %eq3A_371, %lt3A_372 : vector<512x1xi1>
      %or3A = arith.ori %lt3A, %and3A : vector<512x1xi1>
      %select_n3A_373 = arith.select %or3A, %broadcast_in_dim3A_361, %while3A_343 : vector<512x1xi1>, vector<512x1xf32>
      %select_n3A_374 = arith.select %or3A, %broadcast_in_dim3A_370, %while3A_344 : vector<512x1xi1>, vector<512x1xi32>
      scf.yield %select_n3A_373, %select_n3A_374 : vector<512x1xf32>, vector<512x1xi32>
    }
    %while3A_290 = arith.constant 1 : i32
    %while3A_291:2 = scf.for %while3A_342 = %while3A_287 to %while3A_283 step %while3A_290 iter_args(%while3A_343 = %while3A_289#0, %while3A_344 = %while3A_289#1) -> (vector<512x1xf32>, vector<512x1xi32>)  : i32 {
      %mul3A_345 = arith.constant 512 : i32
      %mul3A_346 = arith.muli %while3A_342, %mul3A_345 : i32
      %multiple_of3A = tpu.assume_multiple %mul3A_346, 512 : i32
      %mul3A_347 = arith.constant 512 : i32
      %mul3A_348 = arith.muli %while3A_342, %mul3A_347 : i32
      %add3A = arith.addi %get3A_0, %mul3A_348 : i32
      %add3A_349 = vector.broadcast %add3A : i32 to vector<1x512xi32>
      %add3A_350 = arith.addi %iota3A, %add3A_349 : vector<1x512xi32>
      %get3A_351 = arith.constant 0 : index
      %get3A_352 = arith.index_cast %multiple_of3A : i32 to index
      %get3A_353 = vector.load %arg8[%get3A_351, %get3A_352] : memref<512x10240xf32, #tpu.memory_space<vmem>>, vector<512x512xf32>
      %eq3A = vector.broadcast %add3A_350 : vector<1x512xi32> to vector<512x512xi32>
      %eq3A_354 = vector.broadcast %while3A_275#1 : vector<512x1xi32> to vector<512x512xi32>
      %eq3A_355 = arith.cmpi eq, %eq3A, %eq3A_354 : vector<512x512xi32>
      %broadcast_in_dim3A_356 = vector.broadcast %while3A_280 : f32 to vector<512x512xf32>
      %select_n3A = arith.select %eq3A_355, %broadcast_in_dim3A_356, %get3A_353 : vector<512x512xi1>, vector<512x512xf32>
      %swap3A_357 = arith.constant 0 : index
      %swap3A_358 = arith.index_cast %multiple_of3A : i32 to index
      %swap3A_359 = vector.load %arg8[%swap3A_357, %swap3A_358] : memref<512x10240xf32, #tpu.memory_space<vmem>>, vector<512x512xf32>
      tpu.vector_store %arg8[%swap3A_357, %swap3A_358], %select_n3A {strides = array<i32>} : memref<512x10240xf32, #tpu.memory_space<vmem>>, vector<512x512xf32>,
      %reduce_min3A = arith.constant dense<0x7F800000> : vector<512xf32>
      %reduce_min3A_360 = vector.multi_reduction <minimumf>, %select_n3A, %reduce_min3A [1] : vector<512x512xf32> to vector<512xf32>
      %broadcast_in_dim3A_361 = vector.shape_cast %reduce_min3A_360 : vector<512xf32> to vector<512x1xf32>
      %eq3A_362 = vector.broadcast %broadcast_in_dim3A_361 : vector<512x1xf32> to vector<512x512xf32>
      %eq3A_363 = arith.cmpf oeq, %select_n3A, %eq3A_362 : vector<512x512xf32>
      %jit3A = arith.constant 10240 : i32
      %broadcast_in_dim3A_364 = vector.shape_cast %add3A_350 : vector<1x512xi32> to vector<1x512xi32>
      %broadcast_in_dim3A_365 = vector.broadcast %broadcast_in_dim3A_364 : vector<1x512xi32> to vector<512x512xi32>
      %broadcast_in_dim3A_366 = vector.broadcast %jit3A : i32 to vector<512x512xi32>
      %select_n3A_367 = arith.select %eq3A_363, %broadcast_in_dim3A_365, %broadcast_in_dim3A_366 : vector<512x512xi1>, vector<512x512xi32>
      %reduce_min3A_368 = arith.constant dense<2147483647> : vector<512xi32>
      %reduce_min3A_369 = vector.multi_reduction <minsi>, %select_n3A_367, %reduce_min3A_368 [1] : vector<512x512xi32> to vector<512xi32>
      %broadcast_in_dim3A_370 = vector.shape_cast %reduce_min3A_369 : vector<512xi32> to vector<512x1xi32>
      %lt3A = arith.cmpf olt, %broadcast_in_dim3A_361, %while3A_343 : vector<512x1xf32>
      %eq3A_371 = arith.cmpf oeq, %broadcast_in_dim3A_361, %while3A_343 : vector<512x1xf32>
      %lt3A_372 = arith.cmpi slt, %broadcast_in_dim3A_370, %while3A_344 : vector<512x1xi32>
      %and3A = arith.andi %eq3A_371, %lt3A_372 : vector<512x1xi1>
      %or3A = arith.ori %lt3A, %and3A : vector<512x1xi1>
      %select_n3A_373 = arith.select %or3A, %broadcast_in_dim3A_361, %while3A_343 : vector<512x1xi1>, vector<512x1xf32>
      %select_n3A_374 = arith.select %or3A, %broadcast_in_dim3A_370, %while3A_344 : vector<512x1xi1>, vector<512x1xi32>
      scf.yield %select_n3A_373, %select_n3A_374 : vector<512x1xf32>, vector<512x1xi32>
    }
    %broadcast_in_dim3A_292 = arith.constant 0x7F800000 : f32
    %broadcast_in_dim3A_293 = vector.broadcast %broadcast_in_dim3A_292 : f32 to vector<512x1xf32>
    %broadcast_in_dim3A_294 = arith.constant 10240 : i32
    %broadcast_in_dim3A_295 = vector.broadcast %broadcast_in_dim3A_294 : i32 to vector<512x1xi32>
    %while3A_296 = arith.constant 0x7F800000 : f32
    %while3A_297 = arith.constant 0 : i32
    %while3A_298 = arith.subi %get3A_2, %while3A_297 : i32
    %while3A_299 = arith.addi %while3A_297, %while3A_298 : i32
    %while3A_300 = arith.constant 1 : i32
    %while3A_301 = arith.divsi %while3A_298, %while3A_300 : i32
    %while3A_302 = arith.muli %while3A_301, %while3A_300 : i32
    %while3A_303 = arith.addi %while3A_297, %while3A_302 : i32
    %while3A_304 = arith.constant 1 : i32
    %while3A_305:2 = scf.for %while3A_342 = %while3A_297 to %while3A_303 step %while3A_304 iter_args(%while3A_343 = %broadcast_in_dim3A_293, %while3A_344 = %broadcast_in_dim3A_295) -> (vector<512x1xf32>, vector<512x1xi32>)  : i32 {
      %mul3A_345 = arith.constant 512 : i32
      %mul3A_346 = arith.muli %while3A_342, %mul3A_345 : i32
      %multiple_of3A = tpu.assume_multiple %mul3A_346, 512 : i32
      %mul3A_347 = arith.constant 512 : i32
      %mul3A_348 = arith.muli %while3A_342, %mul3A_347 : i32
      %add3A = arith.addi %get3A_0, %mul3A_348 : i32
      %add3A_349 = vector.broadcast %add3A : i32 to vector<1x512xi32>
      %add3A_350 = arith.addi %iota3A, %add3A_349 : vector<1x512xi32>
      %get3A_351 = arith.constant 0 : index
      %get3A_352 = arith.index_cast %multiple_of3A : i32 to index
      %get3A_353 = vector.load %arg8[%get3A_351, %get3A_352] : memref<512x10240xf32, #tpu.memory_space<vmem>>, vector<512x512xf32>
      %eq3A = vector.broadcast %add3A_350 : vector<1x512xi32> to vector<512x512xi32>
      %eq3A_354 = vector.broadcast %while3A_291#1 : vector<512x1xi32> to vector<512x512xi32>
      %eq3A_355 = arith.cmpi eq, %eq3A, %eq3A_354 : vector<512x512xi32>
      %broadcast_in_dim3A_356 = vector.broadcast %while3A_296 : f32 to vector<512x512xf32>
      %select_n3A = arith.select %eq3A_355, %broadcast_in_dim3A_356, %get3A_353 : vector<512x512xi1>, vector<512x512xf32>
      %swap3A_357 = arith.constant 0 : index
      %swap3A_358 = arith.index_cast %multiple_of3A : i32 to index
      %swap3A_359 = vector.load %arg8[%swap3A_357, %swap3A_358] : memref<512x10240xf32, #tpu.memory_space<vmem>>, vector<512x512xf32>
      tpu.vector_store %arg8[%swap3A_357, %swap3A_358], %select_n3A {strides = array<i32>} : memref<512x10240xf32, #tpu.memory_space<vmem>>, vector<512x512xf32>,
      %reduce_min3A = arith.constant dense<0x7F800000> : vector<512xf32>
      %reduce_min3A_360 = vector.multi_reduction <minimumf>, %select_n3A, %reduce_min3A [1] : vector<512x512xf32> to vector<512xf32>
      %broadcast_in_dim3A_361 = vector.shape_cast %reduce_min3A_360 : vector<512xf32> to vector<512x1xf32>
      %eq3A_362 = vector.broadcast %broadcast_in_dim3A_361 : vector<512x1xf32> to vector<512x512xf32>
      %eq3A_363 = arith.cmpf oeq, %select_n3A, %eq3A_362 : vector<512x512xf32>
      %jit3A = arith.constant 10240 : i32
      %broadcast_in_dim3A_364 = vector.shape_cast %add3A_350 : vector<1x512xi32> to vector<1x512xi32>
      %broadcast_in_dim3A_365 = vector.broadcast %broadcast_in_dim3A_364 : vector<1x512xi32> to vector<512x512xi32>
      %broadcast_in_dim3A_366 = vector.broadcast %jit3A : i32 to vector<512x512xi32>
      %select_n3A_367 = arith.select %eq3A_363, %broadcast_in_dim3A_365, %broadcast_in_dim3A_366 : vector<512x512xi1>, vector<512x512xi32>
      %reduce_min3A_368 = arith.constant dense<2147483647> : vector<512xi32>
      %reduce_min3A_369 = vector.multi_reduction <minsi>, %select_n3A_367, %reduce_min3A_368 [1] : vector<512x512xi32> to vector<512xi32>
      %broadcast_in_dim3A_370 = vector.shape_cast %reduce_min3A_369 : vector<512xi32> to vector<512x1xi32>
      %lt3A = arith.cmpf olt, %broadcast_in_dim3A_361, %while3A_343 : vector<512x1xf32>
      %eq3A_371 = arith.cmpf oeq, %broadcast_in_dim3A_361, %while3A_343 : vector<512x1xf32>
      %lt3A_372 = arith.cmpi slt, %broadcast_in_dim3A_370, %while3A_344 : vector<512x1xi32>
      %and3A = arith.andi %eq3A_371, %lt3A_372 : vector<512x1xi1>
      %or3A = arith.ori %lt3A, %and3A : vector<512x1xi1>
      %select_n3A_373 = arith.select %or3A, %broadcast_in_dim3A_361, %while3A_343 : vector<512x1xi1>, vector<512x1xf32>
      %select_n3A_374 = arith.select %or3A, %broadcast_in_dim3A_370, %while3A_344 : vector<512x1xi1>, vector<512x1xi32>
      scf.yield %select_n3A_373, %select_n3A_374 : vector<512x1xf32>, vector<512x1xi32>
    }
    %while3A_306 = arith.constant 1 : i32
    %while3A_307:2 = scf.for %while3A_342 = %while3A_303 to %while3A_299 step %while3A_306 iter_args(%while3A_343 = %while3A_305#0, %while3A_344 = %while3A_305#1) -> (vector<512x1xf32>, vector<512x1xi32>)  : i32 {
      %mul3A_345 = arith.constant 512 : i32
      %mul3A_346 = arith.muli %while3A_342, %mul3A_345 : i32
      %multiple_of3A = tpu.assume_multiple %mul3A_346, 512 : i32
      %mul3A_347 = arith.constant 512 : i32
      %mul3A_348 = arith.muli %while3A_342, %mul3A_347 : i32
      %add3A = arith.addi %get3A_0, %mul3A_348 : i32
      %add3A_349 = vector.broadcast %add3A : i32 to vector<1x512xi32>
      %add3A_350 = arith.addi %iota3A, %add3A_349 : vector<1x512xi32>
      %get3A_351 = arith.constant 0 : index
      %get3A_352 = arith.index_cast %multiple_of3A : i32 to index
      %get3A_353 = vector.load %arg8[%get3A_351, %get3A_352] : memref<512x10240xf32, #tpu.memory_space<vmem>>, vector<512x512xf32>
      %eq3A = vector.broadcast %add3A_350 : vector<1x512xi32> to vector<512x512xi32>
      %eq3A_354 = vector.broadcast %while3A_291#1 : vector<512x1xi32> to vector<512x512xi32>
      %eq3A_355 = arith.cmpi eq, %eq3A, %eq3A_354 : vector<512x512xi32>
      %broadcast_in_dim3A_356 = vector.broadcast %while3A_296 : f32 to vector<512x512xf32>
      %select_n3A = arith.select %eq3A_355, %broadcast_in_dim3A_356, %get3A_353 : vector<512x512xi1>, vector<512x512xf32>
      %swap3A_357 = arith.constant 0 : index
      %swap3A_358 = arith.index_cast %multiple_of3A : i32 to index
      %swap3A_359 = vector.load %arg8[%swap3A_357, %swap3A_358] : memref<512x10240xf32, #tpu.memory_space<vmem>>, vector<512x512xf32>
      tpu.vector_store %arg8[%swap3A_357, %swap3A_358], %select_n3A {strides = array<i32>} : memref<512x10240xf32, #tpu.memory_space<vmem>>, vector<512x512xf32>,
      %reduce_min3A = arith.constant dense<0x7F800000> : vector<512xf32>
      %reduce_min3A_360 = vector.multi_reduction <minimumf>, %select_n3A, %reduce_min3A [1] : vector<512x512xf32> to vector<512xf32>
      %broadcast_in_dim3A_361 = vector.shape_cast %reduce_min3A_360 : vector<512xf32> to vector<512x1xf32>
      %eq3A_362 = vector.broadcast %broadcast_in_dim3A_361 : vector<512x1xf32> to vector<512x512xf32>
      %eq3A_363 = arith.cmpf oeq, %select_n3A, %eq3A_362 : vector<512x512xf32>
      %jit3A = arith.constant 10240 : i32
      %broadcast_in_dim3A_364 = vector.shape_cast %add3A_350 : vector<1x512xi32> to vector<1x512xi32>
      %broadcast_in_dim3A_365 = vector.broadcast %broadcast_in_dim3A_364 : vector<1x512xi32> to vector<512x512xi32>
      %broadcast_in_dim3A_366 = vector.broadcast %jit3A : i32 to vector<512x512xi32>
      %select_n3A_367 = arith.select %eq3A_363, %broadcast_in_dim3A_365, %broadcast_in_dim3A_366 : vector<512x512xi1>, vector<512x512xi32>
      %reduce_min3A_368 = arith.constant dense<2147483647> : vector<512xi32>
      %reduce_min3A_369 = vector.multi_reduction <minsi>, %select_n3A_367, %reduce_min3A_368 [1] : vector<512x512xi32> to vector<512xi32>
      %broadcast_in_dim3A_370 = vector.shape_cast %reduce_min3A_369 : vector<512xi32> to vector<512x1xi32>
      %lt3A = arith.cmpf olt, %broadcast_in_dim3A_361, %while3A_343 : vector<512x1xf32>
      %eq3A_371 = arith.cmpf oeq, %broadcast_in_dim3A_361, %while3A_343 : vector<512x1xf32>
      %lt3A_372 = arith.cmpi slt, %broadcast_in_dim3A_370, %while3A_344 : vector<512x1xi32>
      %and3A = arith.andi %eq3A_371, %lt3A_372 : vector<512x1xi1>
      %or3A = arith.ori %lt3A, %and3A : vector<512x1xi1>
      %select_n3A_373 = arith.select %or3A, %broadcast_in_dim3A_361, %while3A_343 : vector<512x1xi1>, vector<512x1xf32>
      %select_n3A_374 = arith.select %or3A, %broadcast_in_dim3A_370, %while3A_344 : vector<512x1xi1>, vector<512x1xi32>
      scf.yield %select_n3A_373, %select_n3A_374 : vector<512x1xf32>, vector<512x1xi32>
    }
    %broadcast_in_dim3A_308 = arith.constant 0x7F800000 : f32
    %broadcast_in_dim3A_309 = vector.broadcast %broadcast_in_dim3A_308 : f32 to vector<512x1xf32>
    %broadcast_in_dim3A_310 = arith.constant 10240 : i32
    %broadcast_in_dim3A_311 = vector.broadcast %broadcast_in_dim3A_310 : i32 to vector<512x1xi32>
    %while3A_312 = arith.constant 0x7F800000 : f32
    %while3A_313 = arith.constant 0 : i32
    %while3A_314 = arith.subi %get3A_2, %while3A_313 : i32
    %while3A_315 = arith.addi %while3A_313, %while3A_314 : i32
    %while3A_316 = arith.constant 1 : i32
    %while3A_317 = arith.divsi %while3A_314, %while3A_316 : i32
    %while3A_318 = arith.muli %while3A_317, %while3A_316 : i32
    %while3A_319 = arith.addi %while3A_313, %while3A_318 : i32
    %while3A_320 = arith.constant 1 : i32
    %while3A_321:2 = scf.for %while3A_342 = %while3A_313 to %while3A_319 step %while3A_320 iter_args(%while3A_343 = %broadcast_in_dim3A_309, %while3A_344 = %broadcast_in_dim3A_311) -> (vector<512x1xf32>, vector<512x1xi32>)  : i32 {
      %mul3A_345 = arith.constant 512 : i32
      %mul3A_346 = arith.muli %while3A_342, %mul3A_345 : i32
      %multiple_of3A = tpu.assume_multiple %mul3A_346, 512 : i32
      %mul3A_347 = arith.constant 512 : i32
      %mul3A_348 = arith.muli %while3A_342, %mul3A_347 : i32
      %add3A = arith.addi %get3A_0, %mul3A_348 : i32
      %add3A_349 = vector.broadcast %add3A : i32 to vector<1x512xi32>
      %add3A_350 = arith.addi %iota3A, %add3A_349 : vector<1x512xi32>
      %get3A_351 = arith.constant 0 : index
      %get3A_352 = arith.index_cast %multiple_of3A : i32 to index
      %get3A_353 = vector.load %arg8[%get3A_351, %get3A_352] : memref<512x10240xf32, #tpu.memory_space<vmem>>, vector<512x512xf32>
      %eq3A = vector.broadcast %add3A_350 : vector<1x512xi32> to vector<512x512xi32>
      %eq3A_354 = vector.broadcast %while3A_307#1 : vector<512x1xi32> to vector<512x512xi32>
      %eq3A_355 = arith.cmpi eq, %eq3A, %eq3A_354 : vector<512x512xi32>
      %broadcast_in_dim3A_356 = vector.broadcast %while3A_312 : f32 to vector<512x512xf32>
      %select_n3A = arith.select %eq3A_355, %broadcast_in_dim3A_356, %get3A_353 : vector<512x512xi1>, vector<512x512xf32>
      %swap3A_357 = arith.constant 0 : index
      %swap3A_358 = arith.index_cast %multiple_of3A : i32 to index
      %swap3A_359 = vector.load %arg8[%swap3A_357, %swap3A_358] : memref<512x10240xf32, #tpu.memory_space<vmem>>, vector<512x512xf32>
      tpu.vector_store %arg8[%swap3A_357, %swap3A_358], %select_n3A {strides = array<i32>} : memref<512x10240xf32, #tpu.memory_space<vmem>>, vector<512x512xf32>,
      %reduce_min3A = arith.constant dense<0x7F800000> : vector<512xf32>
      %reduce_min3A_360 = vector.multi_reduction <minimumf>, %select_n3A, %reduce_min3A [1] : vector<512x512xf32> to vector<512xf32>
      %broadcast_in_dim3A_361 = vector.shape_cast %reduce_min3A_360 : vector<512xf32> to vector<512x1xf32>
      %eq3A_362 = vector.broadcast %broadcast_in_dim3A_361 : vector<512x1xf32> to vector<512x512xf32>
      %eq3A_363 = arith.cmpf oeq, %select_n3A, %eq3A_362 : vector<512x512xf32>
      %jit3A = arith.constant 10240 : i32
      %broadcast_in_dim3A_364 = vector.shape_cast %add3A_350 : vector<1x512xi32> to vector<1x512xi32>
      %broadcast_in_dim3A_365 = vector.broadcast %broadcast_in_dim3A_364 : vector<1x512xi32> to vector<512x512xi32>
      %broadcast_in_dim3A_366 = vector.broadcast %jit3A : i32 to vector<512x512xi32>
      %select_n3A_367 = arith.select %eq3A_363, %broadcast_in_dim3A_365, %broadcast_in_dim3A_366 : vector<512x512xi1>, vector<512x512xi32>
      %reduce_min3A_368 = arith.constant dense<2147483647> : vector<512xi32>
      %reduce_min3A_369 = vector.multi_reduction <minsi>, %select_n3A_367, %reduce_min3A_368 [1] : vector<512x512xi32> to vector<512xi32>
      %broadcast_in_dim3A_370 = vector.shape_cast %reduce_min3A_369 : vector<512xi32> to vector<512x1xi32>
      %lt3A = arith.cmpf olt, %broadcast_in_dim3A_361, %while3A_343 : vector<512x1xf32>
      %eq3A_371 = arith.cmpf oeq, %broadcast_in_dim3A_361, %while3A_343 : vector<512x1xf32>
      %lt3A_372 = arith.cmpi slt, %broadcast_in_dim3A_370, %while3A_344 : vector<512x1xi32>
      %and3A = arith.andi %eq3A_371, %lt3A_372 : vector<512x1xi1>
      %or3A = arith.ori %lt3A, %and3A : vector<512x1xi1>
      %select_n3A_373 = arith.select %or3A, %broadcast_in_dim3A_361, %while3A_343 : vector<512x1xi1>, vector<512x1xf32>
      %select_n3A_374 = arith.select %or3A, %broadcast_in_dim3A_370, %while3A_344 : vector<512x1xi1>, vector<512x1xi32>
      scf.yield %select_n3A_373, %select_n3A_374 : vector<512x1xf32>, vector<512x1xi32>
    }
    %while3A_322 = arith.constant 1 : i32
    %while3A_323:2 = scf.for %while3A_342 = %while3A_319 to %while3A_315 step %while3A_322 iter_args(%while3A_343 = %while3A_321#0, %while3A_344 = %while3A_321#1) -> (vector<512x1xf32>, vector<512x1xi32>)  : i32 {
      %mul3A_345 = arith.constant 512 : i32
      %mul3A_346 = arith.muli %while3A_342, %mul3A_345 : i32
      %multiple_of3A = tpu.assume_multiple %mul3A_346, 512 : i32
      %mul3A_347 = arith.constant 512 : i32
      %mul3A_348 = arith.muli %while3A_342, %mul3A_347 : i32
      %add3A = arith.addi %get3A_0, %mul3A_348 : i32
      %add3A_349 = vector.broadcast %add3A : i32 to vector<1x512xi32>
      %add3A_350 = arith.addi %iota3A, %add3A_349 : vector<1x512xi32>
      %get3A_351 = arith.constant 0 : index
      %get3A_352 = arith.index_cast %multiple_of3A : i32 to index
      %get3A_353 = vector.load %arg8[%get3A_351, %get3A_352] : memref<512x10240xf32, #tpu.memory_space<vmem>>, vector<512x512xf32>
      %eq3A = vector.broadcast %add3A_350 : vector<1x512xi32> to vector<512x512xi32>
      %eq3A_354 = vector.broadcast %while3A_307#1 : vector<512x1xi32> to vector<512x512xi32>
      %eq3A_355 = arith.cmpi eq, %eq3A, %eq3A_354 : vector<512x512xi32>
      %broadcast_in_dim3A_356 = vector.broadcast %while3A_312 : f32 to vector<512x512xf32>
      %select_n3A = arith.select %eq3A_355, %broadcast_in_dim3A_356, %get3A_353 : vector<512x512xi1>, vector<512x512xf32>
      %swap3A_357 = arith.constant 0 : index
      %swap3A_358 = arith.index_cast %multiple_of3A : i32 to index
      %swap3A_359 = vector.load %arg8[%swap3A_357, %swap3A_358] : memref<512x10240xf32, #tpu.memory_space<vmem>>, vector<512x512xf32>
      tpu.vector_store %arg8[%swap3A_357, %swap3A_358], %select_n3A {strides = array<i32>} : memref<512x10240xf32, #tpu.memory_space<vmem>>, vector<512x512xf32>,
      %reduce_min3A = arith.constant dense<0x7F800000> : vector<512xf32>
      %reduce_min3A_360 = vector.multi_reduction <minimumf>, %select_n3A, %reduce_min3A [1] : vector<512x512xf32> to vector<512xf32>
      %broadcast_in_dim3A_361 = vector.shape_cast %reduce_min3A_360 : vector<512xf32> to vector<512x1xf32>
      %eq3A_362 = vector.broadcast %broadcast_in_dim3A_361 : vector<512x1xf32> to vector<512x512xf32>
      %eq3A_363 = arith.cmpf oeq, %select_n3A, %eq3A_362 : vector<512x512xf32>
      %jit3A = arith.constant 10240 : i32
      %broadcast_in_dim3A_364 = vector.shape_cast %add3A_350 : vector<1x512xi32> to vector<1x512xi32>
      %broadcast_in_dim3A_365 = vector.broadcast %broadcast_in_dim3A_364 : vector<1x512xi32> to vector<512x512xi32>
      %broadcast_in_dim3A_366 = vector.broadcast %jit3A : i32 to vector<512x512xi32>
      %select_n3A_367 = arith.select %eq3A_363, %broadcast_in_dim3A_365, %broadcast_in_dim3A_366 : vector<512x512xi1>, vector<512x512xi32>
      %reduce_min3A_368 = arith.constant dense<2147483647> : vector<512xi32>
      %reduce_min3A_369 = vector.multi_reduction <minsi>, %select_n3A_367, %reduce_min3A_368 [1] : vector<512x512xi32> to vector<512xi32>
      %broadcast_in_dim3A_370 = vector.shape_cast %reduce_min3A_369 : vector<512xi32> to vector<512x1xi32>
      %lt3A = arith.cmpf olt, %broadcast_in_dim3A_361, %while3A_343 : vector<512x1xf32>
      %eq3A_371 = arith.cmpf oeq, %broadcast_in_dim3A_361, %while3A_343 : vector<512x1xf32>
      %lt3A_372 = arith.cmpi slt, %broadcast_in_dim3A_370, %while3A_344 : vector<512x1xi32>
      %and3A = arith.andi %eq3A_371, %lt3A_372 : vector<512x1xi1>
      %or3A = arith.ori %lt3A, %and3A : vector<512x1xi1>
      %select_n3A_373 = arith.select %or3A, %broadcast_in_dim3A_361, %while3A_343 : vector<512x1xi1>, vector<512x1xf32>
      %select_n3A_374 = arith.select %or3A, %broadcast_in_dim3A_370, %while3A_344 : vector<512x1xi1>, vector<512x1xi32>
      scf.yield %select_n3A_373, %select_n3A_374 : vector<512x1xf32>, vector<512x1xi32>
    }
    %broadcast_in_dim3A_324 = arith.constant 0x7F800000 : f32
    %broadcast_in_dim3A_325 = vector.broadcast %broadcast_in_dim3A_324 : f32 to vector<512x1xf32>
    %broadcast_in_dim3A_326 = arith.constant 10240 : i32
    %broadcast_in_dim3A_327 = vector.broadcast %broadcast_in_dim3A_326 : i32 to vector<512x1xi32>
    %while3A_328 = arith.constant 0x7F800000 : f32
    %while3A_329 = arith.constant 0 : i32
    %while3A_330 = arith.subi %get3A_2, %while3A_329 : i32
    %while3A_331 = arith.addi %while3A_329, %while3A_330 : i32
    %while3A_332 = arith.constant 1 : i32
    %while3A_333 = arith.divsi %while3A_330, %while3A_332 : i32
    %while3A_334 = arith.muli %while3A_333, %while3A_332 : i32
    %while3A_335 = arith.addi %while3A_329, %while3A_334 : i32
    %while3A_336 = arith.constant 1 : i32
    %while3A_337:2 = scf.for %while3A_342 = %while3A_329 to %while3A_335 step %while3A_336 iter_args(%while3A_343 = %broadcast_in_dim3A_325, %while3A_344 = %broadcast_in_dim3A_327) -> (vector<512x1xf32>, vector<512x1xi32>)  : i32 {
      %mul3A_345 = arith.constant 512 : i32
      %mul3A_346 = arith.muli %while3A_342, %mul3A_345 : i32
      %multiple_of3A = tpu.assume_multiple %mul3A_346, 512 : i32
      %mul3A_347 = arith.constant 512 : i32
      %mul3A_348 = arith.muli %while3A_342, %mul3A_347 : i32
      %add3A = arith.addi %get3A_0, %mul3A_348 : i32
      %add3A_349 = vector.broadcast %add3A : i32 to vector<1x512xi32>
      %add3A_350 = arith.addi %iota3A, %add3A_349 : vector<1x512xi32>
      %get3A_351 = arith.constant 0 : index
      %get3A_352 = arith.index_cast %multiple_of3A : i32 to index
      %get3A_353 = vector.load %arg8[%get3A_351, %get3A_352] : memref<512x10240xf32, #tpu.memory_space<vmem>>, vector<512x512xf32>
      %eq3A = vector.broadcast %add3A_350 : vector<1x512xi32> to vector<512x512xi32>
      %eq3A_354 = vector.broadcast %while3A_323#1 : vector<512x1xi32> to vector<512x512xi32>
      %eq3A_355 = arith.cmpi eq, %eq3A, %eq3A_354 : vector<512x512xi32>
      %broadcast_in_dim3A_356 = vector.broadcast %while3A_328 : f32 to vector<512x512xf32>
      %select_n3A = arith.select %eq3A_355, %broadcast_in_dim3A_356, %get3A_353 : vector<512x512xi1>, vector<512x512xf32>
      %swap3A_357 = arith.constant 0 : index
      %swap3A_358 = arith.index_cast %multiple_of3A : i32 to index
      %swap3A_359 = vector.load %arg8[%swap3A_357, %swap3A_358] : memref<512x10240xf32, #tpu.memory_space<vmem>>, vector<512x512xf32>
      tpu.vector_store %arg8[%swap3A_357, %swap3A_358], %select_n3A {strides = array<i32>} : memref<512x10240xf32, #tpu.memory_space<vmem>>, vector<512x512xf32>,
      %reduce_min3A = arith.constant dense<0x7F800000> : vector<512xf32>
      %reduce_min3A_360 = vector.multi_reduction <minimumf>, %select_n3A, %reduce_min3A [1] : vector<512x512xf32> to vector<512xf32>
      %broadcast_in_dim3A_361 = vector.shape_cast %reduce_min3A_360 : vector<512xf32> to vector<512x1xf32>
      %eq3A_362 = vector.broadcast %broadcast_in_dim3A_361 : vector<512x1xf32> to vector<512x512xf32>
      %eq3A_363 = arith.cmpf oeq, %select_n3A, %eq3A_362 : vector<512x512xf32>
      %jit3A = arith.constant 10240 : i32
      %broadcast_in_dim3A_364 = vector.shape_cast %add3A_350 : vector<1x512xi32> to vector<1x512xi32>
      %broadcast_in_dim3A_365 = vector.broadcast %broadcast_in_dim3A_364 : vector<1x512xi32> to vector<512x512xi32>
      %broadcast_in_dim3A_366 = vector.broadcast %jit3A : i32 to vector<512x512xi32>
      %select_n3A_367 = arith.select %eq3A_363, %broadcast_in_dim3A_365, %broadcast_in_dim3A_366 : vector<512x512xi1>, vector<512x512xi32>
      %reduce_min3A_368 = arith.constant dense<2147483647> : vector<512xi32>
      %reduce_min3A_369 = vector.multi_reduction <minsi>, %select_n3A_367, %reduce_min3A_368 [1] : vector<512x512xi32> to vector<512xi32>
      %broadcast_in_dim3A_370 = vector.shape_cast %reduce_min3A_369 : vector<512xi32> to vector<512x1xi32>
      %lt3A = arith.cmpf olt, %broadcast_in_dim3A_361, %while3A_343 : vector<512x1xf32>
      %eq3A_371 = arith.cmpf oeq, %broadcast_in_dim3A_361, %while3A_343 : vector<512x1xf32>
      %lt3A_372 = arith.cmpi slt, %broadcast_in_dim3A_370, %while3A_344 : vector<512x1xi32>
      %and3A = arith.andi %eq3A_371, %lt3A_372 : vector<512x1xi1>
      %or3A = arith.ori %lt3A, %and3A : vector<512x1xi1>
      %select_n3A_373 = arith.select %or3A, %broadcast_in_dim3A_361, %while3A_343 : vector<512x1xi1>, vector<512x1xf32>
      %select_n3A_374 = arith.select %or3A, %broadcast_in_dim3A_370, %while3A_344 : vector<512x1xi1>, vector<512x1xi32>
      scf.yield %select_n3A_373, %select_n3A_374 : vector<512x1xf32>, vector<512x1xi32>
    }
    %while3A_338 = arith.constant 1 : i32
    %while3A_339:2 = scf.for %while3A_342 = %while3A_335 to %while3A_331 step %while3A_338 iter_args(%while3A_343 = %while3A_337#0, %while3A_344 = %while3A_337#1) -> (vector<512x1xf32>, vector<512x1xi32>)  : i32 {
      %mul3A_345 = arith.constant 512 : i32
      %mul3A_346 = arith.muli %while3A_342, %mul3A_345 : i32
      %multiple_of3A = tpu.assume_multiple %mul3A_346, 512 : i32
      %mul3A_347 = arith.constant 512 : i32
      %mul3A_348 = arith.muli %while3A_342, %mul3A_347 : i32
      %add3A = arith.addi %get3A_0, %mul3A_348 : i32
      %add3A_349 = vector.broadcast %add3A : i32 to vector<1x512xi32>
      %add3A_350 = arith.addi %iota3A, %add3A_349 : vector<1x512xi32>
      %get3A_351 = arith.constant 0 : index
      %get3A_352 = arith.index_cast %multiple_of3A : i32 to index
      %get3A_353 = vector.load %arg8[%get3A_351, %get3A_352] : memref<512x10240xf32, #tpu.memory_space<vmem>>, vector<512x512xf32>
      %eq3A = vector.broadcast %add3A_350 : vector<1x512xi32> to vector<512x512xi32>
      %eq3A_354 = vector.broadcast %while3A_323#1 : vector<512x1xi32> to vector<512x512xi32>
      %eq3A_355 = arith.cmpi eq, %eq3A, %eq3A_354 : vector<512x512xi32>
      %broadcast_in_dim3A_356 = vector.broadcast %while3A_328 : f32 to vector<512x512xf32>
      %select_n3A = arith.select %eq3A_355, %broadcast_in_dim3A_356, %get3A_353 : vector<512x512xi1>, vector<512x512xf32>
      %swap3A_357 = arith.constant 0 : index
      %swap3A_358 = arith.index_cast %multiple_of3A : i32 to index
      %swap3A_359 = vector.load %arg8[%swap3A_357, %swap3A_358] : memref<512x10240xf32, #tpu.memory_space<vmem>>, vector<512x512xf32>
      tpu.vector_store %arg8[%swap3A_357, %swap3A_358], %select_n3A {strides = array<i32>} : memref<512x10240xf32, #tpu.memory_space<vmem>>, vector<512x512xf32>,
      %reduce_min3A = arith.constant dense<0x7F800000> : vector<512xf32>
      %reduce_min3A_360 = vector.multi_reduction <minimumf>, %select_n3A, %reduce_min3A [1] : vector<512x512xf32> to vector<512xf32>
      %broadcast_in_dim3A_361 = vector.shape_cast %reduce_min3A_360 : vector<512xf32> to vector<512x1xf32>
      %eq3A_362 = vector.broadcast %broadcast_in_dim3A_361 : vector<512x1xf32> to vector<512x512xf32>
      %eq3A_363 = arith.cmpf oeq, %select_n3A, %eq3A_362 : vector<512x512xf32>
      %jit3A = arith.constant 10240 : i32
      %broadcast_in_dim3A_364 = vector.shape_cast %add3A_350 : vector<1x512xi32> to vector<1x512xi32>
      %broadcast_in_dim3A_365 = vector.broadcast %broadcast_in_dim3A_364 : vector<1x512xi32> to vector<512x512xi32>
      %broadcast_in_dim3A_366 = vector.broadcast %jit3A : i32 to vector<512x512xi32>
      %select_n3A_367 = arith.select %eq3A_363, %broadcast_in_dim3A_365, %broadcast_in_dim3A_366 : vector<512x512xi1>, vector<512x512xi32>
      %reduce_min3A_368 = arith.constant dense<2147483647> : vector<512xi32>
      %reduce_min3A_369 = vector.multi_reduction <minsi>, %select_n3A_367, %reduce_min3A_368 [1] : vector<512x512xi32> to vector<512xi32>
      %broadcast_in_dim3A_370 = vector.shape_cast %reduce_min3A_369 : vector<512xi32> to vector<512x1xi32>
      %lt3A = arith.cmpf olt, %broadcast_in_dim3A_361, %while3A_343 : vector<512x1xf32>
      %eq3A_371 = arith.cmpf oeq, %broadcast_in_dim3A_361, %while3A_343 : vector<512x1xf32>
      %lt3A_372 = arith.cmpi slt, %broadcast_in_dim3A_370, %while3A_344 : vector<512x1xi32>
      %and3A = arith.andi %eq3A_371, %lt3A_372 : vector<512x1xi1>
      %or3A = arith.ori %lt3A, %and3A : vector<512x1xi1>
      %select_n3A_373 = arith.select %or3A, %broadcast_in_dim3A_361, %while3A_343 : vector<512x1xi1>, vector<512x1xf32>
      %select_n3A_374 = arith.select %or3A, %broadcast_in_dim3A_370, %while3A_344 : vector<512x1xi1>, vector<512x1xi32>
      scf.yield %select_n3A_373, %select_n3A_374 : vector<512x1xf32>, vector<512x1xi32>
    }
    %concatenate3A = tpu.concatenate %while3A_35#1, %while3A_51#1, %while3A_67#1, %while3A_83#1, %while3A_99#1, %while3A_115#1, %while3A_131#1, %while3A_147#1, %while3A_163#1, %while3A_179#1, %while3A_195#1, %while3A_211#1, %while3A_227#1, %while3A_243#1, %while3A_259#1, %while3A_275#1, %while3A_291#1, %while3A_307#1, %while3A_323#1, %while3A_339#1 in 1 : vector<512x1xi32>, vector<512x1xi32>, vector<512x1xi32>, vector<512x1xi32>, vector<512x1xi32>, vector<512x1xi32>, vector<512x1xi32>, vector<512x1xi32>, vector<512x1xi32>, vector<512x1xi32>, vector<512x1xi32>, vector<512x1xi32>, vector<512x1xi32>, vector<512x1xi32>, vector<512x1xi32>, vector<512x1xi32>, vector<512x1xi32>, vector<512x1xi32>, vector<512x1xi32>, vector<512x1xi32> -> vector<512x20xi32>
    %swap3A = arith.constant 0 : index
    %swap3A_340 = arith.constant 0 : index
    %swap3A_341 = vector.load %arg7[%swap3A, %swap3A_340] : memref<512x20xi32, #tpu.memory_space<vmem>>, vector<512x20xi32>
    tpu.vector_store %arg7[%swap3A, %swap3A_340], %concatenate3A {strides = array<i32>} : memref<512x20xi32, #tpu.memory_space<vmem>>, vector<512x20xi32>,
    return
  }
  func.func @transform_0(%arg0: i32, %arg1: memref<20xi32, #tpu.memory_space<smem>>, %arg2: memref<20xi32, #tpu.memory_space<smem>>) -> (i32, i32) {
    %c0_i32 = arith.constant 0 : i32
    %c0_i32_0 = arith.constant 0 : i32
    return %arg0, %c0_i32 : i32, i32
  }
  func.func @transform_1(%arg0: i32, %arg1: memref<20xi32, #tpu.memory_space<smem>>, %arg2: memref<20xi32, #tpu.memory_space<smem>>) -> (i32, i32) {
    %c0_i32 = arith.constant 0 : i32
    %c0_i32_0 = arith.constant 0 : i32
    %c0_i32_1 = arith.constant 0 : i32
    return %c0_i32, %c0_i32_0 : i32, i32
  }
  func.func @transform_2(%arg0: i32, %arg1: memref<20xi32, #tpu.memory_space<smem>>, %arg2: memref<20xi32, #tpu.memory_space<smem>>) -> (i32, i32) {
    %c0_i32 = arith.constant 0 : i32
    %c0_i32_0 = arith.constant 0 : i32
    return %arg0, %c0_i32 : i32, i32
  }
  func.func @transform_3(%arg0: i32, %arg1: memref<20xi32, #tpu.memory_space<smem>>, %arg2: memref<20xi32, #tpu.memory_space<smem>>) -> (i32, i32) {
    %c0_i32 = arith.constant 0 : i32
    %c0_i32_0 = arith.constant 0 : i32
    %c0_i32_1 = arith.constant 0 : i32
    return %c0_i32, %c0_i32_0 : i32, i32
  }
  func.func @transform_4(%arg0: i32, %arg1: memref<20xi32, #tpu.memory_space<smem>>, %arg2: memref<20xi32, #tpu.memory_space<smem>>) -> (i32, i32) {
    %c0_i32 = arith.constant 0 : i32
    %c0_i32_0 = arith.constant 0 : i32
    return %arg0, %c0_i32 : i32, i32
  }
}

module attributes {stable_mosaic.version = 14 : i64} {
  func.func @_mlp2_body(%arg0: i32, %arg1: memref<2048x8xf32, #tpu.memory_space<vmem>>, %arg2: memref<2048x16xf32, #tpu.memory_space<vmem>>, %arg3: memref<16x64xf32, #tpu.memory_space<vmem>>, %arg4: memref<1x64xf32, #tpu.memory_space<vmem>>, %arg5: memref<2048x64xf32, #tpu.memory_space<vmem>>, %arg6: memref<1x1x64xf32, #tpu.memory_space<vmem>>) attributes {dimension_semantics = [#tpu.dimension_semantics<arbitrary>], iteration_bounds = array<i64: 100>, scalar_prefetch = 0 : i64, scratch_operands = 0 : i64, tpu.core_type = #tpu.core_type<tc>, window_params = [{transform_indices = @transform_0, window_bounds = array<i64: 2048, 8>}, {transform_indices = @transform_1, window_bounds = array<i64: 2048, 16>}, {pipeline_mode = #tpu.pipeline_mode<synchronous>, transform_indices = @transform_2, window_bounds = array<i64: 16, 64>}, {pipeline_mode = #tpu.pipeline_mode<synchronous>, transform_indices = @transform_3, window_bounds = array<i64: 1, 64>}, {transform_indices = @transform_4, window_bounds = array<i64: 2048, 64>}, {transform_indices = @transform_5, window_bounds = array<i64: 1, 1, 64>}]} {
    %get3A = arith.constant 0 : index
    %get3A_0 = arith.constant 0 : index
    %get3A_1 = vector.load %arg1[%get3A, %get3A_0] : memref<2048x8xf32, #tpu.memory_space<vmem>>, vector<2048x8xf32>
    %get3A_2 = arith.constant 0 : index
    %get3A_3 = arith.constant 0 : index
    %get3A_4 = vector.load %arg2[%get3A_2, %get3A_3] : memref<2048x16xf32, #tpu.memory_space<vmem>>, vector<2048x8xf32>
    %sub3A = arith.subf %get3A_4, %get3A_1 : vector<2048x8xf32>
    %concatenate3A = tpu.concatenate %get3A_1, %sub3A in 1 : vector<2048x8xf32>, vector<2048x8xf32> -> vector<2048x16xf32>
    %get3A_5 = arith.constant 0 : index
    %get3A_6 = arith.constant 0 : index
    %get3A_7 = vector.load %arg3[%get3A_5, %get3A_6] : memref<16x64xf32, #tpu.memory_space<vmem>>, vector<16x64xf32>
    %dot_general3A = arith.constant dense<0.000000e+00> : vector<2048x64xf32>
    %dot_general3A_8 = tpu.matmul %concatenate3A, %get3A_7, %dot_general3A {dimension_numbers = #tpu.dot_dimension_numbers<[1], [0], [0], [1], [0, 0, 1, 1], [], []>, transpose_lhs_hint = false} : vector<2048x16xf32>, vector<16x64xf32>, vector<2048x64xf32> -> vector<2048x64xf32>
    %get3A_9 = arith.constant 0 : index
    %get3A_10 = arith.constant 0 : index
    %get3A_11 = vector.load %arg4[%get3A_9, %get3A_10] : memref<1x64xf32, #tpu.memory_space<vmem>>, vector<1x64xf32>
    %add3A = vector.broadcast %get3A_11 : vector<1x64xf32> to vector<2048x64xf32>
    %add3A_12 = arith.addf %dot_general3A_8, %add3A : vector<2048x64xf32>
    %max3A = arith.constant 0.000000e+00 : f32
    %max3A_13 = vector.broadcast %max3A : f32 to vector<2048x64xf32>
    %max3A_14 = arith.maximumf %add3A_12, %max3A_13 : vector<2048x64xf32>
    %swap3A = arith.constant 0 : index
    %swap3A_15 = arith.constant 0 : index
    %swap3A_16 = vector.load %arg5[%swap3A, %swap3A_15] : memref<2048x64xf32, #tpu.memory_space<vmem>>, vector<2048x64xf32>
    tpu.vector_store %arg5[%swap3A, %swap3A_15], %max3A_14 {strides = array<i32>} : memref<2048x64xf32, #tpu.memory_space<vmem>>, vector<2048x64xf32>,
    %mul3A = arith.constant 2048 : i32
    %mul3A_17 = arith.muli %arg0, %mul3A : i32
    %iota3A = tpu.iota {dimensions = array<i32: 0>} : vector<2048x1xi32>
    %add3A_18 = vector.broadcast %mul3A_17 : i32 to vector<2048x1xi32>
    %add3A_19 = arith.addi %add3A_18, %iota3A : vector<2048x1xi32>
    %lt3A = arith.constant 200000 : i32
    %lt3A_20 = vector.broadcast %lt3A : i32 to vector<2048x1xi32>
    %lt3A_21 = arith.cmpi slt, %add3A_19, %lt3A_20 : vector<2048x1xi32>
    %jit3A = arith.constant 0.000000e+00 : f32
    %broadcast_in_dim3A = vector.shape_cast %lt3A_21 : vector<2048x1xi1> to vector<2048x1xi1>
    %broadcast_in_dim3A_22 = vector.broadcast %broadcast_in_dim3A : vector<2048x1xi1> to vector<2048x64xi1>
    %broadcast_in_dim3A_23 = vector.broadcast %jit3A : f32 to vector<2048x64xf32>
    %select_n3A = arith.select %broadcast_in_dim3A_22, %max3A_14, %broadcast_in_dim3A_23 : vector<2048x64xi1>, vector<2048x64xf32>
    %reduce_sum3A = arith.constant dense<0.000000e+00> : vector<64xf32>
    %reduce_sum3A_24 = vector.multi_reduction <add>, %select_n3A, %reduce_sum3A [0] : vector<2048x64xf32> to vector<64xf32>
    %reshape3A = vector.shape_cast %reduce_sum3A_24 : vector<64xf32> to vector<1x1x64xf32>
    %swap3A_25 = arith.constant 0 : index
    %swap3A_26 = arith.constant 0 : index
    %swap3A_27 = arith.constant 0 : index
    %swap3A_28 = vector.load %arg6[%swap3A_25, %swap3A_26, %swap3A_27] : memref<1x1x64xf32, #tpu.memory_space<vmem>>, vector<1x1x64xf32>
    tpu.vector_store %arg6[%swap3A_25, %swap3A_26, %swap3A_27], %reshape3A {strides = array<i32>} : memref<1x1x64xf32, #tpu.memory_space<vmem>>, vector<1x1x64xf32>,
    return
  }
  func.func @transform_0(%arg0: i32) -> (i32, i32) {
    %c0_i32 = arith.constant 0 : i32
    %c0_i32_0 = arith.constant 0 : i32
    return %arg0, %c0_i32 : i32, i32
  }
  func.func @transform_1(%arg0: i32) -> (i32, i32) {
    %c0_i32 = arith.constant 0 : i32
    %c0_i32_0 = arith.constant 0 : i32
    return %arg0, %c0_i32 : i32, i32
  }
  func.func @transform_2(%arg0: i32) -> (i32, i32) {
    %c0_i32 = arith.constant 0 : i32
    %c0_i32_0 = arith.constant 0 : i32
    %c0_i32_1 = arith.constant 0 : i32
    return %c0_i32, %c0_i32_0 : i32, i32
  }
  func.func @transform_3(%arg0: i32) -> (i32, i32) {
    %c0_i32 = arith.constant 0 : i32
    %c0_i32_0 = arith.constant 0 : i32
    %c0_i32_1 = arith.constant 0 : i32
    return %c0_i32, %c0_i32_0 : i32, i32
  }
  func.func @transform_4(%arg0: i32) -> (i32, i32) {
    %c0_i32 = arith.constant 0 : i32
    %c0_i32_0 = arith.constant 0 : i32
    return %arg0, %c0_i32 : i32, i32
  }
  func.func @transform_5(%arg0: i32) -> (i32, i32, i32) {
    %c0_i32 = arith.constant 0 : i32
    %c0_i32_0 = arith.constant 0 : i32
    %c0_i32_1 = arith.constant 0 : i32
    return %arg0, %c0_i32, %c0_i32_0 : i32, i32, i32
  }
}

module attributes {stable_mosaic.version = 14 : i64} {
  func.func @_var_body(%arg0: i32, %arg1: memref<2048x64xf32, #tpu.memory_space<vmem>>, %arg2: memref<1x64xf32, #tpu.memory_space<vmem>>, %arg3: memref<1x1x64xf32, #tpu.memory_space<vmem>>) attributes {dimension_semantics = [#tpu.dimension_semantics<arbitrary>], iteration_bounds = array<i64: 100>, scalar_prefetch = 0 : i64, scratch_operands = 0 : i64, tpu.core_type = #tpu.core_type<tc>, window_params = [{transform_indices = @transform_0, window_bounds = array<i64: 2048, 64>}, {pipeline_mode = #tpu.pipeline_mode<synchronous>, transform_indices = @transform_1, window_bounds = array<i64: 1, 64>}, {transform_indices = @transform_2, window_bounds = array<i64: 1, 1, 64>}]} {
    %get3A = arith.constant 0 : index
    %get3A_0 = arith.constant 0 : index
    %get3A_1 = vector.load %arg1[%get3A, %get3A_0] : memref<2048x64xf32, #tpu.memory_space<vmem>>, vector<2048x64xf32>
    %get3A_2 = arith.constant 0 : index
    %get3A_3 = arith.constant 0 : index
    %get3A_4 = vector.load %arg2[%get3A_2, %get3A_3] : memref<1x64xf32, #tpu.memory_space<vmem>>, vector<1x64xf32>
    %sub3A = vector.broadcast %get3A_4 : vector<1x64xf32> to vector<2048x64xf32>
    %sub3A_5 = arith.subf %get3A_1, %sub3A : vector<2048x64xf32>
    %mul3A = arith.constant 2048 : i32
    %mul3A_6 = arith.muli %arg0, %mul3A : i32
    %iota3A = tpu.iota {dimensions = array<i32: 0>} : vector<2048x1xi32>
    %add3A = vector.broadcast %mul3A_6 : i32 to vector<2048x1xi32>
    %add3A_7 = arith.addi %add3A, %iota3A : vector<2048x1xi32>
    %lt3A = arith.constant 200000 : i32
    %lt3A_8 = vector.broadcast %lt3A : i32 to vector<2048x1xi32>
    %lt3A_9 = arith.cmpi slt, %add3A_7, %lt3A_8 : vector<2048x1xi32>
    %jit3A = arith.constant 0.000000e+00 : f32
    %broadcast_in_dim3A = vector.shape_cast %lt3A_9 : vector<2048x1xi1> to vector<2048x1xi1>
    %broadcast_in_dim3A_10 = vector.broadcast %broadcast_in_dim3A : vector<2048x1xi1> to vector<2048x64xi1>
    %broadcast_in_dim3A_11 = vector.broadcast %jit3A : f32 to vector<2048x64xf32>
    %select_n3A = arith.select %broadcast_in_dim3A_10, %sub3A_5, %broadcast_in_dim3A_11 : vector<2048x64xi1>, vector<2048x64xf32>
    %mul3A_12 = arith.mulf %select_n3A, %select_n3A : vector<2048x64xf32>
    %reduce_sum3A = arith.constant dense<0.000000e+00> : vector<64xf32>
    %reduce_sum3A_13 = vector.multi_reduction <add>, %mul3A_12, %reduce_sum3A [0] : vector<2048x64xf32> to vector<64xf32>
    %reshape3A = vector.shape_cast %reduce_sum3A_13 : vector<64xf32> to vector<1x1x64xf32>
    %swap3A = arith.constant 0 : index
    %swap3A_14 = arith.constant 0 : index
    %swap3A_15 = arith.constant 0 : index
    %swap3A_16 = vector.load %arg3[%swap3A, %swap3A_14, %swap3A_15] : memref<1x1x64xf32, #tpu.memory_space<vmem>>, vector<1x1x64xf32>
    tpu.vector_store %arg3[%swap3A, %swap3A_14, %swap3A_15], %reshape3A {strides = array<i32>} : memref<1x1x64xf32, #tpu.memory_space<vmem>>, vector<1x1x64xf32>,
    return
  }
  func.func @transform_0(%arg0: i32) -> (i32, i32) {
    %c0_i32 = arith.constant 0 : i32
    %c0_i32_0 = arith.constant 0 : i32
    return %arg0, %c0_i32 : i32, i32
  }
  func.func @transform_1(%arg0: i32) -> (i32, i32) {
    %c0_i32 = arith.constant 0 : i32
    %c0_i32_0 = arith.constant 0 : i32
    %c0_i32_1 = arith.constant 0 : i32
    return %c0_i32, %c0_i32_0 : i32, i32
  }
  func.func @transform_2(%arg0: i32) -> (i32, i32, i32) {
    %c0_i32 = arith.constant 0 : i32
    %c0_i32_0 = arith.constant 0 : i32
    %c0_i32_1 = arith.constant 0 : i32
    return %arg0, %c0_i32, %c0_i32_0 : i32, i32, i32
  }
}

module attributes {stable_mosaic.version = 14 : i64} {
  func.func @_mlp1_body(%arg0: i32, %arg1: memref<2048x64xf32, #tpu.memory_space<vmem>>, %arg2: memref<1x64xf32, #tpu.memory_space<vmem>>, %arg3: memref<1x64xf32, #tpu.memory_space<vmem>>, %arg4: memref<1x64xf32, #tpu.memory_space<vmem>>, %arg5: memref<1x64xf32, #tpu.memory_space<vmem>>, %arg6: memref<64x64xf32, #tpu.memory_space<vmem>>, %arg7: memref<1x64xf32, #tpu.memory_space<vmem>>, %arg8: memref<2048x64xf32, #tpu.memory_space<vmem>>, %arg9: memref<1x1x64xf32, #tpu.memory_space<vmem>>) attributes {dimension_semantics = [#tpu.dimension_semantics<arbitrary>], iteration_bounds = array<i64: 100>, scalar_prefetch = 0 : i64, scratch_operands = 0 : i64, tpu.core_type = #tpu.core_type<tc>, window_params = [{transform_indices = @transform_0, window_bounds = array<i64: 2048, 64>}, {pipeline_mode = #tpu.pipeline_mode<synchronous>, transform_indices = @transform_1, window_bounds = array<i64: 1, 64>}, {pipeline_mode = #tpu.pipeline_mode<synchronous>, transform_indices = @transform_2, window_bounds = array<i64: 1, 64>}, {pipeline_mode = #tpu.pipeline_mode<synchronous>, transform_indices = @transform_3, window_bounds = array<i64: 1, 64>}, {pipeline_mode = #tpu.pipeline_mode<synchronous>, transform_indices = @transform_4, window_bounds = array<i64: 1, 64>}, {pipeline_mode = #tpu.pipeline_mode<synchronous>, transform_indices = @transform_5, window_bounds = array<i64: 64, 64>}, {pipeline_mode = #tpu.pipeline_mode<synchronous>, transform_indices = @transform_6, window_bounds = array<i64: 1, 64>}, {transform_indices = @transform_7, window_bounds = array<i64: 2048, 64>}, {transform_indices = @transform_8, window_bounds = array<i64: 1, 1, 64>}]} {
    %get3A = arith.constant 0 : index
    %get3A_0 = arith.constant 0 : index
    %get3A_1 = vector.load %arg4[%get3A, %get3A_0] : memref<1x64xf32, #tpu.memory_space<vmem>>, vector<1x64xf32>
    %get3A_2 = arith.constant 0 : index
    %get3A_3 = arith.constant 0 : index
    %get3A_4 = vector.load %arg1[%get3A_2, %get3A_3] : memref<2048x64xf32, #tpu.memory_space<vmem>>, vector<2048x64xf32>
    %get3A_5 = arith.constant 0 : index
    %get3A_6 = arith.constant 0 : index
    %get3A_7 = vector.load %arg2[%get3A_5, %get3A_6] : memref<1x64xf32, #tpu.memory_space<vmem>>, vector<1x64xf32>
    %sub3A = vector.broadcast %get3A_7 : vector<1x64xf32> to vector<2048x64xf32>
    %sub3A_8 = arith.subf %get3A_4, %sub3A : vector<2048x64xf32>
    %mul3A = vector.broadcast %get3A_1 : vector<1x64xf32> to vector<2048x64xf32>
    %mul3A_9 = arith.mulf %mul3A, %sub3A_8 : vector<2048x64xf32>
    %get3A_10 = arith.constant 0 : index
    %get3A_11 = arith.constant 0 : index
    %get3A_12 = vector.load %arg3[%get3A_10, %get3A_11] : memref<1x64xf32, #tpu.memory_space<vmem>>, vector<1x64xf32>
    %mul3A_13 = vector.broadcast %get3A_12 : vector<1x64xf32> to vector<2048x64xf32>
    %mul3A_14 = arith.mulf %mul3A_9, %mul3A_13 : vector<2048x64xf32>
    %get3A_15 = arith.constant 0 : index
    %get3A_16 = arith.constant 0 : index
    %get3A_17 = vector.load %arg5[%get3A_15, %get3A_16] : memref<1x64xf32, #tpu.memory_space<vmem>>, vector<1x64xf32>
    %add3A = vector.broadcast %get3A_17 : vector<1x64xf32> to vector<2048x64xf32>
    %add3A_18 = arith.addf %mul3A_14, %add3A : vector<2048x64xf32>
    %get3A_19 = arith.constant 0 : index
    %get3A_20 = arith.constant 0 : index
    %get3A_21 = vector.load %arg6[%get3A_19, %get3A_20] : memref<64x64xf32, #tpu.memory_space<vmem>>, vector<64x64xf32>
    %dot_general3A = arith.constant dense<0.000000e+00> : vector<2048x64xf32>
    %dot_general3A_22 = tpu.matmul %add3A_18, %get3A_21, %dot_general3A {dimension_numbers = #tpu.dot_dimension_numbers<[1], [0], [0], [1], [0, 0, 1, 1], [], []>, transpose_lhs_hint = false} : vector<2048x64xf32>, vector<64x64xf32>, vector<2048x64xf32> -> vector<2048x64xf32>
    %get3A_23 = arith.constant 0 : index
    %get3A_24 = arith.constant 0 : index
    %get3A_25 = vector.load %arg7[%get3A_23, %get3A_24] : memref<1x64xf32, #tpu.memory_space<vmem>>, vector<1x64xf32>
    %add3A_26 = vector.broadcast %get3A_25 : vector<1x64xf32> to vector<2048x64xf32>
    %add3A_27 = arith.addf %dot_general3A_22, %add3A_26 : vector<2048x64xf32>
    %max3A = arith.constant 0.000000e+00 : f32
    %max3A_28 = vector.broadcast %max3A : f32 to vector<2048x64xf32>
    %max3A_29 = arith.maximumf %add3A_27, %max3A_28 : vector<2048x64xf32>
    %swap3A = arith.constant 0 : index
    %swap3A_30 = arith.constant 0 : index
    %swap3A_31 = vector.load %arg8[%swap3A, %swap3A_30] : memref<2048x64xf32, #tpu.memory_space<vmem>>, vector<2048x64xf32>
    tpu.vector_store %arg8[%swap3A, %swap3A_30], %max3A_29 {strides = array<i32>} : memref<2048x64xf32, #tpu.memory_space<vmem>>, vector<2048x64xf32>,
    %mul3A_32 = arith.constant 2048 : i32
    %mul3A_33 = arith.muli %arg0, %mul3A_32 : i32
    %iota3A = tpu.iota {dimensions = array<i32: 0>} : vector<2048x1xi32>
    %add3A_34 = vector.broadcast %mul3A_33 : i32 to vector<2048x1xi32>
    %add3A_35 = arith.addi %add3A_34, %iota3A : vector<2048x1xi32>
    %lt3A = arith.constant 200000 : i32
    %lt3A_36 = vector.broadcast %lt3A : i32 to vector<2048x1xi32>
    %lt3A_37 = arith.cmpi slt, %add3A_35, %lt3A_36 : vector<2048x1xi32>
    %jit3A = arith.constant 0.000000e+00 : f32
    %broadcast_in_dim3A = vector.shape_cast %lt3A_37 : vector<2048x1xi1> to vector<2048x1xi1>
    %broadcast_in_dim3A_38 = vector.broadcast %broadcast_in_dim3A : vector<2048x1xi1> to vector<2048x64xi1>
    %broadcast_in_dim3A_39 = vector.broadcast %jit3A : f32 to vector<2048x64xf32>
    %select_n3A = arith.select %broadcast_in_dim3A_38, %max3A_29, %broadcast_in_dim3A_39 : vector<2048x64xi1>, vector<2048x64xf32>
    %reduce_sum3A = arith.constant dense<0.000000e+00> : vector<64xf32>
    %reduce_sum3A_40 = vector.multi_reduction <add>, %select_n3A, %reduce_sum3A [0] : vector<2048x64xf32> to vector<64xf32>
    %reshape3A = vector.shape_cast %reduce_sum3A_40 : vector<64xf32> to vector<1x1x64xf32>
    %swap3A_41 = arith.constant 0 : index
    %swap3A_42 = arith.constant 0 : index
    %swap3A_43 = arith.constant 0 : index
    %swap3A_44 = vector.load %arg9[%swap3A_41, %swap3A_42, %swap3A_43] : memref<1x1x64xf32, #tpu.memory_space<vmem>>, vector<1x1x64xf32>
    tpu.vector_store %arg9[%swap3A_41, %swap3A_42, %swap3A_43], %reshape3A {strides = array<i32>} : memref<1x1x64xf32, #tpu.memory_space<vmem>>, vector<1x1x64xf32>,
    return
  }
  func.func @transform_0(%arg0: i32) -> (i32, i32) {
    %c0_i32 = arith.constant 0 : i32
    %c0_i32_0 = arith.constant 0 : i32
    return %arg0, %c0_i32 : i32, i32
  }
  func.func @transform_1(%arg0: i32) -> (i32, i32) {
    %c0_i32 = arith.constant 0 : i32
    %c0_i32_0 = arith.constant 0 : i32
    %c0_i32_1 = arith.constant 0 : i32
    return %c0_i32, %c0_i32_0 : i32, i32
  }
  func.func @transform_2(%arg0: i32) -> (i32, i32) {
    %c0_i32 = arith.constant 0 : i32
    %c0_i32_0 = arith.constant 0 : i32
    %c0_i32_1 = arith.constant 0 : i32
    return %c0_i32, %c0_i32_0 : i32, i32
  }
  func.func @transform_3(%arg0: i32) -> (i32, i32) {
    %c0_i32 = arith.constant 0 : i32
    %c0_i32_0 = arith.constant 0 : i32
    %c0_i32_1 = arith.constant 0 : i32
    return %c0_i32, %c0_i32_0 : i32, i32
  }
  func.func @transform_4(%arg0: i32) -> (i32, i32) {
    %c0_i32 = arith.constant 0 : i32
    %c0_i32_0 = arith.constant 0 : i32
    %c0_i32_1 = arith.constant 0 : i32
    return %c0_i32, %c0_i32_0 : i32, i32
  }
  func.func @transform_5(%arg0: i32) -> (i32, i32) {
    %c0_i32 = arith.constant 0 : i32
    %c0_i32_0 = arith.constant 0 : i32
    %c0_i32_1 = arith.constant 0 : i32
    return %c0_i32, %c0_i32_0 : i32, i32
  }
  func.func @transform_6(%arg0: i32) -> (i32, i32) {
    %c0_i32 = arith.constant 0 : i32
    %c0_i32_0 = arith.constant 0 : i32
    %c0_i32_1 = arith.constant 0 : i32
    return %c0_i32, %c0_i32_0 : i32, i32
  }
  func.func @transform_7(%arg0: i32) -> (i32, i32) {
    %c0_i32 = arith.constant 0 : i32
    %c0_i32_0 = arith.constant 0 : i32
    return %arg0, %c0_i32 : i32, i32
  }
  func.func @transform_8(%arg0: i32) -> (i32, i32, i32) {
    %c0_i32 = arith.constant 0 : i32
    %c0_i32_0 = arith.constant 0 : i32
    %c0_i32_1 = arith.constant 0 : i32
    return %arg0, %c0_i32, %c0_i32_0 : i32, i32, i32
  }
}

module attributes {stable_mosaic.version = 14 : i64} {
  func.func @_max_body(%arg0: i32, %arg1: memref<512x20x64xf32, #tpu.memory_space<vmem>>, %arg2: memref<1x64xf32, #tpu.memory_space<vmem>>, %arg3: memref<512x64xf32, #tpu.memory_space<vmem>>, %arg4: memref<512x64xf32, #tpu.memory_space<vmem>>, %arg5: memref<1x1x64xf32, #tpu.memory_space<vmem>>) attributes {dimension_semantics = [#tpu.dimension_semantics<arbitrary>], iteration_bounds = array<i64: 20>, scalar_prefetch = 0 : i64, scratch_operands = 0 : i64, tpu.core_type = #tpu.core_type<tc>, window_params = [{transform_indices = @transform_0, window_bounds = array<i64: 512, 20, 64>}, {pipeline_mode = #tpu.pipeline_mode<synchronous>, transform_indices = @transform_1, window_bounds = array<i64: 1, 64>}, {transform_indices = @transform_2, window_bounds = array<i64: 512, 64>}, {transform_indices = @transform_3, window_bounds = array<i64: 512, 64>}, {transform_indices = @transform_4, window_bounds = array<i64: 1, 1, 64>}]} {
    %get3A = arith.constant 0 : index
    %get3A_0 = arith.constant 0 : index
    %get3A_1 = vector.load %arg2[%get3A, %get3A_0] : memref<1x64xf32, #tpu.memory_space<vmem>>, vector<1x64xf32>
    %mul3A = arith.constant 512 : i32
    %mul3A_2 = arith.muli %arg0, %mul3A : i32
    %iota3A = tpu.iota {dimensions = array<i32: 0>} : vector<512x1xi32>
    %add3A = vector.broadcast %mul3A_2 : i32 to vector<512x1xi32>
    %add3A_3 = arith.addi %add3A, %iota3A : vector<512x1xi32>
    %lt3A = arith.constant 10000 : i32
    %lt3A_4 = vector.broadcast %lt3A : i32 to vector<512x1xi32>
    %lt3A_5 = arith.cmpi slt, %add3A_3, %lt3A_4 : vector<512x1xi32>
    %get3A_6 = arith.constant 0 : index
    %get3A_7 = arith.constant 0 : index
    %get3A_8 = arith.constant 0 : index
    %get3A_9 = vector.load %arg1[%get3A_6, %get3A_7, %get3A_8] : memref<512x20x64xf32, #tpu.memory_space<vmem>>, vector<512x1x64xf32>
    %get3A_10 = vector.shape_cast %get3A_9 : vector<512x1x64xf32> to vector<512x64xf32>
    %sub3A = vector.broadcast %get3A_1 : vector<1x64xf32> to vector<512x64xf32>
    %sub3A_11 = arith.subf %get3A_10, %sub3A : vector<512x64xf32>
    %mul3A_12 = arith.mulf %sub3A_11, %sub3A_11 : vector<512x64xf32>
    %jit3A = arith.constant 0.000000e+00 : f32
    %broadcast_in_dim3A = vector.shape_cast %lt3A_5 : vector<512x1xi1> to vector<512x1xi1>
    %broadcast_in_dim3A_13 = vector.broadcast %broadcast_in_dim3A : vector<512x1xi1> to vector<512x64xi1>
    %broadcast_in_dim3A_14 = vector.broadcast %jit3A : f32 to vector<512x64xf32>
    %select_n3A = arith.select %broadcast_in_dim3A_13, %mul3A_12, %broadcast_in_dim3A_14 : vector<512x64xi1>, vector<512x64xf32>
    %get3A_15 = arith.constant 0 : index
    %get3A_16 = arith.constant 1 : index
    %get3A_17 = arith.constant 0 : index
    %get3A_18 = vector.load %arg1[%get3A_15, %get3A_16, %get3A_17] : memref<512x20x64xf32, #tpu.memory_space<vmem>>, vector<512x1x64xf32>
    %get3A_19 = vector.shape_cast %get3A_18 : vector<512x1x64xf32> to vector<512x64xf32>
    %max3A = arith.maximumf %get3A_10, %get3A_19 : vector<512x64xf32>
    %min3A = arith.minimumf %get3A_10, %get3A_19 : vector<512x64xf32>
    %sub3A_20 = vector.broadcast %get3A_1 : vector<1x64xf32> to vector<512x64xf32>
    %sub3A_21 = arith.subf %get3A_19, %sub3A_20 : vector<512x64xf32>
    %mul3A_22 = arith.mulf %sub3A_21, %sub3A_21 : vector<512x64xf32>
    %jit3A_23 = arith.constant 0.000000e+00 : f32
    %broadcast_in_dim3A_24 = vector.shape_cast %lt3A_5 : vector<512x1xi1> to vector<512x1xi1>
    %broadcast_in_dim3A_25 = vector.broadcast %broadcast_in_dim3A_24 : vector<512x1xi1> to vector<512x64xi1>
    %broadcast_in_dim3A_26 = vector.broadcast %jit3A_23 : f32 to vector<512x64xf32>
    %select_n3A_27 = arith.select %broadcast_in_dim3A_25, %mul3A_22, %broadcast_in_dim3A_26 : vector<512x64xi1>, vector<512x64xf32>
    %add3A_28 = arith.addf %select_n3A, %select_n3A_27 : vector<512x64xf32>
    %get3A_29 = arith.constant 0 : index
    %get3A_30 = arith.constant 2 : index
    %get3A_31 = arith.constant 0 : index
    %get3A_32 = vector.load %arg1[%get3A_29, %get3A_30, %get3A_31] : memref<512x20x64xf32, #tpu.memory_space<vmem>>, vector<512x1x64xf32>
    %get3A_33 = vector.shape_cast %get3A_32 : vector<512x1x64xf32> to vector<512x64xf32>
    %max3A_34 = arith.maximumf %max3A, %get3A_33 : vector<512x64xf32>
    %min3A_35 = arith.minimumf %min3A, %get3A_33 : vector<512x64xf32>
    %sub3A_36 = vector.broadcast %get3A_1 : vector<1x64xf32> to vector<512x64xf32>
    %sub3A_37 = arith.subf %get3A_33, %sub3A_36 : vector<512x64xf32>
    %mul3A_38 = arith.mulf %sub3A_37, %sub3A_37 : vector<512x64xf32>
    %jit3A_39 = arith.constant 0.000000e+00 : f32
    %broadcast_in_dim3A_40 = vector.shape_cast %lt3A_5 : vector<512x1xi1> to vector<512x1xi1>
    %broadcast_in_dim3A_41 = vector.broadcast %broadcast_in_dim3A_40 : vector<512x1xi1> to vector<512x64xi1>
    %broadcast_in_dim3A_42 = vector.broadcast %jit3A_39 : f32 to vector<512x64xf32>
    %select_n3A_43 = arith.select %broadcast_in_dim3A_41, %mul3A_38, %broadcast_in_dim3A_42 : vector<512x64xi1>, vector<512x64xf32>
    %add3A_44 = arith.addf %add3A_28, %select_n3A_43 : vector<512x64xf32>
    %get3A_45 = arith.constant 0 : index
    %get3A_46 = arith.constant 3 : index
    %get3A_47 = arith.constant 0 : index
    %get3A_48 = vector.load %arg1[%get3A_45, %get3A_46, %get3A_47] : memref<512x20x64xf32, #tpu.memory_space<vmem>>, vector<512x1x64xf32>
    %get3A_49 = vector.shape_cast %get3A_48 : vector<512x1x64xf32> to vector<512x64xf32>
    %max3A_50 = arith.maximumf %max3A_34, %get3A_49 : vector<512x64xf32>
    %min3A_51 = arith.minimumf %min3A_35, %get3A_49 : vector<512x64xf32>
    %sub3A_52 = vector.broadcast %get3A_1 : vector<1x64xf32> to vector<512x64xf32>
    %sub3A_53 = arith.subf %get3A_49, %sub3A_52 : vector<512x64xf32>
    %mul3A_54 = arith.mulf %sub3A_53, %sub3A_53 : vector<512x64xf32>
    %jit3A_55 = arith.constant 0.000000e+00 : f32
    %broadcast_in_dim3A_56 = vector.shape_cast %lt3A_5 : vector<512x1xi1> to vector<512x1xi1>
    %broadcast_in_dim3A_57 = vector.broadcast %broadcast_in_dim3A_56 : vector<512x1xi1> to vector<512x64xi1>
    %broadcast_in_dim3A_58 = vector.broadcast %jit3A_55 : f32 to vector<512x64xf32>
    %select_n3A_59 = arith.select %broadcast_in_dim3A_57, %mul3A_54, %broadcast_in_dim3A_58 : vector<512x64xi1>, vector<512x64xf32>
    %add3A_60 = arith.addf %add3A_44, %select_n3A_59 : vector<512x64xf32>
    %get3A_61 = arith.constant 0 : index
    %get3A_62 = arith.constant 4 : index
    %get3A_63 = arith.constant 0 : index
    %get3A_64 = vector.load %arg1[%get3A_61, %get3A_62, %get3A_63] : memref<512x20x64xf32, #tpu.memory_space<vmem>>, vector<512x1x64xf32>
    %get3A_65 = vector.shape_cast %get3A_64 : vector<512x1x64xf32> to vector<512x64xf32>
    %max3A_66 = arith.maximumf %max3A_50, %get3A_65 : vector<512x64xf32>
    %min3A_67 = arith.minimumf %min3A_51, %get3A_65 : vector<512x64xf32>
    %sub3A_68 = vector.broadcast %get3A_1 : vector<1x64xf32> to vector<512x64xf32>
    %sub3A_69 = arith.subf %get3A_65, %sub3A_68 : vector<512x64xf32>
    %mul3A_70 = arith.mulf %sub3A_69, %sub3A_69 : vector<512x64xf32>
    %jit3A_71 = arith.constant 0.000000e+00 : f32
    %broadcast_in_dim3A_72 = vector.shape_cast %lt3A_5 : vector<512x1xi1> to vector<512x1xi1>
    %broadcast_in_dim3A_73 = vector.broadcast %broadcast_in_dim3A_72 : vector<512x1xi1> to vector<512x64xi1>
    %broadcast_in_dim3A_74 = vector.broadcast %jit3A_71 : f32 to vector<512x64xf32>
    %select_n3A_75 = arith.select %broadcast_in_dim3A_73, %mul3A_70, %broadcast_in_dim3A_74 : vector<512x64xi1>, vector<512x64xf32>
    %add3A_76 = arith.addf %add3A_60, %select_n3A_75 : vector<512x64xf32>
    %get3A_77 = arith.constant 0 : index
    %get3A_78 = arith.constant 5 : index
    %get3A_79 = arith.constant 0 : index
    %get3A_80 = vector.load %arg1[%get3A_77, %get3A_78, %get3A_79] : memref<512x20x64xf32, #tpu.memory_space<vmem>>, vector<512x1x64xf32>
    %get3A_81 = vector.shape_cast %get3A_80 : vector<512x1x64xf32> to vector<512x64xf32>
    %max3A_82 = arith.maximumf %max3A_66, %get3A_81 : vector<512x64xf32>
    %min3A_83 = arith.minimumf %min3A_67, %get3A_81 : vector<512x64xf32>
    %sub3A_84 = vector.broadcast %get3A_1 : vector<1x64xf32> to vector<512x64xf32>
    %sub3A_85 = arith.subf %get3A_81, %sub3A_84 : vector<512x64xf32>
    %mul3A_86 = arith.mulf %sub3A_85, %sub3A_85 : vector<512x64xf32>
    %jit3A_87 = arith.constant 0.000000e+00 : f32
    %broadcast_in_dim3A_88 = vector.shape_cast %lt3A_5 : vector<512x1xi1> to vector<512x1xi1>
    %broadcast_in_dim3A_89 = vector.broadcast %broadcast_in_dim3A_88 : vector<512x1xi1> to vector<512x64xi1>
    %broadcast_in_dim3A_90 = vector.broadcast %jit3A_87 : f32 to vector<512x64xf32>
    %select_n3A_91 = arith.select %broadcast_in_dim3A_89, %mul3A_86, %broadcast_in_dim3A_90 : vector<512x64xi1>, vector<512x64xf32>
    %add3A_92 = arith.addf %add3A_76, %select_n3A_91 : vector<512x64xf32>
    %get3A_93 = arith.constant 0 : index
    %get3A_94 = arith.constant 6 : index
    %get3A_95 = arith.constant 0 : index
    %get3A_96 = vector.load %arg1[%get3A_93, %get3A_94, %get3A_95] : memref<512x20x64xf32, #tpu.memory_space<vmem>>, vector<512x1x64xf32>
    %get3A_97 = vector.shape_cast %get3A_96 : vector<512x1x64xf32> to vector<512x64xf32>
    %max3A_98 = arith.maximumf %max3A_82, %get3A_97 : vector<512x64xf32>
    %min3A_99 = arith.minimumf %min3A_83, %get3A_97 : vector<512x64xf32>
    %sub3A_100 = vector.broadcast %get3A_1 : vector<1x64xf32> to vector<512x64xf32>
    %sub3A_101 = arith.subf %get3A_97, %sub3A_100 : vector<512x64xf32>
    %mul3A_102 = arith.mulf %sub3A_101, %sub3A_101 : vector<512x64xf32>
    %jit3A_103 = arith.constant 0.000000e+00 : f32
    %broadcast_in_dim3A_104 = vector.shape_cast %lt3A_5 : vector<512x1xi1> to vector<512x1xi1>
    %broadcast_in_dim3A_105 = vector.broadcast %broadcast_in_dim3A_104 : vector<512x1xi1> to vector<512x64xi1>
    %broadcast_in_dim3A_106 = vector.broadcast %jit3A_103 : f32 to vector<512x64xf32>
    %select_n3A_107 = arith.select %broadcast_in_dim3A_105, %mul3A_102, %broadcast_in_dim3A_106 : vector<512x64xi1>, vector<512x64xf32>
    %add3A_108 = arith.addf %add3A_92, %select_n3A_107 : vector<512x64xf32>
    %get3A_109 = arith.constant 0 : index
    %get3A_110 = arith.constant 7 : index
    %get3A_111 = arith.constant 0 : index
    %get3A_112 = vector.load %arg1[%get3A_109, %get3A_110, %get3A_111] : memref<512x20x64xf32, #tpu.memory_space<vmem>>, vector<512x1x64xf32>
    %get3A_113 = vector.shape_cast %get3A_112 : vector<512x1x64xf32> to vector<512x64xf32>
    %max3A_114 = arith.maximumf %max3A_98, %get3A_113 : vector<512x64xf32>
    %min3A_115 = arith.minimumf %min3A_99, %get3A_113 : vector<512x64xf32>
    %sub3A_116 = vector.broadcast %get3A_1 : vector<1x64xf32> to vector<512x64xf32>
    %sub3A_117 = arith.subf %get3A_113, %sub3A_116 : vector<512x64xf32>
    %mul3A_118 = arith.mulf %sub3A_117, %sub3A_117 : vector<512x64xf32>
    %jit3A_119 = arith.constant 0.000000e+00 : f32
    %broadcast_in_dim3A_120 = vector.shape_cast %lt3A_5 : vector<512x1xi1> to vector<512x1xi1>
    %broadcast_in_dim3A_121 = vector.broadcast %broadcast_in_dim3A_120 : vector<512x1xi1> to vector<512x64xi1>
    %broadcast_in_dim3A_122 = vector.broadcast %jit3A_119 : f32 to vector<512x64xf32>
    %select_n3A_123 = arith.select %broadcast_in_dim3A_121, %mul3A_118, %broadcast_in_dim3A_122 : vector<512x64xi1>, vector<512x64xf32>
    %add3A_124 = arith.addf %add3A_108, %select_n3A_123 : vector<512x64xf32>
    %get3A_125 = arith.constant 0 : index
    %get3A_126 = arith.constant 8 : index
    %get3A_127 = arith.constant 0 : index
    %get3A_128 = vector.load %arg1[%get3A_125, %get3A_126, %get3A_127] : memref<512x20x64xf32, #tpu.memory_space<vmem>>, vector<512x1x64xf32>
    %get3A_129 = vector.shape_cast %get3A_128 : vector<512x1x64xf32> to vector<512x64xf32>
    %max3A_130 = arith.maximumf %max3A_114, %get3A_129 : vector<512x64xf32>
    %min3A_131 = arith.minimumf %min3A_115, %get3A_129 : vector<512x64xf32>
    %sub3A_132 = vector.broadcast %get3A_1 : vector<1x64xf32> to vector<512x64xf32>
    %sub3A_133 = arith.subf %get3A_129, %sub3A_132 : vector<512x64xf32>
    %mul3A_134 = arith.mulf %sub3A_133, %sub3A_133 : vector<512x64xf32>
    %jit3A_135 = arith.constant 0.000000e+00 : f32
    %broadcast_in_dim3A_136 = vector.shape_cast %lt3A_5 : vector<512x1xi1> to vector<512x1xi1>
    %broadcast_in_dim3A_137 = vector.broadcast %broadcast_in_dim3A_136 : vector<512x1xi1> to vector<512x64xi1>
    %broadcast_in_dim3A_138 = vector.broadcast %jit3A_135 : f32 to vector<512x64xf32>
    %select_n3A_139 = arith.select %broadcast_in_dim3A_137, %mul3A_134, %broadcast_in_dim3A_138 : vector<512x64xi1>, vector<512x64xf32>
    %add3A_140 = arith.addf %add3A_124, %select_n3A_139 : vector<512x64xf32>
    %get3A_141 = arith.constant 0 : index
    %get3A_142 = arith.constant 9 : index
    %get3A_143 = arith.constant 0 : index
    %get3A_144 = vector.load %arg1[%get3A_141, %get3A_142, %get3A_143] : memref<512x20x64xf32, #tpu.memory_space<vmem>>, vector<512x1x64xf32>
    %get3A_145 = vector.shape_cast %get3A_144 : vector<512x1x64xf32> to vector<512x64xf32>
    %max3A_146 = arith.maximumf %max3A_130, %get3A_145 : vector<512x64xf32>
    %min3A_147 = arith.minimumf %min3A_131, %get3A_145 : vector<512x64xf32>
    %sub3A_148 = vector.broadcast %get3A_1 : vector<1x64xf32> to vector<512x64xf32>
    %sub3A_149 = arith.subf %get3A_145, %sub3A_148 : vector<512x64xf32>
    %mul3A_150 = arith.mulf %sub3A_149, %sub3A_149 : vector<512x64xf32>
    %jit3A_151 = arith.constant 0.000000e+00 : f32
    %broadcast_in_dim3A_152 = vector.shape_cast %lt3A_5 : vector<512x1xi1> to vector<512x1xi1>
    %broadcast_in_dim3A_153 = vector.broadcast %broadcast_in_dim3A_152 : vector<512x1xi1> to vector<512x64xi1>
    %broadcast_in_dim3A_154 = vector.broadcast %jit3A_151 : f32 to vector<512x64xf32>
    %select_n3A_155 = arith.select %broadcast_in_dim3A_153, %mul3A_150, %broadcast_in_dim3A_154 : vector<512x64xi1>, vector<512x64xf32>
    %add3A_156 = arith.addf %add3A_140, %select_n3A_155 : vector<512x64xf32>
    %get3A_157 = arith.constant 0 : index
    %get3A_158 = arith.constant 10 : index
    %get3A_159 = arith.constant 0 : index
    %get3A_160 = vector.load %arg1[%get3A_157, %get3A_158, %get3A_159] : memref<512x20x64xf32, #tpu.memory_space<vmem>>, vector<512x1x64xf32>
    %get3A_161 = vector.shape_cast %get3A_160 : vector<512x1x64xf32> to vector<512x64xf32>
    %max3A_162 = arith.maximumf %max3A_146, %get3A_161 : vector<512x64xf32>
    %min3A_163 = arith.minimumf %min3A_147, %get3A_161 : vector<512x64xf32>
    %sub3A_164 = vector.broadcast %get3A_1 : vector<1x64xf32> to vector<512x64xf32>
    %sub3A_165 = arith.subf %get3A_161, %sub3A_164 : vector<512x64xf32>
    %mul3A_166 = arith.mulf %sub3A_165, %sub3A_165 : vector<512x64xf32>
    %jit3A_167 = arith.constant 0.000000e+00 : f32
    %broadcast_in_dim3A_168 = vector.shape_cast %lt3A_5 : vector<512x1xi1> to vector<512x1xi1>
    %broadcast_in_dim3A_169 = vector.broadcast %broadcast_in_dim3A_168 : vector<512x1xi1> to vector<512x64xi1>
    %broadcast_in_dim3A_170 = vector.broadcast %jit3A_167 : f32 to vector<512x64xf32>
    %select_n3A_171 = arith.select %broadcast_in_dim3A_169, %mul3A_166, %broadcast_in_dim3A_170 : vector<512x64xi1>, vector<512x64xf32>
    %add3A_172 = arith.addf %add3A_156, %select_n3A_171 : vector<512x64xf32>
    %get3A_173 = arith.constant 0 : index
    %get3A_174 = arith.constant 11 : index
    %get3A_175 = arith.constant 0 : index
    %get3A_176 = vector.load %arg1[%get3A_173, %get3A_174, %get3A_175] : memref<512x20x64xf32, #tpu.memory_space<vmem>>, vector<512x1x64xf32>
    %get3A_177 = vector.shape_cast %get3A_176 : vector<512x1x64xf32> to vector<512x64xf32>
    %max3A_178 = arith.maximumf %max3A_162, %get3A_177 : vector<512x64xf32>
    %min3A_179 = arith.minimumf %min3A_163, %get3A_177 : vector<512x64xf32>
    %sub3A_180 = vector.broadcast %get3A_1 : vector<1x64xf32> to vector<512x64xf32>
    %sub3A_181 = arith.subf %get3A_177, %sub3A_180 : vector<512x64xf32>
    %mul3A_182 = arith.mulf %sub3A_181, %sub3A_181 : vector<512x64xf32>
    %jit3A_183 = arith.constant 0.000000e+00 : f32
    %broadcast_in_dim3A_184 = vector.shape_cast %lt3A_5 : vector<512x1xi1> to vector<512x1xi1>
    %broadcast_in_dim3A_185 = vector.broadcast %broadcast_in_dim3A_184 : vector<512x1xi1> to vector<512x64xi1>
    %broadcast_in_dim3A_186 = vector.broadcast %jit3A_183 : f32 to vector<512x64xf32>
    %select_n3A_187 = arith.select %broadcast_in_dim3A_185, %mul3A_182, %broadcast_in_dim3A_186 : vector<512x64xi1>, vector<512x64xf32>
    %add3A_188 = arith.addf %add3A_172, %select_n3A_187 : vector<512x64xf32>
    %get3A_189 = arith.constant 0 : index
    %get3A_190 = arith.constant 12 : index
    %get3A_191 = arith.constant 0 : index
    %get3A_192 = vector.load %arg1[%get3A_189, %get3A_190, %get3A_191] : memref<512x20x64xf32, #tpu.memory_space<vmem>>, vector<512x1x64xf32>
    %get3A_193 = vector.shape_cast %get3A_192 : vector<512x1x64xf32> to vector<512x64xf32>
    %max3A_194 = arith.maximumf %max3A_178, %get3A_193 : vector<512x64xf32>
    %min3A_195 = arith.minimumf %min3A_179, %get3A_193 : vector<512x64xf32>
    %sub3A_196 = vector.broadcast %get3A_1 : vector<1x64xf32> to vector<512x64xf32>
    %sub3A_197 = arith.subf %get3A_193, %sub3A_196 : vector<512x64xf32>
    %mul3A_198 = arith.mulf %sub3A_197, %sub3A_197 : vector<512x64xf32>
    %jit3A_199 = arith.constant 0.000000e+00 : f32
    %broadcast_in_dim3A_200 = vector.shape_cast %lt3A_5 : vector<512x1xi1> to vector<512x1xi1>
    %broadcast_in_dim3A_201 = vector.broadcast %broadcast_in_dim3A_200 : vector<512x1xi1> to vector<512x64xi1>
    %broadcast_in_dim3A_202 = vector.broadcast %jit3A_199 : f32 to vector<512x64xf32>
    %select_n3A_203 = arith.select %broadcast_in_dim3A_201, %mul3A_198, %broadcast_in_dim3A_202 : vector<512x64xi1>, vector<512x64xf32>
    %add3A_204 = arith.addf %add3A_188, %select_n3A_203 : vector<512x64xf32>
    %get3A_205 = arith.constant 0 : index
    %get3A_206 = arith.constant 13 : index
    %get3A_207 = arith.constant 0 : index
    %get3A_208 = vector.load %arg1[%get3A_205, %get3A_206, %get3A_207] : memref<512x20x64xf32, #tpu.memory_space<vmem>>, vector<512x1x64xf32>
    %get3A_209 = vector.shape_cast %get3A_208 : vector<512x1x64xf32> to vector<512x64xf32>
    %max3A_210 = arith.maximumf %max3A_194, %get3A_209 : vector<512x64xf32>
    %min3A_211 = arith.minimumf %min3A_195, %get3A_209 : vector<512x64xf32>
    %sub3A_212 = vector.broadcast %get3A_1 : vector<1x64xf32> to vector<512x64xf32>
    %sub3A_213 = arith.subf %get3A_209, %sub3A_212 : vector<512x64xf32>
    %mul3A_214 = arith.mulf %sub3A_213, %sub3A_213 : vector<512x64xf32>
    %jit3A_215 = arith.constant 0.000000e+00 : f32
    %broadcast_in_dim3A_216 = vector.shape_cast %lt3A_5 : vector<512x1xi1> to vector<512x1xi1>
    %broadcast_in_dim3A_217 = vector.broadcast %broadcast_in_dim3A_216 : vector<512x1xi1> to vector<512x64xi1>
    %broadcast_in_dim3A_218 = vector.broadcast %jit3A_215 : f32 to vector<512x64xf32>
    %select_n3A_219 = arith.select %broadcast_in_dim3A_217, %mul3A_214, %broadcast_in_dim3A_218 : vector<512x64xi1>, vector<512x64xf32>
    %add3A_220 = arith.addf %add3A_204, %select_n3A_219 : vector<512x64xf32>
    %get3A_221 = arith.constant 0 : index
    %get3A_222 = arith.constant 14 : index
    %get3A_223 = arith.constant 0 : index
    %get3A_224 = vector.load %arg1[%get3A_221, %get3A_222, %get3A_223] : memref<512x20x64xf32, #tpu.memory_space<vmem>>, vector<512x1x64xf32>
    %get3A_225 = vector.shape_cast %get3A_224 : vector<512x1x64xf32> to vector<512x64xf32>
    %max3A_226 = arith.maximumf %max3A_210, %get3A_225 : vector<512x64xf32>
    %min3A_227 = arith.minimumf %min3A_211, %get3A_225 : vector<512x64xf32>
    %sub3A_228 = vector.broadcast %get3A_1 : vector<1x64xf32> to vector<512x64xf32>
    %sub3A_229 = arith.subf %get3A_225, %sub3A_228 : vector<512x64xf32>
    %mul3A_230 = arith.mulf %sub3A_229, %sub3A_229 : vector<512x64xf32>
    %jit3A_231 = arith.constant 0.000000e+00 : f32
    %broadcast_in_dim3A_232 = vector.shape_cast %lt3A_5 : vector<512x1xi1> to vector<512x1xi1>
    %broadcast_in_dim3A_233 = vector.broadcast %broadcast_in_dim3A_232 : vector<512x1xi1> to vector<512x64xi1>
    %broadcast_in_dim3A_234 = vector.broadcast %jit3A_231 : f32 to vector<512x64xf32>
    %select_n3A_235 = arith.select %broadcast_in_dim3A_233, %mul3A_230, %broadcast_in_dim3A_234 : vector<512x64xi1>, vector<512x64xf32>
    %add3A_236 = arith.addf %add3A_220, %select_n3A_235 : vector<512x64xf32>
    %get3A_237 = arith.constant 0 : index
    %get3A_238 = arith.constant 15 : index
    %get3A_239 = arith.constant 0 : index
    %get3A_240 = vector.load %arg1[%get3A_237, %get3A_238, %get3A_239] : memref<512x20x64xf32, #tpu.memory_space<vmem>>, vector<512x1x64xf32>
    %get3A_241 = vector.shape_cast %get3A_240 : vector<512x1x64xf32> to vector<512x64xf32>
    %max3A_242 = arith.maximumf %max3A_226, %get3A_241 : vector<512x64xf32>
    %min3A_243 = arith.minimumf %min3A_227, %get3A_241 : vector<512x64xf32>
    %sub3A_244 = vector.broadcast %get3A_1 : vector<1x64xf32> to vector<512x64xf32>
    %sub3A_245 = arith.subf %get3A_241, %sub3A_244 : vector<512x64xf32>
    %mul3A_246 = arith.mulf %sub3A_245, %sub3A_245 : vector<512x64xf32>
    %jit3A_247 = arith.constant 0.000000e+00 : f32
    %broadcast_in_dim3A_248 = vector.shape_cast %lt3A_5 : vector<512x1xi1> to vector<512x1xi1>
    %broadcast_in_dim3A_249 = vector.broadcast %broadcast_in_dim3A_248 : vector<512x1xi1> to vector<512x64xi1>
    %broadcast_in_dim3A_250 = vector.broadcast %jit3A_247 : f32 to vector<512x64xf32>
    %select_n3A_251 = arith.select %broadcast_in_dim3A_249, %mul3A_246, %broadcast_in_dim3A_250 : vector<512x64xi1>, vector<512x64xf32>
    %add3A_252 = arith.addf %add3A_236, %select_n3A_251 : vector<512x64xf32>
    %get3A_253 = arith.constant 0 : index
    %get3A_254 = arith.constant 16 : index
    %get3A_255 = arith.constant 0 : index
    %get3A_256 = vector.load %arg1[%get3A_253, %get3A_254, %get3A_255] : memref<512x20x64xf32, #tpu.memory_space<vmem>>, vector<512x1x64xf32>
    %get3A_257 = vector.shape_cast %get3A_256 : vector<512x1x64xf32> to vector<512x64xf32>
    %max3A_258 = arith.maximumf %max3A_242, %get3A_257 : vector<512x64xf32>
    %min3A_259 = arith.minimumf %min3A_243, %get3A_257 : vector<512x64xf32>
    %sub3A_260 = vector.broadcast %get3A_1 : vector<1x64xf32> to vector<512x64xf32>
    %sub3A_261 = arith.subf %get3A_257, %sub3A_260 : vector<512x64xf32>
    %mul3A_262 = arith.mulf %sub3A_261, %sub3A_261 : vector<512x64xf32>
    %jit3A_263 = arith.constant 0.000000e+00 : f32
    %broadcast_in_dim3A_264 = vector.shape_cast %lt3A_5 : vector<512x1xi1> to vector<512x1xi1>
    %broadcast_in_dim3A_265 = vector.broadcast %broadcast_in_dim3A_264 : vector<512x1xi1> to vector<512x64xi1>
    %broadcast_in_dim3A_266 = vector.broadcast %jit3A_263 : f32 to vector<512x64xf32>
    %select_n3A_267 = arith.select %broadcast_in_dim3A_265, %mul3A_262, %broadcast_in_dim3A_266 : vector<512x64xi1>, vector<512x64xf32>
    %add3A_268 = arith.addf %add3A_252, %select_n3A_267 : vector<512x64xf32>
    %get3A_269 = arith.constant 0 : index
    %get3A_270 = arith.constant 17 : index
    %get3A_271 = arith.constant 0 : index
    %get3A_272 = vector.load %arg1[%get3A_269, %get3A_270, %get3A_271] : memref<512x20x64xf32, #tpu.memory_space<vmem>>, vector<512x1x64xf32>
    %get3A_273 = vector.shape_cast %get3A_272 : vector<512x1x64xf32> to vector<512x64xf32>
    %max3A_274 = arith.maximumf %max3A_258, %get3A_273 : vector<512x64xf32>
    %min3A_275 = arith.minimumf %min3A_259, %get3A_273 : vector<512x64xf32>
    %sub3A_276 = vector.broadcast %get3A_1 : vector<1x64xf32> to vector<512x64xf32>
    %sub3A_277 = arith.subf %get3A_273, %sub3A_276 : vector<512x64xf32>
    %mul3A_278 = arith.mulf %sub3A_277, %sub3A_277 : vector<512x64xf32>
    %jit3A_279 = arith.constant 0.000000e+00 : f32
    %broadcast_in_dim3A_280 = vector.shape_cast %lt3A_5 : vector<512x1xi1> to vector<512x1xi1>
    %broadcast_in_dim3A_281 = vector.broadcast %broadcast_in_dim3A_280 : vector<512x1xi1> to vector<512x64xi1>
    %broadcast_in_dim3A_282 = vector.broadcast %jit3A_279 : f32 to vector<512x64xf32>
    %select_n3A_283 = arith.select %broadcast_in_dim3A_281, %mul3A_278, %broadcast_in_dim3A_282 : vector<512x64xi1>, vector<512x64xf32>
    %add3A_284 = arith.addf %add3A_268, %select_n3A_283 : vector<512x64xf32>
    %get3A_285 = arith.constant 0 : index
    %get3A_286 = arith.constant 18 : index
    %get3A_287 = arith.constant 0 : index
    %get3A_288 = vector.load %arg1[%get3A_285, %get3A_286, %get3A_287] : memref<512x20x64xf32, #tpu.memory_space<vmem>>, vector<512x1x64xf32>
    %get3A_289 = vector.shape_cast %get3A_288 : vector<512x1x64xf32> to vector<512x64xf32>
    %max3A_290 = arith.maximumf %max3A_274, %get3A_289 : vector<512x64xf32>
    %min3A_291 = arith.minimumf %min3A_275, %get3A_289 : vector<512x64xf32>
    %sub3A_292 = vector.broadcast %get3A_1 : vector<1x64xf32> to vector<512x64xf32>
    %sub3A_293 = arith.subf %get3A_289, %sub3A_292 : vector<512x64xf32>
    %mul3A_294 = arith.mulf %sub3A_293, %sub3A_293 : vector<512x64xf32>
    %jit3A_295 = arith.constant 0.000000e+00 : f32
    %broadcast_in_dim3A_296 = vector.shape_cast %lt3A_5 : vector<512x1xi1> to vector<512x1xi1>
    %broadcast_in_dim3A_297 = vector.broadcast %broadcast_in_dim3A_296 : vector<512x1xi1> to vector<512x64xi1>
    %broadcast_in_dim3A_298 = vector.broadcast %jit3A_295 : f32 to vector<512x64xf32>
    %select_n3A_299 = arith.select %broadcast_in_dim3A_297, %mul3A_294, %broadcast_in_dim3A_298 : vector<512x64xi1>, vector<512x64xf32>
    %add3A_300 = arith.addf %add3A_284, %select_n3A_299 : vector<512x64xf32>
    %get3A_301 = arith.constant 0 : index
    %get3A_302 = arith.constant 19 : index
    %get3A_303 = arith.constant 0 : index
    %get3A_304 = vector.load %arg1[%get3A_301, %get3A_302, %get3A_303] : memref<512x20x64xf32, #tpu.memory_space<vmem>>, vector<512x1x64xf32>
    %get3A_305 = vector.shape_cast %get3A_304 : vector<512x1x64xf32> to vector<512x64xf32>
    %max3A_306 = arith.maximumf %max3A_290, %get3A_305 : vector<512x64xf32>
    %min3A_307 = arith.minimumf %min3A_291, %get3A_305 : vector<512x64xf32>
    %sub3A_308 = vector.broadcast %get3A_1 : vector<1x64xf32> to vector<512x64xf32>
    %sub3A_309 = arith.subf %get3A_305, %sub3A_308 : vector<512x64xf32>
    %mul3A_310 = arith.mulf %sub3A_309, %sub3A_309 : vector<512x64xf32>
    %jit3A_311 = arith.constant 0.000000e+00 : f32
    %broadcast_in_dim3A_312 = vector.shape_cast %lt3A_5 : vector<512x1xi1> to vector<512x1xi1>
    %broadcast_in_dim3A_313 = vector.broadcast %broadcast_in_dim3A_312 : vector<512x1xi1> to vector<512x64xi1>
    %broadcast_in_dim3A_314 = vector.broadcast %jit3A_311 : f32 to vector<512x64xf32>
    %select_n3A_315 = arith.select %broadcast_in_dim3A_313, %mul3A_310, %broadcast_in_dim3A_314 : vector<512x64xi1>, vector<512x64xf32>
    %add3A_316 = arith.addf %add3A_300, %select_n3A_315 : vector<512x64xf32>
    %swap3A = arith.constant 0 : index
    %swap3A_317 = arith.constant 0 : index
    %swap3A_318 = vector.load %arg3[%swap3A, %swap3A_317] : memref<512x64xf32, #tpu.memory_space<vmem>>, vector<512x64xf32>
    tpu.vector_store %arg3[%swap3A, %swap3A_317], %max3A_306 {strides = array<i32>} : memref<512x64xf32, #tpu.memory_space<vmem>>, vector<512x64xf32>,
    %swap3A_319 = arith.constant 0 : index
    %swap3A_320 = arith.constant 0 : index
    %swap3A_321 = vector.load %arg4[%swap3A_319, %swap3A_320] : memref<512x64xf32, #tpu.memory_space<vmem>>, vector<512x64xf32>
    tpu.vector_store %arg4[%swap3A_319, %swap3A_320], %min3A_307 {strides = array<i32>} : memref<512x64xf32, #tpu.memory_space<vmem>>, vector<512x64xf32>,
    %reduce_sum3A = arith.constant dense<0.000000e+00> : vector<64xf32>
    %reduce_sum3A_322 = vector.multi_reduction <add>, %add3A_316, %reduce_sum3A [0] : vector<512x64xf32> to vector<64xf32>
    %reshape3A = vector.shape_cast %reduce_sum3A_322 : vector<64xf32> to vector<1x1x64xf32>
    %swap3A_323 = arith.constant 0 : index
    %swap3A_324 = arith.constant 0 : index
    %swap3A_325 = arith.constant 0 : index
    %swap3A_326 = vector.load %arg5[%swap3A_323, %swap3A_324, %swap3A_325] : memref<1x1x64xf32, #tpu.memory_space<vmem>>, vector<1x1x64xf32>
    tpu.vector_store %arg5[%swap3A_323, %swap3A_324, %swap3A_325], %reshape3A {strides = array<i32>} : memref<1x1x64xf32, #tpu.memory_space<vmem>>, vector<1x1x64xf32>,
    return
  }
  func.func @transform_0(%arg0: i32) -> (i32, i32, i32) {
    %c0_i32 = arith.constant 0 : i32
    %c0_i32_0 = arith.constant 0 : i32
    %c0_i32_1 = arith.constant 0 : i32
    return %arg0, %c0_i32, %c0_i32_0 : i32, i32, i32
  }
  func.func @transform_1(%arg0: i32) -> (i32, i32) {
    %c0_i32 = arith.constant 0 : i32
    %c0_i32_0 = arith.constant 0 : i32
    %c0_i32_1 = arith.constant 0 : i32
    return %c0_i32, %c0_i32_0 : i32, i32
  }
  func.func @transform_2(%arg0: i32) -> (i32, i32) {
    %c0_i32 = arith.constant 0 : i32
    %c0_i32_0 = arith.constant 0 : i32
    return %arg0, %c0_i32 : i32, i32
  }
  func.func @transform_3(%arg0: i32) -> (i32, i32) {
    %c0_i32 = arith.constant 0 : i32
    %c0_i32_0 = arith.constant 0 : i32
    return %arg0, %c0_i32 : i32, i32
  }
  func.func @transform_4(%arg0: i32) -> (i32, i32, i32) {
    %c0_i32 = arith.constant 0 : i32
    %c0_i32_0 = arith.constant 0 : i32
    %c0_i32_1 = arith.constant 0 : i32
    return %arg0, %c0_i32, %c0_i32_0 : i32, i32, i32
  }
}

module attributes {stable_mosaic.version = 14 : i64} {
  func.func @_bn_sel_body(%arg0: i32, %arg1: memref<512x64xf32, #tpu.memory_space<vmem>>, %arg2: memref<512x64xf32, #tpu.memory_space<vmem>>, %arg3: memref<1x64xf32, #tpu.memory_space<vmem>>, %arg4: memref<1x64xf32, #tpu.memory_space<vmem>>, %arg5: memref<1x64xf32, #tpu.memory_space<vmem>>, %arg6: memref<1x64xf32, #tpu.memory_space<vmem>>, %arg7: memref<512x64xf32, #tpu.memory_space<vmem>>) attributes {dimension_semantics = [#tpu.dimension_semantics<arbitrary>], iteration_bounds = array<i64: 20>, scalar_prefetch = 0 : i64, scratch_operands = 0 : i64, tpu.core_type = #tpu.core_type<tc>, window_params = [{transform_indices = @transform_0, window_bounds = array<i64: 512, 64>}, {transform_indices = @transform_1, window_bounds = array<i64: 512, 64>}, {pipeline_mode = #tpu.pipeline_mode<synchronous>, transform_indices = @transform_2, window_bounds = array<i64: 1, 64>}, {pipeline_mode = #tpu.pipeline_mode<synchronous>, transform_indices = @transform_3, window_bounds = array<i64: 1, 64>}, {pipeline_mode = #tpu.pipeline_mode<synchronous>, transform_indices = @transform_4, window_bounds = array<i64: 1, 64>}, {pipeline_mode = #tpu.pipeline_mode<synchronous>, transform_indices = @transform_5, window_bounds = array<i64: 1, 64>}, {transform_indices = @transform_6, window_bounds = array<i64: 512, 64>}]} {
    %get3A = arith.constant 0 : index
    %get3A_0 = arith.constant 0 : index
    %get3A_1 = vector.load %arg5[%get3A, %get3A_0] : memref<1x64xf32, #tpu.memory_space<vmem>>, vector<1x64xf32>
    %get3A_2 = arith.constant 0 : index
    %get3A_3 = arith.constant 0 : index
    %get3A_4 = vector.load %arg4[%get3A_2, %get3A_3] : memref<1x64xf32, #tpu.memory_space<vmem>>, vector<1x64xf32>
    %mul3A = arith.mulf %get3A_1, %get3A_4 : vector<1x64xf32>
    %ge3A = arith.constant 0.000000e+00 : f32
    %ge3A_5 = vector.broadcast %ge3A : f32 to vector<1x64xf32>
    %ge3A_6 = arith.cmpf oge, %mul3A, %ge3A_5 : vector<1x64xf32>
    %get3A_7 = arith.constant 0 : index
    %get3A_8 = arith.constant 0 : index
    %get3A_9 = vector.load %arg1[%get3A_7, %get3A_8] : memref<512x64xf32, #tpu.memory_space<vmem>>, vector<512x64xf32>
    %get3A_10 = arith.constant 0 : index
    %get3A_11 = arith.constant 0 : index
    %get3A_12 = vector.load %arg2[%get3A_10, %get3A_11] : memref<512x64xf32, #tpu.memory_space<vmem>>, vector<512x64xf32>
    %broadcast_in_dim3A = vector.shape_cast %ge3A_6 : vector<1x64xi1> to vector<1x64xi1>
    %broadcast_in_dim3A_13 = vector.broadcast %broadcast_in_dim3A : vector<1x64xi1> to vector<512x64xi1>
    %select_n3A = arith.select %broadcast_in_dim3A_13, %get3A_9, %get3A_12 : vector<512x64xi1>, vector<512x64xf32>
    %get3A_14 = arith.constant 0 : index
    %get3A_15 = arith.constant 0 : index
    %get3A_16 = vector.load %arg3[%get3A_14, %get3A_15] : memref<1x64xf32, #tpu.memory_space<vmem>>, vector<1x64xf32>
    %sub3A = vector.broadcast %get3A_16 : vector<1x64xf32> to vector<512x64xf32>
    %sub3A_17 = arith.subf %select_n3A, %sub3A : vector<512x64xf32>
    %mul3A_18 = vector.broadcast %get3A_1 : vector<1x64xf32> to vector<512x64xf32>
    %mul3A_19 = arith.mulf %mul3A_18, %sub3A_17 : vector<512x64xf32>
    %mul3A_20 = vector.broadcast %get3A_4 : vector<1x64xf32> to vector<512x64xf32>
    %mul3A_21 = arith.mulf %mul3A_19, %mul3A_20 : vector<512x64xf32>
    %get3A_22 = arith.constant 0 : index
    %get3A_23 = arith.constant 0 : index
    %get3A_24 = vector.load %arg6[%get3A_22, %get3A_23] : memref<1x64xf32, #tpu.memory_space<vmem>>, vector<1x64xf32>
    %add3A = vector.broadcast %get3A_24 : vector<1x64xf32> to vector<512x64xf32>
    %add3A_25 = arith.addf %mul3A_21, %add3A : vector<512x64xf32>
    %swap3A = arith.constant 0 : index
    %swap3A_26 = arith.constant 0 : index
    %swap3A_27 = vector.load %arg7[%swap3A, %swap3A_26] : memref<512x64xf32, #tpu.memory_space<vmem>>, vector<512x64xf32>
    tpu.vector_store %arg7[%swap3A, %swap3A_26], %add3A_25 {strides = array<i32>} : memref<512x64xf32, #tpu.memory_space<vmem>>, vector<512x64xf32>,
    return
  }
  func.func @transform_0(%arg0: i32) -> (i32, i32) {
    %c0_i32 = arith.constant 0 : i32
    %c0_i32_0 = arith.constant 0 : i32
    return %arg0, %c0_i32 : i32, i32
  }
  func.func @transform_1(%arg0: i32) -> (i32, i32) {
    %c0_i32 = arith.constant 0 : i32
    %c0_i32_0 = arith.constant 0 : i32
    return %arg0, %c0_i32 : i32, i32
  }
  func.func @transform_2(%arg0: i32) -> (i32, i32) {
    %c0_i32 = arith.constant 0 : i32
    %c0_i32_0 = arith.constant 0 : i32
    %c0_i32_1 = arith.constant 0 : i32
    return %c0_i32, %c0_i32_0 : i32, i32
  }
  func.func @transform_3(%arg0: i32) -> (i32, i32) {
    %c0_i32 = arith.constant 0 : i32
    %c0_i32_0 = arith.constant 0 : i32
    %c0_i32_1 = arith.constant 0 : i32
    return %c0_i32, %c0_i32_0 : i32, i32
  }
  func.func @transform_4(%arg0: i32) -> (i32, i32) {
    %c0_i32 = arith.constant 0 : i32
    %c0_i32_0 = arith.constant 0 : i32
    %c0_i32_1 = arith.constant 0 : i32
    return %c0_i32, %c0_i32_0 : i32, i32
  }
  func.func @transform_5(%arg0: i32) -> (i32, i32) {
    %c0_i32 = arith.constant 0 : i32
    %c0_i32_0 = arith.constant 0 : i32
    %c0_i32_1 = arith.constant 0 : i32
    return %c0_i32, %c0_i32_0 : i32, i32
  }
  func.func @transform_6(%arg0: i32) -> (i32, i32) {
    %c0_i32 = arith.constant 0 : i32
    %c0_i32_0 = arith.constant 0 : i32
    return %arg0, %c0_i32 : i32, i32
  }
}

module attributes {stable_mosaic.version = 14 : i64} {
  func.func @_knn_body(%arg0: i32, %arg1: memref<20xi32, #tpu.memory_space<smem>>, %arg2: memref<20xi32, #tpu.memory_space<smem>>, %arg3: memref<512x64xf32, #tpu.memory_space<vmem>>, %arg4: memref<64x10240xf32, #tpu.memory_space<vmem>>, %arg5: memref<512x1xi32, #tpu.memory_space<vmem>>, %arg6: memref<1x10240xi32, #tpu.memory_space<vmem>>, %arg7: memref<512x20xi32, #tpu.memory_space<vmem>>, %arg8: memref<512x10240xf32, #tpu.memory_space<vmem>>) attributes {dimension_semantics = [#tpu.dimension_semantics<arbitrary>], iteration_bounds = array<i64: 20>, scalar_prefetch = 2 : i64, scratch_operands = 1 : i64, tpu.core_type = #tpu.core_type<tc>, window_params = [{transform_indices = @transform_0, window_bounds = array<i64: 512, 64>}, {pipeline_mode = #tpu.pipeline_mode<synchronous>, transform_indices = @transform_1, window_bounds = array<i64: 64, 10240>}, {transform_indices = @transform_2, window_bounds = array<i64: 512, 1>}, {pipeline_mode = #tpu.pipeline_mode<synchronous>, transform_indices = @transform_3, window_bounds = array<i64: 1, 10240>}, {transform_indices = @transform_4, window_bounds = array<i64: 512, 20>}]} {
    %get3A = arith.index_cast %arg0 : i32 to index
    %get3A_0 = memref.load %arg1[%get3A] : memref<20xi32, #tpu.memory_space<smem>>
    %get3A_1 = arith.index_cast %arg0 : i32 to index
    %get3A_2 = memref.load %arg2[%get3A_1] : memref<20xi32, #tpu.memory_space<smem>>
    %get3A_3 = arith.constant 0 : index
    %get3A_4 = arith.constant 0 : index
    %get3A_5 = vector.load %arg3[%get3A_3, %get3A_4] : memref<512x64xf32, #tpu.memory_space<vmem>>, vector<512x64xf32>
    %get3A_6 = arith.constant 0 : index
    %get3A_7 = arith.constant 0 : index
    %get3A_8 = vector.load %arg5[%get3A_6, %get3A_7] : memref<512x1xi32, #tpu.memory_space<vmem>>, vector<512x1xi32>
    %mul3A = arith.mulf %get3A_5, %get3A_5 : vector<512x64xf32>
    %reduce_sum3A = arith.constant dense<0.000000e+00> : vector<512xf32>
    %reduce_sum3A_9 = vector.multi_reduction <add>, %mul3A, %reduce_sum3A [1] : vector<512x64xf32> to vector<512xf32>
    %broadcast_in_dim3A = vector.shape_cast %reduce_sum3A_9 : vector<512xf32> to vector<512x1xf32>
    %while3A = arith.constant 0 : i32
    %while3A_10 = arith.constant 0 : i32
    %while3A_11 = arith.subi %get3A_2, %while3A : i32
    %while3A_12 = arith.addi %while3A, %while3A_11 : i32
    %while3A_13 = arith.constant 1 : i32
    %while3A_14 = arith.divsi %while3A_11, %while3A_13 : i32
    %while3A_15 = arith.muli %while3A_14, %while3A_13 : i32
    %while3A_16 = arith.addi %while3A, %while3A_15 : i32
    %while3A_17 = arith.constant 1 : i32
    %while3A_18 = scf.for %while3A_342 = %while3A to %while3A_16 step %while3A_17 iter_args(%while3A_343 = %while3A_10) -> (i32)  : i32 {
      %mul3A_344 = arith.constant 512 : i32
      %mul3A_345 = arith.muli %while3A_342, %mul3A_344 : i32
      %add3A = arith.addi %get3A_0, %mul3A_345 : i32
      %multiple_of3A = tpu.assume_multiple %add3A, 512 : i32
      %get3A_346 = arith.constant 0 : index
      %get3A_347 = arith.index_cast %multiple_of3A : i32 to index
      %get3A_348 = vector.load %arg4[%get3A_346, %get3A_347] : memref<64x10240xf32, #tpu.memory_space<vmem>>, vector<64x512xf32>
      %get3A_349 = arith.constant 0 : index
      %get3A_350 = arith.index_cast %multiple_of3A : i32 to index
      %get3A_351 = vector.load %arg6[%get3A_349, %get3A_350] : memref<1x10240xi32, #tpu.memory_space<vmem>>, vector<1x512xi32>
      %dot_general3A = arith.constant dense<0.000000e+00> : vector<512x512xf32>
      %dot_general3A_352 = tpu.matmul %get3A_5, %get3A_348, %dot_general3A {dimension_numbers = #tpu.dot_dimension_numbers<[1], [0], [0], [1], [0, 0, 1, 1], [], []>, transpose_lhs_hint = false} : vector<512x64xf32>, vector<64x512xf32>, vector<512x512xf32> -> vector<512x512xf32>
      %mul3A_353 = arith.constant 2.000000e+00 : f32
      %mul3A_354 = vector.broadcast %mul3A_353 : f32 to vector<512x512xf32>
      %mul3A_355 = arith.mulf %mul3A_354, %dot_general3A_352 : vector<512x512xf32>
      %sub3A = vector.broadcast %broadcast_in_dim3A : vector<512x1xf32> to vector<512x512xf32>
      %sub3A_356 = arith.subf %sub3A, %mul3A_355 : vector<512x512xf32>
      %mul3A_357 = arith.mulf %get3A_348, %get3A_348 : vector<64x512xf32>
      %reduce_sum3A_358 = arith.constant dense<0.000000e+00> : vector<512xf32>
      %reduce_sum3A_359 = vector.multi_reduction <add>, %mul3A_357, %reduce_sum3A_358 [0] : vector<64x512xf32> to vector<512xf32>
      %broadcast_in_dim3A_360 = vector.shape_cast %reduce_sum3A_359 : vector<512xf32> to vector<1x512xf32>
      %add3A_361 = vector.broadcast %broadcast_in_dim3A_360 : vector<1x512xf32> to vector<512x512xf32>
      %add3A_362 = arith.addf %sub3A_356, %add3A_361 : vector<512x512xf32>
      %eq3A = vector.broadcast %get3A_8 : vector<512x1xi32> to vector<512x512xi32>
      %eq3A_363 = vector.broadcast %get3A_351 : vector<1x512xi32> to vector<512x512xi32>
      %eq3A_364 = arith.cmpi eq, %eq3A, %eq3A_363 : vector<512x512xi32>
      %jit3A = arith.constant 0x7F800000 : f32
      %broadcast_in_dim3A_365 = vector.broadcast %jit3A : f32 to vector<512x512xf32>
      %select_n3A = arith.select %eq3A_364, %add3A_362, %broadcast_in_dim3A_365 : vector<512x512xi1>, vector<512x512xf32>
      %mul3A_366 = arith.constant 512 : i32
      %mul3A_367 = arith.muli %while3A_342, %mul3A_366 : i32
      %multiple_of3A_368 = tpu.assume_multiple %mul3A_367, 512 : i32
      %swap3A_369 = arith.constant 0 : index
      %swap3A_370 = arith.index_cast %multiple_of3A_368 : i32 to index
      %swap3A_371 = vector.load %arg8[%swap3A_369, %swap3A_370] : memref<512x10240xf32, #tpu.memory_space<vmem>>, vector<512x512xf32>
      tpu.vector_store %arg8[%swap3A_369, %swap3A_370], %select_n3A {strides = array<i32>} : memref<512x10240xf32, #tpu.memory_space<vmem>>, vector<512x512xf32>,
      %while3A_372 = arith.constant 0 : i32
      scf.yield %while3A_372 : i32
    }
    %while3A_19 = arith.constant 1 : i32
    %while3A_20 = scf.for %while3A_342 = %while3A_16 to %while3A_12 step %while3A_19 iter_args(%while3A_343 = %while3A_18) -> (i32)  : i32 {
      %mul3A_344 = arith.constant 512 : i32
      %mul3A_345 = arith.muli %while3A_342, %mul3A_344 : i32
      %add3A = arith.addi %get3A_0, %mul3A_345 : i32
      %multiple_of3A = tpu.assume_multiple %add3A, 512 : i32
      %get3A_346 = arith.constant 0 : index
      %get3A_347 = arith.index_cast %multiple_of3A : i32 to index
      %get3A_348 = vector.load %arg4[%get3A_346, %get3A_347] : memref<64x10240xf32, #tpu.memory_space<vmem>>, vector<64x512xf32>
      %get3A_349 = arith.constant 0 : index
      %get3A_350 = arith.index_cast %multiple_of3A : i32 to index
      %get3A_351 = vector.load %arg6[%get3A_349, %get3A_350] : memref<1x10240xi32, #tpu.memory_space<vmem>>, vector<1x512xi32>
      %dot_general3A = arith.constant dense<0.000000e+00> : vector<512x512xf32>
      %dot_general3A_352 = tpu.matmul %get3A_5, %get3A_348, %dot_general3A {dimension_numbers = #tpu.dot_dimension_numbers<[1], [0], [0], [1], [0, 0, 1, 1], [], []>, transpose_lhs_hint = false} : vector<512x64xf32>, vector<64x512xf32>, vector<512x512xf32> -> vector<512x512xf32>
      %mul3A_353 = arith.constant 2.000000e+00 : f32
      %mul3A_354 = vector.broadcast %mul3A_353 : f32 to vector<512x512xf32>
      %mul3A_355 = arith.mulf %mul3A_354, %dot_general3A_352 : vector<512x512xf32>
      %sub3A = vector.broadcast %broadcast_in_dim3A : vector<512x1xf32> to vector<512x512xf32>
      %sub3A_356 = arith.subf %sub3A, %mul3A_355 : vector<512x512xf32>
      %mul3A_357 = arith.mulf %get3A_348, %get3A_348 : vector<64x512xf32>
      %reduce_sum3A_358 = arith.constant dense<0.000000e+00> : vector<512xf32>
      %reduce_sum3A_359 = vector.multi_reduction <add>, %mul3A_357, %reduce_sum3A_358 [0] : vector<64x512xf32> to vector<512xf32>
      %broadcast_in_dim3A_360 = vector.shape_cast %reduce_sum3A_359 : vector<512xf32> to vector<1x512xf32>
      %add3A_361 = vector.broadcast %broadcast_in_dim3A_360 : vector<1x512xf32> to vector<512x512xf32>
      %add3A_362 = arith.addf %sub3A_356, %add3A_361 : vector<512x512xf32>
      %eq3A = vector.broadcast %get3A_8 : vector<512x1xi32> to vector<512x512xi32>
      %eq3A_363 = vector.broadcast %get3A_351 : vector<1x512xi32> to vector<512x512xi32>
      %eq3A_364 = arith.cmpi eq, %eq3A, %eq3A_363 : vector<512x512xi32>
      %jit3A = arith.constant 0x7F800000 : f32
      %broadcast_in_dim3A_365 = vector.broadcast %jit3A : f32 to vector<512x512xf32>
      %select_n3A = arith.select %eq3A_364, %add3A_362, %broadcast_in_dim3A_365 : vector<512x512xi1>, vector<512x512xf32>
      %mul3A_366 = arith.constant 512 : i32
      %mul3A_367 = arith.muli %while3A_342, %mul3A_366 : i32
      %multiple_of3A_368 = tpu.assume_multiple %mul3A_367, 512 : i32
      %swap3A_369 = arith.constant 0 : index
      %swap3A_370 = arith.index_cast %multiple_of3A_368 : i32 to index
      %swap3A_371 = vector.load %arg8[%swap3A_369, %swap3A_370] : memref<512x10240xf32, #tpu.memory_space<vmem>>, vector<512x512xf32>
      tpu.vector_store %arg8[%swap3A_369, %swap3A_370], %select_n3A {strides = array<i32>} : memref<512x10240xf32, #tpu.memory_space<vmem>>, vector<512x512xf32>,
      %while3A_372 = arith.constant 0 : i32
      scf.yield %while3A_372 : i32
    }
    %iota3A = tpu.iota {dimensions = array<i32: 1>} : vector<1x512xi32>
    %broadcast_in_dim3A_21 = arith.constant 0x7F800000 : f32
    %broadcast_in_dim3A_22 = vector.broadcast %broadcast_in_dim3A_21 : f32 to vector<512x1xf32>
    %broadcast_in_dim3A_23 = arith.constant 10240 : i32
    %broadcast_in_dim3A_24 = vector.broadcast %broadcast_in_dim3A_23 : i32 to vector<512x1xi32>
    %while3A_25 = arith.constant 0 : i32
    %while3A_26 = arith.subi %get3A_2, %while3A_25 : i32
    %while3A_27 = arith.addi %while3A_25, %while3A_26 : i32
    %while3A_28 = arith.constant 1 : i32
    %while3A_29 = arith.divsi %while3A_26, %while3A_28 : i32
    %while3A_30 = arith.muli %while3A_29, %while3A_28 : i32
    %while3A_31 = arith.addi %while3A_25, %while3A_30 : i32
    %while3A_32 = arith.constant 1 : i32
    %while3A_33:2 = scf.for %while3A_342 = %while3A_25 to %while3A_31 step %while3A_32 iter_args(%while3A_343 = %broadcast_in_dim3A_22, %while3A_344 = %broadcast_in_dim3A_24) -> (vector<512x1xf32>, vector<512x1xi32>)  : i32 {
      %mul3A_345 = arith.constant 512 : i32
      %mul3A_346 = arith.muli %while3A_342, %mul3A_345 : i32
      %multiple_of3A = tpu.assume_multiple %mul3A_346, 512 : i32
      %mul3A_347 = arith.constant 512 : i32
      %mul3A_348 = arith.muli %while3A_342, %mul3A_347 : i32
      %add3A = arith.addi %get3A_0, %mul3A_348 : i32
      %add3A_349 = vector.broadcast %add3A : i32 to vector<1x512xi32>
      %add3A_350 = arith.addi %iota3A, %add3A_349 : vector<1x512xi32>
      %get3A_351 = arith.constant 0 : index
      %get3A_352 = arith.index_cast %multiple_of3A : i32 to index
      %get3A_353 = vector.load %arg8[%get3A_351, %get3A_352] : memref<512x10240xf32, #tpu.memory_space<vmem>>, vector<512x512xf32>
      %reduce_min3A = arith.constant dense<0x7F800000> : vector<512xf32>
      %reduce_min3A_354 = vector.multi_reduction <minimumf>, %get3A_353, %reduce_min3A [1] : vector<512x512xf32> to vector<512xf32>
      %broadcast_in_dim3A_355 = vector.shape_cast %reduce_min3A_354 : vector<512xf32> to vector<512x1xf32>
      %eq3A = vector.broadcast %broadcast_in_dim3A_355 : vector<512x1xf32> to vector<512x512xf32>
      %eq3A_356 = arith.cmpf oeq, %get3A_353, %eq3A : vector<512x512xf32>
      %jit3A = arith.constant 10240 : i32
      %broadcast_in_dim3A_357 = vector.shape_cast %add3A_350 : vector<1x512xi32> to vector<1x512xi32>
      %broadcast_in_dim3A_358 = vector.broadcast %broadcast_in_dim3A_357 : vector<1x512xi32> to vector<512x512xi32>
      %broadcast_in_dim3A_359 = vector.broadcast %jit3A : i32 to vector<512x512xi32>
      %select_n3A = arith.select %eq3A_356, %broadcast_in_dim3A_358, %broadcast_in_dim3A_359 : vector<512x512xi1>, vector<512x512xi32>
      %reduce_min3A_360 = arith.constant dense<2147483647> : vector<512xi32>
      %reduce_min3A_361 = vector.multi_reduction <minsi>, %select_n3A, %reduce_min3A_360 [1] : vector<512x512xi32> to vector<512xi32>
      %broadcast_in_dim3A_362 = vector.shape_cast %reduce_min3A_361 : vector<512xi32> to vector<512x1xi32>
      %lt3A = arith.cmpf olt, %broadcast_in_dim3A_355, %while3A_343 : vector<512x1xf32>
      %eq3A_363 = arith.cmpf oeq, %broadcast_in_dim3A_355, %while3A_343 : vector<512x1xf32>
      %lt3A_364 = arith.cmpi slt, %broadcast_in_dim3A_362, %while3A_344 : vector<512x1xi32>
      %and3A = arith.andi %eq3A_363, %lt3A_364 : vector<512x1xi1>
      %or3A = arith.ori %lt3A, %and3A : vector<512x1xi1>
      %select_n3A_365 = arith.select %or3A, %broadcast_in_dim3A_355, %while3A_343 : vector<512x1xi1>, vector<512x1xf32>
      %select_n3A_366 = arith.select %or3A, %broadcast_in_dim3A_362, %while3A_344 : vector<512x1xi1>, vector<512x1xi32>
      scf.yield %select_n3A_365, %select_n3A_366 : vector<512x1xf32>, vector<512x1xi32>
    }
    %while3A_34 = arith.constant 1 : i32
    %while3A_35:2 = scf.for %while3A_342 = %while3A_31 to %while3A_27 step %while3A_34 iter_args(%while3A_343 = %while3A_33#0, %while3A_344 = %while3A_33#1) -> (vector<512x1xf32>, vector<512x1xi32>)  : i32 {
      %mul3A_345 = arith.constant 512 : i32
      %mul3A_346 = arith.muli %while3A_342, %mul3A_345 : i32
      %multiple_of3A = tpu.assume_multiple %mul3A_346, 512 : i32
      %mul3A_347 = arith.constant 512 : i32
      %mul3A_348 = arith.muli %while3A_342, %mul3A_347 : i32
      %add3A = arith.addi %get3A_0, %mul3A_348 : i32
      %add3A_349 = vector.broadcast %add3A : i32 to vector<1x512xi32>
      %add3A_350 = arith.addi %iota3A, %add3A_349 : vector<1x512xi32>
      %get3A_351 = arith.constant 0 : index
      %get3A_352 = arith.index_cast %multiple_of3A : i32 to index
      %get3A_353 = vector.load %arg8[%get3A_351, %get3A_352] : memref<512x10240xf32, #tpu.memory_space<vmem>>, vector<512x512xf32>
      %reduce_min3A = arith.constant dense<0x7F800000> : vector<512xf32>
      %reduce_min3A_354 = vector.multi_reduction <minimumf>, %get3A_353, %reduce_min3A [1] : vector<512x512xf32> to vector<512xf32>
      %broadcast_in_dim3A_355 = vector.shape_cast %reduce_min3A_354 : vector<512xf32> to vector<512x1xf32>
      %eq3A = vector.broadcast %broadcast_in_dim3A_355 : vector<512x1xf32> to vector<512x512xf32>
      %eq3A_356 = arith.cmpf oeq, %get3A_353, %eq3A : vector<512x512xf32>
      %jit3A = arith.constant 10240 : i32
      %broadcast_in_dim3A_357 = vector.shape_cast %add3A_350 : vector<1x512xi32> to vector<1x512xi32>
      %broadcast_in_dim3A_358 = vector.broadcast %broadcast_in_dim3A_357 : vector<1x512xi32> to vector<512x512xi32>
      %broadcast_in_dim3A_359 = vector.broadcast %jit3A : i32 to vector<512x512xi32>
      %select_n3A = arith.select %eq3A_356, %broadcast_in_dim3A_358, %broadcast_in_dim3A_359 : vector<512x512xi1>, vector<512x512xi32>
      %reduce_min3A_360 = arith.constant dense<2147483647> : vector<512xi32>
      %reduce_min3A_361 = vector.multi_reduction <minsi>, %select_n3A, %reduce_min3A_360 [1] : vector<512x512xi32> to vector<512xi32>
      %broadcast_in_dim3A_362 = vector.shape_cast %reduce_min3A_361 : vector<512xi32> to vector<512x1xi32>
      %lt3A = arith.cmpf olt, %broadcast_in_dim3A_355, %while3A_343 : vector<512x1xf32>
      %eq3A_363 = arith.cmpf oeq, %broadcast_in_dim3A_355, %while3A_343 : vector<512x1xf32>
      %lt3A_364 = arith.cmpi slt, %broadcast_in_dim3A_362, %while3A_344 : vector<512x1xi32>
      %and3A = arith.andi %eq3A_363, %lt3A_364 : vector<512x1xi1>
      %or3A = arith.ori %lt3A, %and3A : vector<512x1xi1>
      %select_n3A_365 = arith.select %or3A, %broadcast_in_dim3A_355, %while3A_343 : vector<512x1xi1>, vector<512x1xf32>
      %select_n3A_366 = arith.select %or3A, %broadcast_in_dim3A_362, %while3A_344 : vector<512x1xi1>, vector<512x1xi32>
      scf.yield %select_n3A_365, %select_n3A_366 : vector<512x1xf32>, vector<512x1xi32>
    }
    %broadcast_in_dim3A_36 = arith.constant 0x7F800000 : f32
    %broadcast_in_dim3A_37 = vector.broadcast %broadcast_in_dim3A_36 : f32 to vector<512x1xf32>
    %broadcast_in_dim3A_38 = arith.constant 10240 : i32
    %broadcast_in_dim3A_39 = vector.broadcast %broadcast_in_dim3A_38 : i32 to vector<512x1xi32>
    %while3A_40 = arith.constant 0x7F800000 : f32
    %while3A_41 = arith.constant 0 : i32
    %while3A_42 = arith.subi %get3A_2, %while3A_41 : i32
    %while3A_43 = arith.addi %while3A_41, %while3A_42 : i32
    %while3A_44 = arith.constant 1 : i32
    %while3A_45 = arith.divsi %while3A_42, %while3A_44 : i32
    %while3A_46 = arith.muli %while3A_45, %while3A_44 : i32
    %while3A_47 = arith.addi %while3A_41, %while3A_46 : i32
    %while3A_48 = arith.constant 1 : i32
    %while3A_49:2 = scf.for %while3A_342 = %while3A_41 to %while3A_47 step %while3A_48 iter_args(%while3A_343 = %broadcast_in_dim3A_37, %while3A_344 = %broadcast_in_dim3A_39) -> (vector<512x1xf32>, vector<512x1xi32>)  : i32 {
      %mul3A_345 = arith.constant 512 : i32
      %mul3A_346 = arith.muli %while3A_342, %mul3A_345 : i32
      %multiple_of3A = tpu.assume_multiple %mul3A_346, 512 : i32
      %mul3A_347 = arith.constant 512 : i32
      %mul3A_348 = arith.muli %while3A_342, %mul3A_347 : i32
      %add3A = arith.addi %get3A_0, %mul3A_348 : i32
      %add3A_349 = vector.broadcast %add3A : i32 to vector<1x512xi32>
      %add3A_350 = arith.addi %iota3A, %add3A_349 : vector<1x512xi32>
      %get3A_351 = arith.constant 0 : index
      %get3A_352 = arith.index_cast %multiple_of3A : i32 to index
      %get3A_353 = vector.load %arg8[%get3A_351, %get3A_352] : memref<512x10240xf32, #tpu.memory_space<vmem>>, vector<512x512xf32>
      %eq3A = vector.broadcast %add3A_350 : vector<1x512xi32> to vector<512x512xi32>
      %eq3A_354 = vector.broadcast %while3A_35#1 : vector<512x1xi32> to vector<512x512xi32>
      %eq3A_355 = arith.cmpi eq, %eq3A, %eq3A_354 : vector<512x512xi32>
      %broadcast_in_dim3A_356 = vector.broadcast %while3A_40 : f32 to vector<512x512xf32>
      %select_n3A = arith.select %eq3A_355, %broadcast_in_dim3A_356, %get3A_353 : vector<512x512xi1>, vector<512x512xf32>
      %swap3A_357 = arith.constant 0 : index
      %swap3A_358 = arith.index_cast %multiple_of3A : i32 to index
      %swap3A_359 = vector.load %arg8[%swap3A_357, %swap3A_358] : memref<512x10240xf32, #tpu.memory_space<vmem>>, vector<512x512xf32>
      tpu.vector_store %arg8[%swap3A_357, %swap3A_358], %select_n3A {strides = array<i32>} : memref<512x10240xf32, #tpu.memory_space<vmem>>, vector<512x512xf32>,
      %reduce_min3A = arith.constant dense<0x7F800000> : vector<512xf32>
      %reduce_min3A_360 = vector.multi_reduction <minimumf>, %select_n3A, %reduce_min3A [1] : vector<512x512xf32> to vector<512xf32>
      %broadcast_in_dim3A_361 = vector.shape_cast %reduce_min3A_360 : vector<512xf32> to vector<512x1xf32>
      %eq3A_362 = vector.broadcast %broadcast_in_dim3A_361 : vector<512x1xf32> to vector<512x512xf32>
      %eq3A_363 = arith.cmpf oeq, %select_n3A, %eq3A_362 : vector<512x512xf32>
      %jit3A = arith.constant 10240 : i32
      %broadcast_in_dim3A_364 = vector.shape_cast %add3A_350 : vector<1x512xi32> to vector<1x512xi32>
      %broadcast_in_dim3A_365 = vector.broadcast %broadcast_in_dim3A_364 : vector<1x512xi32> to vector<512x512xi32>
      %broadcast_in_dim3A_366 = vector.broadcast %jit3A : i32 to vector<512x512xi32>
      %select_n3A_367 = arith.select %eq3A_363, %broadcast_in_dim3A_365, %broadcast_in_dim3A_366 : vector<512x512xi1>, vector<512x512xi32>
      %reduce_min3A_368 = arith.constant dense<2147483647> : vector<512xi32>
      %reduce_min3A_369 = vector.multi_reduction <minsi>, %select_n3A_367, %reduce_min3A_368 [1] : vector<512x512xi32> to vector<512xi32>
      %broadcast_in_dim3A_370 = vector.shape_cast %reduce_min3A_369 : vector<512xi32> to vector<512x1xi32>
      %lt3A = arith.cmpf olt, %broadcast_in_dim3A_361, %while3A_343 : vector<512x1xf32>
      %eq3A_371 = arith.cmpf oeq, %broadcast_in_dim3A_361, %while3A_343 : vector<512x1xf32>
      %lt3A_372 = arith.cmpi slt, %broadcast_in_dim3A_370, %while3A_344 : vector<512x1xi32>
      %and3A = arith.andi %eq3A_371, %lt3A_372 : vector<512x1xi1>
      %or3A = arith.ori %lt3A, %and3A : vector<512x1xi1>
      %select_n3A_373 = arith.select %or3A, %broadcast_in_dim3A_361, %while3A_343 : vector<512x1xi1>, vector<512x1xf32>
      %select_n3A_374 = arith.select %or3A, %broadcast_in_dim3A_370, %while3A_344 : vector<512x1xi1>, vector<512x1xi32>
      scf.yield %select_n3A_373, %select_n3A_374 : vector<512x1xf32>, vector<512x1xi32>
    }
    %while3A_50 = arith.constant 1 : i32
    %while3A_51:2 = scf.for %while3A_342 = %while3A_47 to %while3A_43 step %while3A_50 iter_args(%while3A_343 = %while3A_49#0, %while3A_344 = %while3A_49#1) -> (vector<512x1xf32>, vector<512x1xi32>)  : i32 {
      %mul3A_345 = arith.constant 512 : i32
      %mul3A_346 = arith.muli %while3A_342, %mul3A_345 : i32
      %multiple_of3A = tpu.assume_multiple %mul3A_346, 512 : i32
      %mul3A_347 = arith.constant 512 : i32
      %mul3A_348 = arith.muli %while3A_342, %mul3A_347 : i32
      %add3A = arith.addi %get3A_0, %mul3A_348 : i32
      %add3A_349 = vector.broadcast %add3A : i32 to vector<1x512xi32>
      %add3A_350 = arith.addi %iota3A, %add3A_349 : vector<1x512xi32>
      %get3A_351 = arith.constant 0 : index
      %get3A_352 = arith.index_cast %multiple_of3A : i32 to index
      %get3A_353 = vector.load %arg8[%get3A_351, %get3A_352] : memref<512x10240xf32, #tpu.memory_space<vmem>>, vector<512x512xf32>
      %eq3A = vector.broadcast %add3A_350 : vector<1x512xi32> to vector<512x512xi32>
      %eq3A_354 = vector.broadcast %while3A_35#1 : vector<512x1xi32> to vector<512x512xi32>
      %eq3A_355 = arith.cmpi eq, %eq3A, %eq3A_354 : vector<512x512xi32>
      %broadcast_in_dim3A_356 = vector.broadcast %while3A_40 : f32 to vector<512x512xf32>
      %select_n3A = arith.select %eq3A_355, %broadcast_in_dim3A_356, %get3A_353 : vector<512x512xi1>, vector<512x512xf32>
      %swap3A_357 = arith.constant 0 : index
      %swap3A_358 = arith.index_cast %multiple_of3A : i32 to index
      %swap3A_359 = vector.load %arg8[%swap3A_357, %swap3A_358] : memref<512x10240xf32, #tpu.memory_space<vmem>>, vector<512x512xf32>
      tpu.vector_store %arg8[%swap3A_357, %swap3A_358], %select_n3A {strides = array<i32>} : memref<512x10240xf32, #tpu.memory_space<vmem>>, vector<512x512xf32>,
      %reduce_min3A = arith.constant dense<0x7F800000> : vector<512xf32>
      %reduce_min3A_360 = vector.multi_reduction <minimumf>, %select_n3A, %reduce_min3A [1] : vector<512x512xf32> to vector<512xf32>
      %broadcast_in_dim3A_361 = vector.shape_cast %reduce_min3A_360 : vector<512xf32> to vector<512x1xf32>
      %eq3A_362 = vector.broadcast %broadcast_in_dim3A_361 : vector<512x1xf32> to vector<512x512xf32>
      %eq3A_363 = arith.cmpf oeq, %select_n3A, %eq3A_362 : vector<512x512xf32>
      %jit3A = arith.constant 10240 : i32
      %broadcast_in_dim3A_364 = vector.shape_cast %add3A_350 : vector<1x512xi32> to vector<1x512xi32>
      %broadcast_in_dim3A_365 = vector.broadcast %broadcast_in_dim3A_364 : vector<1x512xi32> to vector<512x512xi32>
      %broadcast_in_dim3A_366 = vector.broadcast %jit3A : i32 to vector<512x512xi32>
      %select_n3A_367 = arith.select %eq3A_363, %broadcast_in_dim3A_365, %broadcast_in_dim3A_366 : vector<512x512xi1>, vector<512x512xi32>
      %reduce_min3A_368 = arith.constant dense<2147483647> : vector<512xi32>
      %reduce_min3A_369 = vector.multi_reduction <minsi>, %select_n3A_367, %reduce_min3A_368 [1] : vector<512x512xi32> to vector<512xi32>
      %broadcast_in_dim3A_370 = vector.shape_cast %reduce_min3A_369 : vector<512xi32> to vector<512x1xi32>
      %lt3A = arith.cmpf olt, %broadcast_in_dim3A_361, %while3A_343 : vector<512x1xf32>
      %eq3A_371 = arith.cmpf oeq, %broadcast_in_dim3A_361, %while3A_343 : vector<512x1xf32>
      %lt3A_372 = arith.cmpi slt, %broadcast_in_dim3A_370, %while3A_344 : vector<512x1xi32>
      %and3A = arith.andi %eq3A_371, %lt3A_372 : vector<512x1xi1>
      %or3A = arith.ori %lt3A, %and3A : vector<512x1xi1>
      %select_n3A_373 = arith.select %or3A, %broadcast_in_dim3A_361, %while3A_343 : vector<512x1xi1>, vector<512x1xf32>
      %select_n3A_374 = arith.select %or3A, %broadcast_in_dim3A_370, %while3A_344 : vector<512x1xi1>, vector<512x1xi32>
      scf.yield %select_n3A_373, %select_n3A_374 : vector<512x1xf32>, vector<512x1xi32>
    }
    %broadcast_in_dim3A_52 = arith.constant 0x7F800000 : f32
    %broadcast_in_dim3A_53 = vector.broadcast %broadcast_in_dim3A_52 : f32 to vector<512x1xf32>
    %broadcast_in_dim3A_54 = arith.constant 10240 : i32
    %broadcast_in_dim3A_55 = vector.broadcast %broadcast_in_dim3A_54 : i32 to vector<512x1xi32>
    %while3A_56 = arith.constant 0x7F800000 : f32
    %while3A_57 = arith.constant 0 : i32
    %while3A_58 = arith.subi %get3A_2, %while3A_57 : i32
    %while3A_59 = arith.addi %while3A_57, %while3A_58 : i32
    %while3A_60 = arith.constant 1 : i32
    %while3A_61 = arith.divsi %while3A_58, %while3A_60 : i32
    %while3A_62 = arith.muli %while3A_61, %while3A_60 : i32
    %while3A_63 = arith.addi %while3A_57, %while3A_62 : i32
    %while3A_64 = arith.constant 1 : i32
    %while3A_65:2 = scf.for %while3A_342 = %while3A_57 to %while3A_63 step %while3A_64 iter_args(%while3A_343 = %broadcast_in_dim3A_53, %while3A_344 = %broadcast_in_dim3A_55) -> (vector<512x1xf32>, vector<512x1xi32>)  : i32 {
      %mul3A_345 = arith.constant 512 : i32
      %mul3A_346 = arith.muli %while3A_342, %mul3A_345 : i32
      %multiple_of3A = tpu.assume_multiple %mul3A_346, 512 : i32
      %mul3A_347 = arith.constant 512 : i32
      %mul3A_348 = arith.muli %while3A_342, %mul3A_347 : i32
      %add3A = arith.addi %get3A_0, %mul3A_348 : i32
      %add3A_349 = vector.broadcast %add3A : i32 to vector<1x512xi32>
      %add3A_350 = arith.addi %iota3A, %add3A_349 : vector<1x512xi32>
      %get3A_351 = arith.constant 0 : index
      %get3A_352 = arith.index_cast %multiple_of3A : i32 to index
      %get3A_353 = vector.load %arg8[%get3A_351, %get3A_352] : memref<512x10240xf32, #tpu.memory_space<vmem>>, vector<512x512xf32>
      %eq3A = vector.broadcast %add3A_350 : vector<1x512xi32> to vector<512x512xi32>
      %eq3A_354 = vector.broadcast %while3A_51#1 : vector<512x1xi32> to vector<512x512xi32>
      %eq3A_355 = arith.cmpi eq, %eq3A, %eq3A_354 : vector<512x512xi32>
      %broadcast_in_dim3A_356 = vector.broadcast %while3A_56 : f32 to vector<512x512xf32>
      %select_n3A = arith.select %eq3A_355, %broadcast_in_dim3A_356, %get3A_353 : vector<512x512xi1>, vector<512x512xf32>
      %swap3A_357 = arith.constant 0 : index
      %swap3A_358 = arith.index_cast %multiple_of3A : i32 to index
      %swap3A_359 = vector.load %arg8[%swap3A_357, %swap3A_358] : memref<512x10240xf32, #tpu.memory_space<vmem>>, vector<512x512xf32>
      tpu.vector_store %arg8[%swap3A_357, %swap3A_358], %select_n3A {strides = array<i32>} : memref<512x10240xf32, #tpu.memory_space<vmem>>, vector<512x512xf32>,
      %reduce_min3A = arith.constant dense<0x7F800000> : vector<512xf32>
      %reduce_min3A_360 = vector.multi_reduction <minimumf>, %select_n3A, %reduce_min3A [1] : vector<512x512xf32> to vector<512xf32>
      %broadcast_in_dim3A_361 = vector.shape_cast %reduce_min3A_360 : vector<512xf32> to vector<512x1xf32>
      %eq3A_362 = vector.broadcast %broadcast_in_dim3A_361 : vector<512x1xf32> to vector<512x512xf32>
      %eq3A_363 = arith.cmpf oeq, %select_n3A, %eq3A_362 : vector<512x512xf32>
      %jit3A = arith.constant 10240 : i32
      %broadcast_in_dim3A_364 = vector.shape_cast %add3A_350 : vector<1x512xi32> to vector<1x512xi32>
      %broadcast_in_dim3A_365 = vector.broadcast %broadcast_in_dim3A_364 : vector<1x512xi32> to vector<512x512xi32>
      %broadcast_in_dim3A_366 = vector.broadcast %jit3A : i32 to vector<512x512xi32>
      %select_n3A_367 = arith.select %eq3A_363, %broadcast_in_dim3A_365, %broadcast_in_dim3A_366 : vector<512x512xi1>, vector<512x512xi32>
      %reduce_min3A_368 = arith.constant dense<2147483647> : vector<512xi32>
      %reduce_min3A_369 = vector.multi_reduction <minsi>, %select_n3A_367, %reduce_min3A_368 [1] : vector<512x512xi32> to vector<512xi32>
      %broadcast_in_dim3A_370 = vector.shape_cast %reduce_min3A_369 : vector<512xi32> to vector<512x1xi32>
      %lt3A = arith.cmpf olt, %broadcast_in_dim3A_361, %while3A_343 : vector<512x1xf32>
      %eq3A_371 = arith.cmpf oeq, %broadcast_in_dim3A_361, %while3A_343 : vector<512x1xf32>
      %lt3A_372 = arith.cmpi slt, %broadcast_in_dim3A_370, %while3A_344 : vector<512x1xi32>
      %and3A = arith.andi %eq3A_371, %lt3A_372 : vector<512x1xi1>
      %or3A = arith.ori %lt3A, %and3A : vector<512x1xi1>
      %select_n3A_373 = arith.select %or3A, %broadcast_in_dim3A_361, %while3A_343 : vector<512x1xi1>, vector<512x1xf32>
      %select_n3A_374 = arith.select %or3A, %broadcast_in_dim3A_370, %while3A_344 : vector<512x1xi1>, vector<512x1xi32>
      scf.yield %select_n3A_373, %select_n3A_374 : vector<512x1xf32>, vector<512x1xi32>
    }
    %while3A_66 = arith.constant 1 : i32
    %while3A_67:2 = scf.for %while3A_342 = %while3A_63 to %while3A_59 step %while3A_66 iter_args(%while3A_343 = %while3A_65#0, %while3A_344 = %while3A_65#1) -> (vector<512x1xf32>, vector<512x1xi32>)  : i32 {
      %mul3A_345 = arith.constant 512 : i32
      %mul3A_346 = arith.muli %while3A_342, %mul3A_345 : i32
      %multiple_of3A = tpu.assume_multiple %mul3A_346, 512 : i32
      %mul3A_347 = arith.constant 512 : i32
      %mul3A_348 = arith.muli %while3A_342, %mul3A_347 : i32
      %add3A = arith.addi %get3A_0, %mul3A_348 : i32
      %add3A_349 = vector.broadcast %add3A : i32 to vector<1x512xi32>
      %add3A_350 = arith.addi %iota3A, %add3A_349 : vector<1x512xi32>
      %get3A_351 = arith.constant 0 : index
      %get3A_352 = arith.index_cast %multiple_of3A : i32 to index
      %get3A_353 = vector.load %arg8[%get3A_351, %get3A_352] : memref<512x10240xf32, #tpu.memory_space<vmem>>, vector<512x512xf32>
      %eq3A = vector.broadcast %add3A_350 : vector<1x512xi32> to vector<512x512xi32>
      %eq3A_354 = vector.broadcast %while3A_51#1 : vector<512x1xi32> to vector<512x512xi32>
      %eq3A_355 = arith.cmpi eq, %eq3A, %eq3A_354 : vector<512x512xi32>
      %broadcast_in_dim3A_356 = vector.broadcast %while3A_56 : f32 to vector<512x512xf32>
      %select_n3A = arith.select %eq3A_355, %broadcast_in_dim3A_356, %get3A_353 : vector<512x512xi1>, vector<512x512xf32>
      %swap3A_357 = arith.constant 0 : index
      %swap3A_358 = arith.index_cast %multiple_of3A : i32 to index
      %swap3A_359 = vector.load %arg8[%swap3A_357, %swap3A_358] : memref<512x10240xf32, #tpu.memory_space<vmem>>, vector<512x512xf32>
      tpu.vector_store %arg8[%swap3A_357, %swap3A_358], %select_n3A {strides = array<i32>} : memref<512x10240xf32, #tpu.memory_space<vmem>>, vector<512x512xf32>,
      %reduce_min3A = arith.constant dense<0x7F800000> : vector<512xf32>
      %reduce_min3A_360 = vector.multi_reduction <minimumf>, %select_n3A, %reduce_min3A [1] : vector<512x512xf32> to vector<512xf32>
      %broadcast_in_dim3A_361 = vector.shape_cast %reduce_min3A_360 : vector<512xf32> to vector<512x1xf32>
      %eq3A_362 = vector.broadcast %broadcast_in_dim3A_361 : vector<512x1xf32> to vector<512x512xf32>
      %eq3A_363 = arith.cmpf oeq, %select_n3A, %eq3A_362 : vector<512x512xf32>
      %jit3A = arith.constant 10240 : i32
      %broadcast_in_dim3A_364 = vector.shape_cast %add3A_350 : vector<1x512xi32> to vector<1x512xi32>
      %broadcast_in_dim3A_365 = vector.broadcast %broadcast_in_dim3A_364 : vector<1x512xi32> to vector<512x512xi32>
      %broadcast_in_dim3A_366 = vector.broadcast %jit3A : i32 to vector<512x512xi32>
      %select_n3A_367 = arith.select %eq3A_363, %broadcast_in_dim3A_365, %broadcast_in_dim3A_366 : vector<512x512xi1>, vector<512x512xi32>
      %reduce_min3A_368 = arith.constant dense<2147483647> : vector<512xi32>
      %reduce_min3A_369 = vector.multi_reduction <minsi>, %select_n3A_367, %reduce_min3A_368 [1] : vector<512x512xi32> to vector<512xi32>
      %broadcast_in_dim3A_370 = vector.shape_cast %reduce_min3A_369 : vector<512xi32> to vector<512x1xi32>
      %lt3A = arith.cmpf olt, %broadcast_in_dim3A_361, %while3A_343 : vector<512x1xf32>
      %eq3A_371 = arith.cmpf oeq, %broadcast_in_dim3A_361, %while3A_343 : vector<512x1xf32>
      %lt3A_372 = arith.cmpi slt, %broadcast_in_dim3A_370, %while3A_344 : vector<512x1xi32>
      %and3A = arith.andi %eq3A_371, %lt3A_372 : vector<512x1xi1>
      %or3A = arith.ori %lt3A, %and3A : vector<512x1xi1>
      %select_n3A_373 = arith.select %or3A, %broadcast_in_dim3A_361, %while3A_343 : vector<512x1xi1>, vector<512x1xf32>
      %select_n3A_374 = arith.select %or3A, %broadcast_in_dim3A_370, %while3A_344 : vector<512x1xi1>, vector<512x1xi32>
      scf.yield %select_n3A_373, %select_n3A_374 : vector<512x1xf32>, vector<512x1xi32>
    }
    %broadcast_in_dim3A_68 = arith.constant 0x7F800000 : f32
    %broadcast_in_dim3A_69 = vector.broadcast %broadcast_in_dim3A_68 : f32 to vector<512x1xf32>
    %broadcast_in_dim3A_70 = arith.constant 10240 : i32
    %broadcast_in_dim3A_71 = vector.broadcast %broadcast_in_dim3A_70 : i32 to vector<512x1xi32>
    %while3A_72 = arith.constant 0x7F800000 : f32
    %while3A_73 = arith.constant 0 : i32
    %while3A_74 = arith.subi %get3A_2, %while3A_73 : i32
    %while3A_75 = arith.addi %while3A_73, %while3A_74 : i32
    %while3A_76 = arith.constant 1 : i32
    %while3A_77 = arith.divsi %while3A_74, %while3A_76 : i32
    %while3A_78 = arith.muli %while3A_77, %while3A_76 : i32
    %while3A_79 = arith.addi %while3A_73, %while3A_78 : i32
    %while3A_80 = arith.constant 1 : i32
    %while3A_81:2 = scf.for %while3A_342 = %while3A_73 to %while3A_79 step %while3A_80 iter_args(%while3A_343 = %broadcast_in_dim3A_69, %while3A_344 = %broadcast_in_dim3A_71) -> (vector<512x1xf32>, vector<512x1xi32>)  : i32 {
      %mul3A_345 = arith.constant 512 : i32
      %mul3A_346 = arith.muli %while3A_342, %mul3A_345 : i32
      %multiple_of3A = tpu.assume_multiple %mul3A_346, 512 : i32
      %mul3A_347 = arith.constant 512 : i32
      %mul3A_348 = arith.muli %while3A_342, %mul3A_347 : i32
      %add3A = arith.addi %get3A_0, %mul3A_348 : i32
      %add3A_349 = vector.broadcast %add3A : i32 to vector<1x512xi32>
      %add3A_350 = arith.addi %iota3A, %add3A_349 : vector<1x512xi32>
      %get3A_351 = arith.constant 0 : index
      %get3A_352 = arith.index_cast %multiple_of3A : i32 to index
      %get3A_353 = vector.load %arg8[%get3A_351, %get3A_352] : memref<512x10240xf32, #tpu.memory_space<vmem>>, vector<512x512xf32>
      %eq3A = vector.broadcast %add3A_350 : vector<1x512xi32> to vector<512x512xi32>
      %eq3A_354 = vector.broadcast %while3A_67#1 : vector<512x1xi32> to vector<512x512xi32>
      %eq3A_355 = arith.cmpi eq, %eq3A, %eq3A_354 : vector<512x512xi32>
      %broadcast_in_dim3A_356 = vector.broadcast %while3A_72 : f32 to vector<512x512xf32>
      %select_n3A = arith.select %eq3A_355, %broadcast_in_dim3A_356, %get3A_353 : vector<512x512xi1>, vector<512x512xf32>
      %swap3A_357 = arith.constant 0 : index
      %swap3A_358 = arith.index_cast %multiple_of3A : i32 to index
      %swap3A_359 = vector.load %arg8[%swap3A_357, %swap3A_358] : memref<512x10240xf32, #tpu.memory_space<vmem>>, vector<512x512xf32>
      tpu.vector_store %arg8[%swap3A_357, %swap3A_358], %select_n3A {strides = array<i32>} : memref<512x10240xf32, #tpu.memory_space<vmem>>, vector<512x512xf32>,
      %reduce_min3A = arith.constant dense<0x7F800000> : vector<512xf32>
      %reduce_min3A_360 = vector.multi_reduction <minimumf>, %select_n3A, %reduce_min3A [1] : vector<512x512xf32> to vector<512xf32>
      %broadcast_in_dim3A_361 = vector.shape_cast %reduce_min3A_360 : vector<512xf32> to vector<512x1xf32>
      %eq3A_362 = vector.broadcast %broadcast_in_dim3A_361 : vector<512x1xf32> to vector<512x512xf32>
      %eq3A_363 = arith.cmpf oeq, %select_n3A, %eq3A_362 : vector<512x512xf32>
      %jit3A = arith.constant 10240 : i32
      %broadcast_in_dim3A_364 = vector.shape_cast %add3A_350 : vector<1x512xi32> to vector<1x512xi32>
      %broadcast_in_dim3A_365 = vector.broadcast %broadcast_in_dim3A_364 : vector<1x512xi32> to vector<512x512xi32>
      %broadcast_in_dim3A_366 = vector.broadcast %jit3A : i32 to vector<512x512xi32>
      %select_n3A_367 = arith.select %eq3A_363, %broadcast_in_dim3A_365, %broadcast_in_dim3A_366 : vector<512x512xi1>, vector<512x512xi32>
      %reduce_min3A_368 = arith.constant dense<2147483647> : vector<512xi32>
      %reduce_min3A_369 = vector.multi_reduction <minsi>, %select_n3A_367, %reduce_min3A_368 [1] : vector<512x512xi32> to vector<512xi32>
      %broadcast_in_dim3A_370 = vector.shape_cast %reduce_min3A_369 : vector<512xi32> to vector<512x1xi32>
      %lt3A = arith.cmpf olt, %broadcast_in_dim3A_361, %while3A_343 : vector<512x1xf32>
      %eq3A_371 = arith.cmpf oeq, %broadcast_in_dim3A_361, %while3A_343 : vector<512x1xf32>
      %lt3A_372 = arith.cmpi slt, %broadcast_in_dim3A_370, %while3A_344 : vector<512x1xi32>
      %and3A = arith.andi %eq3A_371, %lt3A_372 : vector<512x1xi1>
      %or3A = arith.ori %lt3A, %and3A : vector<512x1xi1>
      %select_n3A_373 = arith.select %or3A, %broadcast_in_dim3A_361, %while3A_343 : vector<512x1xi1>, vector<512x1xf32>
      %select_n3A_374 = arith.select %or3A, %broadcast_in_dim3A_370, %while3A_344 : vector<512x1xi1>, vector<512x1xi32>
      scf.yield %select_n3A_373, %select_n3A_374 : vector<512x1xf32>, vector<512x1xi32>
    }
    %while3A_82 = arith.constant 1 : i32
    %while3A_83:2 = scf.for %while3A_342 = %while3A_79 to %while3A_75 step %while3A_82 iter_args(%while3A_343 = %while3A_81#0, %while3A_344 = %while3A_81#1) -> (vector<512x1xf32>, vector<512x1xi32>)  : i32 {
      %mul3A_345 = arith.constant 512 : i32
      %mul3A_346 = arith.muli %while3A_342, %mul3A_345 : i32
      %multiple_of3A = tpu.assume_multiple %mul3A_346, 512 : i32
      %mul3A_347 = arith.constant 512 : i32
      %mul3A_348 = arith.muli %while3A_342, %mul3A_347 : i32
      %add3A = arith.addi %get3A_0, %mul3A_348 : i32
      %add3A_349 = vector.broadcast %add3A : i32 to vector<1x512xi32>
      %add3A_350 = arith.addi %iota3A, %add3A_349 : vector<1x512xi32>
      %get3A_351 = arith.constant 0 : index
      %get3A_352 = arith.index_cast %multiple_of3A : i32 to index
      %get3A_353 = vector.load %arg8[%get3A_351, %get3A_352] : memref<512x10240xf32, #tpu.memory_space<vmem>>, vector<512x512xf32>
      %eq3A = vector.broadcast %add3A_350 : vector<1x512xi32> to vector<512x512xi32>
      %eq3A_354 = vector.broadcast %while3A_67#1 : vector<512x1xi32> to vector<512x512xi32>
      %eq3A_355 = arith.cmpi eq, %eq3A, %eq3A_354 : vector<512x512xi32>
      %broadcast_in_dim3A_356 = vector.broadcast %while3A_72 : f32 to vector<512x512xf32>
      %select_n3A = arith.select %eq3A_355, %broadcast_in_dim3A_356, %get3A_353 : vector<512x512xi1>, vector<512x512xf32>
      %swap3A_357 = arith.constant 0 : index
      %swap3A_358 = arith.index_cast %multiple_of3A : i32 to index
      %swap3A_359 = vector.load %arg8[%swap3A_357, %swap3A_358] : memref<512x10240xf32, #tpu.memory_space<vmem>>, vector<512x512xf32>
      tpu.vector_store %arg8[%swap3A_357, %swap3A_358], %select_n3A {strides = array<i32>} : memref<512x10240xf32, #tpu.memory_space<vmem>>, vector<512x512xf32>,
      %reduce_min3A = arith.constant dense<0x7F800000> : vector<512xf32>
      %reduce_min3A_360 = vector.multi_reduction <minimumf>, %select_n3A, %reduce_min3A [1] : vector<512x512xf32> to vector<512xf32>
      %broadcast_in_dim3A_361 = vector.shape_cast %reduce_min3A_360 : vector<512xf32> to vector<512x1xf32>
      %eq3A_362 = vector.broadcast %broadcast_in_dim3A_361 : vector<512x1xf32> to vector<512x512xf32>
      %eq3A_363 = arith.cmpf oeq, %select_n3A, %eq3A_362 : vector<512x512xf32>
      %jit3A = arith.constant 10240 : i32
      %broadcast_in_dim3A_364 = vector.shape_cast %add3A_350 : vector<1x512xi32> to vector<1x512xi32>
      %broadcast_in_dim3A_365 = vector.broadcast %broadcast_in_dim3A_364 : vector<1x512xi32> to vector<512x512xi32>
      %broadcast_in_dim3A_366 = vector.broadcast %jit3A : i32 to vector<512x512xi32>
      %select_n3A_367 = arith.select %eq3A_363, %broadcast_in_dim3A_365, %broadcast_in_dim3A_366 : vector<512x512xi1>, vector<512x512xi32>
      %reduce_min3A_368 = arith.constant dense<2147483647> : vector<512xi32>
      %reduce_min3A_369 = vector.multi_reduction <minsi>, %select_n3A_367, %reduce_min3A_368 [1] : vector<512x512xi32> to vector<512xi32>
      %broadcast_in_dim3A_370 = vector.shape_cast %reduce_min3A_369 : vector<512xi32> to vector<512x1xi32>
      %lt3A = arith.cmpf olt, %broadcast_in_dim3A_361, %while3A_343 : vector<512x1xf32>
      %eq3A_371 = arith.cmpf oeq, %broadcast_in_dim3A_361, %while3A_343 : vector<512x1xf32>
      %lt3A_372 = arith.cmpi slt, %broadcast_in_dim3A_370, %while3A_344 : vector<512x1xi32>
      %and3A = arith.andi %eq3A_371, %lt3A_372 : vector<512x1xi1>
      %or3A = arith.ori %lt3A, %and3A : vector<512x1xi1>
      %select_n3A_373 = arith.select %or3A, %broadcast_in_dim3A_361, %while3A_343 : vector<512x1xi1>, vector<512x1xf32>
      %select_n3A_374 = arith.select %or3A, %broadcast_in_dim3A_370, %while3A_344 : vector<512x1xi1>, vector<512x1xi32>
      scf.yield %select_n3A_373, %select_n3A_374 : vector<512x1xf32>, vector<512x1xi32>
    }
    %broadcast_in_dim3A_84 = arith.constant 0x7F800000 : f32
    %broadcast_in_dim3A_85 = vector.broadcast %broadcast_in_dim3A_84 : f32 to vector<512x1xf32>
    %broadcast_in_dim3A_86 = arith.constant 10240 : i32
    %broadcast_in_dim3A_87 = vector.broadcast %broadcast_in_dim3A_86 : i32 to vector<512x1xi32>
    %while3A_88 = arith.constant 0x7F800000 : f32
    %while3A_89 = arith.constant 0 : i32
    %while3A_90 = arith.subi %get3A_2, %while3A_89 : i32
    %while3A_91 = arith.addi %while3A_89, %while3A_90 : i32
    %while3A_92 = arith.constant 1 : i32
    %while3A_93 = arith.divsi %while3A_90, %while3A_92 : i32
    %while3A_94 = arith.muli %while3A_93, %while3A_92 : i32
    %while3A_95 = arith.addi %while3A_89, %while3A_94 : i32
    %while3A_96 = arith.constant 1 : i32
    %while3A_97:2 = scf.for %while3A_342 = %while3A_89 to %while3A_95 step %while3A_96 iter_args(%while3A_343 = %broadcast_in_dim3A_85, %while3A_344 = %broadcast_in_dim3A_87) -> (vector<512x1xf32>, vector<512x1xi32>)  : i32 {
      %mul3A_345 = arith.constant 512 : i32
      %mul3A_346 = arith.muli %while3A_342, %mul3A_345 : i32
      %multiple_of3A = tpu.assume_multiple %mul3A_346, 512 : i32
      %mul3A_347 = arith.constant 512 : i32
      %mul3A_348 = arith.muli %while3A_342, %mul3A_347 : i32
      %add3A = arith.addi %get3A_0, %mul3A_348 : i32
      %add3A_349 = vector.broadcast %add3A : i32 to vector<1x512xi32>
      %add3A_350 = arith.addi %iota3A, %add3A_349 : vector<1x512xi32>
      %get3A_351 = arith.constant 0 : index
      %get3A_352 = arith.index_cast %multiple_of3A : i32 to index
      %get3A_353 = vector.load %arg8[%get3A_351, %get3A_352] : memref<512x10240xf32, #tpu.memory_space<vmem>>, vector<512x512xf32>
      %eq3A = vector.broadcast %add3A_350 : vector<1x512xi32> to vector<512x512xi32>
      %eq3A_354 = vector.broadcast %while3A_83#1 : vector<512x1xi32> to vector<512x512xi32>
      %eq3A_355 = arith.cmpi eq, %eq3A, %eq3A_354 : vector<512x512xi32>
      %broadcast_in_dim3A_356 = vector.broadcast %while3A_88 : f32 to vector<512x512xf32>
      %select_n3A = arith.select %eq3A_355, %broadcast_in_dim3A_356, %get3A_353 : vector<512x512xi1>, vector<512x512xf32>
      %swap3A_357 = arith.constant 0 : index
      %swap3A_358 = arith.index_cast %multiple_of3A : i32 to index
      %swap3A_359 = vector.load %arg8[%swap3A_357, %swap3A_358] : memref<512x10240xf32, #tpu.memory_space<vmem>>, vector<512x512xf32>
      tpu.vector_store %arg8[%swap3A_357, %swap3A_358], %select_n3A {strides = array<i32>} : memref<512x10240xf32, #tpu.memory_space<vmem>>, vector<512x512xf32>,
      %reduce_min3A = arith.constant dense<0x7F800000> : vector<512xf32>
      %reduce_min3A_360 = vector.multi_reduction <minimumf>, %select_n3A, %reduce_min3A [1] : vector<512x512xf32> to vector<512xf32>
      %broadcast_in_dim3A_361 = vector.shape_cast %reduce_min3A_360 : vector<512xf32> to vector<512x1xf32>
      %eq3A_362 = vector.broadcast %broadcast_in_dim3A_361 : vector<512x1xf32> to vector<512x512xf32>
      %eq3A_363 = arith.cmpf oeq, %select_n3A, %eq3A_362 : vector<512x512xf32>
      %jit3A = arith.constant 10240 : i32
      %broadcast_in_dim3A_364 = vector.shape_cast %add3A_350 : vector<1x512xi32> to vector<1x512xi32>
      %broadcast_in_dim3A_365 = vector.broadcast %broadcast_in_dim3A_364 : vector<1x512xi32> to vector<512x512xi32>
      %broadcast_in_dim3A_366 = vector.broadcast %jit3A : i32 to vector<512x512xi32>
      %select_n3A_367 = arith.select %eq3A_363, %broadcast_in_dim3A_365, %broadcast_in_dim3A_366 : vector<512x512xi1>, vector<512x512xi32>
      %reduce_min3A_368 = arith.constant dense<2147483647> : vector<512xi32>
      %reduce_min3A_369 = vector.multi_reduction <minsi>, %select_n3A_367, %reduce_min3A_368 [1] : vector<512x512xi32> to vector<512xi32>
      %broadcast_in_dim3A_370 = vector.shape_cast %reduce_min3A_369 : vector<512xi32> to vector<512x1xi32>
      %lt3A = arith.cmpf olt, %broadcast_in_dim3A_361, %while3A_343 : vector<512x1xf32>
      %eq3A_371 = arith.cmpf oeq, %broadcast_in_dim3A_361, %while3A_343 : vector<512x1xf32>
      %lt3A_372 = arith.cmpi slt, %broadcast_in_dim3A_370, %while3A_344 : vector<512x1xi32>
      %and3A = arith.andi %eq3A_371, %lt3A_372 : vector<512x1xi1>
      %or3A = arith.ori %lt3A, %and3A : vector<512x1xi1>
      %select_n3A_373 = arith.select %or3A, %broadcast_in_dim3A_361, %while3A_343 : vector<512x1xi1>, vector<512x1xf32>
      %select_n3A_374 = arith.select %or3A, %broadcast_in_dim3A_370, %while3A_344 : vector<512x1xi1>, vector<512x1xi32>
      scf.yield %select_n3A_373, %select_n3A_374 : vector<512x1xf32>, vector<512x1xi32>
    }
    %while3A_98 = arith.constant 1 : i32
    %while3A_99:2 = scf.for %while3A_342 = %while3A_95 to %while3A_91 step %while3A_98 iter_args(%while3A_343 = %while3A_97#0, %while3A_344 = %while3A_97#1) -> (vector<512x1xf32>, vector<512x1xi32>)  : i32 {
      %mul3A_345 = arith.constant 512 : i32
      %mul3A_346 = arith.muli %while3A_342, %mul3A_345 : i32
      %multiple_of3A = tpu.assume_multiple %mul3A_346, 512 : i32
      %mul3A_347 = arith.constant 512 : i32
      %mul3A_348 = arith.muli %while3A_342, %mul3A_347 : i32
      %add3A = arith.addi %get3A_0, %mul3A_348 : i32
      %add3A_349 = vector.broadcast %add3A : i32 to vector<1x512xi32>
      %add3A_350 = arith.addi %iota3A, %add3A_349 : vector<1x512xi32>
      %get3A_351 = arith.constant 0 : index
      %get3A_352 = arith.index_cast %multiple_of3A : i32 to index
      %get3A_353 = vector.load %arg8[%get3A_351, %get3A_352] : memref<512x10240xf32, #tpu.memory_space<vmem>>, vector<512x512xf32>
      %eq3A = vector.broadcast %add3A_350 : vector<1x512xi32> to vector<512x512xi32>
      %eq3A_354 = vector.broadcast %while3A_83#1 : vector<512x1xi32> to vector<512x512xi32>
      %eq3A_355 = arith.cmpi eq, %eq3A, %eq3A_354 : vector<512x512xi32>
      %broadcast_in_dim3A_356 = vector.broadcast %while3A_88 : f32 to vector<512x512xf32>
      %select_n3A = arith.select %eq3A_355, %broadcast_in_dim3A_356, %get3A_353 : vector<512x512xi1>, vector<512x512xf32>
      %swap3A_357 = arith.constant 0 : index
      %swap3A_358 = arith.index_cast %multiple_of3A : i32 to index
      %swap3A_359 = vector.load %arg8[%swap3A_357, %swap3A_358] : memref<512x10240xf32, #tpu.memory_space<vmem>>, vector<512x512xf32>
      tpu.vector_store %arg8[%swap3A_357, %swap3A_358], %select_n3A {strides = array<i32>} : memref<512x10240xf32, #tpu.memory_space<vmem>>, vector<512x512xf32>,
      %reduce_min3A = arith.constant dense<0x7F800000> : vector<512xf32>
      %reduce_min3A_360 = vector.multi_reduction <minimumf>, %select_n3A, %reduce_min3A [1] : vector<512x512xf32> to vector<512xf32>
      %broadcast_in_dim3A_361 = vector.shape_cast %reduce_min3A_360 : vector<512xf32> to vector<512x1xf32>
      %eq3A_362 = vector.broadcast %broadcast_in_dim3A_361 : vector<512x1xf32> to vector<512x512xf32>
      %eq3A_363 = arith.cmpf oeq, %select_n3A, %eq3A_362 : vector<512x512xf32>
      %jit3A = arith.constant 10240 : i32
      %broadcast_in_dim3A_364 = vector.shape_cast %add3A_350 : vector<1x512xi32> to vector<1x512xi32>
      %broadcast_in_dim3A_365 = vector.broadcast %broadcast_in_dim3A_364 : vector<1x512xi32> to vector<512x512xi32>
      %broadcast_in_dim3A_366 = vector.broadcast %jit3A : i32 to vector<512x512xi32>
      %select_n3A_367 = arith.select %eq3A_363, %broadcast_in_dim3A_365, %broadcast_in_dim3A_366 : vector<512x512xi1>, vector<512x512xi32>
      %reduce_min3A_368 = arith.constant dense<2147483647> : vector<512xi32>
      %reduce_min3A_369 = vector.multi_reduction <minsi>, %select_n3A_367, %reduce_min3A_368 [1] : vector<512x512xi32> to vector<512xi32>
      %broadcast_in_dim3A_370 = vector.shape_cast %reduce_min3A_369 : vector<512xi32> to vector<512x1xi32>
      %lt3A = arith.cmpf olt, %broadcast_in_dim3A_361, %while3A_343 : vector<512x1xf32>
      %eq3A_371 = arith.cmpf oeq, %broadcast_in_dim3A_361, %while3A_343 : vector<512x1xf32>
      %lt3A_372 = arith.cmpi slt, %broadcast_in_dim3A_370, %while3A_344 : vector<512x1xi32>
      %and3A = arith.andi %eq3A_371, %lt3A_372 : vector<512x1xi1>
      %or3A = arith.ori %lt3A, %and3A : vector<512x1xi1>
      %select_n3A_373 = arith.select %or3A, %broadcast_in_dim3A_361, %while3A_343 : vector<512x1xi1>, vector<512x1xf32>
      %select_n3A_374 = arith.select %or3A, %broadcast_in_dim3A_370, %while3A_344 : vector<512x1xi1>, vector<512x1xi32>
      scf.yield %select_n3A_373, %select_n3A_374 : vector<512x1xf32>, vector<512x1xi32>
    }
    %broadcast_in_dim3A_100 = arith.constant 0x7F800000 : f32
    %broadcast_in_dim3A_101 = vector.broadcast %broadcast_in_dim3A_100 : f32 to vector<512x1xf32>
    %broadcast_in_dim3A_102 = arith.constant 10240 : i32
    %broadcast_in_dim3A_103 = vector.broadcast %broadcast_in_dim3A_102 : i32 to vector<512x1xi32>
    %while3A_104 = arith.constant 0x7F800000 : f32
    %while3A_105 = arith.constant 0 : i32
    %while3A_106 = arith.subi %get3A_2, %while3A_105 : i32
    %while3A_107 = arith.addi %while3A_105, %while3A_106 : i32
    %while3A_108 = arith.constant 1 : i32
    %while3A_109 = arith.divsi %while3A_106, %while3A_108 : i32
    %while3A_110 = arith.muli %while3A_109, %while3A_108 : i32
    %while3A_111 = arith.addi %while3A_105, %while3A_110 : i32
    %while3A_112 = arith.constant 1 : i32
    %while3A_113:2 = scf.for %while3A_342 = %while3A_105 to %while3A_111 step %while3A_112 iter_args(%while3A_343 = %broadcast_in_dim3A_101, %while3A_344 = %broadcast_in_dim3A_103) -> (vector<512x1xf32>, vector<512x1xi32>)  : i32 {
      %mul3A_345 = arith.constant 512 : i32
      %mul3A_346 = arith.muli %while3A_342, %mul3A_345 : i32
      %multiple_of3A = tpu.assume_multiple %mul3A_346, 512 : i32
      %mul3A_347 = arith.constant 512 : i32
      %mul3A_348 = arith.muli %while3A_342, %mul3A_347 : i32
      %add3A = arith.addi %get3A_0, %mul3A_348 : i32
      %add3A_349 = vector.broadcast %add3A : i32 to vector<1x512xi32>
      %add3A_350 = arith.addi %iota3A, %add3A_349 : vector<1x512xi32>
      %get3A_351 = arith.constant 0 : index
      %get3A_352 = arith.index_cast %multiple_of3A : i32 to index
      %get3A_353 = vector.load %arg8[%get3A_351, %get3A_352] : memref<512x10240xf32, #tpu.memory_space<vmem>>, vector<512x512xf32>
      %eq3A = vector.broadcast %add3A_350 : vector<1x512xi32> to vector<512x512xi32>
      %eq3A_354 = vector.broadcast %while3A_99#1 : vector<512x1xi32> to vector<512x512xi32>
      %eq3A_355 = arith.cmpi eq, %eq3A, %eq3A_354 : vector<512x512xi32>
      %broadcast_in_dim3A_356 = vector.broadcast %while3A_104 : f32 to vector<512x512xf32>
      %select_n3A = arith.select %eq3A_355, %broadcast_in_dim3A_356, %get3A_353 : vector<512x512xi1>, vector<512x512xf32>
      %swap3A_357 = arith.constant 0 : index
      %swap3A_358 = arith.index_cast %multiple_of3A : i32 to index
      %swap3A_359 = vector.load %arg8[%swap3A_357, %swap3A_358] : memref<512x10240xf32, #tpu.memory_space<vmem>>, vector<512x512xf32>
      tpu.vector_store %arg8[%swap3A_357, %swap3A_358], %select_n3A {strides = array<i32>} : memref<512x10240xf32, #tpu.memory_space<vmem>>, vector<512x512xf32>,
      %reduce_min3A = arith.constant dense<0x7F800000> : vector<512xf32>
      %reduce_min3A_360 = vector.multi_reduction <minimumf>, %select_n3A, %reduce_min3A [1] : vector<512x512xf32> to vector<512xf32>
      %broadcast_in_dim3A_361 = vector.shape_cast %reduce_min3A_360 : vector<512xf32> to vector<512x1xf32>
      %eq3A_362 = vector.broadcast %broadcast_in_dim3A_361 : vector<512x1xf32> to vector<512x512xf32>
      %eq3A_363 = arith.cmpf oeq, %select_n3A, %eq3A_362 : vector<512x512xf32>
      %jit3A = arith.constant 10240 : i32
      %broadcast_in_dim3A_364 = vector.shape_cast %add3A_350 : vector<1x512xi32> to vector<1x512xi32>
      %broadcast_in_dim3A_365 = vector.broadcast %broadcast_in_dim3A_364 : vector<1x512xi32> to vector<512x512xi32>
      %broadcast_in_dim3A_366 = vector.broadcast %jit3A : i32 to vector<512x512xi32>
      %select_n3A_367 = arith.select %eq3A_363, %broadcast_in_dim3A_365, %broadcast_in_dim3A_366 : vector<512x512xi1>, vector<512x512xi32>
      %reduce_min3A_368 = arith.constant dense<2147483647> : vector<512xi32>
      %reduce_min3A_369 = vector.multi_reduction <minsi>, %select_n3A_367, %reduce_min3A_368 [1] : vector<512x512xi32> to vector<512xi32>
      %broadcast_in_dim3A_370 = vector.shape_cast %reduce_min3A_369 : vector<512xi32> to vector<512x1xi32>
      %lt3A = arith.cmpf olt, %broadcast_in_dim3A_361, %while3A_343 : vector<512x1xf32>
      %eq3A_371 = arith.cmpf oeq, %broadcast_in_dim3A_361, %while3A_343 : vector<512x1xf32>
      %lt3A_372 = arith.cmpi slt, %broadcast_in_dim3A_370, %while3A_344 : vector<512x1xi32>
      %and3A = arith.andi %eq3A_371, %lt3A_372 : vector<512x1xi1>
      %or3A = arith.ori %lt3A, %and3A : vector<512x1xi1>
      %select_n3A_373 = arith.select %or3A, %broadcast_in_dim3A_361, %while3A_343 : vector<512x1xi1>, vector<512x1xf32>
      %select_n3A_374 = arith.select %or3A, %broadcast_in_dim3A_370, %while3A_344 : vector<512x1xi1>, vector<512x1xi32>
      scf.yield %select_n3A_373, %select_n3A_374 : vector<512x1xf32>, vector<512x1xi32>
    }
    %while3A_114 = arith.constant 1 : i32
    %while3A_115:2 = scf.for %while3A_342 = %while3A_111 to %while3A_107 step %while3A_114 iter_args(%while3A_343 = %while3A_113#0, %while3A_344 = %while3A_113#1) -> (vector<512x1xf32>, vector<512x1xi32>)  : i32 {
      %mul3A_345 = arith.constant 512 : i32
      %mul3A_346 = arith.muli %while3A_342, %mul3A_345 : i32
      %multiple_of3A = tpu.assume_multiple %mul3A_346, 512 : i32
      %mul3A_347 = arith.constant 512 : i32
      %mul3A_348 = arith.muli %while3A_342, %mul3A_347 : i32
      %add3A = arith.addi %get3A_0, %mul3A_348 : i32
      %add3A_349 = vector.broadcast %add3A : i32 to vector<1x512xi32>
      %add3A_350 = arith.addi %iota3A, %add3A_349 : vector<1x512xi32>
      %get3A_351 = arith.constant 0 : index
      %get3A_352 = arith.index_cast %multiple_of3A : i32 to index
      %get3A_353 = vector.load %arg8[%get3A_351, %get3A_352] : memref<512x10240xf32, #tpu.memory_space<vmem>>, vector<512x512xf32>
      %eq3A = vector.broadcast %add3A_350 : vector<1x512xi32> to vector<512x512xi32>
      %eq3A_354 = vector.broadcast %while3A_99#1 : vector<512x1xi32> to vector<512x512xi32>
      %eq3A_355 = arith.cmpi eq, %eq3A, %eq3A_354 : vector<512x512xi32>
      %broadcast_in_dim3A_356 = vector.broadcast %while3A_104 : f32 to vector<512x512xf32>
      %select_n3A = arith.select %eq3A_355, %broadcast_in_dim3A_356, %get3A_353 : vector<512x512xi1>, vector<512x512xf32>
      %swap3A_357 = arith.constant 0 : index
      %swap3A_358 = arith.index_cast %multiple_of3A : i32 to index
      %swap3A_359 = vector.load %arg8[%swap3A_357, %swap3A_358] : memref<512x10240xf32, #tpu.memory_space<vmem>>, vector<512x512xf32>
      tpu.vector_store %arg8[%swap3A_357, %swap3A_358], %select_n3A {strides = array<i32>} : memref<512x10240xf32, #tpu.memory_space<vmem>>, vector<512x512xf32>,
      %reduce_min3A = arith.constant dense<0x7F800000> : vector<512xf32>
      %reduce_min3A_360 = vector.multi_reduction <minimumf>, %select_n3A, %reduce_min3A [1] : vector<512x512xf32> to vector<512xf32>
      %broadcast_in_dim3A_361 = vector.shape_cast %reduce_min3A_360 : vector<512xf32> to vector<512x1xf32>
      %eq3A_362 = vector.broadcast %broadcast_in_dim3A_361 : vector<512x1xf32> to vector<512x512xf32>
      %eq3A_363 = arith.cmpf oeq, %select_n3A, %eq3A_362 : vector<512x512xf32>
      %jit3A = arith.constant 10240 : i32
      %broadcast_in_dim3A_364 = vector.shape_cast %add3A_350 : vector<1x512xi32> to vector<1x512xi32>
      %broadcast_in_dim3A_365 = vector.broadcast %broadcast_in_dim3A_364 : vector<1x512xi32> to vector<512x512xi32>
      %broadcast_in_dim3A_366 = vector.broadcast %jit3A : i32 to vector<512x512xi32>
      %select_n3A_367 = arith.select %eq3A_363, %broadcast_in_dim3A_365, %broadcast_in_dim3A_366 : vector<512x512xi1>, vector<512x512xi32>
      %reduce_min3A_368 = arith.constant dense<2147483647> : vector<512xi32>
      %reduce_min3A_369 = vector.multi_reduction <minsi>, %select_n3A_367, %reduce_min3A_368 [1] : vector<512x512xi32> to vector<512xi32>
      %broadcast_in_dim3A_370 = vector.shape_cast %reduce_min3A_369 : vector<512xi32> to vector<512x1xi32>
      %lt3A = arith.cmpf olt, %broadcast_in_dim3A_361, %while3A_343 : vector<512x1xf32>
      %eq3A_371 = arith.cmpf oeq, %broadcast_in_dim3A_361, %while3A_343 : vector<512x1xf32>
      %lt3A_372 = arith.cmpi slt, %broadcast_in_dim3A_370, %while3A_344 : vector<512x1xi32>
      %and3A = arith.andi %eq3A_371, %lt3A_372 : vector<512x1xi1>
      %or3A = arith.ori %lt3A, %and3A : vector<512x1xi1>
      %select_n3A_373 = arith.select %or3A, %broadcast_in_dim3A_361, %while3A_343 : vector<512x1xi1>, vector<512x1xf32>
      %select_n3A_374 = arith.select %or3A, %broadcast_in_dim3A_370, %while3A_344 : vector<512x1xi1>, vector<512x1xi32>
      scf.yield %select_n3A_373, %select_n3A_374 : vector<512x1xf32>, vector<512x1xi32>
    }
    %broadcast_in_dim3A_116 = arith.constant 0x7F800000 : f32
    %broadcast_in_dim3A_117 = vector.broadcast %broadcast_in_dim3A_116 : f32 to vector<512x1xf32>
    %broadcast_in_dim3A_118 = arith.constant 10240 : i32
    %broadcast_in_dim3A_119 = vector.broadcast %broadcast_in_dim3A_118 : i32 to vector<512x1xi32>
    %while3A_120 = arith.constant 0x7F800000 : f32
    %while3A_121 = arith.constant 0 : i32
    %while3A_122 = arith.subi %get3A_2, %while3A_121 : i32
    %while3A_123 = arith.addi %while3A_121, %while3A_122 : i32
    %while3A_124 = arith.constant 1 : i32
    %while3A_125 = arith.divsi %while3A_122, %while3A_124 : i32
    %while3A_126 = arith.muli %while3A_125, %while3A_124 : i32
    %while3A_127 = arith.addi %while3A_121, %while3A_126 : i32
    %while3A_128 = arith.constant 1 : i32
    %while3A_129:2 = scf.for %while3A_342 = %while3A_121 to %while3A_127 step %while3A_128 iter_args(%while3A_343 = %broadcast_in_dim3A_117, %while3A_344 = %broadcast_in_dim3A_119) -> (vector<512x1xf32>, vector<512x1xi32>)  : i32 {
      %mul3A_345 = arith.constant 512 : i32
      %mul3A_346 = arith.muli %while3A_342, %mul3A_345 : i32
      %multiple_of3A = tpu.assume_multiple %mul3A_346, 512 : i32
      %mul3A_347 = arith.constant 512 : i32
      %mul3A_348 = arith.muli %while3A_342, %mul3A_347 : i32
      %add3A = arith.addi %get3A_0, %mul3A_348 : i32
      %add3A_349 = vector.broadcast %add3A : i32 to vector<1x512xi32>
      %add3A_350 = arith.addi %iota3A, %add3A_349 : vector<1x512xi32>
      %get3A_351 = arith.constant 0 : index
      %get3A_352 = arith.index_cast %multiple_of3A : i32 to index
      %get3A_353 = vector.load %arg8[%get3A_351, %get3A_352] : memref<512x10240xf32, #tpu.memory_space<vmem>>, vector<512x512xf32>
      %eq3A = vector.broadcast %add3A_350 : vector<1x512xi32> to vector<512x512xi32>
      %eq3A_354 = vector.broadcast %while3A_115#1 : vector<512x1xi32> to vector<512x512xi32>
      %eq3A_355 = arith.cmpi eq, %eq3A, %eq3A_354 : vector<512x512xi32>
      %broadcast_in_dim3A_356 = vector.broadcast %while3A_120 : f32 to vector<512x512xf32>
      %select_n3A = arith.select %eq3A_355, %broadcast_in_dim3A_356, %get3A_353 : vector<512x512xi1>, vector<512x512xf32>
      %swap3A_357 = arith.constant 0 : index
      %swap3A_358 = arith.index_cast %multiple_of3A : i32 to index
      %swap3A_359 = vector.load %arg8[%swap3A_357, %swap3A_358] : memref<512x10240xf32, #tpu.memory_space<vmem>>, vector<512x512xf32>
      tpu.vector_store %arg8[%swap3A_357, %swap3A_358], %select_n3A {strides = array<i32>} : memref<512x10240xf32, #tpu.memory_space<vmem>>, vector<512x512xf32>,
      %reduce_min3A = arith.constant dense<0x7F800000> : vector<512xf32>
      %reduce_min3A_360 = vector.multi_reduction <minimumf>, %select_n3A, %reduce_min3A [1] : vector<512x512xf32> to vector<512xf32>
      %broadcast_in_dim3A_361 = vector.shape_cast %reduce_min3A_360 : vector<512xf32> to vector<512x1xf32>
      %eq3A_362 = vector.broadcast %broadcast_in_dim3A_361 : vector<512x1xf32> to vector<512x512xf32>
      %eq3A_363 = arith.cmpf oeq, %select_n3A, %eq3A_362 : vector<512x512xf32>
      %jit3A = arith.constant 10240 : i32
      %broadcast_in_dim3A_364 = vector.shape_cast %add3A_350 : vector<1x512xi32> to vector<1x512xi32>
      %broadcast_in_dim3A_365 = vector.broadcast %broadcast_in_dim3A_364 : vector<1x512xi32> to vector<512x512xi32>
      %broadcast_in_dim3A_366 = vector.broadcast %jit3A : i32 to vector<512x512xi32>
      %select_n3A_367 = arith.select %eq3A_363, %broadcast_in_dim3A_365, %broadcast_in_dim3A_366 : vector<512x512xi1>, vector<512x512xi32>
      %reduce_min3A_368 = arith.constant dense<2147483647> : vector<512xi32>
      %reduce_min3A_369 = vector.multi_reduction <minsi>, %select_n3A_367, %reduce_min3A_368 [1] : vector<512x512xi32> to vector<512xi32>
      %broadcast_in_dim3A_370 = vector.shape_cast %reduce_min3A_369 : vector<512xi32> to vector<512x1xi32>
      %lt3A = arith.cmpf olt, %broadcast_in_dim3A_361, %while3A_343 : vector<512x1xf32>
      %eq3A_371 = arith.cmpf oeq, %broadcast_in_dim3A_361, %while3A_343 : vector<512x1xf32>
      %lt3A_372 = arith.cmpi slt, %broadcast_in_dim3A_370, %while3A_344 : vector<512x1xi32>
      %and3A = arith.andi %eq3A_371, %lt3A_372 : vector<512x1xi1>
      %or3A = arith.ori %lt3A, %and3A : vector<512x1xi1>
      %select_n3A_373 = arith.select %or3A, %broadcast_in_dim3A_361, %while3A_343 : vector<512x1xi1>, vector<512x1xf32>
      %select_n3A_374 = arith.select %or3A, %broadcast_in_dim3A_370, %while3A_344 : vector<512x1xi1>, vector<512x1xi32>
      scf.yield %select_n3A_373, %select_n3A_374 : vector<512x1xf32>, vector<512x1xi32>
    }
    %while3A_130 = arith.constant 1 : i32
    %while3A_131:2 = scf.for %while3A_342 = %while3A_127 to %while3A_123 step %while3A_130 iter_args(%while3A_343 = %while3A_129#0, %while3A_344 = %while3A_129#1) -> (vector<512x1xf32>, vector<512x1xi32>)  : i32 {
      %mul3A_345 = arith.constant 512 : i32
      %mul3A_346 = arith.muli %while3A_342, %mul3A_345 : i32
      %multiple_of3A = tpu.assume_multiple %mul3A_346, 512 : i32
      %mul3A_347 = arith.constant 512 : i32
      %mul3A_348 = arith.muli %while3A_342, %mul3A_347 : i32
      %add3A = arith.addi %get3A_0, %mul3A_348 : i32
      %add3A_349 = vector.broadcast %add3A : i32 to vector<1x512xi32>
      %add3A_350 = arith.addi %iota3A, %add3A_349 : vector<1x512xi32>
      %get3A_351 = arith.constant 0 : index
      %get3A_352 = arith.index_cast %multiple_of3A : i32 to index
      %get3A_353 = vector.load %arg8[%get3A_351, %get3A_352] : memref<512x10240xf32, #tpu.memory_space<vmem>>, vector<512x512xf32>
      %eq3A = vector.broadcast %add3A_350 : vector<1x512xi32> to vector<512x512xi32>
      %eq3A_354 = vector.broadcast %while3A_115#1 : vector<512x1xi32> to vector<512x512xi32>
      %eq3A_355 = arith.cmpi eq, %eq3A, %eq3A_354 : vector<512x512xi32>
      %broadcast_in_dim3A_356 = vector.broadcast %while3A_120 : f32 to vector<512x512xf32>
      %select_n3A = arith.select %eq3A_355, %broadcast_in_dim3A_356, %get3A_353 : vector<512x512xi1>, vector<512x512xf32>
      %swap3A_357 = arith.constant 0 : index
      %swap3A_358 = arith.index_cast %multiple_of3A : i32 to index
      %swap3A_359 = vector.load %arg8[%swap3A_357, %swap3A_358] : memref<512x10240xf32, #tpu.memory_space<vmem>>, vector<512x512xf32>
      tpu.vector_store %arg8[%swap3A_357, %swap3A_358], %select_n3A {strides = array<i32>} : memref<512x10240xf32, #tpu.memory_space<vmem>>, vector<512x512xf32>,
      %reduce_min3A = arith.constant dense<0x7F800000> : vector<512xf32>
      %reduce_min3A_360 = vector.multi_reduction <minimumf>, %select_n3A, %reduce_min3A [1] : vector<512x512xf32> to vector<512xf32>
      %broadcast_in_dim3A_361 = vector.shape_cast %reduce_min3A_360 : vector<512xf32> to vector<512x1xf32>
      %eq3A_362 = vector.broadcast %broadcast_in_dim3A_361 : vector<512x1xf32> to vector<512x512xf32>
      %eq3A_363 = arith.cmpf oeq, %select_n3A, %eq3A_362 : vector<512x512xf32>
      %jit3A = arith.constant 10240 : i32
      %broadcast_in_dim3A_364 = vector.shape_cast %add3A_350 : vector<1x512xi32> to vector<1x512xi32>
      %broadcast_in_dim3A_365 = vector.broadcast %broadcast_in_dim3A_364 : vector<1x512xi32> to vector<512x512xi32>
      %broadcast_in_dim3A_366 = vector.broadcast %jit3A : i32 to vector<512x512xi32>
      %select_n3A_367 = arith.select %eq3A_363, %broadcast_in_dim3A_365, %broadcast_in_dim3A_366 : vector<512x512xi1>, vector<512x512xi32>
      %reduce_min3A_368 = arith.constant dense<2147483647> : vector<512xi32>
      %reduce_min3A_369 = vector.multi_reduction <minsi>, %select_n3A_367, %reduce_min3A_368 [1] : vector<512x512xi32> to vector<512xi32>
      %broadcast_in_dim3A_370 = vector.shape_cast %reduce_min3A_369 : vector<512xi32> to vector<512x1xi32>
      %lt3A = arith.cmpf olt, %broadcast_in_dim3A_361, %while3A_343 : vector<512x1xf32>
      %eq3A_371 = arith.cmpf oeq, %broadcast_in_dim3A_361, %while3A_343 : vector<512x1xf32>
      %lt3A_372 = arith.cmpi slt, %broadcast_in_dim3A_370, %while3A_344 : vector<512x1xi32>
      %and3A = arith.andi %eq3A_371, %lt3A_372 : vector<512x1xi1>
      %or3A = arith.ori %lt3A, %and3A : vector<512x1xi1>
      %select_n3A_373 = arith.select %or3A, %broadcast_in_dim3A_361, %while3A_343 : vector<512x1xi1>, vector<512x1xf32>
      %select_n3A_374 = arith.select %or3A, %broadcast_in_dim3A_370, %while3A_344 : vector<512x1xi1>, vector<512x1xi32>
      scf.yield %select_n3A_373, %select_n3A_374 : vector<512x1xf32>, vector<512x1xi32>
    }
    %broadcast_in_dim3A_132 = arith.constant 0x7F800000 : f32
    %broadcast_in_dim3A_133 = vector.broadcast %broadcast_in_dim3A_132 : f32 to vector<512x1xf32>
    %broadcast_in_dim3A_134 = arith.constant 10240 : i32
    %broadcast_in_dim3A_135 = vector.broadcast %broadcast_in_dim3A_134 : i32 to vector<512x1xi32>
    %while3A_136 = arith.constant 0x7F800000 : f32
    %while3A_137 = arith.constant 0 : i32
    %while3A_138 = arith.subi %get3A_2, %while3A_137 : i32
    %while3A_139 = arith.addi %while3A_137, %while3A_138 : i32
    %while3A_140 = arith.constant 1 : i32
    %while3A_141 = arith.divsi %while3A_138, %while3A_140 : i32
    %while3A_142 = arith.muli %while3A_141, %while3A_140 : i32
    %while3A_143 = arith.addi %while3A_137, %while3A_142 : i32
    %while3A_144 = arith.constant 1 : i32
    %while3A_145:2 = scf.for %while3A_342 = %while3A_137 to %while3A_143 step %while3A_144 iter_args(%while3A_343 = %broadcast_in_dim3A_133, %while3A_344 = %broadcast_in_dim3A_135) -> (vector<512x1xf32>, vector<512x1xi32>)  : i32 {
      %mul3A_345 = arith.constant 512 : i32
      %mul3A_346 = arith.muli %while3A_342, %mul3A_345 : i32
      %multiple_of3A = tpu.assume_multiple %mul3A_346, 512 : i32
      %mul3A_347 = arith.constant 512 : i32
      %mul3A_348 = arith.muli %while3A_342, %mul3A_347 : i32
      %add3A = arith.addi %get3A_0, %mul3A_348 : i32
      %add3A_349 = vector.broadcast %add3A : i32 to vector<1x512xi32>
      %add3A_350 = arith.addi %iota3A, %add3A_349 : vector<1x512xi32>
      %get3A_351 = arith.constant 0 : index
      %get3A_352 = arith.index_cast %multiple_of3A : i32 to index
      %get3A_353 = vector.load %arg8[%get3A_351, %get3A_352] : memref<512x10240xf32, #tpu.memory_space<vmem>>, vector<512x512xf32>
      %eq3A = vector.broadcast %add3A_350 : vector<1x512xi32> to vector<512x512xi32>
      %eq3A_354 = vector.broadcast %while3A_131#1 : vector<512x1xi32> to vector<512x512xi32>
      %eq3A_355 = arith.cmpi eq, %eq3A, %eq3A_354 : vector<512x512xi32>
      %broadcast_in_dim3A_356 = vector.broadcast %while3A_136 : f32 to vector<512x512xf32>
      %select_n3A = arith.select %eq3A_355, %broadcast_in_dim3A_356, %get3A_353 : vector<512x512xi1>, vector<512x512xf32>
      %swap3A_357 = arith.constant 0 : index
      %swap3A_358 = arith.index_cast %multiple_of3A : i32 to index
      %swap3A_359 = vector.load %arg8[%swap3A_357, %swap3A_358] : memref<512x10240xf32, #tpu.memory_space<vmem>>, vector<512x512xf32>
      tpu.vector_store %arg8[%swap3A_357, %swap3A_358], %select_n3A {strides = array<i32>} : memref<512x10240xf32, #tpu.memory_space<vmem>>, vector<512x512xf32>,
      %reduce_min3A = arith.constant dense<0x7F800000> : vector<512xf32>
      %reduce_min3A_360 = vector.multi_reduction <minimumf>, %select_n3A, %reduce_min3A [1] : vector<512x512xf32> to vector<512xf32>
      %broadcast_in_dim3A_361 = vector.shape_cast %reduce_min3A_360 : vector<512xf32> to vector<512x1xf32>
      %eq3A_362 = vector.broadcast %broadcast_in_dim3A_361 : vector<512x1xf32> to vector<512x512xf32>
      %eq3A_363 = arith.cmpf oeq, %select_n3A, %eq3A_362 : vector<512x512xf32>
      %jit3A = arith.constant 10240 : i32
      %broadcast_in_dim3A_364 = vector.shape_cast %add3A_350 : vector<1x512xi32> to vector<1x512xi32>
      %broadcast_in_dim3A_365 = vector.broadcast %broadcast_in_dim3A_364 : vector<1x512xi32> to vector<512x512xi32>
      %broadcast_in_dim3A_366 = vector.broadcast %jit3A : i32 to vector<512x512xi32>
      %select_n3A_367 = arith.select %eq3A_363, %broadcast_in_dim3A_365, %broadcast_in_dim3A_366 : vector<512x512xi1>, vector<512x512xi32>
      %reduce_min3A_368 = arith.constant dense<2147483647> : vector<512xi32>
      %reduce_min3A_369 = vector.multi_reduction <minsi>, %select_n3A_367, %reduce_min3A_368 [1] : vector<512x512xi32> to vector<512xi32>
      %broadcast_in_dim3A_370 = vector.shape_cast %reduce_min3A_369 : vector<512xi32> to vector<512x1xi32>
      %lt3A = arith.cmpf olt, %broadcast_in_dim3A_361, %while3A_343 : vector<512x1xf32>
      %eq3A_371 = arith.cmpf oeq, %broadcast_in_dim3A_361, %while3A_343 : vector<512x1xf32>
      %lt3A_372 = arith.cmpi slt, %broadcast_in_dim3A_370, %while3A_344 : vector<512x1xi32>
      %and3A = arith.andi %eq3A_371, %lt3A_372 : vector<512x1xi1>
      %or3A = arith.ori %lt3A, %and3A : vector<512x1xi1>
      %select_n3A_373 = arith.select %or3A, %broadcast_in_dim3A_361, %while3A_343 : vector<512x1xi1>, vector<512x1xf32>
      %select_n3A_374 = arith.select %or3A, %broadcast_in_dim3A_370, %while3A_344 : vector<512x1xi1>, vector<512x1xi32>
      scf.yield %select_n3A_373, %select_n3A_374 : vector<512x1xf32>, vector<512x1xi32>
    }
    %while3A_146 = arith.constant 1 : i32
    %while3A_147:2 = scf.for %while3A_342 = %while3A_143 to %while3A_139 step %while3A_146 iter_args(%while3A_343 = %while3A_145#0, %while3A_344 = %while3A_145#1) -> (vector<512x1xf32>, vector<512x1xi32>)  : i32 {
      %mul3A_345 = arith.constant 512 : i32
      %mul3A_346 = arith.muli %while3A_342, %mul3A_345 : i32
      %multiple_of3A = tpu.assume_multiple %mul3A_346, 512 : i32
      %mul3A_347 = arith.constant 512 : i32
      %mul3A_348 = arith.muli %while3A_342, %mul3A_347 : i32
      %add3A = arith.addi %get3A_0, %mul3A_348 : i32
      %add3A_349 = vector.broadcast %add3A : i32 to vector<1x512xi32>
      %add3A_350 = arith.addi %iota3A, %add3A_349 : vector<1x512xi32>
      %get3A_351 = arith.constant 0 : index
      %get3A_352 = arith.index_cast %multiple_of3A : i32 to index
      %get3A_353 = vector.load %arg8[%get3A_351, %get3A_352] : memref<512x10240xf32, #tpu.memory_space<vmem>>, vector<512x512xf32>
      %eq3A = vector.broadcast %add3A_350 : vector<1x512xi32> to vector<512x512xi32>
      %eq3A_354 = vector.broadcast %while3A_131#1 : vector<512x1xi32> to vector<512x512xi32>
      %eq3A_355 = arith.cmpi eq, %eq3A, %eq3A_354 : vector<512x512xi32>
      %broadcast_in_dim3A_356 = vector.broadcast %while3A_136 : f32 to vector<512x512xf32>
      %select_n3A = arith.select %eq3A_355, %broadcast_in_dim3A_356, %get3A_353 : vector<512x512xi1>, vector<512x512xf32>
      %swap3A_357 = arith.constant 0 : index
      %swap3A_358 = arith.index_cast %multiple_of3A : i32 to index
      %swap3A_359 = vector.load %arg8[%swap3A_357, %swap3A_358] : memref<512x10240xf32, #tpu.memory_space<vmem>>, vector<512x512xf32>
      tpu.vector_store %arg8[%swap3A_357, %swap3A_358], %select_n3A {strides = array<i32>} : memref<512x10240xf32, #tpu.memory_space<vmem>>, vector<512x512xf32>,
      %reduce_min3A = arith.constant dense<0x7F800000> : vector<512xf32>
      %reduce_min3A_360 = vector.multi_reduction <minimumf>, %select_n3A, %reduce_min3A [1] : vector<512x512xf32> to vector<512xf32>
      %broadcast_in_dim3A_361 = vector.shape_cast %reduce_min3A_360 : vector<512xf32> to vector<512x1xf32>
      %eq3A_362 = vector.broadcast %broadcast_in_dim3A_361 : vector<512x1xf32> to vector<512x512xf32>
      %eq3A_363 = arith.cmpf oeq, %select_n3A, %eq3A_362 : vector<512x512xf32>
      %jit3A = arith.constant 10240 : i32
      %broadcast_in_dim3A_364 = vector.shape_cast %add3A_350 : vector<1x512xi32> to vector<1x512xi32>
      %broadcast_in_dim3A_365 = vector.broadcast %broadcast_in_dim3A_364 : vector<1x512xi32> to vector<512x512xi32>
      %broadcast_in_dim3A_366 = vector.broadcast %jit3A : i32 to vector<512x512xi32>
      %select_n3A_367 = arith.select %eq3A_363, %broadcast_in_dim3A_365, %broadcast_in_dim3A_366 : vector<512x512xi1>, vector<512x512xi32>
      %reduce_min3A_368 = arith.constant dense<2147483647> : vector<512xi32>
      %reduce_min3A_369 = vector.multi_reduction <minsi>, %select_n3A_367, %reduce_min3A_368 [1] : vector<512x512xi32> to vector<512xi32>
      %broadcast_in_dim3A_370 = vector.shape_cast %reduce_min3A_369 : vector<512xi32> to vector<512x1xi32>
      %lt3A = arith.cmpf olt, %broadcast_in_dim3A_361, %while3A_343 : vector<512x1xf32>
      %eq3A_371 = arith.cmpf oeq, %broadcast_in_dim3A_361, %while3A_343 : vector<512x1xf32>
      %lt3A_372 = arith.cmpi slt, %broadcast_in_dim3A_370, %while3A_344 : vector<512x1xi32>
      %and3A = arith.andi %eq3A_371, %lt3A_372 : vector<512x1xi1>
      %or3A = arith.ori %lt3A, %and3A : vector<512x1xi1>
      %select_n3A_373 = arith.select %or3A, %broadcast_in_dim3A_361, %while3A_343 : vector<512x1xi1>, vector<512x1xf32>
      %select_n3A_374 = arith.select %or3A, %broadcast_in_dim3A_370, %while3A_344 : vector<512x1xi1>, vector<512x1xi32>
      scf.yield %select_n3A_373, %select_n3A_374 : vector<512x1xf32>, vector<512x1xi32>
    }
    %broadcast_in_dim3A_148 = arith.constant 0x7F800000 : f32
    %broadcast_in_dim3A_149 = vector.broadcast %broadcast_in_dim3A_148 : f32 to vector<512x1xf32>
    %broadcast_in_dim3A_150 = arith.constant 10240 : i32
    %broadcast_in_dim3A_151 = vector.broadcast %broadcast_in_dim3A_150 : i32 to vector<512x1xi32>
    %while3A_152 = arith.constant 0x7F800000 : f32
    %while3A_153 = arith.constant 0 : i32
    %while3A_154 = arith.subi %get3A_2, %while3A_153 : i32
    %while3A_155 = arith.addi %while3A_153, %while3A_154 : i32
    %while3A_156 = arith.constant 1 : i32
    %while3A_157 = arith.divsi %while3A_154, %while3A_156 : i32
    %while3A_158 = arith.muli %while3A_157, %while3A_156 : i32
    %while3A_159 = arith.addi %while3A_153, %while3A_158 : i32
    %while3A_160 = arith.constant 1 : i32
    %while3A_161:2 = scf.for %while3A_342 = %while3A_153 to %while3A_159 step %while3A_160 iter_args(%while3A_343 = %broadcast_in_dim3A_149, %while3A_344 = %broadcast_in_dim3A_151) -> (vector<512x1xf32>, vector<512x1xi32>)  : i32 {
      %mul3A_345 = arith.constant 512 : i32
      %mul3A_346 = arith.muli %while3A_342, %mul3A_345 : i32
      %multiple_of3A = tpu.assume_multiple %mul3A_346, 512 : i32
      %mul3A_347 = arith.constant 512 : i32
      %mul3A_348 = arith.muli %while3A_342, %mul3A_347 : i32
      %add3A = arith.addi %get3A_0, %mul3A_348 : i32
      %add3A_349 = vector.broadcast %add3A : i32 to vector<1x512xi32>
      %add3A_350 = arith.addi %iota3A, %add3A_349 : vector<1x512xi32>
      %get3A_351 = arith.constant 0 : index
      %get3A_352 = arith.index_cast %multiple_of3A : i32 to index
      %get3A_353 = vector.load %arg8[%get3A_351, %get3A_352] : memref<512x10240xf32, #tpu.memory_space<vmem>>, vector<512x512xf32>
      %eq3A = vector.broadcast %add3A_350 : vector<1x512xi32> to vector<512x512xi32>
      %eq3A_354 = vector.broadcast %while3A_147#1 : vector<512x1xi32> to vector<512x512xi32>
      %eq3A_355 = arith.cmpi eq, %eq3A, %eq3A_354 : vector<512x512xi32>
      %broadcast_in_dim3A_356 = vector.broadcast %while3A_152 : f32 to vector<512x512xf32>
      %select_n3A = arith.select %eq3A_355, %broadcast_in_dim3A_356, %get3A_353 : vector<512x512xi1>, vector<512x512xf32>
      %swap3A_357 = arith.constant 0 : index
      %swap3A_358 = arith.index_cast %multiple_of3A : i32 to index
      %swap3A_359 = vector.load %arg8[%swap3A_357, %swap3A_358] : memref<512x10240xf32, #tpu.memory_space<vmem>>, vector<512x512xf32>
      tpu.vector_store %arg8[%swap3A_357, %swap3A_358], %select_n3A {strides = array<i32>} : memref<512x10240xf32, #tpu.memory_space<vmem>>, vector<512x512xf32>,
      %reduce_min3A = arith.constant dense<0x7F800000> : vector<512xf32>
      %reduce_min3A_360 = vector.multi_reduction <minimumf>, %select_n3A, %reduce_min3A [1] : vector<512x512xf32> to vector<512xf32>
      %broadcast_in_dim3A_361 = vector.shape_cast %reduce_min3A_360 : vector<512xf32> to vector<512x1xf32>
      %eq3A_362 = vector.broadcast %broadcast_in_dim3A_361 : vector<512x1xf32> to vector<512x512xf32>
      %eq3A_363 = arith.cmpf oeq, %select_n3A, %eq3A_362 : vector<512x512xf32>
      %jit3A = arith.constant 10240 : i32
      %broadcast_in_dim3A_364 = vector.shape_cast %add3A_350 : vector<1x512xi32> to vector<1x512xi32>
      %broadcast_in_dim3A_365 = vector.broadcast %broadcast_in_dim3A_364 : vector<1x512xi32> to vector<512x512xi32>
      %broadcast_in_dim3A_366 = vector.broadcast %jit3A : i32 to vector<512x512xi32>
      %select_n3A_367 = arith.select %eq3A_363, %broadcast_in_dim3A_365, %broadcast_in_dim3A_366 : vector<512x512xi1>, vector<512x512xi32>
      %reduce_min3A_368 = arith.constant dense<2147483647> : vector<512xi32>
      %reduce_min3A_369 = vector.multi_reduction <minsi>, %select_n3A_367, %reduce_min3A_368 [1] : vector<512x512xi32> to vector<512xi32>
      %broadcast_in_dim3A_370 = vector.shape_cast %reduce_min3A_369 : vector<512xi32> to vector<512x1xi32>
      %lt3A = arith.cmpf olt, %broadcast_in_dim3A_361, %while3A_343 : vector<512x1xf32>
      %eq3A_371 = arith.cmpf oeq, %broadcast_in_dim3A_361, %while3A_343 : vector<512x1xf32>
      %lt3A_372 = arith.cmpi slt, %broadcast_in_dim3A_370, %while3A_344 : vector<512x1xi32>
      %and3A = arith.andi %eq3A_371, %lt3A_372 : vector<512x1xi1>
      %or3A = arith.ori %lt3A, %and3A : vector<512x1xi1>
      %select_n3A_373 = arith.select %or3A, %broadcast_in_dim3A_361, %while3A_343 : vector<512x1xi1>, vector<512x1xf32>
      %select_n3A_374 = arith.select %or3A, %broadcast_in_dim3A_370, %while3A_344 : vector<512x1xi1>, vector<512x1xi32>
      scf.yield %select_n3A_373, %select_n3A_374 : vector<512x1xf32>, vector<512x1xi32>
    }
    %while3A_162 = arith.constant 1 : i32
    %while3A_163:2 = scf.for %while3A_342 = %while3A_159 to %while3A_155 step %while3A_162 iter_args(%while3A_343 = %while3A_161#0, %while3A_344 = %while3A_161#1) -> (vector<512x1xf32>, vector<512x1xi32>)  : i32 {
      %mul3A_345 = arith.constant 512 : i32
      %mul3A_346 = arith.muli %while3A_342, %mul3A_345 : i32
      %multiple_of3A = tpu.assume_multiple %mul3A_346, 512 : i32
      %mul3A_347 = arith.constant 512 : i32
      %mul3A_348 = arith.muli %while3A_342, %mul3A_347 : i32
      %add3A = arith.addi %get3A_0, %mul3A_348 : i32
      %add3A_349 = vector.broadcast %add3A : i32 to vector<1x512xi32>
      %add3A_350 = arith.addi %iota3A, %add3A_349 : vector<1x512xi32>
      %get3A_351 = arith.constant 0 : index
      %get3A_352 = arith.index_cast %multiple_of3A : i32 to index
      %get3A_353 = vector.load %arg8[%get3A_351, %get3A_352] : memref<512x10240xf32, #tpu.memory_space<vmem>>, vector<512x512xf32>
      %eq3A = vector.broadcast %add3A_350 : vector<1x512xi32> to vector<512x512xi32>
      %eq3A_354 = vector.broadcast %while3A_147#1 : vector<512x1xi32> to vector<512x512xi32>
      %eq3A_355 = arith.cmpi eq, %eq3A, %eq3A_354 : vector<512x512xi32>
      %broadcast_in_dim3A_356 = vector.broadcast %while3A_152 : f32 to vector<512x512xf32>
      %select_n3A = arith.select %eq3A_355, %broadcast_in_dim3A_356, %get3A_353 : vector<512x512xi1>, vector<512x512xf32>
      %swap3A_357 = arith.constant 0 : index
      %swap3A_358 = arith.index_cast %multiple_of3A : i32 to index
      %swap3A_359 = vector.load %arg8[%swap3A_357, %swap3A_358] : memref<512x10240xf32, #tpu.memory_space<vmem>>, vector<512x512xf32>
      tpu.vector_store %arg8[%swap3A_357, %swap3A_358], %select_n3A {strides = array<i32>} : memref<512x10240xf32, #tpu.memory_space<vmem>>, vector<512x512xf32>,
      %reduce_min3A = arith.constant dense<0x7F800000> : vector<512xf32>
      %reduce_min3A_360 = vector.multi_reduction <minimumf>, %select_n3A, %reduce_min3A [1] : vector<512x512xf32> to vector<512xf32>
      %broadcast_in_dim3A_361 = vector.shape_cast %reduce_min3A_360 : vector<512xf32> to vector<512x1xf32>
      %eq3A_362 = vector.broadcast %broadcast_in_dim3A_361 : vector<512x1xf32> to vector<512x512xf32>
      %eq3A_363 = arith.cmpf oeq, %select_n3A, %eq3A_362 : vector<512x512xf32>
      %jit3A = arith.constant 10240 : i32
      %broadcast_in_dim3A_364 = vector.shape_cast %add3A_350 : vector<1x512xi32> to vector<1x512xi32>
      %broadcast_in_dim3A_365 = vector.broadcast %broadcast_in_dim3A_364 : vector<1x512xi32> to vector<512x512xi32>
      %broadcast_in_dim3A_366 = vector.broadcast %jit3A : i32 to vector<512x512xi32>
      %select_n3A_367 = arith.select %eq3A_363, %broadcast_in_dim3A_365, %broadcast_in_dim3A_366 : vector<512x512xi1>, vector<512x512xi32>
      %reduce_min3A_368 = arith.constant dense<2147483647> : vector<512xi32>
      %reduce_min3A_369 = vector.multi_reduction <minsi>, %select_n3A_367, %reduce_min3A_368 [1] : vector<512x512xi32> to vector<512xi32>
      %broadcast_in_dim3A_370 = vector.shape_cast %reduce_min3A_369 : vector<512xi32> to vector<512x1xi32>
      %lt3A = arith.cmpf olt, %broadcast_in_dim3A_361, %while3A_343 : vector<512x1xf32>
      %eq3A_371 = arith.cmpf oeq, %broadcast_in_dim3A_361, %while3A_343 : vector<512x1xf32>
      %lt3A_372 = arith.cmpi slt, %broadcast_in_dim3A_370, %while3A_344 : vector<512x1xi32>
      %and3A = arith.andi %eq3A_371, %lt3A_372 : vector<512x1xi1>
      %or3A = arith.ori %lt3A, %and3A : vector<512x1xi1>
      %select_n3A_373 = arith.select %or3A, %broadcast_in_dim3A_361, %while3A_343 : vector<512x1xi1>, vector<512x1xf32>
      %select_n3A_374 = arith.select %or3A, %broadcast_in_dim3A_370, %while3A_344 : vector<512x1xi1>, vector<512x1xi32>
      scf.yield %select_n3A_373, %select_n3A_374 : vector<512x1xf32>, vector<512x1xi32>
    }
    %broadcast_in_dim3A_164 = arith.constant 0x7F800000 : f32
    %broadcast_in_dim3A_165 = vector.broadcast %broadcast_in_dim3A_164 : f32 to vector<512x1xf32>
    %broadcast_in_dim3A_166 = arith.constant 10240 : i32
    %broadcast_in_dim3A_167 = vector.broadcast %broadcast_in_dim3A_166 : i32 to vector<512x1xi32>
    %while3A_168 = arith.constant 0x7F800000 : f32
    %while3A_169 = arith.constant 0 : i32
    %while3A_170 = arith.subi %get3A_2, %while3A_169 : i32
    %while3A_171 = arith.addi %while3A_169, %while3A_170 : i32
    %while3A_172 = arith.constant 1 : i32
    %while3A_173 = arith.divsi %while3A_170, %while3A_172 : i32
    %while3A_174 = arith.muli %while3A_173, %while3A_172 : i32
    %while3A_175 = arith.addi %while3A_169, %while3A_174 : i32
    %while3A_176 = arith.constant 1 : i32
    %while3A_177:2 = scf.for %while3A_342 = %while3A_169 to %while3A_175 step %while3A_176 iter_args(%while3A_343 = %broadcast_in_dim3A_165, %while3A_344 = %broadcast_in_dim3A_167) -> (vector<512x1xf32>, vector<512x1xi32>)  : i32 {
      %mul3A_345 = arith.constant 512 : i32
      %mul3A_346 = arith.muli %while3A_342, %mul3A_345 : i32
      %multiple_of3A = tpu.assume_multiple %mul3A_346, 512 : i32
      %mul3A_347 = arith.constant 512 : i32
      %mul3A_348 = arith.muli %while3A_342, %mul3A_347 : i32
      %add3A = arith.addi %get3A_0, %mul3A_348 : i32
      %add3A_349 = vector.broadcast %add3A : i32 to vector<1x512xi32>
      %add3A_350 = arith.addi %iota3A, %add3A_349 : vector<1x512xi32>
      %get3A_351 = arith.constant 0 : index
      %get3A_352 = arith.index_cast %multiple_of3A : i32 to index
      %get3A_353 = vector.load %arg8[%get3A_351, %get3A_352] : memref<512x10240xf32, #tpu.memory_space<vmem>>, vector<512x512xf32>
      %eq3A = vector.broadcast %add3A_350 : vector<1x512xi32> to vector<512x512xi32>
      %eq3A_354 = vector.broadcast %while3A_163#1 : vector<512x1xi32> to vector<512x512xi32>
      %eq3A_355 = arith.cmpi eq, %eq3A, %eq3A_354 : vector<512x512xi32>
      %broadcast_in_dim3A_356 = vector.broadcast %while3A_168 : f32 to vector<512x512xf32>
      %select_n3A = arith.select %eq3A_355, %broadcast_in_dim3A_356, %get3A_353 : vector<512x512xi1>, vector<512x512xf32>
      %swap3A_357 = arith.constant 0 : index
      %swap3A_358 = arith.index_cast %multiple_of3A : i32 to index
      %swap3A_359 = vector.load %arg8[%swap3A_357, %swap3A_358] : memref<512x10240xf32, #tpu.memory_space<vmem>>, vector<512x512xf32>
      tpu.vector_store %arg8[%swap3A_357, %swap3A_358], %select_n3A {strides = array<i32>} : memref<512x10240xf32, #tpu.memory_space<vmem>>, vector<512x512xf32>,
      %reduce_min3A = arith.constant dense<0x7F800000> : vector<512xf32>
      %reduce_min3A_360 = vector.multi_reduction <minimumf>, %select_n3A, %reduce_min3A [1] : vector<512x512xf32> to vector<512xf32>
      %broadcast_in_dim3A_361 = vector.shape_cast %reduce_min3A_360 : vector<512xf32> to vector<512x1xf32>
      %eq3A_362 = vector.broadcast %broadcast_in_dim3A_361 : vector<512x1xf32> to vector<512x512xf32>
      %eq3A_363 = arith.cmpf oeq, %select_n3A, %eq3A_362 : vector<512x512xf32>
      %jit3A = arith.constant 10240 : i32
      %broadcast_in_dim3A_364 = vector.shape_cast %add3A_350 : vector<1x512xi32> to vector<1x512xi32>
      %broadcast_in_dim3A_365 = vector.broadcast %broadcast_in_dim3A_364 : vector<1x512xi32> to vector<512x512xi32>
      %broadcast_in_dim3A_366 = vector.broadcast %jit3A : i32 to vector<512x512xi32>
      %select_n3A_367 = arith.select %eq3A_363, %broadcast_in_dim3A_365, %broadcast_in_dim3A_366 : vector<512x512xi1>, vector<512x512xi32>
      %reduce_min3A_368 = arith.constant dense<2147483647> : vector<512xi32>
      %reduce_min3A_369 = vector.multi_reduction <minsi>, %select_n3A_367, %reduce_min3A_368 [1] : vector<512x512xi32> to vector<512xi32>
      %broadcast_in_dim3A_370 = vector.shape_cast %reduce_min3A_369 : vector<512xi32> to vector<512x1xi32>
      %lt3A = arith.cmpf olt, %broadcast_in_dim3A_361, %while3A_343 : vector<512x1xf32>
      %eq3A_371 = arith.cmpf oeq, %broadcast_in_dim3A_361, %while3A_343 : vector<512x1xf32>
      %lt3A_372 = arith.cmpi slt, %broadcast_in_dim3A_370, %while3A_344 : vector<512x1xi32>
      %and3A = arith.andi %eq3A_371, %lt3A_372 : vector<512x1xi1>
      %or3A = arith.ori %lt3A, %and3A : vector<512x1xi1>
      %select_n3A_373 = arith.select %or3A, %broadcast_in_dim3A_361, %while3A_343 : vector<512x1xi1>, vector<512x1xf32>
      %select_n3A_374 = arith.select %or3A, %broadcast_in_dim3A_370, %while3A_344 : vector<512x1xi1>, vector<512x1xi32>
      scf.yield %select_n3A_373, %select_n3A_374 : vector<512x1xf32>, vector<512x1xi32>
    }
    %while3A_178 = arith.constant 1 : i32
    %while3A_179:2 = scf.for %while3A_342 = %while3A_175 to %while3A_171 step %while3A_178 iter_args(%while3A_343 = %while3A_177#0, %while3A_344 = %while3A_177#1) -> (vector<512x1xf32>, vector<512x1xi32>)  : i32 {
      %mul3A_345 = arith.constant 512 : i32
      %mul3A_346 = arith.muli %while3A_342, %mul3A_345 : i32
      %multiple_of3A = tpu.assume_multiple %mul3A_346, 512 : i32
      %mul3A_347 = arith.constant 512 : i32
      %mul3A_348 = arith.muli %while3A_342, %mul3A_347 : i32
      %add3A = arith.addi %get3A_0, %mul3A_348 : i32
      %add3A_349 = vector.broadcast %add3A : i32 to vector<1x512xi32>
      %add3A_350 = arith.addi %iota3A, %add3A_349 : vector<1x512xi32>
      %get3A_351 = arith.constant 0 : index
      %get3A_352 = arith.index_cast %multiple_of3A : i32 to index
      %get3A_353 = vector.load %arg8[%get3A_351, %get3A_352] : memref<512x10240xf32, #tpu.memory_space<vmem>>, vector<512x512xf32>
      %eq3A = vector.broadcast %add3A_350 : vector<1x512xi32> to vector<512x512xi32>
      %eq3A_354 = vector.broadcast %while3A_163#1 : vector<512x1xi32> to vector<512x512xi32>
      %eq3A_355 = arith.cmpi eq, %eq3A, %eq3A_354 : vector<512x512xi32>
      %broadcast_in_dim3A_356 = vector.broadcast %while3A_168 : f32 to vector<512x512xf32>
      %select_n3A = arith.select %eq3A_355, %broadcast_in_dim3A_356, %get3A_353 : vector<512x512xi1>, vector<512x512xf32>
      %swap3A_357 = arith.constant 0 : index
      %swap3A_358 = arith.index_cast %multiple_of3A : i32 to index
      %swap3A_359 = vector.load %arg8[%swap3A_357, %swap3A_358] : memref<512x10240xf32, #tpu.memory_space<vmem>>, vector<512x512xf32>
      tpu.vector_store %arg8[%swap3A_357, %swap3A_358], %select_n3A {strides = array<i32>} : memref<512x10240xf32, #tpu.memory_space<vmem>>, vector<512x512xf32>,
      %reduce_min3A = arith.constant dense<0x7F800000> : vector<512xf32>
      %reduce_min3A_360 = vector.multi_reduction <minimumf>, %select_n3A, %reduce_min3A [1] : vector<512x512xf32> to vector<512xf32>
      %broadcast_in_dim3A_361 = vector.shape_cast %reduce_min3A_360 : vector<512xf32> to vector<512x1xf32>
      %eq3A_362 = vector.broadcast %broadcast_in_dim3A_361 : vector<512x1xf32> to vector<512x512xf32>
      %eq3A_363 = arith.cmpf oeq, %select_n3A, %eq3A_362 : vector<512x512xf32>
      %jit3A = arith.constant 10240 : i32
      %broadcast_in_dim3A_364 = vector.shape_cast %add3A_350 : vector<1x512xi32> to vector<1x512xi32>
      %broadcast_in_dim3A_365 = vector.broadcast %broadcast_in_dim3A_364 : vector<1x512xi32> to vector<512x512xi32>
      %broadcast_in_dim3A_366 = vector.broadcast %jit3A : i32 to vector<512x512xi32>
      %select_n3A_367 = arith.select %eq3A_363, %broadcast_in_dim3A_365, %broadcast_in_dim3A_366 : vector<512x512xi1>, vector<512x512xi32>
      %reduce_min3A_368 = arith.constant dense<2147483647> : vector<512xi32>
      %reduce_min3A_369 = vector.multi_reduction <minsi>, %select_n3A_367, %reduce_min3A_368 [1] : vector<512x512xi32> to vector<512xi32>
      %broadcast_in_dim3A_370 = vector.shape_cast %reduce_min3A_369 : vector<512xi32> to vector<512x1xi32>
      %lt3A = arith.cmpf olt, %broadcast_in_dim3A_361, %while3A_343 : vector<512x1xf32>
      %eq3A_371 = arith.cmpf oeq, %broadcast_in_dim3A_361, %while3A_343 : vector<512x1xf32>
      %lt3A_372 = arith.cmpi slt, %broadcast_in_dim3A_370, %while3A_344 : vector<512x1xi32>
      %and3A = arith.andi %eq3A_371, %lt3A_372 : vector<512x1xi1>
      %or3A = arith.ori %lt3A, %and3A : vector<512x1xi1>
      %select_n3A_373 = arith.select %or3A, %broadcast_in_dim3A_361, %while3A_343 : vector<512x1xi1>, vector<512x1xf32>
      %select_n3A_374 = arith.select %or3A, %broadcast_in_dim3A_370, %while3A_344 : vector<512x1xi1>, vector<512x1xi32>
      scf.yield %select_n3A_373, %select_n3A_374 : vector<512x1xf32>, vector<512x1xi32>
    }
    %broadcast_in_dim3A_180 = arith.constant 0x7F800000 : f32
    %broadcast_in_dim3A_181 = vector.broadcast %broadcast_in_dim3A_180 : f32 to vector<512x1xf32>
    %broadcast_in_dim3A_182 = arith.constant 10240 : i32
    %broadcast_in_dim3A_183 = vector.broadcast %broadcast_in_dim3A_182 : i32 to vector<512x1xi32>
    %while3A_184 = arith.constant 0x7F800000 : f32
    %while3A_185 = arith.constant 0 : i32
    %while3A_186 = arith.subi %get3A_2, %while3A_185 : i32
    %while3A_187 = arith.addi %while3A_185, %while3A_186 : i32
    %while3A_188 = arith.constant 1 : i32
    %while3A_189 = arith.divsi %while3A_186, %while3A_188 : i32
    %while3A_190 = arith.muli %while3A_189, %while3A_188 : i32
    %while3A_191 = arith.addi %while3A_185, %while3A_190 : i32
    %while3A_192 = arith.constant 1 : i32
    %while3A_193:2 = scf.for %while3A_342 = %while3A_185 to %while3A_191 step %while3A_192 iter_args(%while3A_343 = %broadcast_in_dim3A_181, %while3A_344 = %broadcast_in_dim3A_183) -> (vector<512x1xf32>, vector<512x1xi32>)  : i32 {
      %mul3A_345 = arith.constant 512 : i32
      %mul3A_346 = arith.muli %while3A_342, %mul3A_345 : i32
      %multiple_of3A = tpu.assume_multiple %mul3A_346, 512 : i32
      %mul3A_347 = arith.constant 512 : i32
      %mul3A_348 = arith.muli %while3A_342, %mul3A_347 : i32
      %add3A = arith.addi %get3A_0, %mul3A_348 : i32
      %add3A_349 = vector.broadcast %add3A : i32 to vector<1x512xi32>
      %add3A_350 = arith.addi %iota3A, %add3A_349 : vector<1x512xi32>
      %get3A_351 = arith.constant 0 : index
      %get3A_352 = arith.index_cast %multiple_of3A : i32 to index
      %get3A_353 = vector.load %arg8[%get3A_351, %get3A_352] : memref<512x10240xf32, #tpu.memory_space<vmem>>, vector<512x512xf32>
      %eq3A = vector.broadcast %add3A_350 : vector<1x512xi32> to vector<512x512xi32>
      %eq3A_354 = vector.broadcast %while3A_179#1 : vector<512x1xi32> to vector<512x512xi32>
      %eq3A_355 = arith.cmpi eq, %eq3A, %eq3A_354 : vector<512x512xi32>
      %broadcast_in_dim3A_356 = vector.broadcast %while3A_184 : f32 to vector<512x512xf32>
      %select_n3A = arith.select %eq3A_355, %broadcast_in_dim3A_356, %get3A_353 : vector<512x512xi1>, vector<512x512xf32>
      %swap3A_357 = arith.constant 0 : index
      %swap3A_358 = arith.index_cast %multiple_of3A : i32 to index
      %swap3A_359 = vector.load %arg8[%swap3A_357, %swap3A_358] : memref<512x10240xf32, #tpu.memory_space<vmem>>, vector<512x512xf32>
      tpu.vector_store %arg8[%swap3A_357, %swap3A_358], %select_n3A {strides = array<i32>} : memref<512x10240xf32, #tpu.memory_space<vmem>>, vector<512x512xf32>,
      %reduce_min3A = arith.constant dense<0x7F800000> : vector<512xf32>
      %reduce_min3A_360 = vector.multi_reduction <minimumf>, %select_n3A, %reduce_min3A [1] : vector<512x512xf32> to vector<512xf32>
      %broadcast_in_dim3A_361 = vector.shape_cast %reduce_min3A_360 : vector<512xf32> to vector<512x1xf32>
      %eq3A_362 = vector.broadcast %broadcast_in_dim3A_361 : vector<512x1xf32> to vector<512x512xf32>
      %eq3A_363 = arith.cmpf oeq, %select_n3A, %eq3A_362 : vector<512x512xf32>
      %jit3A = arith.constant 10240 : i32
      %broadcast_in_dim3A_364 = vector.shape_cast %add3A_350 : vector<1x512xi32> to vector<1x512xi32>
      %broadcast_in_dim3A_365 = vector.broadcast %broadcast_in_dim3A_364 : vector<1x512xi32> to vector<512x512xi32>
      %broadcast_in_dim3A_366 = vector.broadcast %jit3A : i32 to vector<512x512xi32>
      %select_n3A_367 = arith.select %eq3A_363, %broadcast_in_dim3A_365, %broadcast_in_dim3A_366 : vector<512x512xi1>, vector<512x512xi32>
      %reduce_min3A_368 = arith.constant dense<2147483647> : vector<512xi32>
      %reduce_min3A_369 = vector.multi_reduction <minsi>, %select_n3A_367, %reduce_min3A_368 [1] : vector<512x512xi32> to vector<512xi32>
      %broadcast_in_dim3A_370 = vector.shape_cast %reduce_min3A_369 : vector<512xi32> to vector<512x1xi32>
      %lt3A = arith.cmpf olt, %broadcast_in_dim3A_361, %while3A_343 : vector<512x1xf32>
      %eq3A_371 = arith.cmpf oeq, %broadcast_in_dim3A_361, %while3A_343 : vector<512x1xf32>
      %lt3A_372 = arith.cmpi slt, %broadcast_in_dim3A_370, %while3A_344 : vector<512x1xi32>
      %and3A = arith.andi %eq3A_371, %lt3A_372 : vector<512x1xi1>
      %or3A = arith.ori %lt3A, %and3A : vector<512x1xi1>
      %select_n3A_373 = arith.select %or3A, %broadcast_in_dim3A_361, %while3A_343 : vector<512x1xi1>, vector<512x1xf32>
      %select_n3A_374 = arith.select %or3A, %broadcast_in_dim3A_370, %while3A_344 : vector<512x1xi1>, vector<512x1xi32>
      scf.yield %select_n3A_373, %select_n3A_374 : vector<512x1xf32>, vector<512x1xi32>
    }
    %while3A_194 = arith.constant 1 : i32
    %while3A_195:2 = scf.for %while3A_342 = %while3A_191 to %while3A_187 step %while3A_194 iter_args(%while3A_343 = %while3A_193#0, %while3A_344 = %while3A_193#1) -> (vector<512x1xf32>, vector<512x1xi32>)  : i32 {
      %mul3A_345 = arith.constant 512 : i32
      %mul3A_346 = arith.muli %while3A_342, %mul3A_345 : i32
      %multiple_of3A = tpu.assume_multiple %mul3A_346, 512 : i32
      %mul3A_347 = arith.constant 512 : i32
      %mul3A_348 = arith.muli %while3A_342, %mul3A_347 : i32
      %add3A = arith.addi %get3A_0, %mul3A_348 : i32
      %add3A_349 = vector.broadcast %add3A : i32 to vector<1x512xi32>
      %add3A_350 = arith.addi %iota3A, %add3A_349 : vector<1x512xi32>
      %get3A_351 = arith.constant 0 : index
      %get3A_352 = arith.index_cast %multiple_of3A : i32 to index
      %get3A_353 = vector.load %arg8[%get3A_351, %get3A_352] : memref<512x10240xf32, #tpu.memory_space<vmem>>, vector<512x512xf32>
      %eq3A = vector.broadcast %add3A_350 : vector<1x512xi32> to vector<512x512xi32>
      %eq3A_354 = vector.broadcast %while3A_179#1 : vector<512x1xi32> to vector<512x512xi32>
      %eq3A_355 = arith.cmpi eq, %eq3A, %eq3A_354 : vector<512x512xi32>
      %broadcast_in_dim3A_356 = vector.broadcast %while3A_184 : f32 to vector<512x512xf32>
      %select_n3A = arith.select %eq3A_355, %broadcast_in_dim3A_356, %get3A_353 : vector<512x512xi1>, vector<512x512xf32>
      %swap3A_357 = arith.constant 0 : index
      %swap3A_358 = arith.index_cast %multiple_of3A : i32 to index
      %swap3A_359 = vector.load %arg8[%swap3A_357, %swap3A_358] : memref<512x10240xf32, #tpu.memory_space<vmem>>, vector<512x512xf32>
      tpu.vector_store %arg8[%swap3A_357, %swap3A_358], %select_n3A {strides = array<i32>} : memref<512x10240xf32, #tpu.memory_space<vmem>>, vector<512x512xf32>,
      %reduce_min3A = arith.constant dense<0x7F800000> : vector<512xf32>
      %reduce_min3A_360 = vector.multi_reduction <minimumf>, %select_n3A, %reduce_min3A [1] : vector<512x512xf32> to vector<512xf32>
      %broadcast_in_dim3A_361 = vector.shape_cast %reduce_min3A_360 : vector<512xf32> to vector<512x1xf32>
      %eq3A_362 = vector.broadcast %broadcast_in_dim3A_361 : vector<512x1xf32> to vector<512x512xf32>
      %eq3A_363 = arith.cmpf oeq, %select_n3A, %eq3A_362 : vector<512x512xf32>
      %jit3A = arith.constant 10240 : i32
      %broadcast_in_dim3A_364 = vector.shape_cast %add3A_350 : vector<1x512xi32> to vector<1x512xi32>
      %broadcast_in_dim3A_365 = vector.broadcast %broadcast_in_dim3A_364 : vector<1x512xi32> to vector<512x512xi32>
      %broadcast_in_dim3A_366 = vector.broadcast %jit3A : i32 to vector<512x512xi32>
      %select_n3A_367 = arith.select %eq3A_363, %broadcast_in_dim3A_365, %broadcast_in_dim3A_366 : vector<512x512xi1>, vector<512x512xi32>
      %reduce_min3A_368 = arith.constant dense<2147483647> : vector<512xi32>
      %reduce_min3A_369 = vector.multi_reduction <minsi>, %select_n3A_367, %reduce_min3A_368 [1] : vector<512x512xi32> to vector<512xi32>
      %broadcast_in_dim3A_370 = vector.shape_cast %reduce_min3A_369 : vector<512xi32> to vector<512x1xi32>
      %lt3A = arith.cmpf olt, %broadcast_in_dim3A_361, %while3A_343 : vector<512x1xf32>
      %eq3A_371 = arith.cmpf oeq, %broadcast_in_dim3A_361, %while3A_343 : vector<512x1xf32>
      %lt3A_372 = arith.cmpi slt, %broadcast_in_dim3A_370, %while3A_344 : vector<512x1xi32>
      %and3A = arith.andi %eq3A_371, %lt3A_372 : vector<512x1xi1>
      %or3A = arith.ori %lt3A, %and3A : vector<512x1xi1>
      %select_n3A_373 = arith.select %or3A, %broadcast_in_dim3A_361, %while3A_343 : vector<512x1xi1>, vector<512x1xf32>
      %select_n3A_374 = arith.select %or3A, %broadcast_in_dim3A_370, %while3A_344 : vector<512x1xi1>, vector<512x1xi32>
      scf.yield %select_n3A_373, %select_n3A_374 : vector<512x1xf32>, vector<512x1xi32>
    }
    %broadcast_in_dim3A_196 = arith.constant 0x7F800000 : f32
    %broadcast_in_dim3A_197 = vector.broadcast %broadcast_in_dim3A_196 : f32 to vector<512x1xf32>
    %broadcast_in_dim3A_198 = arith.constant 10240 : i32
    %broadcast_in_dim3A_199 = vector.broadcast %broadcast_in_dim3A_198 : i32 to vector<512x1xi32>
    %while3A_200 = arith.constant 0x7F800000 : f32
    %while3A_201 = arith.constant 0 : i32
    %while3A_202 = arith.subi %get3A_2, %while3A_201 : i32
    %while3A_203 = arith.addi %while3A_201, %while3A_202 : i32
    %while3A_204 = arith.constant 1 : i32
    %while3A_205 = arith.divsi %while3A_202, %while3A_204 : i32
    %while3A_206 = arith.muli %while3A_205, %while3A_204 : i32
    %while3A_207 = arith.addi %while3A_201, %while3A_206 : i32
    %while3A_208 = arith.constant 1 : i32
    %while3A_209:2 = scf.for %while3A_342 = %while3A_201 to %while3A_207 step %while3A_208 iter_args(%while3A_343 = %broadcast_in_dim3A_197, %while3A_344 = %broadcast_in_dim3A_199) -> (vector<512x1xf32>, vector<512x1xi32>)  : i32 {
      %mul3A_345 = arith.constant 512 : i32
      %mul3A_346 = arith.muli %while3A_342, %mul3A_345 : i32
      %multiple_of3A = tpu.assume_multiple %mul3A_346, 512 : i32
      %mul3A_347 = arith.constant 512 : i32
      %mul3A_348 = arith.muli %while3A_342, %mul3A_347 : i32
      %add3A = arith.addi %get3A_0, %mul3A_348 : i32
      %add3A_349 = vector.broadcast %add3A : i32 to vector<1x512xi32>
      %add3A_350 = arith.addi %iota3A, %add3A_349 : vector<1x512xi32>
      %get3A_351 = arith.constant 0 : index
      %get3A_352 = arith.index_cast %multiple_of3A : i32 to index
      %get3A_353 = vector.load %arg8[%get3A_351, %get3A_352] : memref<512x10240xf32, #tpu.memory_space<vmem>>, vector<512x512xf32>
      %eq3A = vector.broadcast %add3A_350 : vector<1x512xi32> to vector<512x512xi32>
      %eq3A_354 = vector.broadcast %while3A_195#1 : vector<512x1xi32> to vector<512x512xi32>
      %eq3A_355 = arith.cmpi eq, %eq3A, %eq3A_354 : vector<512x512xi32>
      %broadcast_in_dim3A_356 = vector.broadcast %while3A_200 : f32 to vector<512x512xf32>
      %select_n3A = arith.select %eq3A_355, %broadcast_in_dim3A_356, %get3A_353 : vector<512x512xi1>, vector<512x512xf32>
      %swap3A_357 = arith.constant 0 : index
      %swap3A_358 = arith.index_cast %multiple_of3A : i32 to index
      %swap3A_359 = vector.load %arg8[%swap3A_357, %swap3A_358] : memref<512x10240xf32, #tpu.memory_space<vmem>>, vector<512x512xf32>
      tpu.vector_store %arg8[%swap3A_357, %swap3A_358], %select_n3A {strides = array<i32>} : memref<512x10240xf32, #tpu.memory_space<vmem>>, vector<512x512xf32>,
      %reduce_min3A = arith.constant dense<0x7F800000> : vector<512xf32>
      %reduce_min3A_360 = vector.multi_reduction <minimumf>, %select_n3A, %reduce_min3A [1] : vector<512x512xf32> to vector<512xf32>
      %broadcast_in_dim3A_361 = vector.shape_cast %reduce_min3A_360 : vector<512xf32> to vector<512x1xf32>
      %eq3A_362 = vector.broadcast %broadcast_in_dim3A_361 : vector<512x1xf32> to vector<512x512xf32>
      %eq3A_363 = arith.cmpf oeq, %select_n3A, %eq3A_362 : vector<512x512xf32>
      %jit3A = arith.constant 10240 : i32
      %broadcast_in_dim3A_364 = vector.shape_cast %add3A_350 : vector<1x512xi32> to vector<1x512xi32>
      %broadcast_in_dim3A_365 = vector.broadcast %broadcast_in_dim3A_364 : vector<1x512xi32> to vector<512x512xi32>
      %broadcast_in_dim3A_366 = vector.broadcast %jit3A : i32 to vector<512x512xi32>
      %select_n3A_367 = arith.select %eq3A_363, %broadcast_in_dim3A_365, %broadcast_in_dim3A_366 : vector<512x512xi1>, vector<512x512xi32>
      %reduce_min3A_368 = arith.constant dense<2147483647> : vector<512xi32>
      %reduce_min3A_369 = vector.multi_reduction <minsi>, %select_n3A_367, %reduce_min3A_368 [1] : vector<512x512xi32> to vector<512xi32>
      %broadcast_in_dim3A_370 = vector.shape_cast %reduce_min3A_369 : vector<512xi32> to vector<512x1xi32>
      %lt3A = arith.cmpf olt, %broadcast_in_dim3A_361, %while3A_343 : vector<512x1xf32>
      %eq3A_371 = arith.cmpf oeq, %broadcast_in_dim3A_361, %while3A_343 : vector<512x1xf32>
      %lt3A_372 = arith.cmpi slt, %broadcast_in_dim3A_370, %while3A_344 : vector<512x1xi32>
      %and3A = arith.andi %eq3A_371, %lt3A_372 : vector<512x1xi1>
      %or3A = arith.ori %lt3A, %and3A : vector<512x1xi1>
      %select_n3A_373 = arith.select %or3A, %broadcast_in_dim3A_361, %while3A_343 : vector<512x1xi1>, vector<512x1xf32>
      %select_n3A_374 = arith.select %or3A, %broadcast_in_dim3A_370, %while3A_344 : vector<512x1xi1>, vector<512x1xi32>
      scf.yield %select_n3A_373, %select_n3A_374 : vector<512x1xf32>, vector<512x1xi32>
    }
    %while3A_210 = arith.constant 1 : i32
    %while3A_211:2 = scf.for %while3A_342 = %while3A_207 to %while3A_203 step %while3A_210 iter_args(%while3A_343 = %while3A_209#0, %while3A_344 = %while3A_209#1) -> (vector<512x1xf32>, vector<512x1xi32>)  : i32 {
      %mul3A_345 = arith.constant 512 : i32
      %mul3A_346 = arith.muli %while3A_342, %mul3A_345 : i32
      %multiple_of3A = tpu.assume_multiple %mul3A_346, 512 : i32
      %mul3A_347 = arith.constant 512 : i32
      %mul3A_348 = arith.muli %while3A_342, %mul3A_347 : i32
      %add3A = arith.addi %get3A_0, %mul3A_348 : i32
      %add3A_349 = vector.broadcast %add3A : i32 to vector<1x512xi32>
      %add3A_350 = arith.addi %iota3A, %add3A_349 : vector<1x512xi32>
      %get3A_351 = arith.constant 0 : index
      %get3A_352 = arith.index_cast %multiple_of3A : i32 to index
      %get3A_353 = vector.load %arg8[%get3A_351, %get3A_352] : memref<512x10240xf32, #tpu.memory_space<vmem>>, vector<512x512xf32>
      %eq3A = vector.broadcast %add3A_350 : vector<1x512xi32> to vector<512x512xi32>
      %eq3A_354 = vector.broadcast %while3A_195#1 : vector<512x1xi32> to vector<512x512xi32>
      %eq3A_355 = arith.cmpi eq, %eq3A, %eq3A_354 : vector<512x512xi32>
      %broadcast_in_dim3A_356 = vector.broadcast %while3A_200 : f32 to vector<512x512xf32>
      %select_n3A = arith.select %eq3A_355, %broadcast_in_dim3A_356, %get3A_353 : vector<512x512xi1>, vector<512x512xf32>
      %swap3A_357 = arith.constant 0 : index
      %swap3A_358 = arith.index_cast %multiple_of3A : i32 to index
      %swap3A_359 = vector.load %arg8[%swap3A_357, %swap3A_358] : memref<512x10240xf32, #tpu.memory_space<vmem>>, vector<512x512xf32>
      tpu.vector_store %arg8[%swap3A_357, %swap3A_358], %select_n3A {strides = array<i32>} : memref<512x10240xf32, #tpu.memory_space<vmem>>, vector<512x512xf32>,
      %reduce_min3A = arith.constant dense<0x7F800000> : vector<512xf32>
      %reduce_min3A_360 = vector.multi_reduction <minimumf>, %select_n3A, %reduce_min3A [1] : vector<512x512xf32> to vector<512xf32>
      %broadcast_in_dim3A_361 = vector.shape_cast %reduce_min3A_360 : vector<512xf32> to vector<512x1xf32>
      %eq3A_362 = vector.broadcast %broadcast_in_dim3A_361 : vector<512x1xf32> to vector<512x512xf32>
      %eq3A_363 = arith.cmpf oeq, %select_n3A, %eq3A_362 : vector<512x512xf32>
      %jit3A = arith.constant 10240 : i32
      %broadcast_in_dim3A_364 = vector.shape_cast %add3A_350 : vector<1x512xi32> to vector<1x512xi32>
      %broadcast_in_dim3A_365 = vector.broadcast %broadcast_in_dim3A_364 : vector<1x512xi32> to vector<512x512xi32>
      %broadcast_in_dim3A_366 = vector.broadcast %jit3A : i32 to vector<512x512xi32>
      %select_n3A_367 = arith.select %eq3A_363, %broadcast_in_dim3A_365, %broadcast_in_dim3A_366 : vector<512x512xi1>, vector<512x512xi32>
      %reduce_min3A_368 = arith.constant dense<2147483647> : vector<512xi32>
      %reduce_min3A_369 = vector.multi_reduction <minsi>, %select_n3A_367, %reduce_min3A_368 [1] : vector<512x512xi32> to vector<512xi32>
      %broadcast_in_dim3A_370 = vector.shape_cast %reduce_min3A_369 : vector<512xi32> to vector<512x1xi32>
      %lt3A = arith.cmpf olt, %broadcast_in_dim3A_361, %while3A_343 : vector<512x1xf32>
      %eq3A_371 = arith.cmpf oeq, %broadcast_in_dim3A_361, %while3A_343 : vector<512x1xf32>
      %lt3A_372 = arith.cmpi slt, %broadcast_in_dim3A_370, %while3A_344 : vector<512x1xi32>
      %and3A = arith.andi %eq3A_371, %lt3A_372 : vector<512x1xi1>
      %or3A = arith.ori %lt3A, %and3A : vector<512x1xi1>
      %select_n3A_373 = arith.select %or3A, %broadcast_in_dim3A_361, %while3A_343 : vector<512x1xi1>, vector<512x1xf32>
      %select_n3A_374 = arith.select %or3A, %broadcast_in_dim3A_370, %while3A_344 : vector<512x1xi1>, vector<512x1xi32>
      scf.yield %select_n3A_373, %select_n3A_374 : vector<512x1xf32>, vector<512x1xi32>
    }
    %broadcast_in_dim3A_212 = arith.constant 0x7F800000 : f32
    %broadcast_in_dim3A_213 = vector.broadcast %broadcast_in_dim3A_212 : f32 to vector<512x1xf32>
    %broadcast_in_dim3A_214 = arith.constant 10240 : i32
    %broadcast_in_dim3A_215 = vector.broadcast %broadcast_in_dim3A_214 : i32 to vector<512x1xi32>
    %while3A_216 = arith.constant 0x7F800000 : f32
    %while3A_217 = arith.constant 0 : i32
    %while3A_218 = arith.subi %get3A_2, %while3A_217 : i32
    %while3A_219 = arith.addi %while3A_217, %while3A_218 : i32
    %while3A_220 = arith.constant 1 : i32
    %while3A_221 = arith.divsi %while3A_218, %while3A_220 : i32
    %while3A_222 = arith.muli %while3A_221, %while3A_220 : i32
    %while3A_223 = arith.addi %while3A_217, %while3A_222 : i32
    %while3A_224 = arith.constant 1 : i32
    %while3A_225:2 = scf.for %while3A_342 = %while3A_217 to %while3A_223 step %while3A_224 iter_args(%while3A_343 = %broadcast_in_dim3A_213, %while3A_344 = %broadcast_in_dim3A_215) -> (vector<512x1xf32>, vector<512x1xi32>)  : i32 {
      %mul3A_345 = arith.constant 512 : i32
      %mul3A_346 = arith.muli %while3A_342, %mul3A_345 : i32
      %multiple_of3A = tpu.assume_multiple %mul3A_346, 512 : i32
      %mul3A_347 = arith.constant 512 : i32
      %mul3A_348 = arith.muli %while3A_342, %mul3A_347 : i32
      %add3A = arith.addi %get3A_0, %mul3A_348 : i32
      %add3A_349 = vector.broadcast %add3A : i32 to vector<1x512xi32>
      %add3A_350 = arith.addi %iota3A, %add3A_349 : vector<1x512xi32>
      %get3A_351 = arith.constant 0 : index
      %get3A_352 = arith.index_cast %multiple_of3A : i32 to index
      %get3A_353 = vector.load %arg8[%get3A_351, %get3A_352] : memref<512x10240xf32, #tpu.memory_space<vmem>>, vector<512x512xf32>
      %eq3A = vector.broadcast %add3A_350 : vector<1x512xi32> to vector<512x512xi32>
      %eq3A_354 = vector.broadcast %while3A_211#1 : vector<512x1xi32> to vector<512x512xi32>
      %eq3A_355 = arith.cmpi eq, %eq3A, %eq3A_354 : vector<512x512xi32>
      %broadcast_in_dim3A_356 = vector.broadcast %while3A_216 : f32 to vector<512x512xf32>
      %select_n3A = arith.select %eq3A_355, %broadcast_in_dim3A_356, %get3A_353 : vector<512x512xi1>, vector<512x512xf32>
      %swap3A_357 = arith.constant 0 : index
      %swap3A_358 = arith.index_cast %multiple_of3A : i32 to index
      %swap3A_359 = vector.load %arg8[%swap3A_357, %swap3A_358] : memref<512x10240xf32, #tpu.memory_space<vmem>>, vector<512x512xf32>
      tpu.vector_store %arg8[%swap3A_357, %swap3A_358], %select_n3A {strides = array<i32>} : memref<512x10240xf32, #tpu.memory_space<vmem>>, vector<512x512xf32>,
      %reduce_min3A = arith.constant dense<0x7F800000> : vector<512xf32>
      %reduce_min3A_360 = vector.multi_reduction <minimumf>, %select_n3A, %reduce_min3A [1] : vector<512x512xf32> to vector<512xf32>
      %broadcast_in_dim3A_361 = vector.shape_cast %reduce_min3A_360 : vector<512xf32> to vector<512x1xf32>
      %eq3A_362 = vector.broadcast %broadcast_in_dim3A_361 : vector<512x1xf32> to vector<512x512xf32>
      %eq3A_363 = arith.cmpf oeq, %select_n3A, %eq3A_362 : vector<512x512xf32>
      %jit3A = arith.constant 10240 : i32
      %broadcast_in_dim3A_364 = vector.shape_cast %add3A_350 : vector<1x512xi32> to vector<1x512xi32>
      %broadcast_in_dim3A_365 = vector.broadcast %broadcast_in_dim3A_364 : vector<1x512xi32> to vector<512x512xi32>
      %broadcast_in_dim3A_366 = vector.broadcast %jit3A : i32 to vector<512x512xi32>
      %select_n3A_367 = arith.select %eq3A_363, %broadcast_in_dim3A_365, %broadcast_in_dim3A_366 : vector<512x512xi1>, vector<512x512xi32>
      %reduce_min3A_368 = arith.constant dense<2147483647> : vector<512xi32>
      %reduce_min3A_369 = vector.multi_reduction <minsi>, %select_n3A_367, %reduce_min3A_368 [1] : vector<512x512xi32> to vector<512xi32>
      %broadcast_in_dim3A_370 = vector.shape_cast %reduce_min3A_369 : vector<512xi32> to vector<512x1xi32>
      %lt3A = arith.cmpf olt, %broadcast_in_dim3A_361, %while3A_343 : vector<512x1xf32>
      %eq3A_371 = arith.cmpf oeq, %broadcast_in_dim3A_361, %while3A_343 : vector<512x1xf32>
      %lt3A_372 = arith.cmpi slt, %broadcast_in_dim3A_370, %while3A_344 : vector<512x1xi32>
      %and3A = arith.andi %eq3A_371, %lt3A_372 : vector<512x1xi1>
      %or3A = arith.ori %lt3A, %and3A : vector<512x1xi1>
      %select_n3A_373 = arith.select %or3A, %broadcast_in_dim3A_361, %while3A_343 : vector<512x1xi1>, vector<512x1xf32>
      %select_n3A_374 = arith.select %or3A, %broadcast_in_dim3A_370, %while3A_344 : vector<512x1xi1>, vector<512x1xi32>
      scf.yield %select_n3A_373, %select_n3A_374 : vector<512x1xf32>, vector<512x1xi32>
    }
    %while3A_226 = arith.constant 1 : i32
    %while3A_227:2 = scf.for %while3A_342 = %while3A_223 to %while3A_219 step %while3A_226 iter_args(%while3A_343 = %while3A_225#0, %while3A_344 = %while3A_225#1) -> (vector<512x1xf32>, vector<512x1xi32>)  : i32 {
      %mul3A_345 = arith.constant 512 : i32
      %mul3A_346 = arith.muli %while3A_342, %mul3A_345 : i32
      %multiple_of3A = tpu.assume_multiple %mul3A_346, 512 : i32
      %mul3A_347 = arith.constant 512 : i32
      %mul3A_348 = arith.muli %while3A_342, %mul3A_347 : i32
      %add3A = arith.addi %get3A_0, %mul3A_348 : i32
      %add3A_349 = vector.broadcast %add3A : i32 to vector<1x512xi32>
      %add3A_350 = arith.addi %iota3A, %add3A_349 : vector<1x512xi32>
      %get3A_351 = arith.constant 0 : index
      %get3A_352 = arith.index_cast %multiple_of3A : i32 to index
      %get3A_353 = vector.load %arg8[%get3A_351, %get3A_352] : memref<512x10240xf32, #tpu.memory_space<vmem>>, vector<512x512xf32>
      %eq3A = vector.broadcast %add3A_350 : vector<1x512xi32> to vector<512x512xi32>
      %eq3A_354 = vector.broadcast %while3A_211#1 : vector<512x1xi32> to vector<512x512xi32>
      %eq3A_355 = arith.cmpi eq, %eq3A, %eq3A_354 : vector<512x512xi32>
      %broadcast_in_dim3A_356 = vector.broadcast %while3A_216 : f32 to vector<512x512xf32>
      %select_n3A = arith.select %eq3A_355, %broadcast_in_dim3A_356, %get3A_353 : vector<512x512xi1>, vector<512x512xf32>
      %swap3A_357 = arith.constant 0 : index
      %swap3A_358 = arith.index_cast %multiple_of3A : i32 to index
      %swap3A_359 = vector.load %arg8[%swap3A_357, %swap3A_358] : memref<512x10240xf32, #tpu.memory_space<vmem>>, vector<512x512xf32>
      tpu.vector_store %arg8[%swap3A_357, %swap3A_358], %select_n3A {strides = array<i32>} : memref<512x10240xf32, #tpu.memory_space<vmem>>, vector<512x512xf32>,
      %reduce_min3A = arith.constant dense<0x7F800000> : vector<512xf32>
      %reduce_min3A_360 = vector.multi_reduction <minimumf>, %select_n3A, %reduce_min3A [1] : vector<512x512xf32> to vector<512xf32>
      %broadcast_in_dim3A_361 = vector.shape_cast %reduce_min3A_360 : vector<512xf32> to vector<512x1xf32>
      %eq3A_362 = vector.broadcast %broadcast_in_dim3A_361 : vector<512x1xf32> to vector<512x512xf32>
      %eq3A_363 = arith.cmpf oeq, %select_n3A, %eq3A_362 : vector<512x512xf32>
      %jit3A = arith.constant 10240 : i32
      %broadcast_in_dim3A_364 = vector.shape_cast %add3A_350 : vector<1x512xi32> to vector<1x512xi32>
      %broadcast_in_dim3A_365 = vector.broadcast %broadcast_in_dim3A_364 : vector<1x512xi32> to vector<512x512xi32>
      %broadcast_in_dim3A_366 = vector.broadcast %jit3A : i32 to vector<512x512xi32>
      %select_n3A_367 = arith.select %eq3A_363, %broadcast_in_dim3A_365, %broadcast_in_dim3A_366 : vector<512x512xi1>, vector<512x512xi32>
      %reduce_min3A_368 = arith.constant dense<2147483647> : vector<512xi32>
      %reduce_min3A_369 = vector.multi_reduction <minsi>, %select_n3A_367, %reduce_min3A_368 [1] : vector<512x512xi32> to vector<512xi32>
      %broadcast_in_dim3A_370 = vector.shape_cast %reduce_min3A_369 : vector<512xi32> to vector<512x1xi32>
      %lt3A = arith.cmpf olt, %broadcast_in_dim3A_361, %while3A_343 : vector<512x1xf32>
      %eq3A_371 = arith.cmpf oeq, %broadcast_in_dim3A_361, %while3A_343 : vector<512x1xf32>
      %lt3A_372 = arith.cmpi slt, %broadcast_in_dim3A_370, %while3A_344 : vector<512x1xi32>
      %and3A = arith.andi %eq3A_371, %lt3A_372 : vector<512x1xi1>
      %or3A = arith.ori %lt3A, %and3A : vector<512x1xi1>
      %select_n3A_373 = arith.select %or3A, %broadcast_in_dim3A_361, %while3A_343 : vector<512x1xi1>, vector<512x1xf32>
      %select_n3A_374 = arith.select %or3A, %broadcast_in_dim3A_370, %while3A_344 : vector<512x1xi1>, vector<512x1xi32>
      scf.yield %select_n3A_373, %select_n3A_374 : vector<512x1xf32>, vector<512x1xi32>
    }
    %broadcast_in_dim3A_228 = arith.constant 0x7F800000 : f32
    %broadcast_in_dim3A_229 = vector.broadcast %broadcast_in_dim3A_228 : f32 to vector<512x1xf32>
    %broadcast_in_dim3A_230 = arith.constant 10240 : i32
    %broadcast_in_dim3A_231 = vector.broadcast %broadcast_in_dim3A_230 : i32 to vector<512x1xi32>
    %while3A_232 = arith.constant 0x7F800000 : f32
    %while3A_233 = arith.constant 0 : i32
    %while3A_234 = arith.subi %get3A_2, %while3A_233 : i32
    %while3A_235 = arith.addi %while3A_233, %while3A_234 : i32
    %while3A_236 = arith.constant 1 : i32
    %while3A_237 = arith.divsi %while3A_234, %while3A_236 : i32
    %while3A_238 = arith.muli %while3A_237, %while3A_236 : i32
    %while3A_239 = arith.addi %while3A_233, %while3A_238 : i32
    %while3A_240 = arith.constant 1 : i32
    %while3A_241:2 = scf.for %while3A_342 = %while3A_233 to %while3A_239 step %while3A_240 iter_args(%while3A_343 = %broadcast_in_dim3A_229, %while3A_344 = %broadcast_in_dim3A_231) -> (vector<512x1xf32>, vector<512x1xi32>)  : i32 {
      %mul3A_345 = arith.constant 512 : i32
      %mul3A_346 = arith.muli %while3A_342, %mul3A_345 : i32
      %multiple_of3A = tpu.assume_multiple %mul3A_346, 512 : i32
      %mul3A_347 = arith.constant 512 : i32
      %mul3A_348 = arith.muli %while3A_342, %mul3A_347 : i32
      %add3A = arith.addi %get3A_0, %mul3A_348 : i32
      %add3A_349 = vector.broadcast %add3A : i32 to vector<1x512xi32>
      %add3A_350 = arith.addi %iota3A, %add3A_349 : vector<1x512xi32>
      %get3A_351 = arith.constant 0 : index
      %get3A_352 = arith.index_cast %multiple_of3A : i32 to index
      %get3A_353 = vector.load %arg8[%get3A_351, %get3A_352] : memref<512x10240xf32, #tpu.memory_space<vmem>>, vector<512x512xf32>
      %eq3A = vector.broadcast %add3A_350 : vector<1x512xi32> to vector<512x512xi32>
      %eq3A_354 = vector.broadcast %while3A_227#1 : vector<512x1xi32> to vector<512x512xi32>
      %eq3A_355 = arith.cmpi eq, %eq3A, %eq3A_354 : vector<512x512xi32>
      %broadcast_in_dim3A_356 = vector.broadcast %while3A_232 : f32 to vector<512x512xf32>
      %select_n3A = arith.select %eq3A_355, %broadcast_in_dim3A_356, %get3A_353 : vector<512x512xi1>, vector<512x512xf32>
      %swap3A_357 = arith.constant 0 : index
      %swap3A_358 = arith.index_cast %multiple_of3A : i32 to index
      %swap3A_359 = vector.load %arg8[%swap3A_357, %swap3A_358] : memref<512x10240xf32, #tpu.memory_space<vmem>>, vector<512x512xf32>
      tpu.vector_store %arg8[%swap3A_357, %swap3A_358], %select_n3A {strides = array<i32>} : memref<512x10240xf32, #tpu.memory_space<vmem>>, vector<512x512xf32>,
      %reduce_min3A = arith.constant dense<0x7F800000> : vector<512xf32>
      %reduce_min3A_360 = vector.multi_reduction <minimumf>, %select_n3A, %reduce_min3A [1] : vector<512x512xf32> to vector<512xf32>
      %broadcast_in_dim3A_361 = vector.shape_cast %reduce_min3A_360 : vector<512xf32> to vector<512x1xf32>
      %eq3A_362 = vector.broadcast %broadcast_in_dim3A_361 : vector<512x1xf32> to vector<512x512xf32>
      %eq3A_363 = arith.cmpf oeq, %select_n3A, %eq3A_362 : vector<512x512xf32>
      %jit3A = arith.constant 10240 : i32
      %broadcast_in_dim3A_364 = vector.shape_cast %add3A_350 : vector<1x512xi32> to vector<1x512xi32>
      %broadcast_in_dim3A_365 = vector.broadcast %broadcast_in_dim3A_364 : vector<1x512xi32> to vector<512x512xi32>
      %broadcast_in_dim3A_366 = vector.broadcast %jit3A : i32 to vector<512x512xi32>
      %select_n3A_367 = arith.select %eq3A_363, %broadcast_in_dim3A_365, %broadcast_in_dim3A_366 : vector<512x512xi1>, vector<512x512xi32>
      %reduce_min3A_368 = arith.constant dense<2147483647> : vector<512xi32>
      %reduce_min3A_369 = vector.multi_reduction <minsi>, %select_n3A_367, %reduce_min3A_368 [1] : vector<512x512xi32> to vector<512xi32>
      %broadcast_in_dim3A_370 = vector.shape_cast %reduce_min3A_369 : vector<512xi32> to vector<512x1xi32>
      %lt3A = arith.cmpf olt, %broadcast_in_dim3A_361, %while3A_343 : vector<512x1xf32>
      %eq3A_371 = arith.cmpf oeq, %broadcast_in_dim3A_361, %while3A_343 : vector<512x1xf32>
      %lt3A_372 = arith.cmpi slt, %broadcast_in_dim3A_370, %while3A_344 : vector<512x1xi32>
      %and3A = arith.andi %eq3A_371, %lt3A_372 : vector<512x1xi1>
      %or3A = arith.ori %lt3A, %and3A : vector<512x1xi1>
      %select_n3A_373 = arith.select %or3A, %broadcast_in_dim3A_361, %while3A_343 : vector<512x1xi1>, vector<512x1xf32>
      %select_n3A_374 = arith.select %or3A, %broadcast_in_dim3A_370, %while3A_344 : vector<512x1xi1>, vector<512x1xi32>
      scf.yield %select_n3A_373, %select_n3A_374 : vector<512x1xf32>, vector<512x1xi32>
    }
    %while3A_242 = arith.constant 1 : i32
    %while3A_243:2 = scf.for %while3A_342 = %while3A_239 to %while3A_235 step %while3A_242 iter_args(%while3A_343 = %while3A_241#0, %while3A_344 = %while3A_241#1) -> (vector<512x1xf32>, vector<512x1xi32>)  : i32 {
      %mul3A_345 = arith.constant 512 : i32
      %mul3A_346 = arith.muli %while3A_342, %mul3A_345 : i32
      %multiple_of3A = tpu.assume_multiple %mul3A_346, 512 : i32
      %mul3A_347 = arith.constant 512 : i32
      %mul3A_348 = arith.muli %while3A_342, %mul3A_347 : i32
      %add3A = arith.addi %get3A_0, %mul3A_348 : i32
      %add3A_349 = vector.broadcast %add3A : i32 to vector<1x512xi32>
      %add3A_350 = arith.addi %iota3A, %add3A_349 : vector<1x512xi32>
      %get3A_351 = arith.constant 0 : index
      %get3A_352 = arith.index_cast %multiple_of3A : i32 to index
      %get3A_353 = vector.load %arg8[%get3A_351, %get3A_352] : memref<512x10240xf32, #tpu.memory_space<vmem>>, vector<512x512xf32>
      %eq3A = vector.broadcast %add3A_350 : vector<1x512xi32> to vector<512x512xi32>
      %eq3A_354 = vector.broadcast %while3A_227#1 : vector<512x1xi32> to vector<512x512xi32>
      %eq3A_355 = arith.cmpi eq, %eq3A, %eq3A_354 : vector<512x512xi32>
      %broadcast_in_dim3A_356 = vector.broadcast %while3A_232 : f32 to vector<512x512xf32>
      %select_n3A = arith.select %eq3A_355, %broadcast_in_dim3A_356, %get3A_353 : vector<512x512xi1>, vector<512x512xf32>
      %swap3A_357 = arith.constant 0 : index
      %swap3A_358 = arith.index_cast %multiple_of3A : i32 to index
      %swap3A_359 = vector.load %arg8[%swap3A_357, %swap3A_358] : memref<512x10240xf32, #tpu.memory_space<vmem>>, vector<512x512xf32>
      tpu.vector_store %arg8[%swap3A_357, %swap3A_358], %select_n3A {strides = array<i32>} : memref<512x10240xf32, #tpu.memory_space<vmem>>, vector<512x512xf32>,
      %reduce_min3A = arith.constant dense<0x7F800000> : vector<512xf32>
      %reduce_min3A_360 = vector.multi_reduction <minimumf>, %select_n3A, %reduce_min3A [1] : vector<512x512xf32> to vector<512xf32>
      %broadcast_in_dim3A_361 = vector.shape_cast %reduce_min3A_360 : vector<512xf32> to vector<512x1xf32>
      %eq3A_362 = vector.broadcast %broadcast_in_dim3A_361 : vector<512x1xf32> to vector<512x512xf32>
      %eq3A_363 = arith.cmpf oeq, %select_n3A, %eq3A_362 : vector<512x512xf32>
      %jit3A = arith.constant 10240 : i32
      %broadcast_in_dim3A_364 = vector.shape_cast %add3A_350 : vector<1x512xi32> to vector<1x512xi32>
      %broadcast_in_dim3A_365 = vector.broadcast %broadcast_in_dim3A_364 : vector<1x512xi32> to vector<512x512xi32>
      %broadcast_in_dim3A_366 = vector.broadcast %jit3A : i32 to vector<512x512xi32>
      %select_n3A_367 = arith.select %eq3A_363, %broadcast_in_dim3A_365, %broadcast_in_dim3A_366 : vector<512x512xi1>, vector<512x512xi32>
      %reduce_min3A_368 = arith.constant dense<2147483647> : vector<512xi32>
      %reduce_min3A_369 = vector.multi_reduction <minsi>, %select_n3A_367, %reduce_min3A_368 [1] : vector<512x512xi32> to vector<512xi32>
      %broadcast_in_dim3A_370 = vector.shape_cast %reduce_min3A_369 : vector<512xi32> to vector<512x1xi32>
      %lt3A = arith.cmpf olt, %broadcast_in_dim3A_361, %while3A_343 : vector<512x1xf32>
      %eq3A_371 = arith.cmpf oeq, %broadcast_in_dim3A_361, %while3A_343 : vector<512x1xf32>
      %lt3A_372 = arith.cmpi slt, %broadcast_in_dim3A_370, %while3A_344 : vector<512x1xi32>
      %and3A = arith.andi %eq3A_371, %lt3A_372 : vector<512x1xi1>
      %or3A = arith.ori %lt3A, %and3A : vector<512x1xi1>
      %select_n3A_373 = arith.select %or3A, %broadcast_in_dim3A_361, %while3A_343 : vector<512x1xi1>, vector<512x1xf32>
      %select_n3A_374 = arith.select %or3A, %broadcast_in_dim3A_370, %while3A_344 : vector<512x1xi1>, vector<512x1xi32>
      scf.yield %select_n3A_373, %select_n3A_374 : vector<512x1xf32>, vector<512x1xi32>
    }
    %broadcast_in_dim3A_244 = arith.constant 0x7F800000 : f32
    %broadcast_in_dim3A_245 = vector.broadcast %broadcast_in_dim3A_244 : f32 to vector<512x1xf32>
    %broadcast_in_dim3A_246 = arith.constant 10240 : i32
    %broadcast_in_dim3A_247 = vector.broadcast %broadcast_in_dim3A_246 : i32 to vector<512x1xi32>
    %while3A_248 = arith.constant 0x7F800000 : f32
    %while3A_249 = arith.constant 0 : i32
    %while3A_250 = arith.subi %get3A_2, %while3A_249 : i32
    %while3A_251 = arith.addi %while3A_249, %while3A_250 : i32
    %while3A_252 = arith.constant 1 : i32
    %while3A_253 = arith.divsi %while3A_250, %while3A_252 : i32
    %while3A_254 = arith.muli %while3A_253, %while3A_252 : i32
    %while3A_255 = arith.addi %while3A_249, %while3A_254 : i32
    %while3A_256 = arith.constant 1 : i32
    %while3A_257:2 = scf.for %while3A_342 = %while3A_249 to %while3A_255 step %while3A_256 iter_args(%while3A_343 = %broadcast_in_dim3A_245, %while3A_344 = %broadcast_in_dim3A_247) -> (vector<512x1xf32>, vector<512x1xi32>)  : i32 {
      %mul3A_345 = arith.constant 512 : i32
      %mul3A_346 = arith.muli %while3A_342, %mul3A_345 : i32
      %multiple_of3A = tpu.assume_multiple %mul3A_346, 512 : i32
      %mul3A_347 = arith.constant 512 : i32
      %mul3A_348 = arith.muli %while3A_342, %mul3A_347 : i32
      %add3A = arith.addi %get3A_0, %mul3A_348 : i32
      %add3A_349 = vector.broadcast %add3A : i32 to vector<1x512xi32>
      %add3A_350 = arith.addi %iota3A, %add3A_349 : vector<1x512xi32>
      %get3A_351 = arith.constant 0 : index
      %get3A_352 = arith.index_cast %multiple_of3A : i32 to index
      %get3A_353 = vector.load %arg8[%get3A_351, %get3A_352] : memref<512x10240xf32, #tpu.memory_space<vmem>>, vector<512x512xf32>
      %eq3A = vector.broadcast %add3A_350 : vector<1x512xi32> to vector<512x512xi32>
      %eq3A_354 = vector.broadcast %while3A_243#1 : vector<512x1xi32> to vector<512x512xi32>
      %eq3A_355 = arith.cmpi eq, %eq3A, %eq3A_354 : vector<512x512xi32>
      %broadcast_in_dim3A_356 = vector.broadcast %while3A_248 : f32 to vector<512x512xf32>
      %select_n3A = arith.select %eq3A_355, %broadcast_in_dim3A_356, %get3A_353 : vector<512x512xi1>, vector<512x512xf32>
      %swap3A_357 = arith.constant 0 : index
      %swap3A_358 = arith.index_cast %multiple_of3A : i32 to index
      %swap3A_359 = vector.load %arg8[%swap3A_357, %swap3A_358] : memref<512x10240xf32, #tpu.memory_space<vmem>>, vector<512x512xf32>
      tpu.vector_store %arg8[%swap3A_357, %swap3A_358], %select_n3A {strides = array<i32>} : memref<512x10240xf32, #tpu.memory_space<vmem>>, vector<512x512xf32>,
      %reduce_min3A = arith.constant dense<0x7F800000> : vector<512xf32>
      %reduce_min3A_360 = vector.multi_reduction <minimumf>, %select_n3A, %reduce_min3A [1] : vector<512x512xf32> to vector<512xf32>
      %broadcast_in_dim3A_361 = vector.shape_cast %reduce_min3A_360 : vector<512xf32> to vector<512x1xf32>
      %eq3A_362 = vector.broadcast %broadcast_in_dim3A_361 : vector<512x1xf32> to vector<512x512xf32>
      %eq3A_363 = arith.cmpf oeq, %select_n3A, %eq3A_362 : vector<512x512xf32>
      %jit3A = arith.constant 10240 : i32
      %broadcast_in_dim3A_364 = vector.shape_cast %add3A_350 : vector<1x512xi32> to vector<1x512xi32>
      %broadcast_in_dim3A_365 = vector.broadcast %broadcast_in_dim3A_364 : vector<1x512xi32> to vector<512x512xi32>
      %broadcast_in_dim3A_366 = vector.broadcast %jit3A : i32 to vector<512x512xi32>
      %select_n3A_367 = arith.select %eq3A_363, %broadcast_in_dim3A_365, %broadcast_in_dim3A_366 : vector<512x512xi1>, vector<512x512xi32>
      %reduce_min3A_368 = arith.constant dense<2147483647> : vector<512xi32>
      %reduce_min3A_369 = vector.multi_reduction <minsi>, %select_n3A_367, %reduce_min3A_368 [1] : vector<512x512xi32> to vector<512xi32>
      %broadcast_in_dim3A_370 = vector.shape_cast %reduce_min3A_369 : vector<512xi32> to vector<512x1xi32>
      %lt3A = arith.cmpf olt, %broadcast_in_dim3A_361, %while3A_343 : vector<512x1xf32>
      %eq3A_371 = arith.cmpf oeq, %broadcast_in_dim3A_361, %while3A_343 : vector<512x1xf32>
      %lt3A_372 = arith.cmpi slt, %broadcast_in_dim3A_370, %while3A_344 : vector<512x1xi32>
      %and3A = arith.andi %eq3A_371, %lt3A_372 : vector<512x1xi1>
      %or3A = arith.ori %lt3A, %and3A : vector<512x1xi1>
      %select_n3A_373 = arith.select %or3A, %broadcast_in_dim3A_361, %while3A_343 : vector<512x1xi1>, vector<512x1xf32>
      %select_n3A_374 = arith.select %or3A, %broadcast_in_dim3A_370, %while3A_344 : vector<512x1xi1>, vector<512x1xi32>
      scf.yield %select_n3A_373, %select_n3A_374 : vector<512x1xf32>, vector<512x1xi32>
    }
    %while3A_258 = arith.constant 1 : i32
    %while3A_259:2 = scf.for %while3A_342 = %while3A_255 to %while3A_251 step %while3A_258 iter_args(%while3A_343 = %while3A_257#0, %while3A_344 = %while3A_257#1) -> (vector<512x1xf32>, vector<512x1xi32>)  : i32 {
      %mul3A_345 = arith.constant 512 : i32
      %mul3A_346 = arith.muli %while3A_342, %mul3A_345 : i32
      %multiple_of3A = tpu.assume_multiple %mul3A_346, 512 : i32
      %mul3A_347 = arith.constant 512 : i32
      %mul3A_348 = arith.muli %while3A_342, %mul3A_347 : i32
      %add3A = arith.addi %get3A_0, %mul3A_348 : i32
      %add3A_349 = vector.broadcast %add3A : i32 to vector<1x512xi32>
      %add3A_350 = arith.addi %iota3A, %add3A_349 : vector<1x512xi32>
      %get3A_351 = arith.constant 0 : index
      %get3A_352 = arith.index_cast %multiple_of3A : i32 to index
      %get3A_353 = vector.load %arg8[%get3A_351, %get3A_352] : memref<512x10240xf32, #tpu.memory_space<vmem>>, vector<512x512xf32>
      %eq3A = vector.broadcast %add3A_350 : vector<1x512xi32> to vector<512x512xi32>
      %eq3A_354 = vector.broadcast %while3A_243#1 : vector<512x1xi32> to vector<512x512xi32>
      %eq3A_355 = arith.cmpi eq, %eq3A, %eq3A_354 : vector<512x512xi32>
      %broadcast_in_dim3A_356 = vector.broadcast %while3A_248 : f32 to vector<512x512xf32>
      %select_n3A = arith.select %eq3A_355, %broadcast_in_dim3A_356, %get3A_353 : vector<512x512xi1>, vector<512x512xf32>
      %swap3A_357 = arith.constant 0 : index
      %swap3A_358 = arith.index_cast %multiple_of3A : i32 to index
      %swap3A_359 = vector.load %arg8[%swap3A_357, %swap3A_358] : memref<512x10240xf32, #tpu.memory_space<vmem>>, vector<512x512xf32>
      tpu.vector_store %arg8[%swap3A_357, %swap3A_358], %select_n3A {strides = array<i32>} : memref<512x10240xf32, #tpu.memory_space<vmem>>, vector<512x512xf32>,
      %reduce_min3A = arith.constant dense<0x7F800000> : vector<512xf32>
      %reduce_min3A_360 = vector.multi_reduction <minimumf>, %select_n3A, %reduce_min3A [1] : vector<512x512xf32> to vector<512xf32>
      %broadcast_in_dim3A_361 = vector.shape_cast %reduce_min3A_360 : vector<512xf32> to vector<512x1xf32>
      %eq3A_362 = vector.broadcast %broadcast_in_dim3A_361 : vector<512x1xf32> to vector<512x512xf32>
      %eq3A_363 = arith.cmpf oeq, %select_n3A, %eq3A_362 : vector<512x512xf32>
      %jit3A = arith.constant 10240 : i32
      %broadcast_in_dim3A_364 = vector.shape_cast %add3A_350 : vector<1x512xi32> to vector<1x512xi32>
      %broadcast_in_dim3A_365 = vector.broadcast %broadcast_in_dim3A_364 : vector<1x512xi32> to vector<512x512xi32>
      %broadcast_in_dim3A_366 = vector.broadcast %jit3A : i32 to vector<512x512xi32>
      %select_n3A_367 = arith.select %eq3A_363, %broadcast_in_dim3A_365, %broadcast_in_dim3A_366 : vector<512x512xi1>, vector<512x512xi32>
      %reduce_min3A_368 = arith.constant dense<2147483647> : vector<512xi32>
      %reduce_min3A_369 = vector.multi_reduction <minsi>, %select_n3A_367, %reduce_min3A_368 [1] : vector<512x512xi32> to vector<512xi32>
      %broadcast_in_dim3A_370 = vector.shape_cast %reduce_min3A_369 : vector<512xi32> to vector<512x1xi32>
      %lt3A = arith.cmpf olt, %broadcast_in_dim3A_361, %while3A_343 : vector<512x1xf32>
      %eq3A_371 = arith.cmpf oeq, %broadcast_in_dim3A_361, %while3A_343 : vector<512x1xf32>
      %lt3A_372 = arith.cmpi slt, %broadcast_in_dim3A_370, %while3A_344 : vector<512x1xi32>
      %and3A = arith.andi %eq3A_371, %lt3A_372 : vector<512x1xi1>
      %or3A = arith.ori %lt3A, %and3A : vector<512x1xi1>
      %select_n3A_373 = arith.select %or3A, %broadcast_in_dim3A_361, %while3A_343 : vector<512x1xi1>, vector<512x1xf32>
      %select_n3A_374 = arith.select %or3A, %broadcast_in_dim3A_370, %while3A_344 : vector<512x1xi1>, vector<512x1xi32>
      scf.yield %select_n3A_373, %select_n3A_374 : vector<512x1xf32>, vector<512x1xi32>
    }
    %broadcast_in_dim3A_260 = arith.constant 0x7F800000 : f32
    %broadcast_in_dim3A_261 = vector.broadcast %broadcast_in_dim3A_260 : f32 to vector<512x1xf32>
    %broadcast_in_dim3A_262 = arith.constant 10240 : i32
    %broadcast_in_dim3A_263 = vector.broadcast %broadcast_in_dim3A_262 : i32 to vector<512x1xi32>
    %while3A_264 = arith.constant 0x7F800000 : f32
    %while3A_265 = arith.constant 0 : i32
    %while3A_266 = arith.subi %get3A_2, %while3A_265 : i32
    %while3A_267 = arith.addi %while3A_265, %while3A_266 : i32
    %while3A_268 = arith.constant 1 : i32
    %while3A_269 = arith.divsi %while3A_266, %while3A_268 : i32
    %while3A_270 = arith.muli %while3A_269, %while3A_268 : i32
    %while3A_271 = arith.addi %while3A_265, %while3A_270 : i32
    %while3A_272 = arith.constant 1 : i32
    %while3A_273:2 = scf.for %while3A_342 = %while3A_265 to %while3A_271 step %while3A_272 iter_args(%while3A_343 = %broadcast_in_dim3A_261, %while3A_344 = %broadcast_in_dim3A_263) -> (vector<512x1xf32>, vector<512x1xi32>)  : i32 {
      %mul3A_345 = arith.constant 512 : i32
      %mul3A_346 = arith.muli %while3A_342, %mul3A_345 : i32
      %multiple_of3A = tpu.assume_multiple %mul3A_346, 512 : i32
      %mul3A_347 = arith.constant 512 : i32
      %mul3A_348 = arith.muli %while3A_342, %mul3A_347 : i32
      %add3A = arith.addi %get3A_0, %mul3A_348 : i32
      %add3A_349 = vector.broadcast %add3A : i32 to vector<1x512xi32>
      %add3A_350 = arith.addi %iota3A, %add3A_349 : vector<1x512xi32>
      %get3A_351 = arith.constant 0 : index
      %get3A_352 = arith.index_cast %multiple_of3A : i32 to index
      %get3A_353 = vector.load %arg8[%get3A_351, %get3A_352] : memref<512x10240xf32, #tpu.memory_space<vmem>>, vector<512x512xf32>
      %eq3A = vector.broadcast %add3A_350 : vector<1x512xi32> to vector<512x512xi32>
      %eq3A_354 = vector.broadcast %while3A_259#1 : vector<512x1xi32> to vector<512x512xi32>
      %eq3A_355 = arith.cmpi eq, %eq3A, %eq3A_354 : vector<512x512xi32>
      %broadcast_in_dim3A_356 = vector.broadcast %while3A_264 : f32 to vector<512x512xf32>
      %select_n3A = arith.select %eq3A_355, %broadcast_in_dim3A_356, %get3A_353 : vector<512x512xi1>, vector<512x512xf32>
      %swap3A_357 = arith.constant 0 : index
      %swap3A_358 = arith.index_cast %multiple_of3A : i32 to index
      %swap3A_359 = vector.load %arg8[%swap3A_357, %swap3A_358] : memref<512x10240xf32, #tpu.memory_space<vmem>>, vector<512x512xf32>
      tpu.vector_store %arg8[%swap3A_357, %swap3A_358], %select_n3A {strides = array<i32>} : memref<512x10240xf32, #tpu.memory_space<vmem>>, vector<512x512xf32>,
      %reduce_min3A = arith.constant dense<0x7F800000> : vector<512xf32>
      %reduce_min3A_360 = vector.multi_reduction <minimumf>, %select_n3A, %reduce_min3A [1] : vector<512x512xf32> to vector<512xf32>
      %broadcast_in_dim3A_361 = vector.shape_cast %reduce_min3A_360 : vector<512xf32> to vector<512x1xf32>
      %eq3A_362 = vector.broadcast %broadcast_in_dim3A_361 : vector<512x1xf32> to vector<512x512xf32>
      %eq3A_363 = arith.cmpf oeq, %select_n3A, %eq3A_362 : vector<512x512xf32>
      %jit3A = arith.constant 10240 : i32
      %broadcast_in_dim3A_364 = vector.shape_cast %add3A_350 : vector<1x512xi32> to vector<1x512xi32>
      %broadcast_in_dim3A_365 = vector.broadcast %broadcast_in_dim3A_364 : vector<1x512xi32> to vector<512x512xi32>
      %broadcast_in_dim3A_366 = vector.broadcast %jit3A : i32 to vector<512x512xi32>
      %select_n3A_367 = arith.select %eq3A_363, %broadcast_in_dim3A_365, %broadcast_in_dim3A_366 : vector<512x512xi1>, vector<512x512xi32>
      %reduce_min3A_368 = arith.constant dense<2147483647> : vector<512xi32>
      %reduce_min3A_369 = vector.multi_reduction <minsi>, %select_n3A_367, %reduce_min3A_368 [1] : vector<512x512xi32> to vector<512xi32>
      %broadcast_in_dim3A_370 = vector.shape_cast %reduce_min3A_369 : vector<512xi32> to vector<512x1xi32>
      %lt3A = arith.cmpf olt, %broadcast_in_dim3A_361, %while3A_343 : vector<512x1xf32>
      %eq3A_371 = arith.cmpf oeq, %broadcast_in_dim3A_361, %while3A_343 : vector<512x1xf32>
      %lt3A_372 = arith.cmpi slt, %broadcast_in_dim3A_370, %while3A_344 : vector<512x1xi32>
      %and3A = arith.andi %eq3A_371, %lt3A_372 : vector<512x1xi1>
      %or3A = arith.ori %lt3A, %and3A : vector<512x1xi1>
      %select_n3A_373 = arith.select %or3A, %broadcast_in_dim3A_361, %while3A_343 : vector<512x1xi1>, vector<512x1xf32>
      %select_n3A_374 = arith.select %or3A, %broadcast_in_dim3A_370, %while3A_344 : vector<512x1xi1>, vector<512x1xi32>
      scf.yield %select_n3A_373, %select_n3A_374 : vector<512x1xf32>, vector<512x1xi32>
    }
    %while3A_274 = arith.constant 1 : i32
    %while3A_275:2 = scf.for %while3A_342 = %while3A_271 to %while3A_267 step %while3A_274 iter_args(%while3A_343 = %while3A_273#0, %while3A_344 = %while3A_273#1) -> (vector<512x1xf32>, vector<512x1xi32>)  : i32 {
      %mul3A_345 = arith.constant 512 : i32
      %mul3A_346 = arith.muli %while3A_342, %mul3A_345 : i32
      %multiple_of3A = tpu.assume_multiple %mul3A_346, 512 : i32
      %mul3A_347 = arith.constant 512 : i32
      %mul3A_348 = arith.muli %while3A_342, %mul3A_347 : i32
      %add3A = arith.addi %get3A_0, %mul3A_348 : i32
      %add3A_349 = vector.broadcast %add3A : i32 to vector<1x512xi32>
      %add3A_350 = arith.addi %iota3A, %add3A_349 : vector<1x512xi32>
      %get3A_351 = arith.constant 0 : index
      %get3A_352 = arith.index_cast %multiple_of3A : i32 to index
      %get3A_353 = vector.load %arg8[%get3A_351, %get3A_352] : memref<512x10240xf32, #tpu.memory_space<vmem>>, vector<512x512xf32>
      %eq3A = vector.broadcast %add3A_350 : vector<1x512xi32> to vector<512x512xi32>
      %eq3A_354 = vector.broadcast %while3A_259#1 : vector<512x1xi32> to vector<512x512xi32>
      %eq3A_355 = arith.cmpi eq, %eq3A, %eq3A_354 : vector<512x512xi32>
      %broadcast_in_dim3A_356 = vector.broadcast %while3A_264 : f32 to vector<512x512xf32>
      %select_n3A = arith.select %eq3A_355, %broadcast_in_dim3A_356, %get3A_353 : vector<512x512xi1>, vector<512x512xf32>
      %swap3A_357 = arith.constant 0 : index
      %swap3A_358 = arith.index_cast %multiple_of3A : i32 to index
      %swap3A_359 = vector.load %arg8[%swap3A_357, %swap3A_358] : memref<512x10240xf32, #tpu.memory_space<vmem>>, vector<512x512xf32>
      tpu.vector_store %arg8[%swap3A_357, %swap3A_358], %select_n3A {strides = array<i32>} : memref<512x10240xf32, #tpu.memory_space<vmem>>, vector<512x512xf32>,
      %reduce_min3A = arith.constant dense<0x7F800000> : vector<512xf32>
      %reduce_min3A_360 = vector.multi_reduction <minimumf>, %select_n3A, %reduce_min3A [1] : vector<512x512xf32> to vector<512xf32>
      %broadcast_in_dim3A_361 = vector.shape_cast %reduce_min3A_360 : vector<512xf32> to vector<512x1xf32>
      %eq3A_362 = vector.broadcast %broadcast_in_dim3A_361 : vector<512x1xf32> to vector<512x512xf32>
      %eq3A_363 = arith.cmpf oeq, %select_n3A, %eq3A_362 : vector<512x512xf32>
      %jit3A = arith.constant 10240 : i32
      %broadcast_in_dim3A_364 = vector.shape_cast %add3A_350 : vector<1x512xi32> to vector<1x512xi32>
      %broadcast_in_dim3A_365 = vector.broadcast %broadcast_in_dim3A_364 : vector<1x512xi32> to vector<512x512xi32>
      %broadcast_in_dim3A_366 = vector.broadcast %jit3A : i32 to vector<512x512xi32>
      %select_n3A_367 = arith.select %eq3A_363, %broadcast_in_dim3A_365, %broadcast_in_dim3A_366 : vector<512x512xi1>, vector<512x512xi32>
      %reduce_min3A_368 = arith.constant dense<2147483647> : vector<512xi32>
      %reduce_min3A_369 = vector.multi_reduction <minsi>, %select_n3A_367, %reduce_min3A_368 [1] : vector<512x512xi32> to vector<512xi32>
      %broadcast_in_dim3A_370 = vector.shape_cast %reduce_min3A_369 : vector<512xi32> to vector<512x1xi32>
      %lt3A = arith.cmpf olt, %broadcast_in_dim3A_361, %while3A_343 : vector<512x1xf32>
      %eq3A_371 = arith.cmpf oeq, %broadcast_in_dim3A_361, %while3A_343 : vector<512x1xf32>
      %lt3A_372 = arith.cmpi slt, %broadcast_in_dim3A_370, %while3A_344 : vector<512x1xi32>
      %and3A = arith.andi %eq3A_371, %lt3A_372 : vector<512x1xi1>
      %or3A = arith.ori %lt3A, %and3A : vector<512x1xi1>
      %select_n3A_373 = arith.select %or3A, %broadcast_in_dim3A_361, %while3A_343 : vector<512x1xi1>, vector<512x1xf32>
      %select_n3A_374 = arith.select %or3A, %broadcast_in_dim3A_370, %while3A_344 : vector<512x1xi1>, vector<512x1xi32>
      scf.yield %select_n3A_373, %select_n3A_374 : vector<512x1xf32>, vector<512x1xi32>
    }
    %broadcast_in_dim3A_276 = arith.constant 0x7F800000 : f32
    %broadcast_in_dim3A_277 = vector.broadcast %broadcast_in_dim3A_276 : f32 to vector<512x1xf32>
    %broadcast_in_dim3A_278 = arith.constant 10240 : i32
    %broadcast_in_dim3A_279 = vector.broadcast %broadcast_in_dim3A_278 : i32 to vector<512x1xi32>
    %while3A_280 = arith.constant 0x7F800000 : f32
    %while3A_281 = arith.constant 0 : i32
    %while3A_282 = arith.subi %get3A_2, %while3A_281 : i32
    %while3A_283 = arith.addi %while3A_281, %while3A_282 : i32
    %while3A_284 = arith.constant 1 : i32
    %while3A_285 = arith.divsi %while3A_282, %while3A_284 : i32
    %while3A_286 = arith.muli %while3A_285, %while3A_284 : i32
    %while3A_287 = arith.addi %while3A_281, %while3A_286 : i32
    %while3A_288 = arith.constant 1 : i32
    %while3A_289:2 = scf.for %while3A_342 = %while3A_281 to %while3A_287 step %while3A_288 iter_args(%while3A_343 = %broadcast_in_dim3A_277, %while3A_344 = %broadcast_in_dim3A_279) -> (vector<512x1xf32>, vector<512x1xi32>)  : i32 {
      %mul3A_345 = arith.constant 512 : i32
      %mul3A_346 = arith.muli %while3A_342, %mul3A_345 : i32
      %multiple_of3A = tpu.assume_multiple %mul3A_346, 512 : i32
      %mul3A_347 = arith.constant 512 : i32
      %mul3A_348 = arith.muli %while3A_342, %mul3A_347 : i32
      %add3A = arith.addi %get3A_0, %mul3A_348 : i32
      %add3A_349 = vector.broadcast %add3A : i32 to vector<1x512xi32>
      %add3A_350 = arith.addi %iota3A, %add3A_349 : vector<1x512xi32>
      %get3A_351 = arith.constant 0 : index
      %get3A_352 = arith.index_cast %multiple_of3A : i32 to index
      %get3A_353 = vector.load %arg8[%get3A_351, %get3A_352] : memref<512x10240xf32, #tpu.memory_space<vmem>>, vector<512x512xf32>
      %eq3A = vector.broadcast %add3A_350 : vector<1x512xi32> to vector<512x512xi32>
      %eq3A_354 = vector.broadcast %while3A_275#1 : vector<512x1xi32> to vector<512x512xi32>
      %eq3A_355 = arith.cmpi eq, %eq3A, %eq3A_354 : vector<512x512xi32>
      %broadcast_in_dim3A_356 = vector.broadcast %while3A_280 : f32 to vector<512x512xf32>
      %select_n3A = arith.select %eq3A_355, %broadcast_in_dim3A_356, %get3A_353 : vector<512x512xi1>, vector<512x512xf32>
      %swap3A_357 = arith.constant 0 : index
      %swap3A_358 = arith.index_cast %multiple_of3A : i32 to index
      %swap3A_359 = vector.load %arg8[%swap3A_357, %swap3A_358] : memref<512x10240xf32, #tpu.memory_space<vmem>>, vector<512x512xf32>
      tpu.vector_store %arg8[%swap3A_357, %swap3A_358], %select_n3A {strides = array<i32>} : memref<512x10240xf32, #tpu.memory_space<vmem>>, vector<512x512xf32>,
      %reduce_min3A = arith.constant dense<0x7F800000> : vector<512xf32>
      %reduce_min3A_360 = vector.multi_reduction <minimumf>, %select_n3A, %reduce_min3A [1] : vector<512x512xf32> to vector<512xf32>
      %broadcast_in_dim3A_361 = vector.shape_cast %reduce_min3A_360 : vector<512xf32> to vector<512x1xf32>
      %eq3A_362 = vector.broadcast %broadcast_in_dim3A_361 : vector<512x1xf32> to vector<512x512xf32>
      %eq3A_363 = arith.cmpf oeq, %select_n3A, %eq3A_362 : vector<512x512xf32>
      %jit3A = arith.constant 10240 : i32
      %broadcast_in_dim3A_364 = vector.shape_cast %add3A_350 : vector<1x512xi32> to vector<1x512xi32>
      %broadcast_in_dim3A_365 = vector.broadcast %broadcast_in_dim3A_364 : vector<1x512xi32> to vector<512x512xi32>
      %broadcast_in_dim3A_366 = vector.broadcast %jit3A : i32 to vector<512x512xi32>
      %select_n3A_367 = arith.select %eq3A_363, %broadcast_in_dim3A_365, %broadcast_in_dim3A_366 : vector<512x512xi1>, vector<512x512xi32>
      %reduce_min3A_368 = arith.constant dense<2147483647> : vector<512xi32>
      %reduce_min3A_369 = vector.multi_reduction <minsi>, %select_n3A_367, %reduce_min3A_368 [1] : vector<512x512xi32> to vector<512xi32>
      %broadcast_in_dim3A_370 = vector.shape_cast %reduce_min3A_369 : vector<512xi32> to vector<512x1xi32>
      %lt3A = arith.cmpf olt, %broadcast_in_dim3A_361, %while3A_343 : vector<512x1xf32>
      %eq3A_371 = arith.cmpf oeq, %broadcast_in_dim3A_361, %while3A_343 : vector<512x1xf32>
      %lt3A_372 = arith.cmpi slt, %broadcast_in_dim3A_370, %while3A_344 : vector<512x1xi32>
      %and3A = arith.andi %eq3A_371, %lt3A_372 : vector<512x1xi1>
      %or3A = arith.ori %lt3A, %and3A : vector<512x1xi1>
      %select_n3A_373 = arith.select %or3A, %broadcast_in_dim3A_361, %while3A_343 : vector<512x1xi1>, vector<512x1xf32>
      %select_n3A_374 = arith.select %or3A, %broadcast_in_dim3A_370, %while3A_344 : vector<512x1xi1>, vector<512x1xi32>
      scf.yield %select_n3A_373, %select_n3A_374 : vector<512x1xf32>, vector<512x1xi32>
    }
    %while3A_290 = arith.constant 1 : i32
    %while3A_291:2 = scf.for %while3A_342 = %while3A_287 to %while3A_283 step %while3A_290 iter_args(%while3A_343 = %while3A_289#0, %while3A_344 = %while3A_289#1) -> (vector<512x1xf32>, vector<512x1xi32>)  : i32 {
      %mul3A_345 = arith.constant 512 : i32
      %mul3A_346 = arith.muli %while3A_342, %mul3A_345 : i32
      %multiple_of3A = tpu.assume_multiple %mul3A_346, 512 : i32
      %mul3A_347 = arith.constant 512 : i32
      %mul3A_348 = arith.muli %while3A_342, %mul3A_347 : i32
      %add3A = arith.addi %get3A_0, %mul3A_348 : i32
      %add3A_349 = vector.broadcast %add3A : i32 to vector<1x512xi32>
      %add3A_350 = arith.addi %iota3A, %add3A_349 : vector<1x512xi32>
      %get3A_351 = arith.constant 0 : index
      %get3A_352 = arith.index_cast %multiple_of3A : i32 to index
      %get3A_353 = vector.load %arg8[%get3A_351, %get3A_352] : memref<512x10240xf32, #tpu.memory_space<vmem>>, vector<512x512xf32>
      %eq3A = vector.broadcast %add3A_350 : vector<1x512xi32> to vector<512x512xi32>
      %eq3A_354 = vector.broadcast %while3A_275#1 : vector<512x1xi32> to vector<512x512xi32>
      %eq3A_355 = arith.cmpi eq, %eq3A, %eq3A_354 : vector<512x512xi32>
      %broadcast_in_dim3A_356 = vector.broadcast %while3A_280 : f32 to vector<512x512xf32>
      %select_n3A = arith.select %eq3A_355, %broadcast_in_dim3A_356, %get3A_353 : vector<512x512xi1>, vector<512x512xf32>
      %swap3A_357 = arith.constant 0 : index
      %swap3A_358 = arith.index_cast %multiple_of3A : i32 to index
      %swap3A_359 = vector.load %arg8[%swap3A_357, %swap3A_358] : memref<512x10240xf32, #tpu.memory_space<vmem>>, vector<512x512xf32>
      tpu.vector_store %arg8[%swap3A_357, %swap3A_358], %select_n3A {strides = array<i32>} : memref<512x10240xf32, #tpu.memory_space<vmem>>, vector<512x512xf32>,
      %reduce_min3A = arith.constant dense<0x7F800000> : vector<512xf32>
      %reduce_min3A_360 = vector.multi_reduction <minimumf>, %select_n3A, %reduce_min3A [1] : vector<512x512xf32> to vector<512xf32>
      %broadcast_in_dim3A_361 = vector.shape_cast %reduce_min3A_360 : vector<512xf32> to vector<512x1xf32>
      %eq3A_362 = vector.broadcast %broadcast_in_dim3A_361 : vector<512x1xf32> to vector<512x512xf32>
      %eq3A_363 = arith.cmpf oeq, %select_n3A, %eq3A_362 : vector<512x512xf32>
      %jit3A = arith.constant 10240 : i32
      %broadcast_in_dim3A_364 = vector.shape_cast %add3A_350 : vector<1x512xi32> to vector<1x512xi32>
      %broadcast_in_dim3A_365 = vector.broadcast %broadcast_in_dim3A_364 : vector<1x512xi32> to vector<512x512xi32>
      %broadcast_in_dim3A_366 = vector.broadcast %jit3A : i32 to vector<512x512xi32>
      %select_n3A_367 = arith.select %eq3A_363, %broadcast_in_dim3A_365, %broadcast_in_dim3A_366 : vector<512x512xi1>, vector<512x512xi32>
      %reduce_min3A_368 = arith.constant dense<2147483647> : vector<512xi32>
      %reduce_min3A_369 = vector.multi_reduction <minsi>, %select_n3A_367, %reduce_min3A_368 [1] : vector<512x512xi32> to vector<512xi32>
      %broadcast_in_dim3A_370 = vector.shape_cast %reduce_min3A_369 : vector<512xi32> to vector<512x1xi32>
      %lt3A = arith.cmpf olt, %broadcast_in_dim3A_361, %while3A_343 : vector<512x1xf32>
      %eq3A_371 = arith.cmpf oeq, %broadcast_in_dim3A_361, %while3A_343 : vector<512x1xf32>
      %lt3A_372 = arith.cmpi slt, %broadcast_in_dim3A_370, %while3A_344 : vector<512x1xi32>
      %and3A = arith.andi %eq3A_371, %lt3A_372 : vector<512x1xi1>
      %or3A = arith.ori %lt3A, %and3A : vector<512x1xi1>
      %select_n3A_373 = arith.select %or3A, %broadcast_in_dim3A_361, %while3A_343 : vector<512x1xi1>, vector<512x1xf32>
      %select_n3A_374 = arith.select %or3A, %broadcast_in_dim3A_370, %while3A_344 : vector<512x1xi1>, vector<512x1xi32>
      scf.yield %select_n3A_373, %select_n3A_374 : vector<512x1xf32>, vector<512x1xi32>
    }
    %broadcast_in_dim3A_292 = arith.constant 0x7F800000 : f32
    %broadcast_in_dim3A_293 = vector.broadcast %broadcast_in_dim3A_292 : f32 to vector<512x1xf32>
    %broadcast_in_dim3A_294 = arith.constant 10240 : i32
    %broadcast_in_dim3A_295 = vector.broadcast %broadcast_in_dim3A_294 : i32 to vector<512x1xi32>
    %while3A_296 = arith.constant 0x7F800000 : f32
    %while3A_297 = arith.constant 0 : i32
    %while3A_298 = arith.subi %get3A_2, %while3A_297 : i32
    %while3A_299 = arith.addi %while3A_297, %while3A_298 : i32
    %while3A_300 = arith.constant 1 : i32
    %while3A_301 = arith.divsi %while3A_298, %while3A_300 : i32
    %while3A_302 = arith.muli %while3A_301, %while3A_300 : i32
    %while3A_303 = arith.addi %while3A_297, %while3A_302 : i32
    %while3A_304 = arith.constant 1 : i32
    %while3A_305:2 = scf.for %while3A_342 = %while3A_297 to %while3A_303 step %while3A_304 iter_args(%while3A_343 = %broadcast_in_dim3A_293, %while3A_344 = %broadcast_in_dim3A_295) -> (vector<512x1xf32>, vector<512x1xi32>)  : i32 {
      %mul3A_345 = arith.constant 512 : i32
      %mul3A_346 = arith.muli %while3A_342, %mul3A_345 : i32
      %multiple_of3A = tpu.assume_multiple %mul3A_346, 512 : i32
      %mul3A_347 = arith.constant 512 : i32
      %mul3A_348 = arith.muli %while3A_342, %mul3A_347 : i32
      %add3A = arith.addi %get3A_0, %mul3A_348 : i32
      %add3A_349 = vector.broadcast %add3A : i32 to vector<1x512xi32>
      %add3A_350 = arith.addi %iota3A, %add3A_349 : vector<1x512xi32>
      %get3A_351 = arith.constant 0 : index
      %get3A_352 = arith.index_cast %multiple_of3A : i32 to index
      %get3A_353 = vector.load %arg8[%get3A_351, %get3A_352] : memref<512x10240xf32, #tpu.memory_space<vmem>>, vector<512x512xf32>
      %eq3A = vector.broadcast %add3A_350 : vector<1x512xi32> to vector<512x512xi32>
      %eq3A_354 = vector.broadcast %while3A_291#1 : vector<512x1xi32> to vector<512x512xi32>
      %eq3A_355 = arith.cmpi eq, %eq3A, %eq3A_354 : vector<512x512xi32>
      %broadcast_in_dim3A_356 = vector.broadcast %while3A_296 : f32 to vector<512x512xf32>
      %select_n3A = arith.select %eq3A_355, %broadcast_in_dim3A_356, %get3A_353 : vector<512x512xi1>, vector<512x512xf32>
      %swap3A_357 = arith.constant 0 : index
      %swap3A_358 = arith.index_cast %multiple_of3A : i32 to index
      %swap3A_359 = vector.load %arg8[%swap3A_357, %swap3A_358] : memref<512x10240xf32, #tpu.memory_space<vmem>>, vector<512x512xf32>
      tpu.vector_store %arg8[%swap3A_357, %swap3A_358], %select_n3A {strides = array<i32>} : memref<512x10240xf32, #tpu.memory_space<vmem>>, vector<512x512xf32>,
      %reduce_min3A = arith.constant dense<0x7F800000> : vector<512xf32>
      %reduce_min3A_360 = vector.multi_reduction <minimumf>, %select_n3A, %reduce_min3A [1] : vector<512x512xf32> to vector<512xf32>
      %broadcast_in_dim3A_361 = vector.shape_cast %reduce_min3A_360 : vector<512xf32> to vector<512x1xf32>
      %eq3A_362 = vector.broadcast %broadcast_in_dim3A_361 : vector<512x1xf32> to vector<512x512xf32>
      %eq3A_363 = arith.cmpf oeq, %select_n3A, %eq3A_362 : vector<512x512xf32>
      %jit3A = arith.constant 10240 : i32
      %broadcast_in_dim3A_364 = vector.shape_cast %add3A_350 : vector<1x512xi32> to vector<1x512xi32>
      %broadcast_in_dim3A_365 = vector.broadcast %broadcast_in_dim3A_364 : vector<1x512xi32> to vector<512x512xi32>
      %broadcast_in_dim3A_366 = vector.broadcast %jit3A : i32 to vector<512x512xi32>
      %select_n3A_367 = arith.select %eq3A_363, %broadcast_in_dim3A_365, %broadcast_in_dim3A_366 : vector<512x512xi1>, vector<512x512xi32>
      %reduce_min3A_368 = arith.constant dense<2147483647> : vector<512xi32>
      %reduce_min3A_369 = vector.multi_reduction <minsi>, %select_n3A_367, %reduce_min3A_368 [1] : vector<512x512xi32> to vector<512xi32>
      %broadcast_in_dim3A_370 = vector.shape_cast %reduce_min3A_369 : vector<512xi32> to vector<512x1xi32>
      %lt3A = arith.cmpf olt, %broadcast_in_dim3A_361, %while3A_343 : vector<512x1xf32>
      %eq3A_371 = arith.cmpf oeq, %broadcast_in_dim3A_361, %while3A_343 : vector<512x1xf32>
      %lt3A_372 = arith.cmpi slt, %broadcast_in_dim3A_370, %while3A_344 : vector<512x1xi32>
      %and3A = arith.andi %eq3A_371, %lt3A_372 : vector<512x1xi1>
      %or3A = arith.ori %lt3A, %and3A : vector<512x1xi1>
      %select_n3A_373 = arith.select %or3A, %broadcast_in_dim3A_361, %while3A_343 : vector<512x1xi1>, vector<512x1xf32>
      %select_n3A_374 = arith.select %or3A, %broadcast_in_dim3A_370, %while3A_344 : vector<512x1xi1>, vector<512x1xi32>
      scf.yield %select_n3A_373, %select_n3A_374 : vector<512x1xf32>, vector<512x1xi32>
    }
    %while3A_306 = arith.constant 1 : i32
    %while3A_307:2 = scf.for %while3A_342 = %while3A_303 to %while3A_299 step %while3A_306 iter_args(%while3A_343 = %while3A_305#0, %while3A_344 = %while3A_305#1) -> (vector<512x1xf32>, vector<512x1xi32>)  : i32 {
      %mul3A_345 = arith.constant 512 : i32
      %mul3A_346 = arith.muli %while3A_342, %mul3A_345 : i32
      %multiple_of3A = tpu.assume_multiple %mul3A_346, 512 : i32
      %mul3A_347 = arith.constant 512 : i32
      %mul3A_348 = arith.muli %while3A_342, %mul3A_347 : i32
      %add3A = arith.addi %get3A_0, %mul3A_348 : i32
      %add3A_349 = vector.broadcast %add3A : i32 to vector<1x512xi32>
      %add3A_350 = arith.addi %iota3A, %add3A_349 : vector<1x512xi32>
      %get3A_351 = arith.constant 0 : index
      %get3A_352 = arith.index_cast %multiple_of3A : i32 to index
      %get3A_353 = vector.load %arg8[%get3A_351, %get3A_352] : memref<512x10240xf32, #tpu.memory_space<vmem>>, vector<512x512xf32>
      %eq3A = vector.broadcast %add3A_350 : vector<1x512xi32> to vector<512x512xi32>
      %eq3A_354 = vector.broadcast %while3A_291#1 : vector<512x1xi32> to vector<512x512xi32>
      %eq3A_355 = arith.cmpi eq, %eq3A, %eq3A_354 : vector<512x512xi32>
      %broadcast_in_dim3A_356 = vector.broadcast %while3A_296 : f32 to vector<512x512xf32>
      %select_n3A = arith.select %eq3A_355, %broadcast_in_dim3A_356, %get3A_353 : vector<512x512xi1>, vector<512x512xf32>
      %swap3A_357 = arith.constant 0 : index
      %swap3A_358 = arith.index_cast %multiple_of3A : i32 to index
      %swap3A_359 = vector.load %arg8[%swap3A_357, %swap3A_358] : memref<512x10240xf32, #tpu.memory_space<vmem>>, vector<512x512xf32>
      tpu.vector_store %arg8[%swap3A_357, %swap3A_358], %select_n3A {strides = array<i32>} : memref<512x10240xf32, #tpu.memory_space<vmem>>, vector<512x512xf32>,
      %reduce_min3A = arith.constant dense<0x7F800000> : vector<512xf32>
      %reduce_min3A_360 = vector.multi_reduction <minimumf>, %select_n3A, %reduce_min3A [1] : vector<512x512xf32> to vector<512xf32>
      %broadcast_in_dim3A_361 = vector.shape_cast %reduce_min3A_360 : vector<512xf32> to vector<512x1xf32>
      %eq3A_362 = vector.broadcast %broadcast_in_dim3A_361 : vector<512x1xf32> to vector<512x512xf32>
      %eq3A_363 = arith.cmpf oeq, %select_n3A, %eq3A_362 : vector<512x512xf32>
      %jit3A = arith.constant 10240 : i32
      %broadcast_in_dim3A_364 = vector.shape_cast %add3A_350 : vector<1x512xi32> to vector<1x512xi32>
      %broadcast_in_dim3A_365 = vector.broadcast %broadcast_in_dim3A_364 : vector<1x512xi32> to vector<512x512xi32>
      %broadcast_in_dim3A_366 = vector.broadcast %jit3A : i32 to vector<512x512xi32>
      %select_n3A_367 = arith.select %eq3A_363, %broadcast_in_dim3A_365, %broadcast_in_dim3A_366 : vector<512x512xi1>, vector<512x512xi32>
      %reduce_min3A_368 = arith.constant dense<2147483647> : vector<512xi32>
      %reduce_min3A_369 = vector.multi_reduction <minsi>, %select_n3A_367, %reduce_min3A_368 [1] : vector<512x512xi32> to vector<512xi32>
      %broadcast_in_dim3A_370 = vector.shape_cast %reduce_min3A_369 : vector<512xi32> to vector<512x1xi32>
      %lt3A = arith.cmpf olt, %broadcast_in_dim3A_361, %while3A_343 : vector<512x1xf32>
      %eq3A_371 = arith.cmpf oeq, %broadcast_in_dim3A_361, %while3A_343 : vector<512x1xf32>
      %lt3A_372 = arith.cmpi slt, %broadcast_in_dim3A_370, %while3A_344 : vector<512x1xi32>
      %and3A = arith.andi %eq3A_371, %lt3A_372 : vector<512x1xi1>
      %or3A = arith.ori %lt3A, %and3A : vector<512x1xi1>
      %select_n3A_373 = arith.select %or3A, %broadcast_in_dim3A_361, %while3A_343 : vector<512x1xi1>, vector<512x1xf32>
      %select_n3A_374 = arith.select %or3A, %broadcast_in_dim3A_370, %while3A_344 : vector<512x1xi1>, vector<512x1xi32>
      scf.yield %select_n3A_373, %select_n3A_374 : vector<512x1xf32>, vector<512x1xi32>
    }
    %broadcast_in_dim3A_308 = arith.constant 0x7F800000 : f32
    %broadcast_in_dim3A_309 = vector.broadcast %broadcast_in_dim3A_308 : f32 to vector<512x1xf32>
    %broadcast_in_dim3A_310 = arith.constant 10240 : i32
    %broadcast_in_dim3A_311 = vector.broadcast %broadcast_in_dim3A_310 : i32 to vector<512x1xi32>
    %while3A_312 = arith.constant 0x7F800000 : f32
    %while3A_313 = arith.constant 0 : i32
    %while3A_314 = arith.subi %get3A_2, %while3A_313 : i32
    %while3A_315 = arith.addi %while3A_313, %while3A_314 : i32
    %while3A_316 = arith.constant 1 : i32
    %while3A_317 = arith.divsi %while3A_314, %while3A_316 : i32
    %while3A_318 = arith.muli %while3A_317, %while3A_316 : i32
    %while3A_319 = arith.addi %while3A_313, %while3A_318 : i32
    %while3A_320 = arith.constant 1 : i32
    %while3A_321:2 = scf.for %while3A_342 = %while3A_313 to %while3A_319 step %while3A_320 iter_args(%while3A_343 = %broadcast_in_dim3A_309, %while3A_344 = %broadcast_in_dim3A_311) -> (vector<512x1xf32>, vector<512x1xi32>)  : i32 {
      %mul3A_345 = arith.constant 512 : i32
      %mul3A_346 = arith.muli %while3A_342, %mul3A_345 : i32
      %multiple_of3A = tpu.assume_multiple %mul3A_346, 512 : i32
      %mul3A_347 = arith.constant 512 : i32
      %mul3A_348 = arith.muli %while3A_342, %mul3A_347 : i32
      %add3A = arith.addi %get3A_0, %mul3A_348 : i32
      %add3A_349 = vector.broadcast %add3A : i32 to vector<1x512xi32>
      %add3A_350 = arith.addi %iota3A, %add3A_349 : vector<1x512xi32>
      %get3A_351 = arith.constant 0 : index
      %get3A_352 = arith.index_cast %multiple_of3A : i32 to index
      %get3A_353 = vector.load %arg8[%get3A_351, %get3A_352] : memref<512x10240xf32, #tpu.memory_space<vmem>>, vector<512x512xf32>
      %eq3A = vector.broadcast %add3A_350 : vector<1x512xi32> to vector<512x512xi32>
      %eq3A_354 = vector.broadcast %while3A_307#1 : vector<512x1xi32> to vector<512x512xi32>
      %eq3A_355 = arith.cmpi eq, %eq3A, %eq3A_354 : vector<512x512xi32>
      %broadcast_in_dim3A_356 = vector.broadcast %while3A_312 : f32 to vector<512x512xf32>
      %select_n3A = arith.select %eq3A_355, %broadcast_in_dim3A_356, %get3A_353 : vector<512x512xi1>, vector<512x512xf32>
      %swap3A_357 = arith.constant 0 : index
      %swap3A_358 = arith.index_cast %multiple_of3A : i32 to index
      %swap3A_359 = vector.load %arg8[%swap3A_357, %swap3A_358] : memref<512x10240xf32, #tpu.memory_space<vmem>>, vector<512x512xf32>
      tpu.vector_store %arg8[%swap3A_357, %swap3A_358], %select_n3A {strides = array<i32>} : memref<512x10240xf32, #tpu.memory_space<vmem>>, vector<512x512xf32>,
      %reduce_min3A = arith.constant dense<0x7F800000> : vector<512xf32>
      %reduce_min3A_360 = vector.multi_reduction <minimumf>, %select_n3A, %reduce_min3A [1] : vector<512x512xf32> to vector<512xf32>
      %broadcast_in_dim3A_361 = vector.shape_cast %reduce_min3A_360 : vector<512xf32> to vector<512x1xf32>
      %eq3A_362 = vector.broadcast %broadcast_in_dim3A_361 : vector<512x1xf32> to vector<512x512xf32>
      %eq3A_363 = arith.cmpf oeq, %select_n3A, %eq3A_362 : vector<512x512xf32>
      %jit3A = arith.constant 10240 : i32
      %broadcast_in_dim3A_364 = vector.shape_cast %add3A_350 : vector<1x512xi32> to vector<1x512xi32>
      %broadcast_in_dim3A_365 = vector.broadcast %broadcast_in_dim3A_364 : vector<1x512xi32> to vector<512x512xi32>
      %broadcast_in_dim3A_366 = vector.broadcast %jit3A : i32 to vector<512x512xi32>
      %select_n3A_367 = arith.select %eq3A_363, %broadcast_in_dim3A_365, %broadcast_in_dim3A_366 : vector<512x512xi1>, vector<512x512xi32>
      %reduce_min3A_368 = arith.constant dense<2147483647> : vector<512xi32>
      %reduce_min3A_369 = vector.multi_reduction <minsi>, %select_n3A_367, %reduce_min3A_368 [1] : vector<512x512xi32> to vector<512xi32>
      %broadcast_in_dim3A_370 = vector.shape_cast %reduce_min3A_369 : vector<512xi32> to vector<512x1xi32>
      %lt3A = arith.cmpf olt, %broadcast_in_dim3A_361, %while3A_343 : vector<512x1xf32>
      %eq3A_371 = arith.cmpf oeq, %broadcast_in_dim3A_361, %while3A_343 : vector<512x1xf32>
      %lt3A_372 = arith.cmpi slt, %broadcast_in_dim3A_370, %while3A_344 : vector<512x1xi32>
      %and3A = arith.andi %eq3A_371, %lt3A_372 : vector<512x1xi1>
      %or3A = arith.ori %lt3A, %and3A : vector<512x1xi1>
      %select_n3A_373 = arith.select %or3A, %broadcast_in_dim3A_361, %while3A_343 : vector<512x1xi1>, vector<512x1xf32>
      %select_n3A_374 = arith.select %or3A, %broadcast_in_dim3A_370, %while3A_344 : vector<512x1xi1>, vector<512x1xi32>
      scf.yield %select_n3A_373, %select_n3A_374 : vector<512x1xf32>, vector<512x1xi32>
    }
    %while3A_322 = arith.constant 1 : i32
    %while3A_323:2 = scf.for %while3A_342 = %while3A_319 to %while3A_315 step %while3A_322 iter_args(%while3A_343 = %while3A_321#0, %while3A_344 = %while3A_321#1) -> (vector<512x1xf32>, vector<512x1xi32>)  : i32 {
      %mul3A_345 = arith.constant 512 : i32
      %mul3A_346 = arith.muli %while3A_342, %mul3A_345 : i32
      %multiple_of3A = tpu.assume_multiple %mul3A_346, 512 : i32
      %mul3A_347 = arith.constant 512 : i32
      %mul3A_348 = arith.muli %while3A_342, %mul3A_347 : i32
      %add3A = arith.addi %get3A_0, %mul3A_348 : i32
      %add3A_349 = vector.broadcast %add3A : i32 to vector<1x512xi32>
      %add3A_350 = arith.addi %iota3A, %add3A_349 : vector<1x512xi32>
      %get3A_351 = arith.constant 0 : index
      %get3A_352 = arith.index_cast %multiple_of3A : i32 to index
      %get3A_353 = vector.load %arg8[%get3A_351, %get3A_352] : memref<512x10240xf32, #tpu.memory_space<vmem>>, vector<512x512xf32>
      %eq3A = vector.broadcast %add3A_350 : vector<1x512xi32> to vector<512x512xi32>
      %eq3A_354 = vector.broadcast %while3A_307#1 : vector<512x1xi32> to vector<512x512xi32>
      %eq3A_355 = arith.cmpi eq, %eq3A, %eq3A_354 : vector<512x512xi32>
      %broadcast_in_dim3A_356 = vector.broadcast %while3A_312 : f32 to vector<512x512xf32>
      %select_n3A = arith.select %eq3A_355, %broadcast_in_dim3A_356, %get3A_353 : vector<512x512xi1>, vector<512x512xf32>
      %swap3A_357 = arith.constant 0 : index
      %swap3A_358 = arith.index_cast %multiple_of3A : i32 to index
      %swap3A_359 = vector.load %arg8[%swap3A_357, %swap3A_358] : memref<512x10240xf32, #tpu.memory_space<vmem>>, vector<512x512xf32>
      tpu.vector_store %arg8[%swap3A_357, %swap3A_358], %select_n3A {strides = array<i32>} : memref<512x10240xf32, #tpu.memory_space<vmem>>, vector<512x512xf32>,
      %reduce_min3A = arith.constant dense<0x7F800000> : vector<512xf32>
      %reduce_min3A_360 = vector.multi_reduction <minimumf>, %select_n3A, %reduce_min3A [1] : vector<512x512xf32> to vector<512xf32>
      %broadcast_in_dim3A_361 = vector.shape_cast %reduce_min3A_360 : vector<512xf32> to vector<512x1xf32>
      %eq3A_362 = vector.broadcast %broadcast_in_dim3A_361 : vector<512x1xf32> to vector<512x512xf32>
      %eq3A_363 = arith.cmpf oeq, %select_n3A, %eq3A_362 : vector<512x512xf32>
      %jit3A = arith.constant 10240 : i32
      %broadcast_in_dim3A_364 = vector.shape_cast %add3A_350 : vector<1x512xi32> to vector<1x512xi32>
      %broadcast_in_dim3A_365 = vector.broadcast %broadcast_in_dim3A_364 : vector<1x512xi32> to vector<512x512xi32>
      %broadcast_in_dim3A_366 = vector.broadcast %jit3A : i32 to vector<512x512xi32>
      %select_n3A_367 = arith.select %eq3A_363, %broadcast_in_dim3A_365, %broadcast_in_dim3A_366 : vector<512x512xi1>, vector<512x512xi32>
      %reduce_min3A_368 = arith.constant dense<2147483647> : vector<512xi32>
      %reduce_min3A_369 = vector.multi_reduction <minsi>, %select_n3A_367, %reduce_min3A_368 [1] : vector<512x512xi32> to vector<512xi32>
      %broadcast_in_dim3A_370 = vector.shape_cast %reduce_min3A_369 : vector<512xi32> to vector<512x1xi32>
      %lt3A = arith.cmpf olt, %broadcast_in_dim3A_361, %while3A_343 : vector<512x1xf32>
      %eq3A_371 = arith.cmpf oeq, %broadcast_in_dim3A_361, %while3A_343 : vector<512x1xf32>
      %lt3A_372 = arith.cmpi slt, %broadcast_in_dim3A_370, %while3A_344 : vector<512x1xi32>
      %and3A = arith.andi %eq3A_371, %lt3A_372 : vector<512x1xi1>
      %or3A = arith.ori %lt3A, %and3A : vector<512x1xi1>
      %select_n3A_373 = arith.select %or3A, %broadcast_in_dim3A_361, %while3A_343 : vector<512x1xi1>, vector<512x1xf32>
      %select_n3A_374 = arith.select %or3A, %broadcast_in_dim3A_370, %while3A_344 : vector<512x1xi1>, vector<512x1xi32>
      scf.yield %select_n3A_373, %select_n3A_374 : vector<512x1xf32>, vector<512x1xi32>
    }
    %broadcast_in_dim3A_324 = arith.constant 0x7F800000 : f32
    %broadcast_in_dim3A_325 = vector.broadcast %broadcast_in_dim3A_324 : f32 to vector<512x1xf32>
    %broadcast_in_dim3A_326 = arith.constant 10240 : i32
    %broadcast_in_dim3A_327 = vector.broadcast %broadcast_in_dim3A_326 : i32 to vector<512x1xi32>
    %while3A_328 = arith.constant 0x7F800000 : f32
    %while3A_329 = arith.constant 0 : i32
    %while3A_330 = arith.subi %get3A_2, %while3A_329 : i32
    %while3A_331 = arith.addi %while3A_329, %while3A_330 : i32
    %while3A_332 = arith.constant 1 : i32
    %while3A_333 = arith.divsi %while3A_330, %while3A_332 : i32
    %while3A_334 = arith.muli %while3A_333, %while3A_332 : i32
    %while3A_335 = arith.addi %while3A_329, %while3A_334 : i32
    %while3A_336 = arith.constant 1 : i32
    %while3A_337:2 = scf.for %while3A_342 = %while3A_329 to %while3A_335 step %while3A_336 iter_args(%while3A_343 = %broadcast_in_dim3A_325, %while3A_344 = %broadcast_in_dim3A_327) -> (vector<512x1xf32>, vector<512x1xi32>)  : i32 {
      %mul3A_345 = arith.constant 512 : i32
      %mul3A_346 = arith.muli %while3A_342, %mul3A_345 : i32
      %multiple_of3A = tpu.assume_multiple %mul3A_346, 512 : i32
      %mul3A_347 = arith.constant 512 : i32
      %mul3A_348 = arith.muli %while3A_342, %mul3A_347 : i32
      %add3A = arith.addi %get3A_0, %mul3A_348 : i32
      %add3A_349 = vector.broadcast %add3A : i32 to vector<1x512xi32>
      %add3A_350 = arith.addi %iota3A, %add3A_349 : vector<1x512xi32>
      %get3A_351 = arith.constant 0 : index
      %get3A_352 = arith.index_cast %multiple_of3A : i32 to index
      %get3A_353 = vector.load %arg8[%get3A_351, %get3A_352] : memref<512x10240xf32, #tpu.memory_space<vmem>>, vector<512x512xf32>
      %eq3A = vector.broadcast %add3A_350 : vector<1x512xi32> to vector<512x512xi32>
      %eq3A_354 = vector.broadcast %while3A_323#1 : vector<512x1xi32> to vector<512x512xi32>
      %eq3A_355 = arith.cmpi eq, %eq3A, %eq3A_354 : vector<512x512xi32>
      %broadcast_in_dim3A_356 = vector.broadcast %while3A_328 : f32 to vector<512x512xf32>
      %select_n3A = arith.select %eq3A_355, %broadcast_in_dim3A_356, %get3A_353 : vector<512x512xi1>, vector<512x512xf32>
      %swap3A_357 = arith.constant 0 : index
      %swap3A_358 = arith.index_cast %multiple_of3A : i32 to index
      %swap3A_359 = vector.load %arg8[%swap3A_357, %swap3A_358] : memref<512x10240xf32, #tpu.memory_space<vmem>>, vector<512x512xf32>
      tpu.vector_store %arg8[%swap3A_357, %swap3A_358], %select_n3A {strides = array<i32>} : memref<512x10240xf32, #tpu.memory_space<vmem>>, vector<512x512xf32>,
      %reduce_min3A = arith.constant dense<0x7F800000> : vector<512xf32>
      %reduce_min3A_360 = vector.multi_reduction <minimumf>, %select_n3A, %reduce_min3A [1] : vector<512x512xf32> to vector<512xf32>
      %broadcast_in_dim3A_361 = vector.shape_cast %reduce_min3A_360 : vector<512xf32> to vector<512x1xf32>
      %eq3A_362 = vector.broadcast %broadcast_in_dim3A_361 : vector<512x1xf32> to vector<512x512xf32>
      %eq3A_363 = arith.cmpf oeq, %select_n3A, %eq3A_362 : vector<512x512xf32>
      %jit3A = arith.constant 10240 : i32
      %broadcast_in_dim3A_364 = vector.shape_cast %add3A_350 : vector<1x512xi32> to vector<1x512xi32>
      %broadcast_in_dim3A_365 = vector.broadcast %broadcast_in_dim3A_364 : vector<1x512xi32> to vector<512x512xi32>
      %broadcast_in_dim3A_366 = vector.broadcast %jit3A : i32 to vector<512x512xi32>
      %select_n3A_367 = arith.select %eq3A_363, %broadcast_in_dim3A_365, %broadcast_in_dim3A_366 : vector<512x512xi1>, vector<512x512xi32>
      %reduce_min3A_368 = arith.constant dense<2147483647> : vector<512xi32>
      %reduce_min3A_369 = vector.multi_reduction <minsi>, %select_n3A_367, %reduce_min3A_368 [1] : vector<512x512xi32> to vector<512xi32>
      %broadcast_in_dim3A_370 = vector.shape_cast %reduce_min3A_369 : vector<512xi32> to vector<512x1xi32>
      %lt3A = arith.cmpf olt, %broadcast_in_dim3A_361, %while3A_343 : vector<512x1xf32>
      %eq3A_371 = arith.cmpf oeq, %broadcast_in_dim3A_361, %while3A_343 : vector<512x1xf32>
      %lt3A_372 = arith.cmpi slt, %broadcast_in_dim3A_370, %while3A_344 : vector<512x1xi32>
      %and3A = arith.andi %eq3A_371, %lt3A_372 : vector<512x1xi1>
      %or3A = arith.ori %lt3A, %and3A : vector<512x1xi1>
      %select_n3A_373 = arith.select %or3A, %broadcast_in_dim3A_361, %while3A_343 : vector<512x1xi1>, vector<512x1xf32>
      %select_n3A_374 = arith.select %or3A, %broadcast_in_dim3A_370, %while3A_344 : vector<512x1xi1>, vector<512x1xi32>
      scf.yield %select_n3A_373, %select_n3A_374 : vector<512x1xf32>, vector<512x1xi32>
    }
    %while3A_338 = arith.constant 1 : i32
    %while3A_339:2 = scf.for %while3A_342 = %while3A_335 to %while3A_331 step %while3A_338 iter_args(%while3A_343 = %while3A_337#0, %while3A_344 = %while3A_337#1) -> (vector<512x1xf32>, vector<512x1xi32>)  : i32 {
      %mul3A_345 = arith.constant 512 : i32
      %mul3A_346 = arith.muli %while3A_342, %mul3A_345 : i32
      %multiple_of3A = tpu.assume_multiple %mul3A_346, 512 : i32
      %mul3A_347 = arith.constant 512 : i32
      %mul3A_348 = arith.muli %while3A_342, %mul3A_347 : i32
      %add3A = arith.addi %get3A_0, %mul3A_348 : i32
      %add3A_349 = vector.broadcast %add3A : i32 to vector<1x512xi32>
      %add3A_350 = arith.addi %iota3A, %add3A_349 : vector<1x512xi32>
      %get3A_351 = arith.constant 0 : index
      %get3A_352 = arith.index_cast %multiple_of3A : i32 to index
      %get3A_353 = vector.load %arg8[%get3A_351, %get3A_352] : memref<512x10240xf32, #tpu.memory_space<vmem>>, vector<512x512xf32>
      %eq3A = vector.broadcast %add3A_350 : vector<1x512xi32> to vector<512x512xi32>
      %eq3A_354 = vector.broadcast %while3A_323#1 : vector<512x1xi32> to vector<512x512xi32>
      %eq3A_355 = arith.cmpi eq, %eq3A, %eq3A_354 : vector<512x512xi32>
      %broadcast_in_dim3A_356 = vector.broadcast %while3A_328 : f32 to vector<512x512xf32>
      %select_n3A = arith.select %eq3A_355, %broadcast_in_dim3A_356, %get3A_353 : vector<512x512xi1>, vector<512x512xf32>
      %swap3A_357 = arith.constant 0 : index
      %swap3A_358 = arith.index_cast %multiple_of3A : i32 to index
      %swap3A_359 = vector.load %arg8[%swap3A_357, %swap3A_358] : memref<512x10240xf32, #tpu.memory_space<vmem>>, vector<512x512xf32>
      tpu.vector_store %arg8[%swap3A_357, %swap3A_358], %select_n3A {strides = array<i32>} : memref<512x10240xf32, #tpu.memory_space<vmem>>, vector<512x512xf32>,
      %reduce_min3A = arith.constant dense<0x7F800000> : vector<512xf32>
      %reduce_min3A_360 = vector.multi_reduction <minimumf>, %select_n3A, %reduce_min3A [1] : vector<512x512xf32> to vector<512xf32>
      %broadcast_in_dim3A_361 = vector.shape_cast %reduce_min3A_360 : vector<512xf32> to vector<512x1xf32>
      %eq3A_362 = vector.broadcast %broadcast_in_dim3A_361 : vector<512x1xf32> to vector<512x512xf32>
      %eq3A_363 = arith.cmpf oeq, %select_n3A, %eq3A_362 : vector<512x512xf32>
      %jit3A = arith.constant 10240 : i32
      %broadcast_in_dim3A_364 = vector.shape_cast %add3A_350 : vector<1x512xi32> to vector<1x512xi32>
      %broadcast_in_dim3A_365 = vector.broadcast %broadcast_in_dim3A_364 : vector<1x512xi32> to vector<512x512xi32>
      %broadcast_in_dim3A_366 = vector.broadcast %jit3A : i32 to vector<512x512xi32>
      %select_n3A_367 = arith.select %eq3A_363, %broadcast_in_dim3A_365, %broadcast_in_dim3A_366 : vector<512x512xi1>, vector<512x512xi32>
      %reduce_min3A_368 = arith.constant dense<2147483647> : vector<512xi32>
      %reduce_min3A_369 = vector.multi_reduction <minsi>, %select_n3A_367, %reduce_min3A_368 [1] : vector<512x512xi32> to vector<512xi32>
      %broadcast_in_dim3A_370 = vector.shape_cast %reduce_min3A_369 : vector<512xi32> to vector<512x1xi32>
      %lt3A = arith.cmpf olt, %broadcast_in_dim3A_361, %while3A_343 : vector<512x1xf32>
      %eq3A_371 = arith.cmpf oeq, %broadcast_in_dim3A_361, %while3A_343 : vector<512x1xf32>
      %lt3A_372 = arith.cmpi slt, %broadcast_in_dim3A_370, %while3A_344 : vector<512x1xi32>
      %and3A = arith.andi %eq3A_371, %lt3A_372 : vector<512x1xi1>
      %or3A = arith.ori %lt3A, %and3A : vector<512x1xi1>
      %select_n3A_373 = arith.select %or3A, %broadcast_in_dim3A_361, %while3A_343 : vector<512x1xi1>, vector<512x1xf32>
      %select_n3A_374 = arith.select %or3A, %broadcast_in_dim3A_370, %while3A_344 : vector<512x1xi1>, vector<512x1xi32>
      scf.yield %select_n3A_373, %select_n3A_374 : vector<512x1xf32>, vector<512x1xi32>
    }
    %concatenate3A = tpu.concatenate %while3A_35#1, %while3A_51#1, %while3A_67#1, %while3A_83#1, %while3A_99#1, %while3A_115#1, %while3A_131#1, %while3A_147#1, %while3A_163#1, %while3A_179#1, %while3A_195#1, %while3A_211#1, %while3A_227#1, %while3A_243#1, %while3A_259#1, %while3A_275#1, %while3A_291#1, %while3A_307#1, %while3A_323#1, %while3A_339#1 in 1 : vector<512x1xi32>, vector<512x1xi32>, vector<512x1xi32>, vector<512x1xi32>, vector<512x1xi32>, vector<512x1xi32>, vector<512x1xi32>, vector<512x1xi32>, vector<512x1xi32>, vector<512x1xi32>, vector<512x1xi32>, vector<512x1xi32>, vector<512x1xi32>, vector<512x1xi32>, vector<512x1xi32>, vector<512x1xi32>, vector<512x1xi32>, vector<512x1xi32>, vector<512x1xi32>, vector<512x1xi32> -> vector<512x20xi32>
    %swap3A = arith.constant 0 : index
    %swap3A_340 = arith.constant 0 : index
    %swap3A_341 = vector.load %arg7[%swap3A, %swap3A_340] : memref<512x20xi32, #tpu.memory_space<vmem>>, vector<512x20xi32>
    tpu.vector_store %arg7[%swap3A, %swap3A_340], %concatenate3A {strides = array<i32>} : memref<512x20xi32, #tpu.memory_space<vmem>>, vector<512x20xi32>,
    return
  }
  func.func @transform_0(%arg0: i32, %arg1: memref<20xi32, #tpu.memory_space<smem>>, %arg2: memref<20xi32, #tpu.memory_space<smem>>) -> (i32, i32) {
    %c0_i32 = arith.constant 0 : i32
    %c0_i32_0 = arith.constant 0 : i32
    return %arg0, %c0_i32 : i32, i32
  }
  func.func @transform_1(%arg0: i32, %arg1: memref<20xi32, #tpu.memory_space<smem>>, %arg2: memref<20xi32, #tpu.memory_space<smem>>) -> (i32, i32) {
    %c0_i32 = arith.constant 0 : i32
    %c0_i32_0 = arith.constant 0 : i32
    %c0_i32_1 = arith.constant 0 : i32
    return %c0_i32, %c0_i32_0 : i32, i32
  }
  func.func @transform_2(%arg0: i32, %arg1: memref<20xi32, #tpu.memory_space<smem>>, %arg2: memref<20xi32, #tpu.memory_space<smem>>) -> (i32, i32) {
    %c0_i32 = arith.constant 0 : i32
    %c0_i32_0 = arith.constant 0 : i32
    return %arg0, %c0_i32 : i32, i32
  }
  func.func @transform_3(%arg0: i32, %arg1: memref<20xi32, #tpu.memory_space<smem>>, %arg2: memref<20xi32, #tpu.memory_space<smem>>) -> (i32, i32) {
    %c0_i32 = arith.constant 0 : i32
    %c0_i32_0 = arith.constant 0 : i32
    %c0_i32_1 = arith.constant 0 : i32
    return %c0_i32, %c0_i32_0 : i32, i32
  }
  func.func @transform_4(%arg0: i32, %arg1: memref<20xi32, #tpu.memory_space<smem>>, %arg2: memref<20xi32, #tpu.memory_space<smem>>) -> (i32, i32) {
    %c0_i32 = arith.constant 0 : i32
    %c0_i32_0 = arith.constant 0 : i32
    return %arg0, %c0_i32 : i32, i32
  }
}

module attributes {stable_mosaic.version = 14 : i64} {
  func.func @_mlp2n_body(%arg0: i32, %arg1: memref<128x64xf32, #tpu.memory_space<vmem>>, %arg2: memref<2560x64xf32, #tpu.memory_space<vmem>>, %arg3: memref<128x128xf32, #tpu.memory_space<vmem>>, %arg4: memref<1x128xf32, #tpu.memory_space<vmem>>, %arg5: memref<2560x128xf32, #tpu.memory_space<vmem>>, %arg6: memref<1x1x128xf32, #tpu.memory_space<vmem>>) attributes {dimension_semantics = [#tpu.dimension_semantics<arbitrary>], iteration_bounds = array<i64: 80>, scalar_prefetch = 0 : i64, scratch_operands = 0 : i64, tpu.core_type = #tpu.core_type<tc>, window_params = [{transform_indices = @transform_0, window_bounds = array<i64: 128, 64>}, {transform_indices = @transform_1, window_bounds = array<i64: 2560, 64>}, {pipeline_mode = #tpu.pipeline_mode<synchronous>, transform_indices = @transform_2, window_bounds = array<i64: 128, 128>}, {pipeline_mode = #tpu.pipeline_mode<synchronous>, transform_indices = @transform_3, window_bounds = array<i64: 1, 128>}, {transform_indices = @transform_4, window_bounds = array<i64: 2560, 128>}, {transform_indices = @transform_5, window_bounds = array<i64: 1, 1, 128>}]} {
    %get3A = arith.constant 0 : index
    %get3A_0 = arith.constant 0 : index
    %get3A_1 = vector.load %arg1[%get3A, %get3A_0] : memref<128x64xf32, #tpu.memory_space<vmem>>, vector<128x64xf32>
    %broadcast_in_dim3A = vector.shape_cast %get3A_1 : vector<128x64xf32> to vector<128x1x64xf32>
    %broadcast_in_dim3A_2 = vector.shape_cast %broadcast_in_dim3A : vector<128x1x64xf32> to vector<128x1x64xf32>
    %broadcast_in_dim3A_3 = vector.broadcast %broadcast_in_dim3A_2 : vector<128x1x64xf32> to vector<128x20x64xf32>
    %reshape3A = vector.shape_cast %broadcast_in_dim3A_3 : vector<128x20x64xf32> to vector<2560x64xf32>
    %get3A_4 = arith.constant 0 : index
    %get3A_5 = arith.constant 0 : index
    %get3A_6 = vector.load %arg2[%get3A_4, %get3A_5] : memref<2560x64xf32, #tpu.memory_space<vmem>>, vector<2560x64xf32>
    %sub3A = arith.subf %get3A_6, %reshape3A : vector<2560x64xf32>
    %concatenate3A = tpu.concatenate %reshape3A, %sub3A in 1 : vector<2560x64xf32>, vector<2560x64xf32> -> vector<2560x128xf32>
    %get3A_7 = arith.constant 0 : index
    %get3A_8 = arith.constant 0 : index
    %get3A_9 = vector.load %arg3[%get3A_7, %get3A_8] : memref<128x128xf32, #tpu.memory_space<vmem>>, vector<128x128xf32>
    %dot_general3A = arith.constant dense<0.000000e+00> : vector<2560x128xf32>
    %dot_general3A_10 = tpu.matmul %concatenate3A, %get3A_9, %dot_general3A {dimension_numbers = #tpu.dot_dimension_numbers<[1], [0], [0], [1], [0, 0, 1, 1], [], []>, transpose_lhs_hint = false} : vector<2560x128xf32>, vector<128x128xf32>, vector<2560x128xf32> -> vector<2560x128xf32>
    %get3A_11 = arith.constant 0 : index
    %get3A_12 = arith.constant 0 : index
    %get3A_13 = vector.load %arg4[%get3A_11, %get3A_12] : memref<1x128xf32, #tpu.memory_space<vmem>>, vector<1x128xf32>
    %add3A = vector.broadcast %get3A_13 : vector<1x128xf32> to vector<2560x128xf32>
    %add3A_14 = arith.addf %dot_general3A_10, %add3A : vector<2560x128xf32>
    %max3A = arith.constant 0.000000e+00 : f32
    %max3A_15 = vector.broadcast %max3A : f32 to vector<2560x128xf32>
    %max3A_16 = arith.maximumf %add3A_14, %max3A_15 : vector<2560x128xf32>
    %swap3A = arith.constant 0 : index
    %swap3A_17 = arith.constant 0 : index
    %swap3A_18 = vector.load %arg5[%swap3A, %swap3A_17] : memref<2560x128xf32, #tpu.memory_space<vmem>>, vector<2560x128xf32>
    tpu.vector_store %arg5[%swap3A, %swap3A_17], %max3A_16 {strides = array<i32>} : memref<2560x128xf32, #tpu.memory_space<vmem>>, vector<2560x128xf32>,
    %mul3A = arith.constant 2560 : i32
    %mul3A_19 = arith.muli %arg0, %mul3A : i32
    %iota3A = tpu.iota {dimensions = array<i32: 0>} : vector<2560x1xi32>
    %add3A_20 = vector.broadcast %mul3A_19 : i32 to vector<2560x1xi32>
    %add3A_21 = arith.addi %add3A_20, %iota3A : vector<2560x1xi32>
    %lt3A = arith.constant 200000 : i32
    %lt3A_22 = vector.broadcast %lt3A : i32 to vector<2560x1xi32>
    %lt3A_23 = arith.cmpi slt, %add3A_21, %lt3A_22 : vector<2560x1xi32>
    %jit3A = arith.constant 0.000000e+00 : f32
    %broadcast_in_dim3A_24 = vector.shape_cast %lt3A_23 : vector<2560x1xi1> to vector<2560x1xi1>
    %broadcast_in_dim3A_25 = vector.broadcast %broadcast_in_dim3A_24 : vector<2560x1xi1> to vector<2560x128xi1>
    %broadcast_in_dim3A_26 = vector.broadcast %jit3A : f32 to vector<2560x128xf32>
    %select_n3A = arith.select %broadcast_in_dim3A_25, %max3A_16, %broadcast_in_dim3A_26 : vector<2560x128xi1>, vector<2560x128xf32>
    %reduce_sum3A = arith.constant dense<0.000000e+00> : vector<128xf32>
    %reduce_sum3A_27 = vector.multi_reduction <add>, %select_n3A, %reduce_sum3A [0] : vector<2560x128xf32> to vector<128xf32>
    %reshape3A_28 = vector.shape_cast %reduce_sum3A_27 : vector<128xf32> to vector<1x1x128xf32>
    %swap3A_29 = arith.constant 0 : index
    %swap3A_30 = arith.constant 0 : index
    %swap3A_31 = arith.constant 0 : index
    %swap3A_32 = vector.load %arg6[%swap3A_29, %swap3A_30, %swap3A_31] : memref<1x1x128xf32, #tpu.memory_space<vmem>>, vector<1x1x128xf32>
    tpu.vector_store %arg6[%swap3A_29, %swap3A_30, %swap3A_31], %reshape3A_28 {strides = array<i32>} : memref<1x1x128xf32, #tpu.memory_space<vmem>>, vector<1x1x128xf32>,
    return
  }
  func.func @transform_0(%arg0: i32) -> (i32, i32) {
    %c0_i32 = arith.constant 0 : i32
    %c0_i32_0 = arith.constant 0 : i32
    return %arg0, %c0_i32 : i32, i32
  }
  func.func @transform_1(%arg0: i32) -> (i32, i32) {
    %c0_i32 = arith.constant 0 : i32
    %c0_i32_0 = arith.constant 0 : i32
    return %arg0, %c0_i32 : i32, i32
  }
  func.func @transform_2(%arg0: i32) -> (i32, i32) {
    %c0_i32 = arith.constant 0 : i32
    %c0_i32_0 = arith.constant 0 : i32
    %c0_i32_1 = arith.constant 0 : i32
    return %c0_i32, %c0_i32_0 : i32, i32
  }
  func.func @transform_3(%arg0: i32) -> (i32, i32) {
    %c0_i32 = arith.constant 0 : i32
    %c0_i32_0 = arith.constant 0 : i32
    %c0_i32_1 = arith.constant 0 : i32
    return %c0_i32, %c0_i32_0 : i32, i32
  }
  func.func @transform_4(%arg0: i32) -> (i32, i32) {
    %c0_i32 = arith.constant 0 : i32
    %c0_i32_0 = arith.constant 0 : i32
    return %arg0, %c0_i32 : i32, i32
  }
  func.func @transform_5(%arg0: i32) -> (i32, i32, i32) {
    %c0_i32 = arith.constant 0 : i32
    %c0_i32_0 = arith.constant 0 : i32
    %c0_i32_1 = arith.constant 0 : i32
    return %arg0, %c0_i32, %c0_i32_0 : i32, i32, i32
  }
}

module attributes {stable_mosaic.version = 14 : i64} {
  func.func @_max_body(%arg0: i32, %arg1: memref<512x20x128xf32, #tpu.memory_space<vmem>>, %arg2: memref<1x128xf32, #tpu.memory_space<vmem>>, %arg3: memref<512x128xf32, #tpu.memory_space<vmem>>, %arg4: memref<512x128xf32, #tpu.memory_space<vmem>>, %arg5: memref<1x1x128xf32, #tpu.memory_space<vmem>>) attributes {dimension_semantics = [#tpu.dimension_semantics<arbitrary>], iteration_bounds = array<i64: 20>, scalar_prefetch = 0 : i64, scratch_operands = 0 : i64, tpu.core_type = #tpu.core_type<tc>, window_params = [{transform_indices = @transform_0, window_bounds = array<i64: 512, 20, 128>}, {pipeline_mode = #tpu.pipeline_mode<synchronous>, transform_indices = @transform_1, window_bounds = array<i64: 1, 128>}, {transform_indices = @transform_2, window_bounds = array<i64: 512, 128>}, {transform_indices = @transform_3, window_bounds = array<i64: 512, 128>}, {transform_indices = @transform_4, window_bounds = array<i64: 1, 1, 128>}]} {
    %get3A = arith.constant 0 : index
    %get3A_0 = arith.constant 0 : index
    %get3A_1 = vector.load %arg2[%get3A, %get3A_0] : memref<1x128xf32, #tpu.memory_space<vmem>>, vector<1x128xf32>
    %mul3A = arith.constant 512 : i32
    %mul3A_2 = arith.muli %arg0, %mul3A : i32
    %iota3A = tpu.iota {dimensions = array<i32: 0>} : vector<512x1xi32>
    %add3A = vector.broadcast %mul3A_2 : i32 to vector<512x1xi32>
    %add3A_3 = arith.addi %add3A, %iota3A : vector<512x1xi32>
    %lt3A = arith.constant 10000 : i32
    %lt3A_4 = vector.broadcast %lt3A : i32 to vector<512x1xi32>
    %lt3A_5 = arith.cmpi slt, %add3A_3, %lt3A_4 : vector<512x1xi32>
    %get3A_6 = arith.constant 0 : index
    %get3A_7 = arith.constant 0 : index
    %get3A_8 = arith.constant 0 : index
    %get3A_9 = vector.load %arg1[%get3A_6, %get3A_7, %get3A_8] : memref<512x20x128xf32, #tpu.memory_space<vmem>>, vector<512x1x128xf32>
    %get3A_10 = vector.shape_cast %get3A_9 : vector<512x1x128xf32> to vector<512x128xf32>
    %sub3A = vector.broadcast %get3A_1 : vector<1x128xf32> to vector<512x128xf32>
    %sub3A_11 = arith.subf %get3A_10, %sub3A : vector<512x128xf32>
    %mul3A_12 = arith.mulf %sub3A_11, %sub3A_11 : vector<512x128xf32>
    %jit3A = arith.constant 0.000000e+00 : f32
    %broadcast_in_dim3A = vector.shape_cast %lt3A_5 : vector<512x1xi1> to vector<512x1xi1>
    %broadcast_in_dim3A_13 = vector.broadcast %broadcast_in_dim3A : vector<512x1xi1> to vector<512x128xi1>
    %broadcast_in_dim3A_14 = vector.broadcast %jit3A : f32 to vector<512x128xf32>
    %select_n3A = arith.select %broadcast_in_dim3A_13, %mul3A_12, %broadcast_in_dim3A_14 : vector<512x128xi1>, vector<512x128xf32>
    %get3A_15 = arith.constant 0 : index
    %get3A_16 = arith.constant 1 : index
    %get3A_17 = arith.constant 0 : index
    %get3A_18 = vector.load %arg1[%get3A_15, %get3A_16, %get3A_17] : memref<512x20x128xf32, #tpu.memory_space<vmem>>, vector<512x1x128xf32>
    %get3A_19 = vector.shape_cast %get3A_18 : vector<512x1x128xf32> to vector<512x128xf32>
    %max3A = arith.maximumf %get3A_10, %get3A_19 : vector<512x128xf32>
    %min3A = arith.minimumf %get3A_10, %get3A_19 : vector<512x128xf32>
    %sub3A_20 = vector.broadcast %get3A_1 : vector<1x128xf32> to vector<512x128xf32>
    %sub3A_21 = arith.subf %get3A_19, %sub3A_20 : vector<512x128xf32>
    %mul3A_22 = arith.mulf %sub3A_21, %sub3A_21 : vector<512x128xf32>
    %jit3A_23 = arith.constant 0.000000e+00 : f32
    %broadcast_in_dim3A_24 = vector.shape_cast %lt3A_5 : vector<512x1xi1> to vector<512x1xi1>
    %broadcast_in_dim3A_25 = vector.broadcast %broadcast_in_dim3A_24 : vector<512x1xi1> to vector<512x128xi1>
    %broadcast_in_dim3A_26 = vector.broadcast %jit3A_23 : f32 to vector<512x128xf32>
    %select_n3A_27 = arith.select %broadcast_in_dim3A_25, %mul3A_22, %broadcast_in_dim3A_26 : vector<512x128xi1>, vector<512x128xf32>
    %add3A_28 = arith.addf %select_n3A, %select_n3A_27 : vector<512x128xf32>
    %get3A_29 = arith.constant 0 : index
    %get3A_30 = arith.constant 2 : index
    %get3A_31 = arith.constant 0 : index
    %get3A_32 = vector.load %arg1[%get3A_29, %get3A_30, %get3A_31] : memref<512x20x128xf32, #tpu.memory_space<vmem>>, vector<512x1x128xf32>
    %get3A_33 = vector.shape_cast %get3A_32 : vector<512x1x128xf32> to vector<512x128xf32>
    %max3A_34 = arith.maximumf %max3A, %get3A_33 : vector<512x128xf32>
    %min3A_35 = arith.minimumf %min3A, %get3A_33 : vector<512x128xf32>
    %sub3A_36 = vector.broadcast %get3A_1 : vector<1x128xf32> to vector<512x128xf32>
    %sub3A_37 = arith.subf %get3A_33, %sub3A_36 : vector<512x128xf32>
    %mul3A_38 = arith.mulf %sub3A_37, %sub3A_37 : vector<512x128xf32>
    %jit3A_39 = arith.constant 0.000000e+00 : f32
    %broadcast_in_dim3A_40 = vector.shape_cast %lt3A_5 : vector<512x1xi1> to vector<512x1xi1>
    %broadcast_in_dim3A_41 = vector.broadcast %broadcast_in_dim3A_40 : vector<512x1xi1> to vector<512x128xi1>
    %broadcast_in_dim3A_42 = vector.broadcast %jit3A_39 : f32 to vector<512x128xf32>
    %select_n3A_43 = arith.select %broadcast_in_dim3A_41, %mul3A_38, %broadcast_in_dim3A_42 : vector<512x128xi1>, vector<512x128xf32>
    %add3A_44 = arith.addf %add3A_28, %select_n3A_43 : vector<512x128xf32>
    %get3A_45 = arith.constant 0 : index
    %get3A_46 = arith.constant 3 : index
    %get3A_47 = arith.constant 0 : index
    %get3A_48 = vector.load %arg1[%get3A_45, %get3A_46, %get3A_47] : memref<512x20x128xf32, #tpu.memory_space<vmem>>, vector<512x1x128xf32>
    %get3A_49 = vector.shape_cast %get3A_48 : vector<512x1x128xf32> to vector<512x128xf32>
    %max3A_50 = arith.maximumf %max3A_34, %get3A_49 : vector<512x128xf32>
    %min3A_51 = arith.minimumf %min3A_35, %get3A_49 : vector<512x128xf32>
    %sub3A_52 = vector.broadcast %get3A_1 : vector<1x128xf32> to vector<512x128xf32>
    %sub3A_53 = arith.subf %get3A_49, %sub3A_52 : vector<512x128xf32>
    %mul3A_54 = arith.mulf %sub3A_53, %sub3A_53 : vector<512x128xf32>
    %jit3A_55 = arith.constant 0.000000e+00 : f32
    %broadcast_in_dim3A_56 = vector.shape_cast %lt3A_5 : vector<512x1xi1> to vector<512x1xi1>
    %broadcast_in_dim3A_57 = vector.broadcast %broadcast_in_dim3A_56 : vector<512x1xi1> to vector<512x128xi1>
    %broadcast_in_dim3A_58 = vector.broadcast %jit3A_55 : f32 to vector<512x128xf32>
    %select_n3A_59 = arith.select %broadcast_in_dim3A_57, %mul3A_54, %broadcast_in_dim3A_58 : vector<512x128xi1>, vector<512x128xf32>
    %add3A_60 = arith.addf %add3A_44, %select_n3A_59 : vector<512x128xf32>
    %get3A_61 = arith.constant 0 : index
    %get3A_62 = arith.constant 4 : index
    %get3A_63 = arith.constant 0 : index
    %get3A_64 = vector.load %arg1[%get3A_61, %get3A_62, %get3A_63] : memref<512x20x128xf32, #tpu.memory_space<vmem>>, vector<512x1x128xf32>
    %get3A_65 = vector.shape_cast %get3A_64 : vector<512x1x128xf32> to vector<512x128xf32>
    %max3A_66 = arith.maximumf %max3A_50, %get3A_65 : vector<512x128xf32>
    %min3A_67 = arith.minimumf %min3A_51, %get3A_65 : vector<512x128xf32>
    %sub3A_68 = vector.broadcast %get3A_1 : vector<1x128xf32> to vector<512x128xf32>
    %sub3A_69 = arith.subf %get3A_65, %sub3A_68 : vector<512x128xf32>
    %mul3A_70 = arith.mulf %sub3A_69, %sub3A_69 : vector<512x128xf32>
    %jit3A_71 = arith.constant 0.000000e+00 : f32
    %broadcast_in_dim3A_72 = vector.shape_cast %lt3A_5 : vector<512x1xi1> to vector<512x1xi1>
    %broadcast_in_dim3A_73 = vector.broadcast %broadcast_in_dim3A_72 : vector<512x1xi1> to vector<512x128xi1>
    %broadcast_in_dim3A_74 = vector.broadcast %jit3A_71 : f32 to vector<512x128xf32>
    %select_n3A_75 = arith.select %broadcast_in_dim3A_73, %mul3A_70, %broadcast_in_dim3A_74 : vector<512x128xi1>, vector<512x128xf32>
    %add3A_76 = arith.addf %add3A_60, %select_n3A_75 : vector<512x128xf32>
    %get3A_77 = arith.constant 0 : index
    %get3A_78 = arith.constant 5 : index
    %get3A_79 = arith.constant 0 : index
    %get3A_80 = vector.load %arg1[%get3A_77, %get3A_78, %get3A_79] : memref<512x20x128xf32, #tpu.memory_space<vmem>>, vector<512x1x128xf32>
    %get3A_81 = vector.shape_cast %get3A_80 : vector<512x1x128xf32> to vector<512x128xf32>
    %max3A_82 = arith.maximumf %max3A_66, %get3A_81 : vector<512x128xf32>
    %min3A_83 = arith.minimumf %min3A_67, %get3A_81 : vector<512x128xf32>
    %sub3A_84 = vector.broadcast %get3A_1 : vector<1x128xf32> to vector<512x128xf32>
    %sub3A_85 = arith.subf %get3A_81, %sub3A_84 : vector<512x128xf32>
    %mul3A_86 = arith.mulf %sub3A_85, %sub3A_85 : vector<512x128xf32>
    %jit3A_87 = arith.constant 0.000000e+00 : f32
    %broadcast_in_dim3A_88 = vector.shape_cast %lt3A_5 : vector<512x1xi1> to vector<512x1xi1>
    %broadcast_in_dim3A_89 = vector.broadcast %broadcast_in_dim3A_88 : vector<512x1xi1> to vector<512x128xi1>
    %broadcast_in_dim3A_90 = vector.broadcast %jit3A_87 : f32 to vector<512x128xf32>
    %select_n3A_91 = arith.select %broadcast_in_dim3A_89, %mul3A_86, %broadcast_in_dim3A_90 : vector<512x128xi1>, vector<512x128xf32>
    %add3A_92 = arith.addf %add3A_76, %select_n3A_91 : vector<512x128xf32>
    %get3A_93 = arith.constant 0 : index
    %get3A_94 = arith.constant 6 : index
    %get3A_95 = arith.constant 0 : index
    %get3A_96 = vector.load %arg1[%get3A_93, %get3A_94, %get3A_95] : memref<512x20x128xf32, #tpu.memory_space<vmem>>, vector<512x1x128xf32>
    %get3A_97 = vector.shape_cast %get3A_96 : vector<512x1x128xf32> to vector<512x128xf32>
    %max3A_98 = arith.maximumf %max3A_82, %get3A_97 : vector<512x128xf32>
    %min3A_99 = arith.minimumf %min3A_83, %get3A_97 : vector<512x128xf32>
    %sub3A_100 = vector.broadcast %get3A_1 : vector<1x128xf32> to vector<512x128xf32>
    %sub3A_101 = arith.subf %get3A_97, %sub3A_100 : vector<512x128xf32>
    %mul3A_102 = arith.mulf %sub3A_101, %sub3A_101 : vector<512x128xf32>
    %jit3A_103 = arith.constant 0.000000e+00 : f32
    %broadcast_in_dim3A_104 = vector.shape_cast %lt3A_5 : vector<512x1xi1> to vector<512x1xi1>
    %broadcast_in_dim3A_105 = vector.broadcast %broadcast_in_dim3A_104 : vector<512x1xi1> to vector<512x128xi1>
    %broadcast_in_dim3A_106 = vector.broadcast %jit3A_103 : f32 to vector<512x128xf32>
    %select_n3A_107 = arith.select %broadcast_in_dim3A_105, %mul3A_102, %broadcast_in_dim3A_106 : vector<512x128xi1>, vector<512x128xf32>
    %add3A_108 = arith.addf %add3A_92, %select_n3A_107 : vector<512x128xf32>
    %get3A_109 = arith.constant 0 : index
    %get3A_110 = arith.constant 7 : index
    %get3A_111 = arith.constant 0 : index
    %get3A_112 = vector.load %arg1[%get3A_109, %get3A_110, %get3A_111] : memref<512x20x128xf32, #tpu.memory_space<vmem>>, vector<512x1x128xf32>
    %get3A_113 = vector.shape_cast %get3A_112 : vector<512x1x128xf32> to vector<512x128xf32>
    %max3A_114 = arith.maximumf %max3A_98, %get3A_113 : vector<512x128xf32>
    %min3A_115 = arith.minimumf %min3A_99, %get3A_113 : vector<512x128xf32>
    %sub3A_116 = vector.broadcast %get3A_1 : vector<1x128xf32> to vector<512x128xf32>
    %sub3A_117 = arith.subf %get3A_113, %sub3A_116 : vector<512x128xf32>
    %mul3A_118 = arith.mulf %sub3A_117, %sub3A_117 : vector<512x128xf32>
    %jit3A_119 = arith.constant 0.000000e+00 : f32
    %broadcast_in_dim3A_120 = vector.shape_cast %lt3A_5 : vector<512x1xi1> to vector<512x1xi1>
    %broadcast_in_dim3A_121 = vector.broadcast %broadcast_in_dim3A_120 : vector<512x1xi1> to vector<512x128xi1>
    %broadcast_in_dim3A_122 = vector.broadcast %jit3A_119 : f32 to vector<512x128xf32>
    %select_n3A_123 = arith.select %broadcast_in_dim3A_121, %mul3A_118, %broadcast_in_dim3A_122 : vector<512x128xi1>, vector<512x128xf32>
    %add3A_124 = arith.addf %add3A_108, %select_n3A_123 : vector<512x128xf32>
    %get3A_125 = arith.constant 0 : index
    %get3A_126 = arith.constant 8 : index
    %get3A_127 = arith.constant 0 : index
    %get3A_128 = vector.load %arg1[%get3A_125, %get3A_126, %get3A_127] : memref<512x20x128xf32, #tpu.memory_space<vmem>>, vector<512x1x128xf32>
    %get3A_129 = vector.shape_cast %get3A_128 : vector<512x1x128xf32> to vector<512x128xf32>
    %max3A_130 = arith.maximumf %max3A_114, %get3A_129 : vector<512x128xf32>
    %min3A_131 = arith.minimumf %min3A_115, %get3A_129 : vector<512x128xf32>
    %sub3A_132 = vector.broadcast %get3A_1 : vector<1x128xf32> to vector<512x128xf32>
    %sub3A_133 = arith.subf %get3A_129, %sub3A_132 : vector<512x128xf32>
    %mul3A_134 = arith.mulf %sub3A_133, %sub3A_133 : vector<512x128xf32>
    %jit3A_135 = arith.constant 0.000000e+00 : f32
    %broadcast_in_dim3A_136 = vector.shape_cast %lt3A_5 : vector<512x1xi1> to vector<512x1xi1>
    %broadcast_in_dim3A_137 = vector.broadcast %broadcast_in_dim3A_136 : vector<512x1xi1> to vector<512x128xi1>
    %broadcast_in_dim3A_138 = vector.broadcast %jit3A_135 : f32 to vector<512x128xf32>
    %select_n3A_139 = arith.select %broadcast_in_dim3A_137, %mul3A_134, %broadcast_in_dim3A_138 : vector<512x128xi1>, vector<512x128xf32>
    %add3A_140 = arith.addf %add3A_124, %select_n3A_139 : vector<512x128xf32>
    %get3A_141 = arith.constant 0 : index
    %get3A_142 = arith.constant 9 : index
    %get3A_143 = arith.constant 0 : index
    %get3A_144 = vector.load %arg1[%get3A_141, %get3A_142, %get3A_143] : memref<512x20x128xf32, #tpu.memory_space<vmem>>, vector<512x1x128xf32>
    %get3A_145 = vector.shape_cast %get3A_144 : vector<512x1x128xf32> to vector<512x128xf32>
    %max3A_146 = arith.maximumf %max3A_130, %get3A_145 : vector<512x128xf32>
    %min3A_147 = arith.minimumf %min3A_131, %get3A_145 : vector<512x128xf32>
    %sub3A_148 = vector.broadcast %get3A_1 : vector<1x128xf32> to vector<512x128xf32>
    %sub3A_149 = arith.subf %get3A_145, %sub3A_148 : vector<512x128xf32>
    %mul3A_150 = arith.mulf %sub3A_149, %sub3A_149 : vector<512x128xf32>
    %jit3A_151 = arith.constant 0.000000e+00 : f32
    %broadcast_in_dim3A_152 = vector.shape_cast %lt3A_5 : vector<512x1xi1> to vector<512x1xi1>
    %broadcast_in_dim3A_153 = vector.broadcast %broadcast_in_dim3A_152 : vector<512x1xi1> to vector<512x128xi1>
    %broadcast_in_dim3A_154 = vector.broadcast %jit3A_151 : f32 to vector<512x128xf32>
    %select_n3A_155 = arith.select %broadcast_in_dim3A_153, %mul3A_150, %broadcast_in_dim3A_154 : vector<512x128xi1>, vector<512x128xf32>
    %add3A_156 = arith.addf %add3A_140, %select_n3A_155 : vector<512x128xf32>
    %get3A_157 = arith.constant 0 : index
    %get3A_158 = arith.constant 10 : index
    %get3A_159 = arith.constant 0 : index
    %get3A_160 = vector.load %arg1[%get3A_157, %get3A_158, %get3A_159] : memref<512x20x128xf32, #tpu.memory_space<vmem>>, vector<512x1x128xf32>
    %get3A_161 = vector.shape_cast %get3A_160 : vector<512x1x128xf32> to vector<512x128xf32>
    %max3A_162 = arith.maximumf %max3A_146, %get3A_161 : vector<512x128xf32>
    %min3A_163 = arith.minimumf %min3A_147, %get3A_161 : vector<512x128xf32>
    %sub3A_164 = vector.broadcast %get3A_1 : vector<1x128xf32> to vector<512x128xf32>
    %sub3A_165 = arith.subf %get3A_161, %sub3A_164 : vector<512x128xf32>
    %mul3A_166 = arith.mulf %sub3A_165, %sub3A_165 : vector<512x128xf32>
    %jit3A_167 = arith.constant 0.000000e+00 : f32
    %broadcast_in_dim3A_168 = vector.shape_cast %lt3A_5 : vector<512x1xi1> to vector<512x1xi1>
    %broadcast_in_dim3A_169 = vector.broadcast %broadcast_in_dim3A_168 : vector<512x1xi1> to vector<512x128xi1>
    %broadcast_in_dim3A_170 = vector.broadcast %jit3A_167 : f32 to vector<512x128xf32>
    %select_n3A_171 = arith.select %broadcast_in_dim3A_169, %mul3A_166, %broadcast_in_dim3A_170 : vector<512x128xi1>, vector<512x128xf32>
    %add3A_172 = arith.addf %add3A_156, %select_n3A_171 : vector<512x128xf32>
    %get3A_173 = arith.constant 0 : index
    %get3A_174 = arith.constant 11 : index
    %get3A_175 = arith.constant 0 : index
    %get3A_176 = vector.load %arg1[%get3A_173, %get3A_174, %get3A_175] : memref<512x20x128xf32, #tpu.memory_space<vmem>>, vector<512x1x128xf32>
    %get3A_177 = vector.shape_cast %get3A_176 : vector<512x1x128xf32> to vector<512x128xf32>
    %max3A_178 = arith.maximumf %max3A_162, %get3A_177 : vector<512x128xf32>
    %min3A_179 = arith.minimumf %min3A_163, %get3A_177 : vector<512x128xf32>
    %sub3A_180 = vector.broadcast %get3A_1 : vector<1x128xf32> to vector<512x128xf32>
    %sub3A_181 = arith.subf %get3A_177, %sub3A_180 : vector<512x128xf32>
    %mul3A_182 = arith.mulf %sub3A_181, %sub3A_181 : vector<512x128xf32>
    %jit3A_183 = arith.constant 0.000000e+00 : f32
    %broadcast_in_dim3A_184 = vector.shape_cast %lt3A_5 : vector<512x1xi1> to vector<512x1xi1>
    %broadcast_in_dim3A_185 = vector.broadcast %broadcast_in_dim3A_184 : vector<512x1xi1> to vector<512x128xi1>
    %broadcast_in_dim3A_186 = vector.broadcast %jit3A_183 : f32 to vector<512x128xf32>
    %select_n3A_187 = arith.select %broadcast_in_dim3A_185, %mul3A_182, %broadcast_in_dim3A_186 : vector<512x128xi1>, vector<512x128xf32>
    %add3A_188 = arith.addf %add3A_172, %select_n3A_187 : vector<512x128xf32>
    %get3A_189 = arith.constant 0 : index
    %get3A_190 = arith.constant 12 : index
    %get3A_191 = arith.constant 0 : index
    %get3A_192 = vector.load %arg1[%get3A_189, %get3A_190, %get3A_191] : memref<512x20x128xf32, #tpu.memory_space<vmem>>, vector<512x1x128xf32>
    %get3A_193 = vector.shape_cast %get3A_192 : vector<512x1x128xf32> to vector<512x128xf32>
    %max3A_194 = arith.maximumf %max3A_178, %get3A_193 : vector<512x128xf32>
    %min3A_195 = arith.minimumf %min3A_179, %get3A_193 : vector<512x128xf32>
    %sub3A_196 = vector.broadcast %get3A_1 : vector<1x128xf32> to vector<512x128xf32>
    %sub3A_197 = arith.subf %get3A_193, %sub3A_196 : vector<512x128xf32>
    %mul3A_198 = arith.mulf %sub3A_197, %sub3A_197 : vector<512x128xf32>
    %jit3A_199 = arith.constant 0.000000e+00 : f32
    %broadcast_in_dim3A_200 = vector.shape_cast %lt3A_5 : vector<512x1xi1> to vector<512x1xi1>
    %broadcast_in_dim3A_201 = vector.broadcast %broadcast_in_dim3A_200 : vector<512x1xi1> to vector<512x128xi1>
    %broadcast_in_dim3A_202 = vector.broadcast %jit3A_199 : f32 to vector<512x128xf32>
    %select_n3A_203 = arith.select %broadcast_in_dim3A_201, %mul3A_198, %broadcast_in_dim3A_202 : vector<512x128xi1>, vector<512x128xf32>
    %add3A_204 = arith.addf %add3A_188, %select_n3A_203 : vector<512x128xf32>
    %get3A_205 = arith.constant 0 : index
    %get3A_206 = arith.constant 13 : index
    %get3A_207 = arith.constant 0 : index
    %get3A_208 = vector.load %arg1[%get3A_205, %get3A_206, %get3A_207] : memref<512x20x128xf32, #tpu.memory_space<vmem>>, vector<512x1x128xf32>
    %get3A_209 = vector.shape_cast %get3A_208 : vector<512x1x128xf32> to vector<512x128xf32>
    %max3A_210 = arith.maximumf %max3A_194, %get3A_209 : vector<512x128xf32>
    %min3A_211 = arith.minimumf %min3A_195, %get3A_209 : vector<512x128xf32>
    %sub3A_212 = vector.broadcast %get3A_1 : vector<1x128xf32> to vector<512x128xf32>
    %sub3A_213 = arith.subf %get3A_209, %sub3A_212 : vector<512x128xf32>
    %mul3A_214 = arith.mulf %sub3A_213, %sub3A_213 : vector<512x128xf32>
    %jit3A_215 = arith.constant 0.000000e+00 : f32
    %broadcast_in_dim3A_216 = vector.shape_cast %lt3A_5 : vector<512x1xi1> to vector<512x1xi1>
    %broadcast_in_dim3A_217 = vector.broadcast %broadcast_in_dim3A_216 : vector<512x1xi1> to vector<512x128xi1>
    %broadcast_in_dim3A_218 = vector.broadcast %jit3A_215 : f32 to vector<512x128xf32>
    %select_n3A_219 = arith.select %broadcast_in_dim3A_217, %mul3A_214, %broadcast_in_dim3A_218 : vector<512x128xi1>, vector<512x128xf32>
    %add3A_220 = arith.addf %add3A_204, %select_n3A_219 : vector<512x128xf32>
    %get3A_221 = arith.constant 0 : index
    %get3A_222 = arith.constant 14 : index
    %get3A_223 = arith.constant 0 : index
    %get3A_224 = vector.load %arg1[%get3A_221, %get3A_222, %get3A_223] : memref<512x20x128xf32, #tpu.memory_space<vmem>>, vector<512x1x128xf32>
    %get3A_225 = vector.shape_cast %get3A_224 : vector<512x1x128xf32> to vector<512x128xf32>
    %max3A_226 = arith.maximumf %max3A_210, %get3A_225 : vector<512x128xf32>
    %min3A_227 = arith.minimumf %min3A_211, %get3A_225 : vector<512x128xf32>
    %sub3A_228 = vector.broadcast %get3A_1 : vector<1x128xf32> to vector<512x128xf32>
    %sub3A_229 = arith.subf %get3A_225, %sub3A_228 : vector<512x128xf32>
    %mul3A_230 = arith.mulf %sub3A_229, %sub3A_229 : vector<512x128xf32>
    %jit3A_231 = arith.constant 0.000000e+00 : f32
    %broadcast_in_dim3A_232 = vector.shape_cast %lt3A_5 : vector<512x1xi1> to vector<512x1xi1>
    %broadcast_in_dim3A_233 = vector.broadcast %broadcast_in_dim3A_232 : vector<512x1xi1> to vector<512x128xi1>
    %broadcast_in_dim3A_234 = vector.broadcast %jit3A_231 : f32 to vector<512x128xf32>
    %select_n3A_235 = arith.select %broadcast_in_dim3A_233, %mul3A_230, %broadcast_in_dim3A_234 : vector<512x128xi1>, vector<512x128xf32>
    %add3A_236 = arith.addf %add3A_220, %select_n3A_235 : vector<512x128xf32>
    %get3A_237 = arith.constant 0 : index
    %get3A_238 = arith.constant 15 : index
    %get3A_239 = arith.constant 0 : index
    %get3A_240 = vector.load %arg1[%get3A_237, %get3A_238, %get3A_239] : memref<512x20x128xf32, #tpu.memory_space<vmem>>, vector<512x1x128xf32>
    %get3A_241 = vector.shape_cast %get3A_240 : vector<512x1x128xf32> to vector<512x128xf32>
    %max3A_242 = arith.maximumf %max3A_226, %get3A_241 : vector<512x128xf32>
    %min3A_243 = arith.minimumf %min3A_227, %get3A_241 : vector<512x128xf32>
    %sub3A_244 = vector.broadcast %get3A_1 : vector<1x128xf32> to vector<512x128xf32>
    %sub3A_245 = arith.subf %get3A_241, %sub3A_244 : vector<512x128xf32>
    %mul3A_246 = arith.mulf %sub3A_245, %sub3A_245 : vector<512x128xf32>
    %jit3A_247 = arith.constant 0.000000e+00 : f32
    %broadcast_in_dim3A_248 = vector.shape_cast %lt3A_5 : vector<512x1xi1> to vector<512x1xi1>
    %broadcast_in_dim3A_249 = vector.broadcast %broadcast_in_dim3A_248 : vector<512x1xi1> to vector<512x128xi1>
    %broadcast_in_dim3A_250 = vector.broadcast %jit3A_247 : f32 to vector<512x128xf32>
    %select_n3A_251 = arith.select %broadcast_in_dim3A_249, %mul3A_246, %broadcast_in_dim3A_250 : vector<512x128xi1>, vector<512x128xf32>
    %add3A_252 = arith.addf %add3A_236, %select_n3A_251 : vector<512x128xf32>
    %get3A_253 = arith.constant 0 : index
    %get3A_254 = arith.constant 16 : index
    %get3A_255 = arith.constant 0 : index
    %get3A_256 = vector.load %arg1[%get3A_253, %get3A_254, %get3A_255] : memref<512x20x128xf32, #tpu.memory_space<vmem>>, vector<512x1x128xf32>
    %get3A_257 = vector.shape_cast %get3A_256 : vector<512x1x128xf32> to vector<512x128xf32>
    %max3A_258 = arith.maximumf %max3A_242, %get3A_257 : vector<512x128xf32>
    %min3A_259 = arith.minimumf %min3A_243, %get3A_257 : vector<512x128xf32>
    %sub3A_260 = vector.broadcast %get3A_1 : vector<1x128xf32> to vector<512x128xf32>
    %sub3A_261 = arith.subf %get3A_257, %sub3A_260 : vector<512x128xf32>
    %mul3A_262 = arith.mulf %sub3A_261, %sub3A_261 : vector<512x128xf32>
    %jit3A_263 = arith.constant 0.000000e+00 : f32
    %broadcast_in_dim3A_264 = vector.shape_cast %lt3A_5 : vector<512x1xi1> to vector<512x1xi1>
    %broadcast_in_dim3A_265 = vector.broadcast %broadcast_in_dim3A_264 : vector<512x1xi1> to vector<512x128xi1>
    %broadcast_in_dim3A_266 = vector.broadcast %jit3A_263 : f32 to vector<512x128xf32>
    %select_n3A_267 = arith.select %broadcast_in_dim3A_265, %mul3A_262, %broadcast_in_dim3A_266 : vector<512x128xi1>, vector<512x128xf32>
    %add3A_268 = arith.addf %add3A_252, %select_n3A_267 : vector<512x128xf32>
    %get3A_269 = arith.constant 0 : index
    %get3A_270 = arith.constant 17 : index
    %get3A_271 = arith.constant 0 : index
    %get3A_272 = vector.load %arg1[%get3A_269, %get3A_270, %get3A_271] : memref<512x20x128xf32, #tpu.memory_space<vmem>>, vector<512x1x128xf32>
    %get3A_273 = vector.shape_cast %get3A_272 : vector<512x1x128xf32> to vector<512x128xf32>
    %max3A_274 = arith.maximumf %max3A_258, %get3A_273 : vector<512x128xf32>
    %min3A_275 = arith.minimumf %min3A_259, %get3A_273 : vector<512x128xf32>
    %sub3A_276 = vector.broadcast %get3A_1 : vector<1x128xf32> to vector<512x128xf32>
    %sub3A_277 = arith.subf %get3A_273, %sub3A_276 : vector<512x128xf32>
    %mul3A_278 = arith.mulf %sub3A_277, %sub3A_277 : vector<512x128xf32>
    %jit3A_279 = arith.constant 0.000000e+00 : f32
    %broadcast_in_dim3A_280 = vector.shape_cast %lt3A_5 : vector<512x1xi1> to vector<512x1xi1>
    %broadcast_in_dim3A_281 = vector.broadcast %broadcast_in_dim3A_280 : vector<512x1xi1> to vector<512x128xi1>
    %broadcast_in_dim3A_282 = vector.broadcast %jit3A_279 : f32 to vector<512x128xf32>
    %select_n3A_283 = arith.select %broadcast_in_dim3A_281, %mul3A_278, %broadcast_in_dim3A_282 : vector<512x128xi1>, vector<512x128xf32>
    %add3A_284 = arith.addf %add3A_268, %select_n3A_283 : vector<512x128xf32>
    %get3A_285 = arith.constant 0 : index
    %get3A_286 = arith.constant 18 : index
    %get3A_287 = arith.constant 0 : index
    %get3A_288 = vector.load %arg1[%get3A_285, %get3A_286, %get3A_287] : memref<512x20x128xf32, #tpu.memory_space<vmem>>, vector<512x1x128xf32>
    %get3A_289 = vector.shape_cast %get3A_288 : vector<512x1x128xf32> to vector<512x128xf32>
    %max3A_290 = arith.maximumf %max3A_274, %get3A_289 : vector<512x128xf32>
    %min3A_291 = arith.minimumf %min3A_275, %get3A_289 : vector<512x128xf32>
    %sub3A_292 = vector.broadcast %get3A_1 : vector<1x128xf32> to vector<512x128xf32>
    %sub3A_293 = arith.subf %get3A_289, %sub3A_292 : vector<512x128xf32>
    %mul3A_294 = arith.mulf %sub3A_293, %sub3A_293 : vector<512x128xf32>
    %jit3A_295 = arith.constant 0.000000e+00 : f32
    %broadcast_in_dim3A_296 = vector.shape_cast %lt3A_5 : vector<512x1xi1> to vector<512x1xi1>
    %broadcast_in_dim3A_297 = vector.broadcast %broadcast_in_dim3A_296 : vector<512x1xi1> to vector<512x128xi1>
    %broadcast_in_dim3A_298 = vector.broadcast %jit3A_295 : f32 to vector<512x128xf32>
    %select_n3A_299 = arith.select %broadcast_in_dim3A_297, %mul3A_294, %broadcast_in_dim3A_298 : vector<512x128xi1>, vector<512x128xf32>
    %add3A_300 = arith.addf %add3A_284, %select_n3A_299 : vector<512x128xf32>
    %get3A_301 = arith.constant 0 : index
    %get3A_302 = arith.constant 19 : index
    %get3A_303 = arith.constant 0 : index
    %get3A_304 = vector.load %arg1[%get3A_301, %get3A_302, %get3A_303] : memref<512x20x128xf32, #tpu.memory_space<vmem>>, vector<512x1x128xf32>
    %get3A_305 = vector.shape_cast %get3A_304 : vector<512x1x128xf32> to vector<512x128xf32>
    %max3A_306 = arith.maximumf %max3A_290, %get3A_305 : vector<512x128xf32>
    %min3A_307 = arith.minimumf %min3A_291, %get3A_305 : vector<512x128xf32>
    %sub3A_308 = vector.broadcast %get3A_1 : vector<1x128xf32> to vector<512x128xf32>
    %sub3A_309 = arith.subf %get3A_305, %sub3A_308 : vector<512x128xf32>
    %mul3A_310 = arith.mulf %sub3A_309, %sub3A_309 : vector<512x128xf32>
    %jit3A_311 = arith.constant 0.000000e+00 : f32
    %broadcast_in_dim3A_312 = vector.shape_cast %lt3A_5 : vector<512x1xi1> to vector<512x1xi1>
    %broadcast_in_dim3A_313 = vector.broadcast %broadcast_in_dim3A_312 : vector<512x1xi1> to vector<512x128xi1>
    %broadcast_in_dim3A_314 = vector.broadcast %jit3A_311 : f32 to vector<512x128xf32>
    %select_n3A_315 = arith.select %broadcast_in_dim3A_313, %mul3A_310, %broadcast_in_dim3A_314 : vector<512x128xi1>, vector<512x128xf32>
    %add3A_316 = arith.addf %add3A_300, %select_n3A_315 : vector<512x128xf32>
    %swap3A = arith.constant 0 : index
    %swap3A_317 = arith.constant 0 : index
    %swap3A_318 = vector.load %arg3[%swap3A, %swap3A_317] : memref<512x128xf32, #tpu.memory_space<vmem>>, vector<512x128xf32>
    tpu.vector_store %arg3[%swap3A, %swap3A_317], %max3A_306 {strides = array<i32>} : memref<512x128xf32, #tpu.memory_space<vmem>>, vector<512x128xf32>,
    %swap3A_319 = arith.constant 0 : index
    %swap3A_320 = arith.constant 0 : index
    %swap3A_321 = vector.load %arg4[%swap3A_319, %swap3A_320] : memref<512x128xf32, #tpu.memory_space<vmem>>, vector<512x128xf32>
    tpu.vector_store %arg4[%swap3A_319, %swap3A_320], %min3A_307 {strides = array<i32>} : memref<512x128xf32, #tpu.memory_space<vmem>>, vector<512x128xf32>,
    %reduce_sum3A = arith.constant dense<0.000000e+00> : vector<128xf32>
    %reduce_sum3A_322 = vector.multi_reduction <add>, %add3A_316, %reduce_sum3A [0] : vector<512x128xf32> to vector<128xf32>
    %reshape3A = vector.shape_cast %reduce_sum3A_322 : vector<128xf32> to vector<1x1x128xf32>
    %swap3A_323 = arith.constant 0 : index
    %swap3A_324 = arith.constant 0 : index
    %swap3A_325 = arith.constant 0 : index
    %swap3A_326 = vector.load %arg5[%swap3A_323, %swap3A_324, %swap3A_325] : memref<1x1x128xf32, #tpu.memory_space<vmem>>, vector<1x1x128xf32>
    tpu.vector_store %arg5[%swap3A_323, %swap3A_324, %swap3A_325], %reshape3A {strides = array<i32>} : memref<1x1x128xf32, #tpu.memory_space<vmem>>, vector<1x1x128xf32>,
    return
  }
  func.func @transform_0(%arg0: i32) -> (i32, i32, i32) {
    %c0_i32 = arith.constant 0 : i32
    %c0_i32_0 = arith.constant 0 : i32
    %c0_i32_1 = arith.constant 0 : i32
    return %arg0, %c0_i32, %c0_i32_0 : i32, i32, i32
  }
  func.func @transform_1(%arg0: i32) -> (i32, i32) {
    %c0_i32 = arith.constant 0 : i32
    %c0_i32_0 = arith.constant 0 : i32
    %c0_i32_1 = arith.constant 0 : i32
    return %c0_i32, %c0_i32_0 : i32, i32
  }
  func.func @transform_2(%arg0: i32) -> (i32, i32) {
    %c0_i32 = arith.constant 0 : i32
    %c0_i32_0 = arith.constant 0 : i32
    return %arg0, %c0_i32 : i32, i32
  }
  func.func @transform_3(%arg0: i32) -> (i32, i32) {
    %c0_i32 = arith.constant 0 : i32
    %c0_i32_0 = arith.constant 0 : i32
    return %arg0, %c0_i32 : i32, i32
  }
  func.func @transform_4(%arg0: i32) -> (i32, i32, i32) {
    %c0_i32 = arith.constant 0 : i32
    %c0_i32_0 = arith.constant 0 : i32
    %c0_i32_1 = arith.constant 0 : i32
    return %arg0, %c0_i32, %c0_i32_0 : i32, i32, i32
  }
}

module attributes {stable_mosaic.version = 14 : i64} {
  func.func @_pool_body(%arg0: i32, %arg1: memref<512x128xf32, #tpu.memory_space<vmem>>, %arg2: memref<512x128xf32, #tpu.memory_space<vmem>>, %arg3: memref<512x1xi32, #tpu.memory_space<vmem>>, %arg4: memref<1x128xf32, #tpu.memory_space<vmem>>, %arg5: memref<1x128xf32, #tpu.memory_space<vmem>>, %arg6: memref<1x128xf32, #tpu.memory_space<vmem>>, %arg7: memref<1x128xf32, #tpu.memory_space<vmem>>, %arg8: memref<128x2xf32, #tpu.memory_space<vmem>>, %arg9: memref<1x2xf32, #tpu.memory_space<vmem>>, %arg10: memref<10x128xf32, #tpu.memory_space<vmem>>, %arg11: memref<10x128xf32, #tpu.memory_space<vmem>>, %arg12: memref<10x2xf32, #tpu.memory_space<vmem>>) attributes {dimension_semantics = [#tpu.dimension_semantics<arbitrary>], iteration_bounds = array<i64: 20>, scalar_prefetch = 0 : i64, scratch_operands = 0 : i64, tpu.core_type = #tpu.core_type<tc>, window_params = [{transform_indices = @transform_0, window_bounds = array<i64: 512, 128>}, {transform_indices = @transform_1, window_bounds = array<i64: 512, 128>}, {transform_indices = @transform_2, window_bounds = array<i64: 512, 1>}, {pipeline_mode = #tpu.pipeline_mode<synchronous>, transform_indices = @transform_3, window_bounds = array<i64: 1, 128>}, {pipeline_mode = #tpu.pipeline_mode<synchronous>, transform_indices = @transform_4, window_bounds = array<i64: 1, 128>}, {pipeline_mode = #tpu.pipeline_mode<synchronous>, transform_indices = @transform_5, window_bounds = array<i64: 1, 128>}, {pipeline_mode = #tpu.pipeline_mode<synchronous>, transform_indices = @transform_6, window_bounds = array<i64: 1, 128>}, {pipeline_mode = #tpu.pipeline_mode<synchronous>, transform_indices = @transform_7, window_bounds = array<i64: 128, 2>}, {pipeline_mode = #tpu.pipeline_mode<synchronous>, transform_indices = @transform_8, window_bounds = array<i64: 1, 2>}, {pipeline_mode = #tpu.pipeline_mode<synchronous>, transform_indices = @transform_9, window_bounds = array<i64: 10, 128>}, {pipeline_mode = #tpu.pipeline_mode<synchronous>, transform_indices = @transform_10, window_bounds = array<i64: 10, 128>}, {pipeline_mode = #tpu.pipeline_mode<synchronous>, transform_indices = @transform_11, window_bounds = array<i64: 10, 2>}]} {
    %eq3A = arith.constant 0 : i32
    %eq3A_0 = arith.cmpi eq, %arg0, %eq3A : i32
    %convert_element_type3A = arith.extui %eq3A_0 : i1 to i32
    %cond3A = arith.constant 0xFF800000 : f32
    %cond3A_1 = arith.constant 0x7F800000 : f32
    %cond3A_2 = arith.constant 0 : i32
    %cond3A_3 = arith.cmpi ne, %convert_element_type3A, %cond3A_2 : i32
    scf.if %cond3A_3 {
      %broadcast_in_dim3A_369 = vector.broadcast %cond3A : f32 to vector<10x128xf32>
      %swap3A_370 = arith.constant 0 : index
      %swap3A_371 = arith.constant 0 : index
      %swap3A_372 = vector.load %arg10[%swap3A_370, %swap3A_371] : memref<10x128xf32, #tpu.memory_space<vmem>>, vector<10x128xf32>
      tpu.vector_store %arg10[%swap3A_370, %swap3A_371], %broadcast_in_dim3A_369 {strides = array<i32>} : memref<10x128xf32, #tpu.memory_space<vmem>>, vector<10x128xf32>,
      %broadcast_in_dim3A_373 = vector.broadcast %cond3A_1 : f32 to vector<10x128xf32>
      %swap3A_374 = arith.constant 0 : index
      %swap3A_375 = arith.constant 0 : index
      %swap3A_376 = vector.load %arg11[%swap3A_374, %swap3A_375] : memref<10x128xf32, #tpu.memory_space<vmem>>, vector<10x128xf32>
      tpu.vector_store %arg11[%swap3A_374, %swap3A_375], %broadcast_in_dim3A_373 {strides = array<i32>} : memref<10x128xf32, #tpu.memory_space<vmem>>, vector<10x128xf32>,
    } else {
    }
    %get3A = arith.constant 0 : index
    %get3A_4 = arith.constant 0 : index
    %get3A_5 = vector.load %arg1[%get3A, %get3A_4] : memref<512x128xf32, #tpu.memory_space<vmem>>, vector<512x128xf32>
    %get3A_6 = arith.constant 0 : index
    %get3A_7 = arith.constant 0 : index
    %get3A_8 = vector.load %arg2[%get3A_6, %get3A_7] : memref<512x128xf32, #tpu.memory_space<vmem>>, vector<512x128xf32>
    %get3A_9 = arith.constant 0 : index
    %get3A_10 = arith.constant 0 : index
    %get3A_11 = vector.load %arg3[%get3A_9, %get3A_10] : memref<512x1xi32, #tpu.memory_space<vmem>>, vector<512x1xi32>
    %eq3A_12 = arith.constant 0 : i32
    %eq3A_13 = vector.broadcast %eq3A_12 : i32 to vector<512x1xi32>
    %eq3A_14 = arith.cmpi eq, %get3A_11, %eq3A_13 : vector<512x1xi32>
    %jit3A = arith.constant 0xFF800000 : f32
    %broadcast_in_dim3A = vector.shape_cast %eq3A_14 : vector<512x1xi1> to vector<512x1xi1>
    %broadcast_in_dim3A_15 = vector.broadcast %broadcast_in_dim3A : vector<512x1xi1> to vector<512x128xi1>
    %broadcast_in_dim3A_16 = vector.broadcast %jit3A : f32 to vector<512x128xf32>
    %select_n3A = arith.select %broadcast_in_dim3A_15, %get3A_5, %broadcast_in_dim3A_16 : vector<512x128xi1>, vector<512x128xf32>
    %reduce_max3A = arith.constant dense<0xFF800000> : vector<128xf32>
    %reduce_max3A_17 = vector.multi_reduction <maximumf>, %select_n3A, %reduce_max3A [0] : vector<512x128xf32> to vector<128xf32>
    %broadcast_in_dim3A_18 = vector.shape_cast %reduce_max3A_17 : vector<128xf32> to vector<1x128xf32>
    %eq3A_19 = arith.constant 0 : i32
    %eq3A_20 = vector.broadcast %eq3A_19 : i32 to vector<512x1xi32>
    %eq3A_21 = arith.cmpi eq, %get3A_11, %eq3A_20 : vector<512x1xi32>
    %jit3A_22 = arith.constant 0x7F800000 : f32
    %broadcast_in_dim3A_23 = vector.shape_cast %eq3A_21 : vector<512x1xi1> to vector<512x1xi1>
    %broadcast_in_dim3A_24 = vector.broadcast %broadcast_in_dim3A_23 : vector<512x1xi1> to vector<512x128xi1>
    %broadcast_in_dim3A_25 = vector.broadcast %jit3A_22 : f32 to vector<512x128xf32>
    %select_n3A_26 = arith.select %broadcast_in_dim3A_24, %get3A_8, %broadcast_in_dim3A_25 : vector<512x128xi1>, vector<512x128xf32>
    %reduce_min3A = arith.constant dense<0x7F800000> : vector<128xf32>
    %reduce_min3A_27 = vector.multi_reduction <minimumf>, %select_n3A_26, %reduce_min3A [0] : vector<512x128xf32> to vector<128xf32>
    %broadcast_in_dim3A_28 = vector.shape_cast %reduce_min3A_27 : vector<128xf32> to vector<1x128xf32>
    %get3A_29 = arith.constant 0 : index
    %get3A_30 = arith.constant 0 : index
    %get3A_31 = vector.load %arg10[%get3A_29, %get3A_30] : memref<10x128xf32, #tpu.memory_space<vmem>>, vector<1x128xf32>
    %max3A = arith.maximumf %get3A_31, %broadcast_in_dim3A_18 : vector<1x128xf32>
    %swap3A = arith.constant 0 : index
    %swap3A_32 = arith.constant 0 : index
    %swap3A_33 = vector.load %arg10[%swap3A, %swap3A_32] : memref<10x128xf32, #tpu.memory_space<vmem>>, vector<1x128xf32>
    tpu.vector_store %arg10[%swap3A, %swap3A_32], %max3A {strides = array<i32>} : memref<10x128xf32, #tpu.memory_space<vmem>>, vector<1x128xf32>,
    %get3A_34 = arith.constant 0 : index
    %get3A_35 = arith.constant 0 : index
    %get3A_36 = vector.load %arg11[%get3A_34, %get3A_35] : memref<10x128xf32, #tpu.memory_space<vmem>>, vector<1x128xf32>
    %min3A = arith.minimumf %get3A_36, %broadcast_in_dim3A_28 : vector<1x128xf32>
    %swap3A_37 = arith.constant 0 : index
    %swap3A_38 = arith.constant 0 : index
    %swap3A_39 = vector.load %arg11[%swap3A_37, %swap3A_38] : memref<10x128xf32, #tpu.memory_space<vmem>>, vector<1x128xf32>
    tpu.vector_store %arg11[%swap3A_37, %swap3A_38], %min3A {strides = array<i32>} : memref<10x128xf32, #tpu.memory_space<vmem>>, vector<1x128xf32>,
    %eq3A_40 = arith.constant 1 : i32
    %eq3A_41 = vector.broadcast %eq3A_40 : i32 to vector<512x1xi32>
    %eq3A_42 = arith.cmpi eq, %get3A_11, %eq3A_41 : vector<512x1xi32>
    %jit3A_43 = arith.constant 0xFF800000 : f32
    %broadcast_in_dim3A_44 = vector.shape_cast %eq3A_42 : vector<512x1xi1> to vector<512x1xi1>
    %broadcast_in_dim3A_45 = vector.broadcast %broadcast_in_dim3A_44 : vector<512x1xi1> to vector<512x128xi1>
    %broadcast_in_dim3A_46 = vector.broadcast %jit3A_43 : f32 to vector<512x128xf32>
    %select_n3A_47 = arith.select %broadcast_in_dim3A_45, %get3A_5, %broadcast_in_dim3A_46 : vector<512x128xi1>, vector<512x128xf32>
    %reduce_max3A_48 = arith.constant dense<0xFF800000> : vector<128xf32>
    %reduce_max3A_49 = vector.multi_reduction <maximumf>, %select_n3A_47, %reduce_max3A_48 [0] : vector<512x128xf32> to vector<128xf32>
    %broadcast_in_dim3A_50 = vector.shape_cast %reduce_max3A_49 : vector<128xf32> to vector<1x128xf32>
    %eq3A_51 = arith.constant 1 : i32
    %eq3A_52 = vector.broadcast %eq3A_51 : i32 to vector<512x1xi32>
    %eq3A_53 = arith.cmpi eq, %get3A_11, %eq3A_52 : vector<512x1xi32>
    %jit3A_54 = arith.constant 0x7F800000 : f32
    %broadcast_in_dim3A_55 = vector.shape_cast %eq3A_53 : vector<512x1xi1> to vector<512x1xi1>
    %broadcast_in_dim3A_56 = vector.broadcast %broadcast_in_dim3A_55 : vector<512x1xi1> to vector<512x128xi1>
    %broadcast_in_dim3A_57 = vector.broadcast %jit3A_54 : f32 to vector<512x128xf32>
    %select_n3A_58 = arith.select %broadcast_in_dim3A_56, %get3A_8, %broadcast_in_dim3A_57 : vector<512x128xi1>, vector<512x128xf32>
    %reduce_min3A_59 = arith.constant dense<0x7F800000> : vector<128xf32>
    %reduce_min3A_60 = vector.multi_reduction <minimumf>, %select_n3A_58, %reduce_min3A_59 [0] : vector<512x128xf32> to vector<128xf32>
    %broadcast_in_dim3A_61 = vector.shape_cast %reduce_min3A_60 : vector<128xf32> to vector<1x128xf32>
    %get3A_62 = arith.constant 1 : index
    %get3A_63 = arith.constant 0 : index
    %get3A_64 = vector.load %arg10[%get3A_62, %get3A_63] : memref<10x128xf32, #tpu.memory_space<vmem>>, vector<1x128xf32>
    %max3A_65 = arith.maximumf %get3A_64, %broadcast_in_dim3A_50 : vector<1x128xf32>
    %swap3A_66 = arith.constant 1 : index
    %swap3A_67 = arith.constant 0 : index
    %swap3A_68 = vector.load %arg10[%swap3A_66, %swap3A_67] : memref<10x128xf32, #tpu.memory_space<vmem>>, vector<1x128xf32>
    tpu.vector_store %arg10[%swap3A_66, %swap3A_67], %max3A_65 {strides = array<i32>} : memref<10x128xf32, #tpu.memory_space<vmem>>, vector<1x128xf32>,
    %get3A_69 = arith.constant 1 : index
    %get3A_70 = arith.constant 0 : index
    %get3A_71 = vector.load %arg11[%get3A_69, %get3A_70] : memref<10x128xf32, #tpu.memory_space<vmem>>, vector<1x128xf32>
    %min3A_72 = arith.minimumf %get3A_71, %broadcast_in_dim3A_61 : vector<1x128xf32>
    %swap3A_73 = arith.constant 1 : index
    %swap3A_74 = arith.constant 0 : index
    %swap3A_75 = vector.load %arg11[%swap3A_73, %swap3A_74] : memref<10x128xf32, #tpu.memory_space<vmem>>, vector<1x128xf32>
    tpu.vector_store %arg11[%swap3A_73, %swap3A_74], %min3A_72 {strides = array<i32>} : memref<10x128xf32, #tpu.memory_space<vmem>>, vector<1x128xf32>,
    %eq3A_76 = arith.constant 2 : i32
    %eq3A_77 = vector.broadcast %eq3A_76 : i32 to vector<512x1xi32>
    %eq3A_78 = arith.cmpi eq, %get3A_11, %eq3A_77 : vector<512x1xi32>
    %jit3A_79 = arith.constant 0xFF800000 : f32
    %broadcast_in_dim3A_80 = vector.shape_cast %eq3A_78 : vector<512x1xi1> to vector<512x1xi1>
    %broadcast_in_dim3A_81 = vector.broadcast %broadcast_in_dim3A_80 : vector<512x1xi1> to vector<512x128xi1>
    %broadcast_in_dim3A_82 = vector.broadcast %jit3A_79 : f32 to vector<512x128xf32>
    %select_n3A_83 = arith.select %broadcast_in_dim3A_81, %get3A_5, %broadcast_in_dim3A_82 : vector<512x128xi1>, vector<512x128xf32>
    %reduce_max3A_84 = arith.constant dense<0xFF800000> : vector<128xf32>
    %reduce_max3A_85 = vector.multi_reduction <maximumf>, %select_n3A_83, %reduce_max3A_84 [0] : vector<512x128xf32> to vector<128xf32>
    %broadcast_in_dim3A_86 = vector.shape_cast %reduce_max3A_85 : vector<128xf32> to vector<1x128xf32>
    %eq3A_87 = arith.constant 2 : i32
    %eq3A_88 = vector.broadcast %eq3A_87 : i32 to vector<512x1xi32>
    %eq3A_89 = arith.cmpi eq, %get3A_11, %eq3A_88 : vector<512x1xi32>
    %jit3A_90 = arith.constant 0x7F800000 : f32
    %broadcast_in_dim3A_91 = vector.shape_cast %eq3A_89 : vector<512x1xi1> to vector<512x1xi1>
    %broadcast_in_dim3A_92 = vector.broadcast %broadcast_in_dim3A_91 : vector<512x1xi1> to vector<512x128xi1>
    %broadcast_in_dim3A_93 = vector.broadcast %jit3A_90 : f32 to vector<512x128xf32>
    %select_n3A_94 = arith.select %broadcast_in_dim3A_92, %get3A_8, %broadcast_in_dim3A_93 : vector<512x128xi1>, vector<512x128xf32>
    %reduce_min3A_95 = arith.constant dense<0x7F800000> : vector<128xf32>
    %reduce_min3A_96 = vector.multi_reduction <minimumf>, %select_n3A_94, %reduce_min3A_95 [0] : vector<512x128xf32> to vector<128xf32>
    %broadcast_in_dim3A_97 = vector.shape_cast %reduce_min3A_96 : vector<128xf32> to vector<1x128xf32>
    %get3A_98 = arith.constant 2 : index
    %get3A_99 = arith.constant 0 : index
    %get3A_100 = vector.load %arg10[%get3A_98, %get3A_99] : memref<10x128xf32, #tpu.memory_space<vmem>>, vector<1x128xf32>
    %max3A_101 = arith.maximumf %get3A_100, %broadcast_in_dim3A_86 : vector<1x128xf32>
    %swap3A_102 = arith.constant 2 : index
    %swap3A_103 = arith.constant 0 : index
    %swap3A_104 = vector.load %arg10[%swap3A_102, %swap3A_103] : memref<10x128xf32, #tpu.memory_space<vmem>>, vector<1x128xf32>
    tpu.vector_store %arg10[%swap3A_102, %swap3A_103], %max3A_101 {strides = array<i32>} : memref<10x128xf32, #tpu.memory_space<vmem>>, vector<1x128xf32>,
    %get3A_105 = arith.constant 2 : index
    %get3A_106 = arith.constant 0 : index
    %get3A_107 = vector.load %arg11[%get3A_105, %get3A_106] : memref<10x128xf32, #tpu.memory_space<vmem>>, vector<1x128xf32>
    %min3A_108 = arith.minimumf %get3A_107, %broadcast_in_dim3A_97 : vector<1x128xf32>
    %swap3A_109 = arith.constant 2 : index
    %swap3A_110 = arith.constant 0 : index
    %swap3A_111 = vector.load %arg11[%swap3A_109, %swap3A_110] : memref<10x128xf32, #tpu.memory_space<vmem>>, vector<1x128xf32>
    tpu.vector_store %arg11[%swap3A_109, %swap3A_110], %min3A_108 {strides = array<i32>} : memref<10x128xf32, #tpu.memory_space<vmem>>, vector<1x128xf32>,
    %eq3A_112 = arith.constant 3 : i32
    %eq3A_113 = vector.broadcast %eq3A_112 : i32 to vector<512x1xi32>
    %eq3A_114 = arith.cmpi eq, %get3A_11, %eq3A_113 : vector<512x1xi32>
    %jit3A_115 = arith.constant 0xFF800000 : f32
    %broadcast_in_dim3A_116 = vector.shape_cast %eq3A_114 : vector<512x1xi1> to vector<512x1xi1>
    %broadcast_in_dim3A_117 = vector.broadcast %broadcast_in_dim3A_116 : vector<512x1xi1> to vector<512x128xi1>
    %broadcast_in_dim3A_118 = vector.broadcast %jit3A_115 : f32 to vector<512x128xf32>
    %select_n3A_119 = arith.select %broadcast_in_dim3A_117, %get3A_5, %broadcast_in_dim3A_118 : vector<512x128xi1>, vector<512x128xf32>
    %reduce_max3A_120 = arith.constant dense<0xFF800000> : vector<128xf32>
    %reduce_max3A_121 = vector.multi_reduction <maximumf>, %select_n3A_119, %reduce_max3A_120 [0] : vector<512x128xf32> to vector<128xf32>
    %broadcast_in_dim3A_122 = vector.shape_cast %reduce_max3A_121 : vector<128xf32> to vector<1x128xf32>
    %eq3A_123 = arith.constant 3 : i32
    %eq3A_124 = vector.broadcast %eq3A_123 : i32 to vector<512x1xi32>
    %eq3A_125 = arith.cmpi eq, %get3A_11, %eq3A_124 : vector<512x1xi32>
    %jit3A_126 = arith.constant 0x7F800000 : f32
    %broadcast_in_dim3A_127 = vector.shape_cast %eq3A_125 : vector<512x1xi1> to vector<512x1xi1>
    %broadcast_in_dim3A_128 = vector.broadcast %broadcast_in_dim3A_127 : vector<512x1xi1> to vector<512x128xi1>
    %broadcast_in_dim3A_129 = vector.broadcast %jit3A_126 : f32 to vector<512x128xf32>
    %select_n3A_130 = arith.select %broadcast_in_dim3A_128, %get3A_8, %broadcast_in_dim3A_129 : vector<512x128xi1>, vector<512x128xf32>
    %reduce_min3A_131 = arith.constant dense<0x7F800000> : vector<128xf32>
    %reduce_min3A_132 = vector.multi_reduction <minimumf>, %select_n3A_130, %reduce_min3A_131 [0] : vector<512x128xf32> to vector<128xf32>
    %broadcast_in_dim3A_133 = vector.shape_cast %reduce_min3A_132 : vector<128xf32> to vector<1x128xf32>
    %get3A_134 = arith.constant 3 : index
    %get3A_135 = arith.constant 0 : index
    %get3A_136 = vector.load %arg10[%get3A_134, %get3A_135] : memref<10x128xf32, #tpu.memory_space<vmem>>, vector<1x128xf32>
    %max3A_137 = arith.maximumf %get3A_136, %broadcast_in_dim3A_122 : vector<1x128xf32>
    %swap3A_138 = arith.constant 3 : index
    %swap3A_139 = arith.constant 0 : index
    %swap3A_140 = vector.load %arg10[%swap3A_138, %swap3A_139] : memref<10x128xf32, #tpu.memory_space<vmem>>, vector<1x128xf32>
    tpu.vector_store %arg10[%swap3A_138, %swap3A_139], %max3A_137 {strides = array<i32>} : memref<10x128xf32, #tpu.memory_space<vmem>>, vector<1x128xf32>,
    %get3A_141 = arith.constant 3 : index
    %get3A_142 = arith.constant 0 : index
    %get3A_143 = vector.load %arg11[%get3A_141, %get3A_142] : memref<10x128xf32, #tpu.memory_space<vmem>>, vector<1x128xf32>
    %min3A_144 = arith.minimumf %get3A_143, %broadcast_in_dim3A_133 : vector<1x128xf32>
    %swap3A_145 = arith.constant 3 : index
    %swap3A_146 = arith.constant 0 : index
    %swap3A_147 = vector.load %arg11[%swap3A_145, %swap3A_146] : memref<10x128xf32, #tpu.memory_space<vmem>>, vector<1x128xf32>
    tpu.vector_store %arg11[%swap3A_145, %swap3A_146], %min3A_144 {strides = array<i32>} : memref<10x128xf32, #tpu.memory_space<vmem>>, vector<1x128xf32>,
    %eq3A_148 = arith.constant 4 : i32
    %eq3A_149 = vector.broadcast %eq3A_148 : i32 to vector<512x1xi32>
    %eq3A_150 = arith.cmpi eq, %get3A_11, %eq3A_149 : vector<512x1xi32>
    %jit3A_151 = arith.constant 0xFF800000 : f32
    %broadcast_in_dim3A_152 = vector.shape_cast %eq3A_150 : vector<512x1xi1> to vector<512x1xi1>
    %broadcast_in_dim3A_153 = vector.broadcast %broadcast_in_dim3A_152 : vector<512x1xi1> to vector<512x128xi1>
    %broadcast_in_dim3A_154 = vector.broadcast %jit3A_151 : f32 to vector<512x128xf32>
    %select_n3A_155 = arith.select %broadcast_in_dim3A_153, %get3A_5, %broadcast_in_dim3A_154 : vector<512x128xi1>, vector<512x128xf32>
    %reduce_max3A_156 = arith.constant dense<0xFF800000> : vector<128xf32>
    %reduce_max3A_157 = vector.multi_reduction <maximumf>, %select_n3A_155, %reduce_max3A_156 [0] : vector<512x128xf32> to vector<128xf32>
    %broadcast_in_dim3A_158 = vector.shape_cast %reduce_max3A_157 : vector<128xf32> to vector<1x128xf32>
    %eq3A_159 = arith.constant 4 : i32
    %eq3A_160 = vector.broadcast %eq3A_159 : i32 to vector<512x1xi32>
    %eq3A_161 = arith.cmpi eq, %get3A_11, %eq3A_160 : vector<512x1xi32>
    %jit3A_162 = arith.constant 0x7F800000 : f32
    %broadcast_in_dim3A_163 = vector.shape_cast %eq3A_161 : vector<512x1xi1> to vector<512x1xi1>
    %broadcast_in_dim3A_164 = vector.broadcast %broadcast_in_dim3A_163 : vector<512x1xi1> to vector<512x128xi1>
    %broadcast_in_dim3A_165 = vector.broadcast %jit3A_162 : f32 to vector<512x128xf32>
    %select_n3A_166 = arith.select %broadcast_in_dim3A_164, %get3A_8, %broadcast_in_dim3A_165 : vector<512x128xi1>, vector<512x128xf32>
    %reduce_min3A_167 = arith.constant dense<0x7F800000> : vector<128xf32>
    %reduce_min3A_168 = vector.multi_reduction <minimumf>, %select_n3A_166, %reduce_min3A_167 [0] : vector<512x128xf32> to vector<128xf32>
    %broadcast_in_dim3A_169 = vector.shape_cast %reduce_min3A_168 : vector<128xf32> to vector<1x128xf32>
    %get3A_170 = arith.constant 4 : index
    %get3A_171 = arith.constant 0 : index
    %get3A_172 = vector.load %arg10[%get3A_170, %get3A_171] : memref<10x128xf32, #tpu.memory_space<vmem>>, vector<1x128xf32>
    %max3A_173 = arith.maximumf %get3A_172, %broadcast_in_dim3A_158 : vector<1x128xf32>
    %swap3A_174 = arith.constant 4 : index
    %swap3A_175 = arith.constant 0 : index
    %swap3A_176 = vector.load %arg10[%swap3A_174, %swap3A_175] : memref<10x128xf32, #tpu.memory_space<vmem>>, vector<1x128xf32>
    tpu.vector_store %arg10[%swap3A_174, %swap3A_175], %max3A_173 {strides = array<i32>} : memref<10x128xf32, #tpu.memory_space<vmem>>, vector<1x128xf32>,
    %get3A_177 = arith.constant 4 : index
    %get3A_178 = arith.constant 0 : index
    %get3A_179 = vector.load %arg11[%get3A_177, %get3A_178] : memref<10x128xf32, #tpu.memory_space<vmem>>, vector<1x128xf32>
    %min3A_180 = arith.minimumf %get3A_179, %broadcast_in_dim3A_169 : vector<1x128xf32>
    %swap3A_181 = arith.constant 4 : index
    %swap3A_182 = arith.constant 0 : index
    %swap3A_183 = vector.load %arg11[%swap3A_181, %swap3A_182] : memref<10x128xf32, #tpu.memory_space<vmem>>, vector<1x128xf32>
    tpu.vector_store %arg11[%swap3A_181, %swap3A_182], %min3A_180 {strides = array<i32>} : memref<10x128xf32, #tpu.memory_space<vmem>>, vector<1x128xf32>,
    %eq3A_184 = arith.constant 5 : i32
    %eq3A_185 = vector.broadcast %eq3A_184 : i32 to vector<512x1xi32>
    %eq3A_186 = arith.cmpi eq, %get3A_11, %eq3A_185 : vector<512x1xi32>
    %jit3A_187 = arith.constant 0xFF800000 : f32
    %broadcast_in_dim3A_188 = vector.shape_cast %eq3A_186 : vector<512x1xi1> to vector<512x1xi1>
    %broadcast_in_dim3A_189 = vector.broadcast %broadcast_in_dim3A_188 : vector<512x1xi1> to vector<512x128xi1>
    %broadcast_in_dim3A_190 = vector.broadcast %jit3A_187 : f32 to vector<512x128xf32>
    %select_n3A_191 = arith.select %broadcast_in_dim3A_189, %get3A_5, %broadcast_in_dim3A_190 : vector<512x128xi1>, vector<512x128xf32>
    %reduce_max3A_192 = arith.constant dense<0xFF800000> : vector<128xf32>
    %reduce_max3A_193 = vector.multi_reduction <maximumf>, %select_n3A_191, %reduce_max3A_192 [0] : vector<512x128xf32> to vector<128xf32>
    %broadcast_in_dim3A_194 = vector.shape_cast %reduce_max3A_193 : vector<128xf32> to vector<1x128xf32>
    %eq3A_195 = arith.constant 5 : i32
    %eq3A_196 = vector.broadcast %eq3A_195 : i32 to vector<512x1xi32>
    %eq3A_197 = arith.cmpi eq, %get3A_11, %eq3A_196 : vector<512x1xi32>
    %jit3A_198 = arith.constant 0x7F800000 : f32
    %broadcast_in_dim3A_199 = vector.shape_cast %eq3A_197 : vector<512x1xi1> to vector<512x1xi1>
    %broadcast_in_dim3A_200 = vector.broadcast %broadcast_in_dim3A_199 : vector<512x1xi1> to vector<512x128xi1>
    %broadcast_in_dim3A_201 = vector.broadcast %jit3A_198 : f32 to vector<512x128xf32>
    %select_n3A_202 = arith.select %broadcast_in_dim3A_200, %get3A_8, %broadcast_in_dim3A_201 : vector<512x128xi1>, vector<512x128xf32>
    %reduce_min3A_203 = arith.constant dense<0x7F800000> : vector<128xf32>
    %reduce_min3A_204 = vector.multi_reduction <minimumf>, %select_n3A_202, %reduce_min3A_203 [0] : vector<512x128xf32> to vector<128xf32>
    %broadcast_in_dim3A_205 = vector.shape_cast %reduce_min3A_204 : vector<128xf32> to vector<1x128xf32>
    %get3A_206 = arith.constant 5 : index
    %get3A_207 = arith.constant 0 : index
    %get3A_208 = vector.load %arg10[%get3A_206, %get3A_207] : memref<10x128xf32, #tpu.memory_space<vmem>>, vector<1x128xf32>
    %max3A_209 = arith.maximumf %get3A_208, %broadcast_in_dim3A_194 : vector<1x128xf32>
    %swap3A_210 = arith.constant 5 : index
    %swap3A_211 = arith.constant 0 : index
    %swap3A_212 = vector.load %arg10[%swap3A_210, %swap3A_211] : memref<10x128xf32, #tpu.memory_space<vmem>>, vector<1x128xf32>
    tpu.vector_store %arg10[%swap3A_210, %swap3A_211], %max3A_209 {strides = array<i32>} : memref<10x128xf32, #tpu.memory_space<vmem>>, vector<1x128xf32>,
    %get3A_213 = arith.constant 5 : index
    %get3A_214 = arith.constant 0 : index
    %get3A_215 = vector.load %arg11[%get3A_213, %get3A_214] : memref<10x128xf32, #tpu.memory_space<vmem>>, vector<1x128xf32>
    %min3A_216 = arith.minimumf %get3A_215, %broadcast_in_dim3A_205 : vector<1x128xf32>
    %swap3A_217 = arith.constant 5 : index
    %swap3A_218 = arith.constant 0 : index
    %swap3A_219 = vector.load %arg11[%swap3A_217, %swap3A_218] : memref<10x128xf32, #tpu.memory_space<vmem>>, vector<1x128xf32>
    tpu.vector_store %arg11[%swap3A_217, %swap3A_218], %min3A_216 {strides = array<i32>} : memref<10x128xf32, #tpu.memory_space<vmem>>, vector<1x128xf32>,
    %eq3A_220 = arith.constant 6 : i32
    %eq3A_221 = vector.broadcast %eq3A_220 : i32 to vector<512x1xi32>
    %eq3A_222 = arith.cmpi eq, %get3A_11, %eq3A_221 : vector<512x1xi32>
    %jit3A_223 = arith.constant 0xFF800000 : f32
    %broadcast_in_dim3A_224 = vector.shape_cast %eq3A_222 : vector<512x1xi1> to vector<512x1xi1>
    %broadcast_in_dim3A_225 = vector.broadcast %broadcast_in_dim3A_224 : vector<512x1xi1> to vector<512x128xi1>
    %broadcast_in_dim3A_226 = vector.broadcast %jit3A_223 : f32 to vector<512x128xf32>
    %select_n3A_227 = arith.select %broadcast_in_dim3A_225, %get3A_5, %broadcast_in_dim3A_226 : vector<512x128xi1>, vector<512x128xf32>
    %reduce_max3A_228 = arith.constant dense<0xFF800000> : vector<128xf32>
    %reduce_max3A_229 = vector.multi_reduction <maximumf>, %select_n3A_227, %reduce_max3A_228 [0] : vector<512x128xf32> to vector<128xf32>
    %broadcast_in_dim3A_230 = vector.shape_cast %reduce_max3A_229 : vector<128xf32> to vector<1x128xf32>
    %eq3A_231 = arith.constant 6 : i32
    %eq3A_232 = vector.broadcast %eq3A_231 : i32 to vector<512x1xi32>
    %eq3A_233 = arith.cmpi eq, %get3A_11, %eq3A_232 : vector<512x1xi32>
    %jit3A_234 = arith.constant 0x7F800000 : f32
    %broadcast_in_dim3A_235 = vector.shape_cast %eq3A_233 : vector<512x1xi1> to vector<512x1xi1>
    %broadcast_in_dim3A_236 = vector.broadcast %broadcast_in_dim3A_235 : vector<512x1xi1> to vector<512x128xi1>
    %broadcast_in_dim3A_237 = vector.broadcast %jit3A_234 : f32 to vector<512x128xf32>
    %select_n3A_238 = arith.select %broadcast_in_dim3A_236, %get3A_8, %broadcast_in_dim3A_237 : vector<512x128xi1>, vector<512x128xf32>
    %reduce_min3A_239 = arith.constant dense<0x7F800000> : vector<128xf32>
    %reduce_min3A_240 = vector.multi_reduction <minimumf>, %select_n3A_238, %reduce_min3A_239 [0] : vector<512x128xf32> to vector<128xf32>
    %broadcast_in_dim3A_241 = vector.shape_cast %reduce_min3A_240 : vector<128xf32> to vector<1x128xf32>
    %get3A_242 = arith.constant 6 : index
    %get3A_243 = arith.constant 0 : index
    %get3A_244 = vector.load %arg10[%get3A_242, %get3A_243] : memref<10x128xf32, #tpu.memory_space<vmem>>, vector<1x128xf32>
    %max3A_245 = arith.maximumf %get3A_244, %broadcast_in_dim3A_230 : vector<1x128xf32>
    %swap3A_246 = arith.constant 6 : index
    %swap3A_247 = arith.constant 0 : index
    %swap3A_248 = vector.load %arg10[%swap3A_246, %swap3A_247] : memref<10x128xf32, #tpu.memory_space<vmem>>, vector<1x128xf32>
    tpu.vector_store %arg10[%swap3A_246, %swap3A_247], %max3A_245 {strides = array<i32>} : memref<10x128xf32, #tpu.memory_space<vmem>>, vector<1x128xf32>,
    %get3A_249 = arith.constant 6 : index
    %get3A_250 = arith.constant 0 : index
    %get3A_251 = vector.load %arg11[%get3A_249, %get3A_250] : memref<10x128xf32, #tpu.memory_space<vmem>>, vector<1x128xf32>
    %min3A_252 = arith.minimumf %get3A_251, %broadcast_in_dim3A_241 : vector<1x128xf32>
    %swap3A_253 = arith.constant 6 : index
    %swap3A_254 = arith.constant 0 : index
    %swap3A_255 = vector.load %arg11[%swap3A_253, %swap3A_254] : memref<10x128xf32, #tpu.memory_space<vmem>>, vector<1x128xf32>
    tpu.vector_store %arg11[%swap3A_253, %swap3A_254], %min3A_252 {strides = array<i32>} : memref<10x128xf32, #tpu.memory_space<vmem>>, vector<1x128xf32>,
    %eq3A_256 = arith.constant 7 : i32
    %eq3A_257 = vector.broadcast %eq3A_256 : i32 to vector<512x1xi32>
    %eq3A_258 = arith.cmpi eq, %get3A_11, %eq3A_257 : vector<512x1xi32>
    %jit3A_259 = arith.constant 0xFF800000 : f32
    %broadcast_in_dim3A_260 = vector.shape_cast %eq3A_258 : vector<512x1xi1> to vector<512x1xi1>
    %broadcast_in_dim3A_261 = vector.broadcast %broadcast_in_dim3A_260 : vector<512x1xi1> to vector<512x128xi1>
    %broadcast_in_dim3A_262 = vector.broadcast %jit3A_259 : f32 to vector<512x128xf32>
    %select_n3A_263 = arith.select %broadcast_in_dim3A_261, %get3A_5, %broadcast_in_dim3A_262 : vector<512x128xi1>, vector<512x128xf32>
    %reduce_max3A_264 = arith.constant dense<0xFF800000> : vector<128xf32>
    %reduce_max3A_265 = vector.multi_reduction <maximumf>, %select_n3A_263, %reduce_max3A_264 [0] : vector<512x128xf32> to vector<128xf32>
    %broadcast_in_dim3A_266 = vector.shape_cast %reduce_max3A_265 : vector<128xf32> to vector<1x128xf32>
    %eq3A_267 = arith.constant 7 : i32
    %eq3A_268 = vector.broadcast %eq3A_267 : i32 to vector<512x1xi32>
    %eq3A_269 = arith.cmpi eq, %get3A_11, %eq3A_268 : vector<512x1xi32>
    %jit3A_270 = arith.constant 0x7F800000 : f32
    %broadcast_in_dim3A_271 = vector.shape_cast %eq3A_269 : vector<512x1xi1> to vector<512x1xi1>
    %broadcast_in_dim3A_272 = vector.broadcast %broadcast_in_dim3A_271 : vector<512x1xi1> to vector<512x128xi1>
    %broadcast_in_dim3A_273 = vector.broadcast %jit3A_270 : f32 to vector<512x128xf32>
    %select_n3A_274 = arith.select %broadcast_in_dim3A_272, %get3A_8, %broadcast_in_dim3A_273 : vector<512x128xi1>, vector<512x128xf32>
    %reduce_min3A_275 = arith.constant dense<0x7F800000> : vector<128xf32>
    %reduce_min3A_276 = vector.multi_reduction <minimumf>, %select_n3A_274, %reduce_min3A_275 [0] : vector<512x128xf32> to vector<128xf32>
    %broadcast_in_dim3A_277 = vector.shape_cast %reduce_min3A_276 : vector<128xf32> to vector<1x128xf32>
    %get3A_278 = arith.constant 7 : index
    %get3A_279 = arith.constant 0 : index
    %get3A_280 = vector.load %arg10[%get3A_278, %get3A_279] : memref<10x128xf32, #tpu.memory_space<vmem>>, vector<1x128xf32>
    %max3A_281 = arith.maximumf %get3A_280, %broadcast_in_dim3A_266 : vector<1x128xf32>
    %swap3A_282 = arith.constant 7 : index
    %swap3A_283 = arith.constant 0 : index
    %swap3A_284 = vector.load %arg10[%swap3A_282, %swap3A_283] : memref<10x128xf32, #tpu.memory_space<vmem>>, vector<1x128xf32>
    tpu.vector_store %arg10[%swap3A_282, %swap3A_283], %max3A_281 {strides = array<i32>} : memref<10x128xf32, #tpu.memory_space<vmem>>, vector<1x128xf32>,
    %get3A_285 = arith.constant 7 : index
    %get3A_286 = arith.constant 0 : index
    %get3A_287 = vector.load %arg11[%get3A_285, %get3A_286] : memref<10x128xf32, #tpu.memory_space<vmem>>, vector<1x128xf32>
    %min3A_288 = arith.minimumf %get3A_287, %broadcast_in_dim3A_277 : vector<1x128xf32>
    %swap3A_289 = arith.constant 7 : index
    %swap3A_290 = arith.constant 0 : index
    %swap3A_291 = vector.load %arg11[%swap3A_289, %swap3A_290] : memref<10x128xf32, #tpu.memory_space<vmem>>, vector<1x128xf32>
    tpu.vector_store %arg11[%swap3A_289, %swap3A_290], %min3A_288 {strides = array<i32>} : memref<10x128xf32, #tpu.memory_space<vmem>>, vector<1x128xf32>,
    %eq3A_292 = arith.constant 8 : i32
    %eq3A_293 = vector.broadcast %eq3A_292 : i32 to vector<512x1xi32>
    %eq3A_294 = arith.cmpi eq, %get3A_11, %eq3A_293 : vector<512x1xi32>
    %jit3A_295 = arith.constant 0xFF800000 : f32
    %broadcast_in_dim3A_296 = vector.shape_cast %eq3A_294 : vector<512x1xi1> to vector<512x1xi1>
    %broadcast_in_dim3A_297 = vector.broadcast %broadcast_in_dim3A_296 : vector<512x1xi1> to vector<512x128xi1>
    %broadcast_in_dim3A_298 = vector.broadcast %jit3A_295 : f32 to vector<512x128xf32>
    %select_n3A_299 = arith.select %broadcast_in_dim3A_297, %get3A_5, %broadcast_in_dim3A_298 : vector<512x128xi1>, vector<512x128xf32>
    %reduce_max3A_300 = arith.constant dense<0xFF800000> : vector<128xf32>
    %reduce_max3A_301 = vector.multi_reduction <maximumf>, %select_n3A_299, %reduce_max3A_300 [0] : vector<512x128xf32> to vector<128xf32>
    %broadcast_in_dim3A_302 = vector.shape_cast %reduce_max3A_301 : vector<128xf32> to vector<1x128xf32>
    %eq3A_303 = arith.constant 8 : i32
    %eq3A_304 = vector.broadcast %eq3A_303 : i32 to vector<512x1xi32>
    %eq3A_305 = arith.cmpi eq, %get3A_11, %eq3A_304 : vector<512x1xi32>
    %jit3A_306 = arith.constant 0x7F800000 : f32
    %broadcast_in_dim3A_307 = vector.shape_cast %eq3A_305 : vector<512x1xi1> to vector<512x1xi1>
    %broadcast_in_dim3A_308 = vector.broadcast %broadcast_in_dim3A_307 : vector<512x1xi1> to vector<512x128xi1>
    %broadcast_in_dim3A_309 = vector.broadcast %jit3A_306 : f32 to vector<512x128xf32>
    %select_n3A_310 = arith.select %broadcast_in_dim3A_308, %get3A_8, %broadcast_in_dim3A_309 : vector<512x128xi1>, vector<512x128xf32>
    %reduce_min3A_311 = arith.constant dense<0x7F800000> : vector<128xf32>
    %reduce_min3A_312 = vector.multi_reduction <minimumf>, %select_n3A_310, %reduce_min3A_311 [0] : vector<512x128xf32> to vector<128xf32>
    %broadcast_in_dim3A_313 = vector.shape_cast %reduce_min3A_312 : vector<128xf32> to vector<1x128xf32>
    %get3A_314 = arith.constant 8 : index
    %get3A_315 = arith.constant 0 : index
    %get3A_316 = vector.load %arg10[%get3A_314, %get3A_315] : memref<10x128xf32, #tpu.memory_space<vmem>>, vector<1x128xf32>
    %max3A_317 = arith.maximumf %get3A_316, %broadcast_in_dim3A_302 : vector<1x128xf32>
    %swap3A_318 = arith.constant 8 : index
    %swap3A_319 = arith.constant 0 : index
    %swap3A_320 = vector.load %arg10[%swap3A_318, %swap3A_319] : memref<10x128xf32, #tpu.memory_space<vmem>>, vector<1x128xf32>
    tpu.vector_store %arg10[%swap3A_318, %swap3A_319], %max3A_317 {strides = array<i32>} : memref<10x128xf32, #tpu.memory_space<vmem>>, vector<1x128xf32>,
    %get3A_321 = arith.constant 8 : index
    %get3A_322 = arith.constant 0 : index
    %get3A_323 = vector.load %arg11[%get3A_321, %get3A_322] : memref<10x128xf32, #tpu.memory_space<vmem>>, vector<1x128xf32>
    %min3A_324 = arith.minimumf %get3A_323, %broadcast_in_dim3A_313 : vector<1x128xf32>
    %swap3A_325 = arith.constant 8 : index
    %swap3A_326 = arith.constant 0 : index
    %swap3A_327 = vector.load %arg11[%swap3A_325, %swap3A_326] : memref<10x128xf32, #tpu.memory_space<vmem>>, vector<1x128xf32>
    tpu.vector_store %arg11[%swap3A_325, %swap3A_326], %min3A_324 {strides = array<i32>} : memref<10x128xf32, #tpu.memory_space<vmem>>, vector<1x128xf32>,
    %eq3A_328 = arith.constant 9 : i32
    %eq3A_329 = vector.broadcast %eq3A_328 : i32 to vector<512x1xi32>
    %eq3A_330 = arith.cmpi eq, %get3A_11, %eq3A_329 : vector<512x1xi32>
    %jit3A_331 = arith.constant 0xFF800000 : f32
    %broadcast_in_dim3A_332 = vector.shape_cast %eq3A_330 : vector<512x1xi1> to vector<512x1xi1>
    %broadcast_in_dim3A_333 = vector.broadcast %broadcast_in_dim3A_332 : vector<512x1xi1> to vector<512x128xi1>
    %broadcast_in_dim3A_334 = vector.broadcast %jit3A_331 : f32 to vector<512x128xf32>
    %select_n3A_335 = arith.select %broadcast_in_dim3A_333, %get3A_5, %broadcast_in_dim3A_334 : vector<512x128xi1>, vector<512x128xf32>
    %reduce_max3A_336 = arith.constant dense<0xFF800000> : vector<128xf32>
    %reduce_max3A_337 = vector.multi_reduction <maximumf>, %select_n3A_335, %reduce_max3A_336 [0] : vector<512x128xf32> to vector<128xf32>
    %broadcast_in_dim3A_338 = vector.shape_cast %reduce_max3A_337 : vector<128xf32> to vector<1x128xf32>
    %eq3A_339 = arith.constant 9 : i32
    %eq3A_340 = vector.broadcast %eq3A_339 : i32 to vector<512x1xi32>
    %eq3A_341 = arith.cmpi eq, %get3A_11, %eq3A_340 : vector<512x1xi32>
    %jit3A_342 = arith.constant 0x7F800000 : f32
    %broadcast_in_dim3A_343 = vector.shape_cast %eq3A_341 : vector<512x1xi1> to vector<512x1xi1>
    %broadcast_in_dim3A_344 = vector.broadcast %broadcast_in_dim3A_343 : vector<512x1xi1> to vector<512x128xi1>
    %broadcast_in_dim3A_345 = vector.broadcast %jit3A_342 : f32 to vector<512x128xf32>
    %select_n3A_346 = arith.select %broadcast_in_dim3A_344, %get3A_8, %broadcast_in_dim3A_345 : vector<512x128xi1>, vector<512x128xf32>
    %reduce_min3A_347 = arith.constant dense<0x7F800000> : vector<128xf32>
    %reduce_min3A_348 = vector.multi_reduction <minimumf>, %select_n3A_346, %reduce_min3A_347 [0] : vector<512x128xf32> to vector<128xf32>
    %broadcast_in_dim3A_349 = vector.shape_cast %reduce_min3A_348 : vector<128xf32> to vector<1x128xf32>
    %get3A_350 = arith.constant 9 : index
    %get3A_351 = arith.constant 0 : index
    %get3A_352 = vector.load %arg10[%get3A_350, %get3A_351] : memref<10x128xf32, #tpu.memory_space<vmem>>, vector<1x128xf32>
    %max3A_353 = arith.maximumf %get3A_352, %broadcast_in_dim3A_338 : vector<1x128xf32>
    %swap3A_354 = arith.constant 9 : index
    %swap3A_355 = arith.constant 0 : index
    %swap3A_356 = vector.load %arg10[%swap3A_354, %swap3A_355] : memref<10x128xf32, #tpu.memory_space<vmem>>, vector<1x128xf32>
    tpu.vector_store %arg10[%swap3A_354, %swap3A_355], %max3A_353 {strides = array<i32>} : memref<10x128xf32, #tpu.memory_space<vmem>>, vector<1x128xf32>,
    %get3A_357 = arith.constant 9 : index
    %get3A_358 = arith.constant 0 : index
    %get3A_359 = vector.load %arg11[%get3A_357, %get3A_358] : memref<10x128xf32, #tpu.memory_space<vmem>>, vector<1x128xf32>
    %min3A_360 = arith.minimumf %get3A_359, %broadcast_in_dim3A_349 : vector<1x128xf32>
    %swap3A_361 = arith.constant 9 : index
    %swap3A_362 = arith.constant 0 : index
    %swap3A_363 = vector.load %arg11[%swap3A_361, %swap3A_362] : memref<10x128xf32, #tpu.memory_space<vmem>>, vector<1x128xf32>
    tpu.vector_store %arg11[%swap3A_361, %swap3A_362], %min3A_360 {strides = array<i32>} : memref<10x128xf32, #tpu.memory_space<vmem>>, vector<1x128xf32>,
    %eq3A_364 = arith.constant 19 : i32
    %eq3A_365 = arith.cmpi eq, %arg0, %eq3A_364 : i32
    %convert_element_type3A_366 = arith.extui %eq3A_365 : i1 to i32
    %cond3A_367 = arith.constant 0 : i32
    %cond3A_368 = arith.cmpi ne, %convert_element_type3A_366, %cond3A_367 : i32
    scf.if %cond3A_368 {
      %get3A_369 = arith.constant 0 : index
      %get3A_370 = arith.constant 0 : index
      %get3A_371 = vector.load %arg6[%get3A_369, %get3A_370] : memref<1x128xf32, #tpu.memory_space<vmem>>, vector<1x128xf32>
      %get3A_372 = arith.constant 0 : index
      %get3A_373 = arith.constant 0 : index
      %get3A_374 = vector.load %arg5[%get3A_372, %get3A_373] : memref<1x128xf32, #tpu.memory_space<vmem>>, vector<1x128xf32>
      %mul3A = arith.mulf %get3A_371, %get3A_374 : vector<1x128xf32>
      %ge3A = arith.constant 0.000000e+00 : f32
      %ge3A_375 = vector.broadcast %ge3A : f32 to vector<1x128xf32>
      %ge3A_376 = arith.cmpf oge, %mul3A, %ge3A_375 : vector<1x128xf32>
      %get3A_377 = arith.constant 0 : index
      %get3A_378 = arith.constant 0 : index
      %get3A_379 = vector.load %arg10[%get3A_377, %get3A_378] : memref<10x128xf32, #tpu.memory_space<vmem>>, vector<10x128xf32>
      %get3A_380 = arith.constant 0 : index
      %get3A_381 = arith.constant 0 : index
      %get3A_382 = vector.load %arg11[%get3A_380, %get3A_381] : memref<10x128xf32, #tpu.memory_space<vmem>>, vector<10x128xf32>
      %broadcast_in_dim3A_383 = vector.shape_cast %ge3A_376 : vector<1x128xi1> to vector<1x128xi1>
      %broadcast_in_dim3A_384 = vector.broadcast %broadcast_in_dim3A_383 : vector<1x128xi1> to vector<10x128xi1>
      %select_n3A_385 = arith.select %broadcast_in_dim3A_384, %get3A_379, %get3A_382 : vector<10x128xi1>, vector<10x128xf32>
      %get3A_386 = arith.constant 0 : index
      %get3A_387 = arith.constant 0 : index
      %get3A_388 = vector.load %arg4[%get3A_386, %get3A_387] : memref<1x128xf32, #tpu.memory_space<vmem>>, vector<1x128xf32>
      %sub3A = vector.broadcast %get3A_388 : vector<1x128xf32> to vector<10x128xf32>
      %sub3A_389 = arith.subf %select_n3A_385, %sub3A : vector<10x128xf32>
      %mul3A_390 = vector.broadcast %get3A_371 : vector<1x128xf32> to vector<10x128xf32>
      %mul3A_391 = arith.mulf %mul3A_390, %sub3A_389 : vector<10x128xf32>
      %mul3A_392 = vector.broadcast %get3A_374 : vector<1x128xf32> to vector<10x128xf32>
      %mul3A_393 = arith.mulf %mul3A_391, %mul3A_392 : vector<10x128xf32>
      %get3A_394 = arith.constant 0 : index
      %get3A_395 = arith.constant 0 : index
      %get3A_396 = vector.load %arg7[%get3A_394, %get3A_395] : memref<1x128xf32, #tpu.memory_space<vmem>>, vector<1x128xf32>
      %add3A = vector.broadcast %get3A_396 : vector<1x128xf32> to vector<10x128xf32>
      %add3A_397 = arith.addf %mul3A_393, %add3A : vector<10x128xf32>
      %get3A_398 = arith.constant 0 : index
      %get3A_399 = arith.constant 0 : index
      %get3A_400 = vector.load %arg8[%get3A_398, %get3A_399] : memref<128x2xf32, #tpu.memory_space<vmem>>, vector<128x2xf32>
      %dot_general3A = arith.constant dense<0.000000e+00> : vector<10x2xf32>
      %dot_general3A_401 = tpu.matmul %add3A_397, %get3A_400, %dot_general3A {dimension_numbers = #tpu.dot_dimension_numbers<[1], [0], [0], [1], [0, 0, 1, 1], [], []>, transpose_lhs_hint = false} : vector<10x128xf32>, vector<128x2xf32>, vector<10x2xf32> -> vector<10x2xf32>
      %get3A_402 = arith.constant 0 : index
      %get3A_403 = arith.constant 0 : index
      %get3A_404 = vector.load %arg9[%get3A_402, %get3A_403] : memref<1x2xf32, #tpu.memory_space<vmem>>, vector<1x2xf32>
      %add3A_405 = vector.broadcast %get3A_404 : vector<1x2xf32> to vector<10x2xf32>
      %add3A_406 = arith.addf %dot_general3A_401, %add3A_405 : vector<10x2xf32>
      %swap3A_407 = arith.constant 0 : index
      %swap3A_408 = arith.constant 0 : index
      %swap3A_409 = vector.load %arg12[%swap3A_407, %swap3A_408] : memref<10x2xf32, #tpu.memory_space<vmem>>, vector<10x2xf32>
      tpu.vector_store %arg12[%swap3A_407, %swap3A_408], %add3A_406 {strides = array<i32>} : memref<10x2xf32, #tpu.memory_space<vmem>>, vector<10x2xf32>,
    } else {
    }
    return
  }
  func.func @transform_0(%arg0: i32) -> (i32, i32) {
    %c0_i32 = arith.constant 0 : i32
    %c0_i32_0 = arith.constant 0 : i32
    return %arg0, %c0_i32 : i32, i32
  }
  func.func @transform_1(%arg0: i32) -> (i32, i32) {
    %c0_i32 = arith.constant 0 : i32
    %c0_i32_0 = arith.constant 0 : i32
    return %arg0, %c0_i32 : i32, i32
  }
  func.func @transform_2(%arg0: i32) -> (i32, i32) {
    %c0_i32 = arith.constant 0 : i32
    %c0_i32_0 = arith.constant 0 : i32
    return %arg0, %c0_i32 : i32, i32
  }
  func.func @transform_3(%arg0: i32) -> (i32, i32) {
    %c0_i32 = arith.constant 0 : i32
    %c0_i32_0 = arith.constant 0 : i32
    %c0_i32_1 = arith.constant 0 : i32
    return %c0_i32, %c0_i32_0 : i32, i32
  }
  func.func @transform_4(%arg0: i32) -> (i32, i32) {
    %c0_i32 = arith.constant 0 : i32
    %c0_i32_0 = arith.constant 0 : i32
    %c0_i32_1 = arith.constant 0 : i32
    return %c0_i32, %c0_i32_0 : i32, i32
  }
  func.func @transform_5(%arg0: i32) -> (i32, i32) {
    %c0_i32 = arith.constant 0 : i32
    %c0_i32_0 = arith.constant 0 : i32
    %c0_i32_1 = arith.constant 0 : i32
    return %c0_i32, %c0_i32_0 : i32, i32
  }
  func.func @transform_6(%arg0: i32) -> (i32, i32) {
    %c0_i32 = arith.constant 0 : i32
    %c0_i32_0 = arith.constant 0 : i32
    %c0_i32_1 = arith.constant 0 : i32
    return %c0_i32, %c0_i32_0 : i32, i32
  }
  func.func @transform_7(%arg0: i32) -> (i32, i32) {
    %c0_i32 = arith.constant 0 : i32
    %c0_i32_0 = arith.constant 0 : i32
    %c0_i32_1 = arith.constant 0 : i32
    return %c0_i32, %c0_i32_0 : i32, i32
  }
  func.func @transform_8(%arg0: i32) -> (i32, i32) {
    %c0_i32 = arith.constant 0 : i32
    %c0_i32_0 = arith.constant 0 : i32
    %c0_i32_1 = arith.constant 0 : i32
    return %c0_i32, %c0_i32_0 : i32, i32
  }
  func.func @transform_9(%arg0: i32) -> (i32, i32) {
    %c0_i32 = arith.constant 0 : i32
    %c0_i32_0 = arith.constant 0 : i32
    %c0_i32_1 = arith.constant 0 : i32
    return %c0_i32, %c0_i32_0 : i32, i32
  }
  func.func @transform_10(%arg0: i32) -> (i32, i32) {
    %c0_i32 = arith.constant 0 : i32
    %c0_i32_0 = arith.constant 0 : i32
    %c0_i32_1 = arith.constant 0 : i32
    return %c0_i32, %c0_i32_0 : i32, i32
  }
  func.func @transform_11(%arg0: i32) -> (i32, i32) {
    %c0_i32 = arith.constant 0 : i32
    %c0_i32_0 = arith.constant 0 : i32
    %c0_i32_1 = arith.constant 0 : i32
    return %c0_i32, %c0_i32_0 : i32, i32
  }
}

</mosaic_0001>

<sc_bundles>
// kernel: kernel.16.cloned.1.call-start
scs
__scs_entry_jumppad:
0x0: {  	(pc) =	sbr.rel $0x88, $3  }
0x1: {  	(tag) =	ssettag $0x0;
	lr =	simm.s32 $0x1  }
0x2: {  	[smem:$0x3F8D] =	sst lr;
	_ =	strace $0xD0000000  }
0x3: {  	_ = 	snop  }
0x4: {  	_ = 	snop  }
0x5: {  	_ = 	snop  }
0x6: {  	_ = 	snop  }
0x7: {  	_ = 	snop  }
__scs_overlays_trampoline_lowered:
0x8: {  	[smem:$0x3F9C] =	sst s0  }
0x9: {  	[smem:$0x3F9D] =	sst s1  }
0xa: {  	[smem:$0x3F9E] =	sst s2  }
0xb: {  	[smem:$0x3F9F] =	sst s3  }
0xc: {  	[smem:$0x3FA0] =	sst s4  }
0xd: {  	[smem:$0x3FA1] =	sst s5  }
0xe: {  	[smem:$0x3FA2] =	sst s6  }
0xf: {  	[smem:$0x3FA3] =	sst s7  }
0x10: {  	[smem:$0x3FA4] =	sst s8  }
0x11: {  	[smem:$0x3FA5] =	sst s9;
	s0 =	simm.s32 @!p0 $0x0  }
0x12: {  	s1 =	sld [smem:$0x3F8B];
	s0 =	simm.s32 @p0 $0x1  }
0x13: {  	[smem:$0x3FA6] =	sst s0;
	s0 =	simm.s32 @!p1 $0x0  }
0x14: {  	s2 =	sld [smem:$0x3F8A];
	s0 =	simm.s32 @p1 $0x1  }
0x15: {  	[smem:$0x3FA7] =	sst s0;
	s0 =	simm.s32 @!p2 $0x0  }
0x16: {  	s3 =	sld [smem:$0x3FDB];
	s0 =	simm.s32 @p2 $0x1  }
0x17: {  	s4 =	simm.s32 $0x1BF5;
	[smem:$0x3FA9] =	sst s0  }
0x18: {  	s0 =	sld [smem:$0x3F8C];
	_ =	swait.ge [sflag:s4], $0x0  }
0x19: {  	s7 =	sld [smem:$0x3F8D]  }
0x1a: {  	s8 =	sadd.s32 $0xFFFFE003, lr  }
0x1b: {  	s9 =	sadd.s32 $0xFFFFFEF7, lr;
	s5 =	simm.s32 $0xFFFFFFFF;
	p2 =	slt.u32 s8, $0xFFFFF086  }
0x1c: {  	p1 =	slt.u32 s9, $0xF7A;
	s5 =	simm.s32 @!p2 $0x0  }
0x1d: {  	s5 =	simm.s32 @p1 $0x1;
	p0 =	seq.s32 s7, s2  }
0x1e: {  	s7 =	smul.u32 @!p0 $0xF7A, s2;
	p2 =	seq.s32 @!p0 s5, $0x0  }
0x1f: {  	s9 =	smul.u32 $0xF7A, s1;
	s8 =	simm.s32 @!p0 $0x1BF5;
	p2 =	por !p2, p0  }
0x20: {  	[sflag:s8] =	ssyncset.s32 @!p0 $0xFFFFF086;
	s6 =	sadd.s32 @!p0 s3, s7;
	s7 =	simm.s32 @!p0 $0x108  }
0x21: {  	s3 =	sadd.s32 s3, s9;
	s6 =	sadd.s32 @!p0 $0x88, s6;
	s7 =	simm.s32 @p2 $0x1082  }
0x22: {  	[simem:s7], [sflag:s8] =	dma.local @!p0 [hbm:s6], $0xF7A  }
0x23: {  	s9 =	sor.u32 $0xD0000000, s2;
	s6 =	simm.s32 $0x108;
	_ =	swait.ge @!p0 [sflag:s8], $0x0  }
0x24: {  	s3 =	sadd.s32 $0x88, s3;
	s6 =	simm.s32 @!p1 $0x1082;
	[sflag:s4] =	ssyncset.s32 $0xFFFFF086  }
0x25: {  	[simem:s6], [sflag:s4] =	dma.local [hbm:s3], $0xF7A  }
0x26: {  	[smem:$0x3F8D] =	sst s1;
	(tag) =	ssettag s2;
	_ =	strace s9  }
0x27: {  	s1 =	sld [smem:$0x3F9D]  }
0x28: {  	s2 =	sld [smem:$0x3F9E]  }
0x29: {  	s4 =	sld [smem:$0x3FA0]  }
0x2a: {  	p0 =	seq.s32 s5, $0x0;
	s5 =	sld [smem:$0x3FA1]  }
0x2b: {  	s6 =	sld [smem:$0x3FA2]  }
0x2c: {  	s7 =	sld [smem:$0x3FA3]  }
0x2d: {  	s3 =	simm.s32 $0x108;
	s8 =	sld [smem:$0x3FA4]  }
0x2e: {  	s3 =	simm.s32 @!p0 $0x1082;
	s9 =	sld [smem:$0x3FA5]  }
0x2f: {  	lr =	sadd.s32 s0, s3;
	s0 =	sld [smem:$0x3F9C]  }
0x30: {  	s3 =	sld [smem:$0x3F9F]  }
0x31: {  	[smem:$0x3FA8] =	sst s10  }
0x32: {  	s10 =	sld [smem:$0x3FA6];
	_ =	sdelay $0x3  }
0x33: {  	p0 =	seq.s32 s10, $0x1;
	s10 =	sld [smem:$0x3FA8];
	_ =	sdelay $0x3  }
0x34: {  	[smem:$0x3FA8] =	sst s10  }
0x35: {  	s10 =	sld [smem:$0x3FA7];
	_ =	sdelay $0x3  }
0x36: {  	p1 =	seq.s32 s10, $0x1;
	s10 =	sld [smem:$0x3FA8];
	_ =	sdelay $0x3  }
0x37: {  	[smem:$0x3FA8] =	sst s10  }
0x38: {  	s10 =	sld [smem:$0x3FA9]  }
0x39: {  	_ = 	snop;
	(pc) =	sbr.ind lr, $3  }
0x3a: {  	_ = 	snop  }
0x3b: {  	_ = 	snop  }
0x3c: {  	p2 =	seq.s32 s10, $0x1;
	s10 =	sld [smem:$0x3FA8]  }
0x3d: {  	_ =	shalt  }
0x3e: {  	_ =	shalt  }
0x3f: {  	_ =	shalt  }
0x40: {  	_ =	shalt  }
0x41: {  	_ =	shalt  }
0x42: {  	_ =	shalt  }
0x43: {  	_ =	shalt  }
0x44: {  	_ =	shalt  }
0x45: {  	_ =	shalt  }
0x46: {  	_ =	shalt  }
0x47: {  	_ =	shalt  }
0x48: {  	_ =	shalt  }
0x49: {  	_ =	shalt  }
0x4a: {  	_ =	shalt  }
0x4b: {  	_ =	shalt  }
0x4c: {  	_ =	shalt  }
0x4d: {  	_ =	shalt  }
0x4e: {  	_ =	shalt  }
0x4f: {  	_ =	shalt  }
0x50: {  	_ =	shalt  }
0x51: {  	_ =	shalt  }
0x52: {  	_ =	shalt  }
0x53: {  	_ =	shalt  }
0x54: {  	_ =	shalt  }
0x55: {  	_ =	shalt  }
0x56: {  	_ =	shalt  }
0x57: {  	_ =	shalt  }
0x58: {  	_ =	shalt  }
0x59: {  	_ =	shalt  }
0x5a: {  	_ =	shalt  }
0x5b: {  	_ =	shalt  }
0x5c: {  	_ =	shalt  }
0x5d: {  	_ =	shalt  }
0x5e: {  	_ =	shalt  }
0x5f: {  	_ =	shalt  }
0x60: {  	_ =	shalt  }
0x61: {  	_ =	shalt  }
0x62: {  	_ =	shalt  }
0x63: {  	_ =	shalt  }
0x64: {  	_ =	shalt  }
0x65: {  	_ =	shalt  }
0x66: {  	_ =	shalt  }
0x67: {  	_ =	shalt  }
0x68: {  	_ =	shalt  }
0x69: {  	_ =	shalt  }
0x6a: {  	_ =	shalt  }
0x6b: {  	_ =	shalt  }
0x6c: {  	_ =	shalt  }
0x6d: {  	_ =	shalt  }
0x6e: {  	_ =	shalt  }
0x6f: {  	_ =	shalt  }
0x70: {  	_ =	shalt  }
0x71: {  	_ =	shalt  }
0x72: {  	_ =	shalt  }
0x73: {  	_ =	shalt  }
0x74: {  	_ =	shalt  }
0x75: {  	_ =	shalt  }
0x76: {  	_ =	shalt  }
0x77: {  	_ =	shalt  }
0x78: {  	_ =	shalt  }
0x79: {  	_ =	shalt  }
0x7a: {  	_ =	shalt  }
0x7b: {  	_ =	shalt  }
0x7c: {  	_ =	shalt  }
0x7d: {  	_ =	shalt  }
0x7e: {  	_ =	shalt  }
0x7f: {  	_ =	shalt  }
0x80: {  	_ =	shalt  }
0x81: {  	_ =	shalt  }
0x82: {  	_ =	shalt  }
0x83: {  	_ =	shalt  }
0x84: {  	_ =	shalt  }
0x85: {  	_ =	shalt  }
0x86: {  	_ =	shalt  }
0x87: {  	_ =	shalt  }
.Lfunc_end0:
.L_simem_size_0:
called_computation_lowered:
.L_overlay_start_0:
0x88: {  	s2 =	sld [smem:$0x3FD9]  }
0x89: {  	s3 =	sld [smem:$0x3FFE];
	_ =	sdelay $0x1  }
0x8a: {  	s1 =	srdreg.scid  }
0x8b: {  	s0 =	sand.u32 $0x1, s1  }
0x8c: {  	s16 =	sshll.u32 s0, $0xA;
	s2 =	sadd.s32 s3, s2  }
0x8d: {  	s2 =	sadd.s32 s2, s16  }
0x8e: {  	[smem:$0x3FB4] =	sst s2  }
0x8f: {  	_ = 	snop  }
0x90: {  	(tm) =	ssettm $0x1  }
0x91: {  	s17 =	sld [smem:$0x3FFB];
	_ =	sdelay $0x3  }
0x92: {  	_ =	strace s17  }
0x93: {  	s2 =	sld [smem:$0x3FFC];
	_ =	sdelay $0x3  }
0x94: {  	_ =	strace s2  }
0x95: {  	s2 =	sld [smem:$0x3FFD];
	_ =	sdelay $0x3  }
0x96: {  	_ =	strace s2  }
0x97: {  	_ =	strace $0x8FFFFFFF  }
0x98: {  	s18 =	sld [smem:$0x3FDB];
	_ =	sdelay $0x1  }
0x99: {  	s19 =	simm.s32 $_scs_section_size  }
0x9a: {  	s4 =	simm.s32 $_size__tile_overlayer_lowered;
	s5 =	simm.s32 $_tile_overlayer_lowered  }
0x9b: {  	s22 =	simm.s32 $0x1BFF;
	s21 =	sshll.u32 s5, $0x1;
	s2 =	sadd.s32 s19, s18  }
0x9c: {  	s6 =	simm.s32 $0x0;
	s20 =	sshll.u32 s4, $0x1;
	s4 =	sadd.s32 s21, s2  }
0x9d: {  	[timem:s6], [sflag:s22] =	dma.local [hbm:s4], s20  }
0x9e: {  	_ =	swait.ge [sflag:s22], s20  }
0x9f: {  	s3 =	ssub.s32 $0x0, s20;
	[sflag:s22] =	ssyncset.done $0x0  }
0xa0: {  	[sflag:s22] =	ssyncadd.s32 s3;
	_ =	sdelay $0x1  }
0xa1: {  	s23 =	simm.s32 $0x1B8B  }
0xa2: {  	_ =	swait.ge [sflag:s23], $0x1  }
0xa3: {  	[sflag:s23] =	ssyncset.done $0x0  }
0xa4: {  	s25 =	simm.s32 $0x1B8E;
	s24 =	sld [smem:$0x3FFE];
	[sflag:s23] =	ssyncadd.s32 $0xFFFFFFFF  }
0xa5: {  	s26 =	simm.s32 $execute0_lowered;
	[smem:$0x3FD2] =	sst s25  }
0xa6: {  	s4 =	sshll.u32 s26, $0x1;
	_ =	strace $0x80000046;
	[dreg:$0x1] =	wrdreg $0xFFFFFFFF  }
0xa7: {  	s28 =	simm.s32 $_size_execute0_lowered;
	s2 =	sadd.s32 s2, s4;
	[dreg:$0x0] =	wrdreg $0x0  }
0xa8: {  	s4 =	sshll.u32 s28, $0x1;
	[dreg:$0x2] =	wrdreg s2  }
0xa9: {  	[dreg:$0x3] =	wrdreg s4  }
0xaa: {  	[dreg:$0x4] =	wrdreg $0xC0  }
0xab: {  	_ =	task [dreg:s6], $0x5FFFF  }
0xac: {  	[dreg:$0x1] =	wrdreg $0xFFFFFFFF  }
0xad: {  	[dreg:$0x0] =	wrdreg $0x60  }
0xae: {  	[dreg:$0x2] =	wrdreg s24  }
0xaf: {  	[dreg:$0x3] =	wrdreg $0x9  }
0xb0: {  	_ =	task.clear_ibuf [dreg:s6], $0x4FFFF;
	_ =	strace $0x90000046  }
0xb1: {  	s29 =	simm.s32 $0x9;
	_ =	strace $0x80000048  }
0xb2: {  	_ =	swait.ge [sflag:s29], $0x1  }
0xb3: {  	[sflag:s29] =	ssyncadd.s32 $0xFFFFFFFF  }
0xb4: {  	_ =	strace $0x90000048  }
0xb5: {  	_ =	sfence  }
0xb6: {  	s30 =	sld [smem:$0x0];
	_ =	sdelay $0x2  }
0xb7: {  	s31 =	sshll.u32 s1, $0xD;
	s1 =	sshrl.u32 s1, $0x2  }
0xb8: {  	s3 =	sand.u32 $0x4000, s31;
	s1 =	sadd.s32 s1, s30  }
0xb9: {  	s0 =	sor.u32 s3, s0;
	s1 =	sshll.u32 s1, $0x11  }
0xba: {  	s0 =	sor.u32 s1, s0  }
0xbb: {  	s0 =	sadd.s32 $0x8F2B, s0  }
0xbc: {  	[sflag:s0] =	ssyncadd.remote.s32 $0x1  }
0xbd: {  	_ =	sfence.sel $0xFFFF  }
0xbe: {  	[dreg:$0x0] =	wrdreg $0xFFFFFFFF;
	(pc) =	sbr.abs _section_cstart, $3  }
0xbf: {  	[dreg:$0x1] =	wrdreg $0xFFFFFFFF  }
0xc0: {  	_ =	task.clear_ibuf [dreg:s6], $0x2FFFF;
	_ =	strace $0x9FFFFFFF  }
0xc1: {  	(tm) =	ssettm $0x7FFFFFFF  }
tec
execute0_lowered:
.L_overlay_start_1:
0x0: {  	(tag) =	ssettag $0x1  }
0x1: {  	s1 =	srdreg.scid;
	s0 =	stileid.u32  }
0x2: {  	s6 =	sand.u32 $0x1, s1;
	s30 =	sshll.u32 s0, $0x1  }
0x3: {  	s8 =	rddreg [dreg:$0x0];
	s7 =	sor.u32 s6, s30  }
0x4: {  	s2 =	simm.s32 $0x0;
	s1 =	rddreg [dreg:$0x1];
	s3 =	smul.u32 $0x320, s7  }
0x5: {  	[smem:$0x7FF] =	sst s2;
	s5 =	sadd.s32 $0x32200, s8  }
0x6: {  	_ =	strace $0x80000047;
	s10 =	ssub.s32 $0x2, s6;
	s3 =	sadd.s32 s3, s8  }
0x7: {  	s6 =	simm.s32 $0x1900;
	s4 =	sadd.s32 $0x2BE00, s3;
	s3 =	simm.s32 $0x2  }
0x8: {  	[tilespmem:s2], [sflag:$0x2] =	stream.linear.gather [hbm4b:s4+s2], $0x1900, $0x38;
	[tilespmem:$0x1A900] =	vst v63  }
0x9: {  	s9 =	smul.u32 $0x3200, s7;
	s11 =	sshrl.u32 s10, $0x1;
	_ =	swait.ge [sflag:s3], $0x1900  }
0xa: {  	s7 =	simm.s32 $0x1;
	s31 =	ssub.s32 s10, s11;
	[sflag:s3] =	ssyncset.done $0x0  }
0xb: {  	s8 =	sadd.s32 s9, s8;
	s9 =	smax.u32 s31, $0x1;
	[sflag:s3] =	ssyncadd.s32 $0xFFFFE700  }
0xc: {  	[tilespmem:s6], [sflag:$0x1] =	stream.indirect.gather [hbm4b:s5+s6], $0x10, s2, s6, $0xb8;
	[tilespmem:$0x1A900] =	vst v63  }
0xd: {  	p0 =	sne.s32 s9, $0x1;
	_ =	swait.ge [sflag:s7], $0x19000  }
.Ltmp0:
0xe: {  	[sflag:s7] =	ssyncset.done $0x0;
	(pc) =	sbr.rel @!p0 .LBB2_2-.Ltmp0, $4  }
0xf: {  	s8 =	sadd.s32 $0x37200, s8;
	[sflag:s7] =	ssyncadd.s32 $0xFFFE7000  }
0x10: {  	[hbm4b:s8+s2] =	stream.linear.scatter [tilespmem:s6], [sflag:$0x2], $0x19000, $0x38;
	[tilespmem:$0x1A900] =	vst v63  }
0x11: {  	_ =	swait.ge [sflag:s3], $0x19000  }
0x12: {  	s9 =	sadd.s32 $0xFFFFFFFF, s9;
	[sflag:s3] =	ssyncset.done $0x0  }
.LBB2_1:
0x13: {  	p0 =	sne.s32 s9, $0x1;
	s9 =	sadd.s32 $0xFFFFFFFF, s9;
	[sflag:s3] =	ssyncadd.s32 $0xFFFE7000  }
0x14: {  	[tilespmem:s2], [sflag:$0x2] =	stream.linear.gather [hbm4b:s4+s2], $0x1900, $0x38;
	[tilespmem:$0x1A900] =	vst v63  }
0x15: {  	_ =	swait.ge [sflag:s3], $0x1900  }
0x16: {  	[sflag:s3] =	ssyncset.done $0x0  }
0x17: {  	[sflag:s3] =	ssyncadd.s32 $0xFFFFE700  }
0x18: {  	[tilespmem:s6], [sflag:$0x1] =	stream.indirect.gather [hbm4b:s5+s6], $0x10, s2, s6, $0xb8;
	[tilespmem:$0x1A900] =	vst v63  }
0x19: {  	_ =	swait.ge [sflag:s7], $0x19000  }
.Ltmp1:
0x1a: {  	[sflag:s7] =	ssyncset.done $0x0;
	(pc) =	sbr.rel @p0 .LBB2_1-.Ltmp1, $4  }
0x1b: {  	[sflag:s7] =	ssyncadd.s32 $0xFFFE7000  }
0x1c: {  	[hbm4b:s8+s2] =	stream.linear.scatter [tilespmem:s6], [sflag:$0x2], $0x19000, $0x38;
	[tilespmem:$0x1A900] =	vst v63  }
0x1d: {  	_ =	swait.ge [sflag:s3], $0x19000  }
0x1e: {  	[sflag:s3] =	ssyncset.done $0x0  }
.LBB2_2:
0x1f: {  	[sflag:s3] =	ssyncadd.s32 $0xFFFE7000  }
0x20: {  	_ =	sfence.sel $0x180000  }
0x21: {  	[bflag:$0x0] =	sbarrier.arrive $0xFFFF  }
0x22: {  	p0 =	sne.s32 s0, $0x0;
	_ =	strace $0x90000047  }
0x23: {  	s0 =	sadd.s32 @!p0 $0x100000, s1;
	[bflag:$0x2] =	sbarrier.arrive $0xFFFF  }
0x24: {  	[sflag:s0] =	ssyncadd.tile.s32 @!p0 $0x1;
	_ =	shalt  }
.Lfunc_end2:
_tile_overlayer_lowered:
.L_overlay_start_2:
0x25: {  	(tag) =	ssettag $0x2  }
0x26: {  	s0 =	rddreg [dreg:$0x0];
	s2 =	stileid.u32  }
0x27: {  	s1 =	rddreg [dreg:$0x1];
	p0 =	sne.s32 s2, $0x0  }
0x28: {  	s3 =	rddreg [dreg:$0x2];
	[bflag:$0x3] =	sbarrier.arrive $0xFFFF;
	s2 =	simm.s32 @!p0 $0x1C02  }
0x29: {  	[timem:s3], [sflag:s2] =	dma.local @!p0 [hbm:s0], s1  }
0x2a: {  	s0 =	simm.s32 @!p0 $0x2  }
0x2b: {  	_ =	swait.ge @!p0 [sflag:s0], s1  }
0x2c: {  	s1 =	ssub.s32 @!p0 $0x0, s1;
	[sflag:s0] =	ssyncset.done @!p0 $0x0  }
0x2d: {  	[sflag:s0] =	ssyncadd.s32 @!p0 s1  }
0x2e: {  	[bflag:$0x3] =	sbarrier.arrive $0xFFFF  }
0x2f: {  	_ =	shalt  }

// kernel: kernel.19.cloned.1.call-start
scs
__scs_entry_jumppad:
0x0: {  	(pc) =	sbr.rel $0x88, $3  }
0x1: {  	(tag) =	ssettag $0x0;
	lr =	simm.s32 $0x1  }
0x2: {  	[smem:$0x3F8D] =	sst lr;
	_ =	strace $0xD0000000  }
0x3: {  	_ = 	snop  }
0x4: {  	_ = 	snop  }
0x5: {  	_ = 	snop  }
0x6: {  	_ = 	snop  }
0x7: {  	_ = 	snop  }
__scs_overlays_trampoline_lowered:
0x8: {  	[smem:$0x3F9C] =	sst s0  }
0x9: {  	[smem:$0x3F9D] =	sst s1  }
0xa: {  	[smem:$0x3F9E] =	sst s2  }
0xb: {  	[smem:$0x3F9F] =	sst s3  }
0xc: {  	[smem:$0x3FA0] =	sst s4  }
0xd: {  	[smem:$0x3FA1] =	sst s5  }
0xe: {  	[smem:$0x3FA2] =	sst s6  }
0xf: {  	[smem:$0x3FA3] =	sst s7  }
0x10: {  	[smem:$0x3FA4] =	sst s8  }
0x11: {  	[smem:$0x3FA5] =	sst s9;
	s0 =	simm.s32 @!p0 $0x0  }
0x12: {  	s1 =	sld [smem:$0x3F8B];
	s0 =	simm.s32 @p0 $0x1  }
0x13: {  	[smem:$0x3FA6] =	sst s0;
	s0 =	simm.s32 @!p1 $0x0  }
0x14: {  	s2 =	sld [smem:$0x3F8A];
	s0 =	simm.s32 @p1 $0x1  }
0x15: {  	[smem:$0x3FA7] =	sst s0;
	s0 =	simm.s32 @!p2 $0x0  }
0x16: {  	s3 =	sld [smem:$0x3FDB];
	s0 =	simm.s32 @p2 $0x1  }
0x17: {  	s4 =	simm.s32 $0x1BF5;
	[smem:$0x3FA9] =	sst s0  }
0x18: {  	s0 =	sld [smem:$0x3F8C];
	_ =	swait.ge [sflag:s4], $0x0  }
0x19: {  	s7 =	sld [smem:$0x3F8D]  }
0x1a: {  	s8 =	sadd.s32 $0xFFFFE003, lr  }
0x1b: {  	s9 =	sadd.s32 $0xFFFFFEF7, lr;
	s5 =	simm.s32 $0xFFFFFFFF;
	p2 =	slt.u32 s8, $0xFFFFF086  }
0x1c: {  	p1 =	slt.u32 s9, $0xF7A;
	s5 =	simm.s32 @!p2 $0x0  }
0x1d: {  	s5 =	simm.s32 @p1 $0x1;
	p0 =	seq.s32 s7, s2  }
0x1e: {  	s7 =	smul.u32 @!p0 $0xF7A, s2;
	p2 =	seq.s32 @!p0 s5, $0x0  }
0x1f: {  	s9 =	smul.u32 $0xF7A, s1;
	s8 =	simm.s32 @!p0 $0x1BF5;
	p2 =	por !p2, p0  }
0x20: {  	[sflag:s8] =	ssyncset.s32 @!p0 $0xFFFFF086;
	s6 =	sadd.s32 @!p0 s3, s7;
	s7 =	simm.s32 @!p0 $0x108  }
0x21: {  	s3 =	sadd.s32 s3, s9;
	s6 =	sadd.s32 @!p0 $0x88, s6;
	s7 =	simm.s32 @p2 $0x1082  }
0x22: {  	[simem:s7], [sflag:s8] =	dma.local @!p0 [hbm:s6], $0xF7A  }
0x23: {  	s9 =	sor.u32 $0xD0000000, s2;
	s6 =	simm.s32 $0x108;
	_ =	swait.ge @!p0 [sflag:s8], $0x0  }
0x24: {  	s3 =	sadd.s32 $0x88, s3;
	s6 =	simm.s32 @!p1 $0x1082;
	[sflag:s4] =	ssyncset.s32 $0xFFFFF086  }
0x25: {  	[simem:s6], [sflag:s4] =	dma.local [hbm:s3], $0xF7A  }
0x26: {  	[smem:$0x3F8D] =	sst s1;
	(tag) =	ssettag s2;
	_ =	strace s9  }
0x27: {  	s1 =	sld [smem:$0x3F9D]  }
0x28: {  	s2 =	sld [smem:$0x3F9E]  }
0x29: {  	s4 =	sld [smem:$0x3FA0]  }
0x2a: {  	p0 =	seq.s32 s5, $0x0;
	s5 =	sld [smem:$0x3FA1]  }
0x2b: {  	s6 =	sld [smem:$0x3FA2]  }
0x2c: {  	s7 =	sld [smem:$0x3FA3]  }
0x2d: {  	s3 =	simm.s32 $0x108;
	s8 =	sld [smem:$0x3FA4]  }
0x2e: {  	s3 =	simm.s32 @!p0 $0x1082;
	s9 =	sld [smem:$0x3FA5]  }
0x2f: {  	lr =	sadd.s32 s0, s3;
	s0 =	sld [smem:$0x3F9C]  }
0x30: {  	s3 =	sld [smem:$0x3F9F]  }
0x31: {  	[smem:$0x3FA8] =	sst s10  }
0x32: {  	s10 =	sld [smem:$0x3FA6];
	_ =	sdelay $0x3  }
0x33: {  	p0 =	seq.s32 s10, $0x1;
	s10 =	sld [smem:$0x3FA8];
	_ =	sdelay $0x3  }
0x34: {  	[smem:$0x3FA8] =	sst s10  }
0x35: {  	s10 =	sld [smem:$0x3FA7];
	_ =	sdelay $0x3  }
0x36: {  	p1 =	seq.s32 s10, $0x1;
	s10 =	sld [smem:$0x3FA8];
	_ =	sdelay $0x3  }
0x37: {  	[smem:$0x3FA8] =	sst s10  }
0x38: {  	s10 =	sld [smem:$0x3FA9]  }
0x39: {  	_ = 	snop;
	(pc) =	sbr.ind lr, $3  }
0x3a: {  	_ = 	snop  }
0x3b: {  	_ = 	snop  }
0x3c: {  	p2 =	seq.s32 s10, $0x1;
	s10 =	sld [smem:$0x3FA8]  }
0x3d: {  	_ =	shalt  }
0x3e: {  	_ =	shalt  }
0x3f: {  	_ =	shalt  }
0x40: {  	_ =	shalt  }
0x41: {  	_ =	shalt  }
0x42: {  	_ =	shalt  }
0x43: {  	_ =	shalt  }
0x44: {  	_ =	shalt  }
0x45: {  	_ =	shalt  }
0x46: {  	_ =	shalt  }
0x47: {  	_ =	shalt  }
0x48: {  	_ =	shalt  }
0x49: {  	_ =	shalt  }
0x4a: {  	_ =	shalt  }
0x4b: {  	_ =	shalt  }
0x4c: {  	_ =	shalt  }
0x4d: {  	_ =	shalt  }
0x4e: {  	_ =	shalt  }
0x4f: {  	_ =	shalt  }
0x50: {  	_ =	shalt  }
0x51: {  	_ =	shalt  }
0x52: {  	_ =	shalt  }
0x53: {  	_ =	shalt  }
0x54: {  	_ =	shalt  }
0x55: {  	_ =	shalt  }
0x56: {  	_ =	shalt  }
0x57: {  	_ =	shalt  }
0x58: {  	_ =	shalt  }
0x59: {  	_ =	shalt  }
0x5a: {  	_ =	shalt  }
0x5b: {  	_ =	shalt  }
0x5c: {  	_ =	shalt  }
0x5d: {  	_ =	shalt  }
0x5e: {  	_ =	shalt  }
0x5f: {  	_ =	shalt  }
0x60: {  	_ =	shalt  }
0x61: {  	_ =	shalt  }
0x62: {  	_ =	shalt  }
0x63: {  	_ =	shalt  }
0x64: {  	_ =	shalt  }
0x65: {  	_ =	shalt  }
0x66: {  	_ =	shalt  }
0x67: {  	_ =	shalt  }
0x68: {  	_ =	shalt  }
0x69: {  	_ =	shalt  }
0x6a: {  	_ =	shalt  }
0x6b: {  	_ =	shalt  }
0x6c: {  	_ =	shalt  }
0x6d: {  	_ =	shalt  }
0x6e: {  	_ =	shalt  }
0x6f: {  	_ =	shalt  }
0x70: {  	_ =	shalt  }
0x71: {  	_ =	shalt  }
0x72: {  	_ =	shalt  }
0x73: {  	_ =	shalt  }
0x74: {  	_ =	shalt  }
0x75: {  	_ =	shalt  }
0x76: {  	_ =	shalt  }
0x77: {  	_ =	shalt  }
0x78: {  	_ =	shalt  }
0x79: {  	_ =	shalt  }
0x7a: {  	_ =	shalt  }
0x7b: {  	_ =	shalt  }
0x7c: {  	_ =	shalt  }
0x7d: {  	_ =	shalt  }
0x7e: {  	_ =	shalt  }
0x7f: {  	_ =	shalt  }
0x80: {  	_ =	shalt  }
0x81: {  	_ =	shalt  }
0x82: {  	_ =	shalt  }
0x83: {  	_ =	shalt  }
0x84: {  	_ =	shalt  }
0x85: {  	_ =	shalt  }
0x86: {  	_ =	shalt  }
0x87: {  	_ =	shalt  }
.Lfunc_end0:
.L_simem_size_0:
called_computation.1_lowered:
.L_overlay_start_0:
0x88: {  	s2 =	sld [smem:$0x3FD9]  }
0x89: {  	s3 =	sld [smem:$0x3FFE];
	_ =	sdelay $0x1  }
0x8a: {  	s1 =	srdreg.scid  }
0x8b: {  	s0 =	sand.u32 $0x1, s1  }
0x8c: {  	s16 =	sshll.u32 s0, $0xA;
	s2 =	sadd.s32 s3, s2  }
0x8d: {  	s2 =	sadd.s32 s2, s16  }
0x8e: {  	[smem:$0x3FB4] =	sst s2  }
0x8f: {  	_ = 	snop  }
0x90: {  	(tm) =	ssettm $0x1  }
0x91: {  	s17 =	sld [smem:$0x3FFB];
	_ =	sdelay $0x3  }
0x92: {  	_ =	strace s17  }
0x93: {  	s2 =	sld [smem:$0x3FFC];
	_ =	sdelay $0x3  }
0x94: {  	_ =	strace s2  }
0x95: {  	s2 =	sld [smem:$0x3FFD];
	_ =	sdelay $0x3  }
0x96: {  	_ =	strace s2  }
0x97: {  	_ =	strace $0x8FFFFFFF  }
0x98: {  	s18 =	sld [smem:$0x3FDB];
	_ =	sdelay $0x1  }
0x99: {  	s19 =	simm.s32 $_scs_section_size  }
0x9a: {  	s4 =	simm.s32 $_size__tile_overlayer_lowered;
	s5 =	simm.s32 $_tile_overlayer_lowered  }
0x9b: {  	s22 =	simm.s32 $0x1BFF;
	s21 =	sshll.u32 s5, $0x1;
	s2 =	sadd.s32 s19, s18  }
0x9c: {  	s6 =	simm.s32 $0x0;
	s20 =	sshll.u32 s4, $0x1;
	s4 =	sadd.s32 s21, s2  }
0x9d: {  	[timem:s6], [sflag:s22] =	dma.local [hbm:s4], s20  }
0x9e: {  	_ =	swait.ge [sflag:s22], s20  }
0x9f: {  	s3 =	ssub.s32 $0x0, s20;
	[sflag:s22] =	ssyncset.done $0x0  }
0xa0: {  	[sflag:s22] =	ssyncadd.s32 s3;
	_ =	sdelay $0x1  }
0xa1: {  	s23 =	simm.s32 $0x1B8B  }
0xa2: {  	_ =	swait.ge [sflag:s23], $0x1  }
0xa3: {  	[sflag:s23] =	ssyncset.done $0x0  }
0xa4: {  	s25 =	simm.s32 $0x1B8E;
	s24 =	sld [smem:$0x3FFE];
	[sflag:s23] =	ssyncadd.s32 $0xFFFFFFFF  }
0xa5: {  	s26 =	simm.s32 $execute0_lowered;
	[smem:$0x3FD2] =	sst s25  }
0xa6: {  	s4 =	sshll.u32 s26, $0x1;
	_ =	strace $0x80000049;
	[dreg:$0x1] =	wrdreg $0xFFFFFFFF  }
0xa7: {  	s28 =	simm.s32 $_size_execute0_lowered;
	s2 =	sadd.s32 s2, s4;
	[dreg:$0x0] =	wrdreg $0x0  }
0xa8: {  	s4 =	sshll.u32 s28, $0x1;
	[dreg:$0x2] =	wrdreg s2  }
0xa9: {  	[dreg:$0x3] =	wrdreg s4  }
0xaa: {  	[dreg:$0x4] =	wrdreg $0xC0  }
0xab: {  	_ =	task [dreg:s6], $0x5FFFF  }
0xac: {  	[dreg:$0x1] =	wrdreg $0xFFFFFFFF  }
0xad: {  	[dreg:$0x0] =	wrdreg $0x60  }
0xae: {  	[dreg:$0x2] =	wrdreg s24  }
0xaf: {  	[dreg:$0x3] =	wrdreg $0x9  }
0xb0: {  	_ =	task.clear_ibuf [dreg:s6], $0x4FFFF;
	_ =	strace $0x90000049  }
0xb1: {  	s29 =	simm.s32 $0x9;
	_ =	strace $0x8000004B  }
0xb2: {  	_ =	swait.ge [sflag:s29], $0x1  }
0xb3: {  	[sflag:s29] =	ssyncadd.s32 $0xFFFFFFFF  }
0xb4: {  	_ =	strace $0x9000004B  }
0xb5: {  	_ =	sfence  }
0xb6: {  	s30 =	sld [smem:$0x0];
	_ =	sdelay $0x2  }
0xb7: {  	s31 =	sshll.u32 s1, $0xD;
	s1 =	sshrl.u32 s1, $0x2  }
0xb8: {  	s3 =	sand.u32 $0x4000, s31;
	s1 =	sadd.s32 s1, s30  }
0xb9: {  	s0 =	sor.u32 s3, s0;
	s1 =	sshll.u32 s1, $0x11  }
0xba: {  	s0 =	sor.u32 s1, s0  }
0xbb: {  	s0 =	sadd.s32 $0x8F2B, s0  }
0xbc: {  	[sflag:s0] =	ssyncadd.remote.s32 $0x1  }
0xbd: {  	_ =	sfence.sel $0xFFFF  }
0xbe: {  	[dreg:$0x0] =	wrdreg $0xFFFFFFFF;
	(pc) =	sbr.abs _section_cstart, $3  }
0xbf: {  	[dreg:$0x1] =	wrdreg $0xFFFFFFFF  }
0xc0: {  	_ =	task.clear_ibuf [dreg:s6], $0x2FFFF;
	_ =	strace $0x9FFFFFFF  }
0xc1: {  	(tm) =	ssettm $0x7FFFFFFF  }
tec
execute0_lowered:
.L_overlay_start_1:
0x0: {  	(tag) =	ssettag $0x1  }
0x1: {  	s1 =	srdreg.scid;
	s0 =	stileid.u32  }
0x2: {  	s14 =	sand.u32 $0x1, s1;
	s28 =	sshll.u32 s0, $0x1  }
0x3: {  	s8 =	sor.u32 s14, s28  }
0x4: {  	s9 =	rddreg [dreg:$0x0];
	s13 =	smul.u32 $0x1900, s8  }
0x5: {  	s2 =	simm.s32 $0x0;
	s1 =	rddreg [dreg:$0x1]  }
0x6: {  	[smem:$0x7FF] =	sst s2;
	s15 =	sadd.s32 $0x3FE00, s9;
	s3 =	sshrl.u32 s13, $0x3  }
0x7: {  	_ =	strace $0x8000004A;
	s4 =	sadd.s32 s15, s3;
	s3 =	simm.s32 $0x2  }
0x8: {  	[tilespmem:s2], [sflag:$0x2] =	stream.linear.gather [hbm4b:s4+s2], $0x640, $0x38;
	[tilespmem:$0x19640] =	vst v63  }
0x9: {  	_ =	swait.ge [sflag:s3], $0x640  }
0xa: {  	s6 =	simm.s32 $0x640;
	[sflag:s3] =	ssyncset.done $0x0  }
0xb: {  	s7 =	simm.s32 $0x1;
	s5 =	sadd.s32 $0x2BE00, s9;
	[sflag:s3] =	ssyncadd.s32 $0xFFFFF9C0  }
0xc: {  	[tilespmem:s6], [sflag:$0x1] =	stream.indirect.gather [hbm4b:s5+s6], $0x40, s2, s6, $0xb8;
	[tilespmem:$0x19640] =	vst v63  }
0xd: {  	s8 =	smul.u32 $0xC800, s8;
	_ =	swait.ge [sflag:s7], $0x19000  }
0xe: {  	s16 =	sadd.s32 $0x46200, s9;
	[sflag:s7] =	ssyncset.done $0x0  }
0xf: {  	s8 =	sadd.s32 s16, s8;
	[sflag:s7] =	ssyncadd.s32 $0xFFFE7000  }
0x10: {  	[hbm4b:s8+s2] =	stream.linear.scatter [tilespmem:s6], [sflag:$0x2], $0x19000, $0x38;
	[tilespmem:$0x19640] =	vst v63  }
0x11: {  	s10 =	sadd.s32 $0x640, s13;
	_ =	swait.ge [sflag:s3], $0x19000  }
0x12: {  	s29 =	sshrl.u32 s10, $0x3;
	[sflag:s3] =	ssyncset.done $0x0  }
0x13: {  	s9 =	sadd.s32 s15, s29;
	[sflag:s3] =	ssyncadd.s32 $0xFFFE7000  }
0x14: {  	[tilespmem:s2], [sflag:$0x2] =	stream.linear.gather [hbm4b:s9+s2], $0x640, $0x38;
	[tilespmem:$0x19640] =	vst v63  }
0x15: {  	_ =	swait.ge [sflag:s3], $0x640  }
0x16: {  	[sflag:s3] =	ssyncset.done $0x0  }
0x17: {  	[sflag:s3] =	ssyncadd.s32 $0xFFFFF9C0  }
0x18: {  	[tilespmem:s6], [sflag:$0x1] =	stream.indirect.gather [hbm4b:s5+s6], $0x40, s2, s6, $0xb8;
	[tilespmem:$0x19640] =	vst v63  }
0x19: {  	_ =	swait.ge [sflag:s7], $0x19000  }
0x1a: {  	s10 =	sshll.u32 s10, $0x3;
	[sflag:s7] =	ssyncset.done $0x0  }
0x1b: {  	s10 =	sadd.s32 s16, s10;
	[sflag:s7] =	ssyncadd.s32 $0xFFFE7000  }
0x1c: {  	[hbm4b:s10+s2] =	stream.linear.scatter [tilespmem:s6], [sflag:$0x2], $0x19000, $0x38;
	[tilespmem:$0x19640] =	vst v63  }
0x1d: {  	s12 =	sadd.s32 $0xC80, s13;
	_ =	swait.ge [sflag:s3], $0x19000  }
0x1e: {  	s11 =	sshrl.u32 s12, $0x3;
	[sflag:s3] =	ssyncset.done $0x0  }
0x1f: {  	s11 =	sadd.s32 s15, s11;
	[sflag:s3] =	ssyncadd.s32 $0xFFFE7000  }
0x20: {  	[tilespmem:s2], [sflag:$0x2] =	stream.linear.gather [hbm4b:s11+s2], $0x640, $0x38;
	[tilespmem:$0x19640] =	vst v63  }
0x21: {  	_ =	swait.ge [sflag:s3], $0x640  }
0x22: {  	[sflag:s3] =	ssyncset.done $0x0  }
0x23: {  	[sflag:s3] =	ssyncadd.s32 $0xFFFFF9C0  }
0x24: {  	[tilespmem:s6], [sflag:$0x1] =	stream.indirect.gather [hbm4b:s5+s6], $0x40, s2, s6, $0xb8;
	[tilespmem:$0x19640] =	vst v63  }
0x25: {  	_ =	swait.ge [sflag:s7], $0x19000  }
0x26: {  	s12 =	sshll.u32 s12, $0x3;
	[sflag:s7] =	ssyncset.done $0x0  }
0x27: {  	s12 =	sadd.s32 s16, s12;
	[sflag:s7] =	ssyncadd.s32 $0xFFFE7000  }
0x28: {  	[hbm4b:s12+s2] =	stream.linear.scatter [tilespmem:s6], [sflag:$0x2], $0x19000, $0x38;
	[tilespmem:$0x19640] =	vst v63  }
0x29: {  	s17 =	sadd.s32 $0x12C0, s13;
	_ =	swait.ge [sflag:s3], $0x19000  }
0x2a: {  	s13 =	sshrl.u32 s17, $0x3;
	[sflag:s3] =	ssyncset.done $0x0  }
0x2b: {  	s14 =	ssub.s32 $0x2, s14;
	s13 =	sadd.s32 s15, s13;
	[sflag:s3] =	ssyncadd.s32 $0xFFFE7000  }
0x2c: {  	[tilespmem:s2], [sflag:$0x2] =	stream.linear.gather [hbm4b:s13+s2], $0x640, $0x38;
	[tilespmem:$0x19640] =	vst v63  }
0x2d: {  	s30 =	sshrl.u32 s14, $0x1;
	_ =	swait.ge [sflag:s3], $0x640  }
0x2e: {  	s15 =	ssub.s32 s14, s30;
	[sflag:s3] =	ssyncset.done $0x0  }
0x2f: {  	s15 =	smax.u32 s15, $0x1;
	[sflag:s3] =	ssyncadd.s32 $0xFFFFF9C0  }
0x30: {  	[tilespmem:s6], [sflag:$0x1] =	stream.indirect.gather [hbm4b:s5+s6], $0x40, s2, s6, $0xb8;
	[tilespmem:$0x19640] =	vst v63  }
0x31: {  	p0 =	sne.s32 s15, $0x1;
	_ =	swait.ge [sflag:s7], $0x19000  }
.Ltmp0:
0x32: {  	s31 =	sshll.u32 s17, $0x3;
	[sflag:s7] =	ssyncset.done $0x0;
	(pc) =	sbr.rel @!p0 .LBB2_2-.Ltmp0, $4  }
0x33: {  	s14 =	sadd.s32 s16, s31;
	[sflag:s7] =	ssyncadd.s32 $0xFFFE7000  }
0x34: {  	[hbm4b:s14+s2] =	stream.linear.scatter [tilespmem:s6], [sflag:$0x2], $0x19000, $0x38;
	[tilespmem:$0x19640] =	vst v63  }
0x35: {  	_ =	swait.ge [sflag:s3], $0x19000  }
0x36: {  	s15 =	sadd.s32 $0xFFFFFFFF, s15;
	[sflag:s3] =	ssyncset.done $0x0  }
.LBB2_1:
0x37: {  	p0 =	sne.s32 s15, $0x1;
	s15 =	sadd.s32 $0xFFFFFFFF, s15;
	[sflag:s3] =	ssyncadd.s32 $0xFFFE7000  }
0x38: {  	[tilespmem:s2], [sflag:$0x2] =	stream.linear.gather [hbm4b:s4+s2], $0x640, $0x38;
	[tilespmem:$0x19640] =	vst v63  }
0x39: {  	_ =	swait.ge [sflag:s3], $0x640  }
0x3a: {  	[sflag:s3] =	ssyncset.done $0x0  }
0x3b: {  	[sflag:s3] =	ssyncadd.s32 $0xFFFFF9C0  }
0x3c: {  	[tilespmem:s6], [sflag:$0x1] =	stream.indirect.gather [hbm4b:s5+s6], $0x40, s2, s6, $0xb8;
	[tilespmem:$0x19640] =	vst v63  }
0x3d: {  	_ =	swait.ge [sflag:s7], $0x19000  }
0x3e: {  	[sflag:s7] =	ssyncset.done $0x0  }
0x3f: {  	[sflag:s7] =	ssyncadd.s32 $0xFFFE7000  }
0x40: {  	[hbm4b:s8+s2] =	stream.linear.scatter [tilespmem:s6], [sflag:$0x2], $0x19000, $0x38;
	[tilespmem:$0x19640] =	vst v63  }
0x41: {  	_ =	swait.ge [sflag:s3], $0x19000  }
0x42: {  	[sflag:s3] =	ssyncset.done $0x0  }
0x43: {  	[sflag:s3] =	ssyncadd.s32 $0xFFFE7000  }
0x44: {  	[tilespmem:s2], [sflag:$0x2] =	stream.linear.gather [hbm4b:s9+s2], $0x640, $0x38;
	[tilespmem:$0x19640] =	vst v63  }
0x45: {  	_ =	swait.ge [sflag:s3], $0x640  }
0x46: {  	[sflag:s3] =	ssyncset.done $0x0  }
0x47: {  	[sflag:s3] =	ssyncadd.s32 $0xFFFFF9C0  }
0x48: {  	[tilespmem:s6], [sflag:$0x1] =	stream.indirect.gather [hbm4b:s5+s6], $0x40, s2, s6, $0xb8;
	[tilespmem:$0x19640] =	vst v63  }
0x49: {  	_ =	swait.ge [sflag:s7], $0x19000  }
0x4a: {  	[sflag:s7] =	ssyncset.done $0x0  }
0x4b: {  	[sflag:s7] =	ssyncadd.s32 $0xFFFE7000  }
0x4c: {  	[hbm4b:s10+s2] =	stream.linear.scatter [tilespmem:s6], [sflag:$0x2], $0x19000, $0x38;
	[tilespmem:$0x19640] =	vst v63  }
0x4d: {  	_ =	swait.ge [sflag:s3], $0x19000  }
0x4e: {  	[sflag:s3] =	ssyncset.done $0x0  }
0x4f: {  	[sflag:s3] =	ssyncadd.s32 $0xFFFE7000  }
0x50: {  	[tilespmem:s2], [sflag:$0x2] =	stream.linear.gather [hbm4b:s11+s2], $0x640, $0x38;
	[tilespmem:$0x19640] =	vst v63  }
0x51: {  	_ =	swait.ge [sflag:s3], $0x640  }
0x52: {  	[sflag:s3] =	ssyncset.done $0x0  }
0x53: {  	[sflag:s3] =	ssyncadd.s32 $0xFFFFF9C0  }
0x54: {  	[tilespmem:s6], [sflag:$0x1] =	stream.indirect.gather [hbm4b:s5+s6], $0x40, s2, s6, $0xb8;
	[tilespmem:$0x19640] =	vst v63  }
0x55: {  	_ =	swait.ge [sflag:s7], $0x19000  }
0x56: {  	[sflag:s7] =	ssyncset.done $0x0  }
0x57: {  	[sflag:s7] =	ssyncadd.s32 $0xFFFE7000  }
0x58: {  	[hbm4b:s12+s2] =	stream.linear.scatter [tilespmem:s6], [sflag:$0x2], $0x19000, $0x38;
	[tilespmem:$0x19640] =	vst v63  }
0x59: {  	_ =	swait.ge [sflag:s3], $0x19000  }
0x5a: {  	[sflag:s3] =	ssyncset.done $0x0  }
0x5b: {  	[sflag:s3] =	ssyncadd.s32 $0xFFFE7000  }
0x5c: {  	[tilespmem:s2], [sflag:$0x2] =	stream.linear.gather [hbm4b:s13+s2], $0x640, $0x38;
	[tilespmem:$0x19640] =	vst v63  }
0x5d: {  	_ =	swait.ge [sflag:s3], $0x640  }
0x5e: {  	[sflag:s3] =	ssyncset.done $0x0  }
0x5f: {  	[sflag:s3] =	ssyncadd.s32 $0xFFFFF9C0  }
0x60: {  	[tilespmem:s6], [sflag:$0x1] =	stream.indirect.gather [hbm4b:s5+s6], $0x40, s2, s6, $0xb8;
	[tilespmem:$0x19640] =	vst v63  }
0x61: {  	_ =	swait.ge [sflag:s7], $0x19000  }
.Ltmp1:
0x62: {  	[sflag:s7] =	ssyncset.done $0x0;
	(pc) =	sbr.rel @p0 .LBB2_1-.Ltmp1, $4  }
0x63: {  	[sflag:s7] =	ssyncadd.s32 $0xFFFE7000  }
0x64: {  	[hbm4b:s14+s2] =	stream.linear.scatter [tilespmem:s6], [sflag:$0x2], $0x19000, $0x38;
	[tilespmem:$0x19640] =	vst v63  }
0x65: {  	_ =	swait.ge [sflag:s3], $0x19000  }
0x66: {  	[sflag:s3] =	ssyncset.done $0x0  }
.LBB2_2:
0x67: {  	[sflag:s3] =	ssyncadd.s32 $0xFFFE7000  }
0x68: {  	_ =	sfence.sel $0x180000  }
0x69: {  	[bflag:$0x0] =	sbarrier.arrive $0xFFFF  }
0x6a: {  	p0 =	sne.s32 s0, $0x0;
	_ =	strace $0x9000004A  }
0x6b: {  	s0 =	sadd.s32 @!p0 $0x100000, s1;
	[bflag:$0x2] =	sbarrier.arrive $0xFFFF  }
0x6c: {  	[sflag:s0] =	ssyncadd.tile.s32 @!p0 $0x1;
	_ =	shalt  }
.Lfunc_end2:
_tile_overlayer_lowered:
.L_overlay_start_2:
0x6d: {  	(tag) =	ssettag $0x2  }
0x6e: {  	s0 =	rddreg [dreg:$0x0];
	s2 =	stileid.u32  }
0x6f: {  	s1 =	rddreg [dreg:$0x1];
	p0 =	sne.s32 s2, $0x0  }
0x70: {  	s3 =	rddreg [dreg:$0x2];
	[bflag:$0x3] =	sbarrier.arrive $0xFFFF;
	s2 =	simm.s32 @!p0 $0x1C02  }
0x71: {  	[timem:s3], [sflag:s2] =	dma.local @!p0 [hbm:s0], s1  }
0x72: {  	s0 =	simm.s32 @!p0 $0x2  }
0x73: {  	_ =	swait.ge @!p0 [sflag:s0], s1  }
0x74: {  	s1 =	ssub.s32 @!p0 $0x0, s1;
	[sflag:s0] =	ssyncset.done @!p0 $0x0  }
0x75: {  	[sflag:s0] =	ssyncadd.s32 @!p0 s1  }
0x76: {  	[bflag:$0x3] =	sbarrier.arrive $0xFFFF  }
0x77: {  	_ =	shalt  }

</sc_bundles>
